<compile_context>
chip_gen: v7x
topology: tpu7x:2x2x1
jax: 0.10.2.dev20260603
libtpu: 0.0.44.dev20260713+nightly
codegen_flags: <defaults>
</compile_context>

<pallas_src>
import jax
import jax.numpy as jnp
from jax import lax
from jax.experimental import pallas as pl
from jax.experimental.pallas import tpu as pltpu
from jax.experimental.pallas import tpu_sc as plsc

_B, _L, _D, _N = 8, 2048, 16, 32
_NC, _NS = 2, 16
_NW = _NC * _NS
_WORDS = _B * _D * _N * _L
_SW = 16 * _L
_UNITS = _WORDS // _SW
_UPW = _UNITS // _NW



def _scan_body(x_hbm, out_hbm, buf0, buf1, is0, is1, os0, os1):
    wid = lax.axis_index("s") * _NC + lax.axis_index("c")
    u0 = wid * _UPW
    bufs = (buf0, buf1)
    isems, osems = (is0, is1), (os0, os1)

    def in_cp(p):
        s = p % 2
        return pltpu.async_copy(
            x_hbm.at[pl.ds((u0 + 2 * p) * _SW, 2 * _SW)],
            bufs[s], isems[s])

    def out_cp(p):
        s = p % 2
        return pltpu.async_copy(
            bufs[s], out_hbm.at[pl.ds((u0 + 2 * p) * _SW, 2 * _SW)],
            osems[s])

    lane = lax.iota(jnp.int32, 16)
    rowbase = (lane // 8) * 16384 + (lane % 8) * 128


    npairs = _UPW // 2
    in_h = [in_cp(0), None]
    out_h = [None, None]
    for p in range(npairs):
        s = p % 2
        if p + 1 < npairs:
            if out_h[1 - s] is not None:
                out_h[1 - s].wait()
                out_h[1 - s] = None
            in_h[1 - s] = in_cp(p + 1)
        in_h[s].wait()
        ib0 = bufs[s]

        acc0 = jnp.zeros((16,), jnp.float32)
        acc1 = jnp.zeros((16,), jnp.float32)
        flat = rowbase - 15 + lane

        @plsc.parallel_loop(-15, 0, carry=(acc0, acc1, flat))
        def lead(t, c):
            a0, a1, f = c
            m = lane >= -t
            v0 = plsc.load_gather(ib0, [f], mask=m)
            v1 = plsc.load_gather(ib0, [f + _SW], mask=m)
            a0 = a0 + jnp.where(m, v0, 0.0)
            a1 = a1 + jnp.where(m, v1, 0.0)
            plsc.store_scatter(ib0, [f], a0, mask=m)
            plsc.store_scatter(ib0, [f + _SW], a1, mask=m)
            return (a0, a1, f + 1)

        def fast112(carry):
            @plsc.parallel_loop(0, 112, unroll=16, carry=carry)
            def body(t, c):
                a0, a1, f = c
                v0 = plsc.load_gather(ib0, [f])
                v1 = plsc.load_gather(ib0, [f + _SW])
                a0 = a0 + v0
                a1 = a1 + v1
                plsc.store_scatter(ib0, [f], a0)
                plsc.store_scatter(ib0, [f + _SW], a1)
                return (a0, a1, f + 1)
            return body

        def block(q, carry):
            @plsc.parallel_loop(112, 128, unroll=8, carry=fast112(carry))
            def bend(t, c):
                a0, a1, f = c
                v0 = plsc.load_gather(ib0, [f])
                v1 = plsc.load_gather(ib0, [f + _SW])
                a0 = a0 + v0
                a1 = a1 + v1
                plsc.store_scatter(ib0, [f], a0)
                plsc.store_scatter(ib0, [f + _SW], a1)
                return (a0, a1,
                        f + jnp.where(lane == 127 - t, 897, 1).astype(jnp.int32))
            return bend

        carry = lax.fori_loop(0, 15, block, lead)

        @plsc.parallel_loop(112, 128, unroll=8, carry=fast112(carry))
        def tend(t, c):
            a0, a1, f = c
            m = lane <= 127 - t
            v0 = plsc.load_gather(ib0, [f], mask=m)
            v1 = plsc.load_gather(ib0, [f + _SW], mask=m)
            a0 = a0 + jnp.where(m, v0, 0.0)
            a1 = a1 + jnp.where(m, v1, 0.0)
            plsc.store_scatter(ib0, [f], a0, mask=m)
            plsc.store_scatter(ib0, [f + _SW], a1, mask=m)
            return (a0, a1, f + 1)
        del tend

        out_h[s] = out_cp(p)
    out_h[0].wait()
    if out_h[1] is not None:
        out_h[1].wait()


@jax.jit
def kernel(X_in):
    y = jnp.transpose(X_in, (0, 2, 3, 1))
    y = y.reshape(_B, _D, _N // 8, 8, _L // 128, 128)
    y = jnp.transpose(y, (0, 1, 2, 4, 3, 5))
    y = y.reshape(_WORDS)
    run = pl.kernel(
        _scan_body,
        out_type=jax.ShapeDtypeStruct((_WORDS,), jnp.float32),
        scratch_types=[
            pltpu.VMEM((2 * _SW,), jnp.float32),
            pltpu.VMEM((2 * _SW,), jnp.float32),
            pltpu.SemaphoreType.DMA,
            pltpu.SemaphoreType.DMA,
            pltpu.SemaphoreType.DMA,
            pltpu.SemaphoreType.DMA,
        ],
        mesh=plsc.VectorSubcoreMesh(core_axis_name="c", subcore_axis_name="s"),
        compiler_params=pltpu.CompilerParams(needs_layout_passes=False),
    )
    z = run(y)
    z = z.reshape(_B, _D, _N // 8, _L // 128, 8, 128)
    z = jnp.transpose(z, (0, 1, 2, 4, 3, 5))
    z = z.reshape(_B, _D, _N, _L)
    return jnp.transpose(z, (0, 3, 1, 2))

# --- scband reference (transcript-rebuilt; emitter-appended) ---
"""Pipeline reference for scband-blelloch-scan-42700564857293 (READ-ONLY COPY).

The authoritative reference and input builder live on the scoring server;
editing this copy changes nothing except your own understanding.
"""

import jax, jax.numpy as jnp
import numpy as np
import math


def setup_inputs(seed: int = 0) -> dict:
    key = jax.random.key(seed)
    X_in = jax.random.normal(key, (8, 2048, 16, 32), dtype=jnp.float32)
    return {"X_in": X_in}


def reference(X_in):
    # combine_fn = elementwise add, identity = zeros, inclusive = True
    B, L, D, N = X_in.shape
    P = 1 << (L - 1).bit_length()  # L is a power of two here, so P == L
    id_val = jnp.zeros((B, D, N), dtype=X_in.dtype)
    X = jnp.transpose(X_in, (0, 2, 1, 3))  # (B, D, L, N)
    if P != L:
        pad = jnp.broadcast_to(id_val[:, :, None, :], (B, D, P - L, N))
        X = jnp.concatenate([X, pad], axis=2)
    X_orig = X
    levels = int(math.log2(P))
    # up-sweep (reduce) phase
    for lvl in range(levels):
        step = 2 ** lvl
        idx_l = np.arange(step - 1, P, 2 * step)
        idx_r = idx_l + step
        left = X[:, :, idx_l, :]
        right = X[:, :, idx_r, :]
        merged = left + right
        X = X.at[:, :, idx_r, :].set(merged)
    # set root to identity
    X = X.at[:, :, -1, :].set(id_val)
    # down-sweep phase
    for lvl in reversed(range(levels)):
        step = 2 ** lvl
        idx_l = np.arange(step - 1, P, 2 * step)
        idx_r = idx_l + step
        old_l = X[:, :, idx_l, :]
        old_r = X[:, :, idx_r, :]
        new_l = old_r
        new_r = old_l + old_r
        X = X.at[:, :, idx_l, :].set(new_l)
        X = X.at[:, :, idx_r, :].set(new_r)
    # inclusive scan: combine exclusive result with original
    X_incl = X + X_orig
    return jnp.transpose(X_incl[:, :, :L, :], (0, 2, 1, 3))

if __name__ == "__main__":
    import jax
    _d = setup_inputs()
    print(jax.jit(kernel)(*tuple(_d.values())))

</pallas_src>

<mosaic_0001>
#map = affine_map<(d0, d1) -> (0)>
module attributes {stable_mosaic.version = 14 : i64} {
  func.func @_scan_body(%arg0: i32, %arg1: i32, %arg2: memref<8388608xf32, #tpu.memory_space<hbm>>, %arg3: memref<8388608xf32, #tpu.memory_space<hbm>>, %arg4: memref<65536xf32, #tpu.memory_space<vmem>>, %arg5: memref<65536xf32, #tpu.memory_space<vmem>>, %arg6: memref<!tpu.dma_semaphore, #tpu.memory_space<semaphore_mem>>, %arg7: memref<!tpu.dma_semaphore, #tpu.memory_space<semaphore_mem>>, %arg8: memref<!tpu.dma_semaphore, #tpu.memory_space<semaphore_mem>>, %arg9: memref<!tpu.dma_semaphore, #tpu.memory_space<semaphore_mem>>) attributes {dimension_semantics = [#tpu.dimension_semantics<core_parallel>, #tpu.dimension_semantics<subcore_parallel>], iteration_bounds = array<i64: 2, 16>, scalar_prefetch = 0 : i64, scratch_operands = 6 : i64, tpu.core_type = #tpu.core_type<sc_vector_subcore>, window_params = [{transform_indices = #map}, {transform_indices = #map}]} {
    %mul3A = arith.constant 2 : i32
    %mul3A_0 = arith.muli %arg1, %mul3A : i32
    %add3A = arith.addi %mul3A_0, %arg0 : i32
    %mul3A_1 = arith.constant 8 : i32
    %mul3A_2 = arith.muli %add3A, %mul3A_1 : i32
    %iota3A = tpu.iota {dimensions = array<i32: 0>} : vector<16xi32>
    %jit3A = arith.constant 8 : i32
    %div3A = vector.broadcast %jit3A : i32 to vector<16xi32>
    %div3A_3 = arith.divsi %iota3A, %div3A : vector<16xi32>
    %sign3A = arith.constant 0 : i32
    %sign3A_4 = vector.broadcast %sign3A : i32 to vector<16xi32>
    %sign3A_5 = arith.cmpi sgt, %iota3A, %sign3A_4 : vector<16xi32>
    %sign3A_6 = arith.extui %sign3A_5 : vector<16xi1> to vector<16xi32>
    %sign3A_7 = arith.constant 0 : i32
    %sign3A_8 = vector.broadcast %sign3A_7 : i32 to vector<16xi32>
    %sign3A_9 = arith.cmpi slt, %iota3A, %sign3A_8 : vector<16xi32>
    %sign3A_10 = arith.extui %sign3A_9 : vector<16xi1> to vector<16xi32>
    %sign3A_11 = arith.subi %sign3A_6, %sign3A_10 : vector<16xi32>
    %sign3A_12 = arith.constant 0 : i32
    %sign3A_13 = arith.cmpi sgt, %jit3A, %sign3A_12 : i32
    %sign3A_14 = arith.extui %sign3A_13 : i1 to i32
    %sign3A_15 = arith.constant 0 : i32
    %sign3A_16 = arith.cmpi slt, %jit3A, %sign3A_15 : i32
    %sign3A_17 = arith.extui %sign3A_16 : i1 to i32
    %sign3A_18 = arith.subi %sign3A_14, %sign3A_17 : i32
    %ne3A = vector.broadcast %sign3A_18 : i32 to vector<16xi32>
    %ne3A_19 = arith.cmpi ne, %sign3A_11, %ne3A : vector<16xi32>
    %rem3A = vector.broadcast %jit3A : i32 to vector<16xi32>
    %rem3A_20 = arith.remsi %iota3A, %rem3A : vector<16xi32>
    %ne3A_21 = arith.constant 0 : i32
    %ne3A_22 = vector.broadcast %ne3A_21 : i32 to vector<16xi32>
    %ne3A_23 = arith.cmpi ne, %rem3A_20, %ne3A_22 : vector<16xi32>
    %and3A = arith.andi %ne3A_19, %ne3A_23 : vector<16xi1>
    %sub3A = arith.constant 1 : i32
    %sub3A_24 = vector.broadcast %sub3A : i32 to vector<16xi32>
    %sub3A_25 = arith.subi %div3A_3, %sub3A_24 : vector<16xi32>
    %select_n3A = arith.select %and3A, %sub3A_25, %div3A_3 : vector<16xi1>, vector<16xi32>
    %mul3A_26 = arith.constant 16384 : i32
    %mul3A_27 = vector.broadcast %mul3A_26 : i32 to vector<16xi32>
    %mul3A_28 = arith.muli %select_n3A, %mul3A_27 : vector<16xi32>
    %jit3A_29 = arith.constant 8 : i32
    %eq3A = arith.constant 0 : i32
    %eq3A_30 = arith.cmpi eq, %jit3A_29, %eq3A : i32
    %jit3A_31 = arith.constant 1 : i32
    %select_n3A_32 = arith.select %eq3A_30, %jit3A_31, %jit3A_29 : i32
    %rem3A_33 = vector.broadcast %select_n3A_32 : i32 to vector<16xi32>
    %rem3A_34 = arith.remsi %iota3A, %rem3A_33 : vector<16xi32>
    %ne3A_35 = arith.constant 0 : i32
    %ne3A_36 = vector.broadcast %ne3A_35 : i32 to vector<16xi32>
    %ne3A_37 = arith.cmpi ne, %rem3A_34, %ne3A_36 : vector<16xi32>
    %lt3A = arith.constant 0 : i32
    %lt3A_38 = vector.broadcast %lt3A : i32 to vector<16xi32>
    %lt3A_39 = arith.cmpi slt, %rem3A_34, %lt3A_38 : vector<16xi32>
    %lt3A_40 = arith.constant 0 : i32
    %lt3A_41 = arith.cmpi slt, %select_n3A_32, %lt3A_40 : i32
    %ne3A_42 = vector.broadcast %lt3A_41 : i1 to vector<16xi1>
    %ne3A_43 = vector.broadcast %ne3A_42 : vector<16xi1> to vector<16xi1>
    %ne3A_44 = arith.xori %lt3A_39, %ne3A_43 : vector<16xi1>
    %and3A_45 = arith.andi %ne3A_44, %ne3A_37 : vector<16xi1>
    %add3A_46 = vector.broadcast %select_n3A_32 : i32 to vector<16xi32>
    %add3A_47 = arith.addi %rem3A_34, %add3A_46 : vector<16xi32>
    %select_n3A_48 = arith.select %and3A_45, %add3A_47, %rem3A_34 : vector<16xi1>, vector<16xi32>
    %mul3A_49 = arith.constant 128 : i32
    %mul3A_50 = vector.broadcast %mul3A_49 : i32 to vector<16xi32>
    %mul3A_51 = arith.muli %select_n3A_48, %mul3A_50 : vector<16xi32>
    %add3A_52 = arith.addi %mul3A_28, %mul3A_51 : vector<16xi32>
    %add3A_53 = arith.constant 0 : i32
    %add3A_54 = arith.addi %mul3A_2, %add3A_53 : i32
    %mul3A_55 = arith.constant 32768 : i32
    %mul3A_56 = arith.muli %add3A_54, %mul3A_55 : i32
    %dma_start3A = tpu.memref_slice %arg2[%mul3A_56] : memref<8388608xf32, #tpu.memory_space<hbm>> -> memref<65536xf32, #tpu.memory_space<hbm>>
    %dma_start3A_57 = tpu.memref_slice %arg2[%mul3A_56] : memref<8388608xf32, #tpu.memory_space<hbm>> -> memref<65536xf32, #tpu.memory_space<hbm>>
    tpu.enqueue_dma source(%dma_start3A_57 : memref<65536xf32, #tpu.memory_space<hbm>>) target(%arg4 : memref<65536xf32, #tpu.memory_space<vmem>>) target_semaphore(%arg6 : memref<!tpu.dma_semaphore, #tpu.memory_space<semaphore_mem>>)
    %add3A_58 = arith.constant 2 : i32
    %add3A_59 = arith.addi %mul3A_2, %add3A_58 : i32
    %mul3A_60 = arith.constant 32768 : i32
    %mul3A_61 = arith.muli %add3A_59, %mul3A_60 : i32
    %dma_start3A_62 = tpu.memref_slice %arg2[%mul3A_61] : memref<8388608xf32, #tpu.memory_space<hbm>> -> memref<65536xf32, #tpu.memory_space<hbm>>
    %dma_start3A_63 = tpu.memref_slice %arg2[%mul3A_61] : memref<8388608xf32, #tpu.memory_space<hbm>> -> memref<65536xf32, #tpu.memory_space<hbm>>
    tpu.enqueue_dma source(%dma_start3A_63 : memref<65536xf32, #tpu.memory_space<hbm>>) target(%arg5 : memref<65536xf32, #tpu.memory_space<vmem>>) target_semaphore(%arg7 : memref<!tpu.dma_semaphore, #tpu.memory_space<semaphore_mem>>)
    %dma_wait3A = tpu.memref_slice %arg2[%mul3A_56] : memref<8388608xf32, #tpu.memory_space<hbm>> -> memref<65536xf32, #tpu.memory_space<hbm>>
    %dma_wait3A_64 = tpu.memref_slice %arg2[%mul3A_56] : memref<8388608xf32, #tpu.memory_space<hbm>> -> memref<65536xf32, #tpu.memory_space<hbm>>
    tpu.wait_dma2 semaphore(%arg6 : memref<!tpu.dma_semaphore, #tpu.memory_space<semaphore_mem>>) src(%dma_wait3A_64 : memref<65536xf32, #tpu.memory_space<hbm>>) dst(%arg4 : memref<65536xf32, #tpu.memory_space<vmem>>)
    %broadcast_in_dim3A = arith.constant 0.000000e+00 : f32
    %broadcast_in_dim3A_65 = vector.broadcast %broadcast_in_dim3A : f32 to vector<16xf32>
    %broadcast_in_dim3A_66 = arith.constant 0.000000e+00 : f32
    %broadcast_in_dim3A_67 = vector.broadcast %broadcast_in_dim3A_66 : f32 to vector<16xf32>
    %sub3A_68 = arith.constant 15 : i32
    %sub3A_69 = vector.broadcast %sub3A_68 : i32 to vector<16xi32>
    %sub3A_70 = arith.subi %add3A_52, %sub3A_69 : vector<16xi32>
    %add3A_71 = arith.addi %sub3A_70, %iota3A : vector<16xi32>
    %parallel_loop3A = arith.constant -15 : i32
    %parallel_loop3A_72 = arith.constant 0 : i32
    %parallel_loop3A_73 = arith.constant 1 : i32
    %parallel_loop3A_74:3 = scf.for %parallel_loop3A_216 = %parallel_loop3A to %parallel_loop3A_72 step %parallel_loop3A_73 iter_args(%parallel_loop3A_217 = %broadcast_in_dim3A_65, %parallel_loop3A_218 = %broadcast_in_dim3A_67, %parallel_loop3A_219 = %add3A_71) -> (vector<16xf32>, vector<16xf32>, vector<16xi32>)  : i32 {
      %parallel_loop3A_220 = arith.constant 0 : i32
      %parallel_loop3A_221 = arith.subi %parallel_loop3A_220, %parallel_loop3A_216 : i32
      %parallel_loop3A_222 = vector.broadcast %parallel_loop3A_221 : i32 to vector<16xi32>
      %parallel_loop3A_223 = arith.cmpi sge, %iota3A, %parallel_loop3A_222 : vector<16xi32>
      %parallel_loop3A_224 = tpu.vector_load_idx %arg4[%parallel_loop3A_219] masked %parallel_loop3A_223 : memref<65536xf32, #tpu.memory_space<vmem>>[vector<16xi32>], vector<16xf32>, vector<16xi1>
      %parallel_loop3A_225 = arith.constant 32768 : i32
      %parallel_loop3A_226 = vector.broadcast %parallel_loop3A_225 : i32 to vector<16xi32>
      %parallel_loop3A_227 = arith.addi %parallel_loop3A_219, %parallel_loop3A_226 : vector<16xi32>
      %parallel_loop3A_228 = tpu.vector_load_idx %arg4[%parallel_loop3A_227] masked %parallel_loop3A_223 : memref<65536xf32, #tpu.memory_space<vmem>>[vector<16xi32>], vector<16xf32>, vector<16xi1>
      %parallel_loop3A_229 = arith.constant 0.000000e+00 : f32
      %parallel_loop3A_230 = vector.broadcast %parallel_loop3A_229 : f32 to vector<16xf32>
      %parallel_loop3A_231 = arith.select %parallel_loop3A_223, %parallel_loop3A_224, %parallel_loop3A_230 : vector<16xi1>, vector<16xf32>
      %parallel_loop3A_232 = arith.addf %parallel_loop3A_217, %parallel_loop3A_231 : vector<16xf32>
      %parallel_loop3A_233 = arith.constant 0.000000e+00 : f32
      %parallel_loop3A_234 = vector.broadcast %parallel_loop3A_233 : f32 to vector<16xf32>
      %parallel_loop3A_235 = arith.select %parallel_loop3A_223, %parallel_loop3A_228, %parallel_loop3A_234 : vector<16xi1>, vector<16xf32>
      %parallel_loop3A_236 = arith.addf %parallel_loop3A_218, %parallel_loop3A_235 : vector<16xf32>
      tpu.vector_store_idx %arg4[%parallel_loop3A_219], %parallel_loop3A_232 masked %parallel_loop3A_223 : memref<65536xf32, #tpu.memory_space<vmem>>[vector<16xi32>], vector<16xf32>, vector<16xi1>
      %parallel_loop3A_237 = arith.constant 32768 : i32
      %parallel_loop3A_238 = vector.broadcast %parallel_loop3A_237 : i32 to vector<16xi32>
      %parallel_loop3A_239 = arith.addi %parallel_loop3A_219, %parallel_loop3A_238 : vector<16xi32>
      tpu.vector_store_idx %arg4[%parallel_loop3A_239], %parallel_loop3A_236 masked %parallel_loop3A_223 : memref<65536xf32, #tpu.memory_space<vmem>>[vector<16xi32>], vector<16xf32>, vector<16xi1>
      %parallel_loop3A_240 = arith.constant 1 : i32
      %parallel_loop3A_241 = vector.broadcast %parallel_loop3A_240 : i32 to vector<16xi32>
      %parallel_loop3A_242 = arith.addi %parallel_loop3A_219, %parallel_loop3A_241 : vector<16xi32>
      scf.yield %parallel_loop3A_232, %parallel_loop3A_236, %parallel_loop3A_242 : vector<16xf32>, vector<16xf32>, vector<16xi32>
    } {sc.loop_unroll_factor = 1 : i64, sc.parallel_access}
    %scan3A = arith.constant 0 : i32
    %scan3A_75 = arith.constant 15 : i32
    %scan3A_76 = arith.addi %scan3A, %scan3A_75 : i32
    %scan3A_77 = arith.constant 1 : i32
    %scan3A_78:3 = scf.for %scan3A_216 = %scan3A to %scan3A_76 step %scan3A_77 iter_args(%scan3A_217 = %parallel_loop3A_74#0, %scan3A_218 = %parallel_loop3A_74#1, %scan3A_219 = %parallel_loop3A_74#2) -> (vector<16xf32>, vector<16xf32>, vector<16xi32>)  : i32 {
      %parallel_loop3A_220 = arith.constant 0 : i32
      %parallel_loop3A_221 = arith.constant 112 : i32
      %parallel_loop3A_222 = arith.constant 1 : i32
      %parallel_loop3A_223:3 = scf.for %parallel_loop3A_228 = %parallel_loop3A_220 to %parallel_loop3A_221 step %parallel_loop3A_222 iter_args(%parallel_loop3A_229 = %scan3A_217, %parallel_loop3A_230 = %scan3A_218, %parallel_loop3A_231 = %scan3A_219) -> (vector<16xf32>, vector<16xf32>, vector<16xi32>)  : i32 {
        %parallel_loop3A_232 = tpu.vector_load_idx %arg4[%parallel_loop3A_231] : memref<65536xf32, #tpu.memory_space<vmem>>[vector<16xi32>], vector<16xf32>,
        %parallel_loop3A_233 = arith.constant 32768 : i32
        %parallel_loop3A_234 = vector.broadcast %parallel_loop3A_233 : i32 to vector<16xi32>
        %parallel_loop3A_235 = arith.addi %parallel_loop3A_231, %parallel_loop3A_234 : vector<16xi32>
        %parallel_loop3A_236 = tpu.vector_load_idx %arg4[%parallel_loop3A_235] : memref<65536xf32, #tpu.memory_space<vmem>>[vector<16xi32>], vector<16xf32>,
        %parallel_loop3A_237 = arith.addf %parallel_loop3A_229, %parallel_loop3A_232 : vector<16xf32>
        %parallel_loop3A_238 = arith.addf %parallel_loop3A_230, %parallel_loop3A_236 : vector<16xf32>
        tpu.vector_store_idx %arg4[%parallel_loop3A_231], %parallel_loop3A_237 : memref<65536xf32, #tpu.memory_space<vmem>>[vector<16xi32>], vector<16xf32>,
        %parallel_loop3A_239 = arith.constant 32768 : i32
        %parallel_loop3A_240 = vector.broadcast %parallel_loop3A_239 : i32 to vector<16xi32>
        %parallel_loop3A_241 = arith.addi %parallel_loop3A_231, %parallel_loop3A_240 : vector<16xi32>
        tpu.vector_store_idx %arg4[%parallel_loop3A_241], %parallel_loop3A_238 : memref<65536xf32, #tpu.memory_space<vmem>>[vector<16xi32>], vector<16xf32>,
        %parallel_loop3A_242 = arith.constant 1 : i32
        %parallel_loop3A_243 = vector.broadcast %parallel_loop3A_242 : i32 to vector<16xi32>
        %parallel_loop3A_244 = arith.addi %parallel_loop3A_231, %parallel_loop3A_243 : vector<16xi32>
        scf.yield %parallel_loop3A_237, %parallel_loop3A_238, %parallel_loop3A_244 : vector<16xf32>, vector<16xf32>, vector<16xi32>
      } {sc.loop_unroll_factor = 16 : i64, sc.parallel_access}
      %parallel_loop3A_224 = arith.constant 112 : i32
      %parallel_loop3A_225 = arith.constant 128 : i32
      %parallel_loop3A_226 = arith.constant 1 : i32
      %parallel_loop3A_227:3 = scf.for %parallel_loop3A_228 = %parallel_loop3A_224 to %parallel_loop3A_225 step %parallel_loop3A_226 iter_args(%parallel_loop3A_229 = %parallel_loop3A_223#0, %parallel_loop3A_230 = %parallel_loop3A_223#1, %parallel_loop3A_231 = %parallel_loop3A_223#2) -> (vector<16xf32>, vector<16xf32>, vector<16xi32>)  : i32 {
        %parallel_loop3A_232 = tpu.vector_load_idx %arg4[%parallel_loop3A_231] : memref<65536xf32, #tpu.memory_space<vmem>>[vector<16xi32>], vector<16xf32>,
        %parallel_loop3A_233 = arith.constant 32768 : i32
        %parallel_loop3A_234 = vector.broadcast %parallel_loop3A_233 : i32 to vector<16xi32>
        %parallel_loop3A_235 = arith.addi %parallel_loop3A_231, %parallel_loop3A_234 : vector<16xi32>
        %parallel_loop3A_236 = tpu.vector_load_idx %arg4[%parallel_loop3A_235] : memref<65536xf32, #tpu.memory_space<vmem>>[vector<16xi32>], vector<16xf32>,
        %parallel_loop3A_237 = arith.addf %parallel_loop3A_229, %parallel_loop3A_232 : vector<16xf32>
        %parallel_loop3A_238 = arith.addf %parallel_loop3A_230, %parallel_loop3A_236 : vector<16xf32>
        tpu.vector_store_idx %arg4[%parallel_loop3A_231], %parallel_loop3A_237 : memref<65536xf32, #tpu.memory_space<vmem>>[vector<16xi32>], vector<16xf32>,
        %parallel_loop3A_239 = arith.constant 32768 : i32
        %parallel_loop3A_240 = vector.broadcast %parallel_loop3A_239 : i32 to vector<16xi32>
        %parallel_loop3A_241 = arith.addi %parallel_loop3A_231, %parallel_loop3A_240 : vector<16xi32>
        tpu.vector_store_idx %arg4[%parallel_loop3A_241], %parallel_loop3A_238 : memref<65536xf32, #tpu.memory_space<vmem>>[vector<16xi32>], vector<16xf32>,
        %parallel_loop3A_242 = arith.constant 127 : i32
        %parallel_loop3A_243 = arith.subi %parallel_loop3A_242, %parallel_loop3A_228 : i32
        %parallel_loop3A_244 = vector.broadcast %parallel_loop3A_243 : i32 to vector<16xi32>
        %parallel_loop3A_245 = arith.cmpi eq, %iota3A, %parallel_loop3A_244 : vector<16xi32>
        %parallel_loop3A_246 = arith.constant 897 : i32
        %parallel_loop3A_247 = arith.constant 1 : i32
        %parallel_loop3A_248 = vector.broadcast %parallel_loop3A_246 : i32 to vector<16xi32>
        %parallel_loop3A_249 = vector.broadcast %parallel_loop3A_247 : i32 to vector<16xi32>
        %parallel_loop3A_250 = arith.select %parallel_loop3A_245, %parallel_loop3A_248, %parallel_loop3A_249 : vector<16xi1>, vector<16xi32>
        %parallel_loop3A_251 = arith.addi %parallel_loop3A_231, %parallel_loop3A_250 : vector<16xi32>
        scf.yield %parallel_loop3A_237, %parallel_loop3A_238, %parallel_loop3A_251 : vector<16xf32>, vector<16xf32>, vector<16xi32>
      } {sc.loop_unroll_factor = 8 : i64, sc.parallel_access}
      scf.yield %parallel_loop3A_227#0, %parallel_loop3A_227#1, %parallel_loop3A_227#2 : vector<16xf32>, vector<16xf32>, vector<16xi32>
    }
    %scan3A_79 = arith.constant 15 : i32
    %parallel_loop3A_80 = arith.constant 0 : i32
    %parallel_loop3A_81 = arith.constant 112 : i32
    %parallel_loop3A_82 = arith.constant 1 : i32
    %parallel_loop3A_83:3 = scf.for %parallel_loop3A_216 = %parallel_loop3A_80 to %parallel_loop3A_81 step %parallel_loop3A_82 iter_args(%parallel_loop3A_217 = %scan3A_78#0, %parallel_loop3A_218 = %scan3A_78#1, %parallel_loop3A_219 = %scan3A_78#2) -> (vector<16xf32>, vector<16xf32>, vector<16xi32>)  : i32 {
      %parallel_loop3A_220 = tpu.vector_load_idx %arg4[%parallel_loop3A_219] : memref<65536xf32, #tpu.memory_space<vmem>>[vector<16xi32>], vector<16xf32>,
      %parallel_loop3A_221 = arith.constant 32768 : i32
      %parallel_loop3A_222 = vector.broadcast %parallel_loop3A_221 : i32 to vector<16xi32>
      %parallel_loop3A_223 = arith.addi %parallel_loop3A_219, %parallel_loop3A_222 : vector<16xi32>
      %parallel_loop3A_224 = tpu.vector_load_idx %arg4[%parallel_loop3A_223] : memref<65536xf32, #tpu.memory_space<vmem>>[vector<16xi32>], vector<16xf32>,
      %parallel_loop3A_225 = arith.addf %parallel_loop3A_217, %parallel_loop3A_220 : vector<16xf32>
      %parallel_loop3A_226 = arith.addf %parallel_loop3A_218, %parallel_loop3A_224 : vector<16xf32>
      tpu.vector_store_idx %arg4[%parallel_loop3A_219], %parallel_loop3A_225 : memref<65536xf32, #tpu.memory_space<vmem>>[vector<16xi32>], vector<16xf32>,
      %parallel_loop3A_227 = arith.constant 32768 : i32
      %parallel_loop3A_228 = vector.broadcast %parallel_loop3A_227 : i32 to vector<16xi32>
      %parallel_loop3A_229 = arith.addi %parallel_loop3A_219, %parallel_loop3A_228 : vector<16xi32>
      tpu.vector_store_idx %arg4[%parallel_loop3A_229], %parallel_loop3A_226 : memref<65536xf32, #tpu.memory_space<vmem>>[vector<16xi32>], vector<16xf32>,
      %parallel_loop3A_230 = arith.constant 1 : i32
      %parallel_loop3A_231 = vector.broadcast %parallel_loop3A_230 : i32 to vector<16xi32>
      %parallel_loop3A_232 = arith.addi %parallel_loop3A_219, %parallel_loop3A_231 : vector<16xi32>
      scf.yield %parallel_loop3A_225, %parallel_loop3A_226, %parallel_loop3A_232 : vector<16xf32>, vector<16xf32>, vector<16xi32>
    } {sc.loop_unroll_factor = 16 : i64, sc.parallel_access}
    %parallel_loop3A_84 = arith.constant 112 : i32
    %parallel_loop3A_85 = arith.constant 128 : i32
    %parallel_loop3A_86 = arith.constant 1 : i32
    %parallel_loop3A_87:3 = scf.for %parallel_loop3A_216 = %parallel_loop3A_84 to %parallel_loop3A_85 step %parallel_loop3A_86 iter_args(%parallel_loop3A_217 = %parallel_loop3A_83#0, %parallel_loop3A_218 = %parallel_loop3A_83#1, %parallel_loop3A_219 = %parallel_loop3A_83#2) -> (vector<16xf32>, vector<16xf32>, vector<16xi32>)  : i32 {
      %parallel_loop3A_220 = arith.constant 127 : i32
      %parallel_loop3A_221 = arith.subi %parallel_loop3A_220, %parallel_loop3A_216 : i32
      %parallel_loop3A_222 = vector.broadcast %parallel_loop3A_221 : i32 to vector<16xi32>
      %parallel_loop3A_223 = arith.cmpi sle, %iota3A, %parallel_loop3A_222 : vector<16xi32>
      %parallel_loop3A_224 = tpu.vector_load_idx %arg4[%parallel_loop3A_219] masked %parallel_loop3A_223 : memref<65536xf32, #tpu.memory_space<vmem>>[vector<16xi32>], vector<16xf32>, vector<16xi1>
      %parallel_loop3A_225 = arith.constant 32768 : i32
      %parallel_loop3A_226 = vector.broadcast %parallel_loop3A_225 : i32 to vector<16xi32>
      %parallel_loop3A_227 = arith.addi %parallel_loop3A_219, %parallel_loop3A_226 : vector<16xi32>
      %parallel_loop3A_228 = tpu.vector_load_idx %arg4[%parallel_loop3A_227] masked %parallel_loop3A_223 : memref<65536xf32, #tpu.memory_space<vmem>>[vector<16xi32>], vector<16xf32>, vector<16xi1>
      %parallel_loop3A_229 = arith.constant 0.000000e+00 : f32
      %parallel_loop3A_230 = vector.broadcast %parallel_loop3A_229 : f32 to vector<16xf32>
      %parallel_loop3A_231 = arith.select %parallel_loop3A_223, %parallel_loop3A_224, %parallel_loop3A_230 : vector<16xi1>, vector<16xf32>
      %parallel_loop3A_232 = arith.addf %parallel_loop3A_217, %parallel_loop3A_231 : vector<16xf32>
      %parallel_loop3A_233 = arith.constant 0.000000e+00 : f32
      %parallel_loop3A_234 = vector.broadcast %parallel_loop3A_233 : f32 to vector<16xf32>
      %parallel_loop3A_235 = arith.select %parallel_loop3A_223, %parallel_loop3A_228, %parallel_loop3A_234 : vector<16xi1>, vector<16xf32>
      %parallel_loop3A_236 = arith.addf %parallel_loop3A_218, %parallel_loop3A_235 : vector<16xf32>
      tpu.vector_store_idx %arg4[%parallel_loop3A_219], %parallel_loop3A_232 masked %parallel_loop3A_223 : memref<65536xf32, #tpu.memory_space<vmem>>[vector<16xi32>], vector<16xf32>, vector<16xi1>
      %parallel_loop3A_237 = arith.constant 32768 : i32
      %parallel_loop3A_238 = vector.broadcast %parallel_loop3A_237 : i32 to vector<16xi32>
      %parallel_loop3A_239 = arith.addi %parallel_loop3A_219, %parallel_loop3A_238 : vector<16xi32>
      tpu.vector_store_idx %arg4[%parallel_loop3A_239], %parallel_loop3A_236 masked %parallel_loop3A_223 : memref<65536xf32, #tpu.memory_space<vmem>>[vector<16xi32>], vector<16xf32>, vector<16xi1>
      %parallel_loop3A_240 = arith.constant 1 : i32
      %parallel_loop3A_241 = vector.broadcast %parallel_loop3A_240 : i32 to vector<16xi32>
      %parallel_loop3A_242 = arith.addi %parallel_loop3A_219, %parallel_loop3A_241 : vector<16xi32>
      scf.yield %parallel_loop3A_232, %parallel_loop3A_236, %parallel_loop3A_242 : vector<16xf32>, vector<16xf32>, vector<16xi32>
    } {sc.loop_unroll_factor = 8 : i64, sc.parallel_access}
    %add3A_88 = arith.constant 0 : i32
    %add3A_89 = arith.addi %mul3A_2, %add3A_88 : i32
    %mul3A_90 = arith.constant 32768 : i32
    %mul3A_91 = arith.muli %add3A_89, %mul3A_90 : i32
    %dma_start3A_92 = tpu.memref_slice %arg3[%mul3A_91] : memref<8388608xf32, #tpu.memory_space<hbm>> -> memref<65536xf32, #tpu.memory_space<hbm>>
    %dma_start3A_93 = tpu.memref_slice %arg3[%mul3A_91] : memref<8388608xf32, #tpu.memory_space<hbm>> -> memref<65536xf32, #tpu.memory_space<hbm>>
    tpu.enqueue_dma source(%arg4 : memref<65536xf32, #tpu.memory_space<vmem>>) target(%dma_start3A_93 : memref<65536xf32, #tpu.memory_space<hbm>>) target_semaphore(%arg8 : memref<!tpu.dma_semaphore, #tpu.memory_space<semaphore_mem>>)
    %dma_wait3A_94 = tpu.memref_slice %arg3[%mul3A_91] : memref<8388608xf32, #tpu.memory_space<hbm>> -> memref<65536xf32, #tpu.memory_space<hbm>>
    %dma_wait3A_95 = tpu.memref_slice %arg3[%mul3A_91] : memref<8388608xf32, #tpu.memory_space<hbm>> -> memref<65536xf32, #tpu.memory_space<hbm>>
    tpu.wait_dma2 semaphore(%arg8 : memref<!tpu.dma_semaphore, #tpu.memory_space<semaphore_mem>>) src(%arg4 : memref<65536xf32, #tpu.memory_space<vmem>>) dst(%dma_wait3A_95 : memref<65536xf32, #tpu.memory_space<hbm>>)
    %add3A_96 = arith.constant 4 : i32
    %add3A_97 = arith.addi %mul3A_2, %add3A_96 : i32
    %mul3A_98 = arith.constant 32768 : i32
    %mul3A_99 = arith.muli %add3A_97, %mul3A_98 : i32
    %dma_start3A_100 = tpu.memref_slice %arg2[%mul3A_99] : memref<8388608xf32, #tpu.memory_space<hbm>> -> memref<65536xf32, #tpu.memory_space<hbm>>
    %dma_start3A_101 = tpu.memref_slice %arg2[%mul3A_99] : memref<8388608xf32, #tpu.memory_space<hbm>> -> memref<65536xf32, #tpu.memory_space<hbm>>
    tpu.enqueue_dma source(%dma_start3A_101 : memref<65536xf32, #tpu.memory_space<hbm>>) target(%arg4 : memref<65536xf32, #tpu.memory_space<vmem>>) target_semaphore(%arg6 : memref<!tpu.dma_semaphore, #tpu.memory_space<semaphore_mem>>)
    %dma_wait3A_102 = tpu.memref_slice %arg2[%mul3A_61] : memref<8388608xf32, #tpu.memory_space<hbm>> -> memref<65536xf32, #tpu.memory_space<hbm>>
    %dma_wait3A_103 = tpu.memref_slice %arg2[%mul3A_61] : memref<8388608xf32, #tpu.memory_space<hbm>> -> memref<65536xf32, #tpu.memory_space<hbm>>
    tpu.wait_dma2 semaphore(%arg7 : memref<!tpu.dma_semaphore, #tpu.memory_space<semaphore_mem>>) src(%dma_wait3A_103 : memref<65536xf32, #tpu.memory_space<hbm>>) dst(%arg5 : memref<65536xf32, #tpu.memory_space<vmem>>)
    %broadcast_in_dim3A_104 = arith.constant 0.000000e+00 : f32
    %broadcast_in_dim3A_105 = vector.broadcast %broadcast_in_dim3A_104 : f32 to vector<16xf32>
    %broadcast_in_dim3A_106 = arith.constant 0.000000e+00 : f32
    %broadcast_in_dim3A_107 = vector.broadcast %broadcast_in_dim3A_106 : f32 to vector<16xf32>
    %sub3A_108 = arith.constant 15 : i32
    %sub3A_109 = vector.broadcast %sub3A_108 : i32 to vector<16xi32>
    %sub3A_110 = arith.subi %add3A_52, %sub3A_109 : vector<16xi32>
    %add3A_111 = arith.addi %sub3A_110, %iota3A : vector<16xi32>
    %parallel_loop3A_112 = arith.constant -15 : i32
    %parallel_loop3A_113 = arith.constant 0 : i32
    %parallel_loop3A_114 = arith.constant 1 : i32
    %parallel_loop3A_115:3 = scf.for %parallel_loop3A_216 = %parallel_loop3A_112 to %parallel_loop3A_113 step %parallel_loop3A_114 iter_args(%parallel_loop3A_217 = %broadcast_in_dim3A_105, %parallel_loop3A_218 = %broadcast_in_dim3A_107, %parallel_loop3A_219 = %add3A_111) -> (vector<16xf32>, vector<16xf32>, vector<16xi32>)  : i32 {
      %parallel_loop3A_220 = arith.constant 0 : i32
      %parallel_loop3A_221 = arith.subi %parallel_loop3A_220, %parallel_loop3A_216 : i32
      %parallel_loop3A_222 = vector.broadcast %parallel_loop3A_221 : i32 to vector<16xi32>
      %parallel_loop3A_223 = arith.cmpi sge, %iota3A, %parallel_loop3A_222 : vector<16xi32>
      %parallel_loop3A_224 = tpu.vector_load_idx %arg5[%parallel_loop3A_219] masked %parallel_loop3A_223 : memref<65536xf32, #tpu.memory_space<vmem>>[vector<16xi32>], vector<16xf32>, vector<16xi1>
      %parallel_loop3A_225 = arith.constant 32768 : i32
      %parallel_loop3A_226 = vector.broadcast %parallel_loop3A_225 : i32 to vector<16xi32>
      %parallel_loop3A_227 = arith.addi %parallel_loop3A_219, %parallel_loop3A_226 : vector<16xi32>
      %parallel_loop3A_228 = tpu.vector_load_idx %arg5[%parallel_loop3A_227] masked %parallel_loop3A_223 : memref<65536xf32, #tpu.memory_space<vmem>>[vector<16xi32>], vector<16xf32>, vector<16xi1>
      %parallel_loop3A_229 = arith.constant 0.000000e+00 : f32
      %parallel_loop3A_230 = vector.broadcast %parallel_loop3A_229 : f32 to vector<16xf32>
      %parallel_loop3A_231 = arith.select %parallel_loop3A_223, %parallel_loop3A_224, %parallel_loop3A_230 : vector<16xi1>, vector<16xf32>
      %parallel_loop3A_232 = arith.addf %parallel_loop3A_217, %parallel_loop3A_231 : vector<16xf32>
      %parallel_loop3A_233 = arith.constant 0.000000e+00 : f32
      %parallel_loop3A_234 = vector.broadcast %parallel_loop3A_233 : f32 to vector<16xf32>
      %parallel_loop3A_235 = arith.select %parallel_loop3A_223, %parallel_loop3A_228, %parallel_loop3A_234 : vector<16xi1>, vector<16xf32>
      %parallel_loop3A_236 = arith.addf %parallel_loop3A_218, %parallel_loop3A_235 : vector<16xf32>
      tpu.vector_store_idx %arg5[%parallel_loop3A_219], %parallel_loop3A_232 masked %parallel_loop3A_223 : memref<65536xf32, #tpu.memory_space<vmem>>[vector<16xi32>], vector<16xf32>, vector<16xi1>
      %parallel_loop3A_237 = arith.constant 32768 : i32
      %parallel_loop3A_238 = vector.broadcast %parallel_loop3A_237 : i32 to vector<16xi32>
      %parallel_loop3A_239 = arith.addi %parallel_loop3A_219, %parallel_loop3A_238 : vector<16xi32>
      tpu.vector_store_idx %arg5[%parallel_loop3A_239], %parallel_loop3A_236 masked %parallel_loop3A_223 : memref<65536xf32, #tpu.memory_space<vmem>>[vector<16xi32>], vector<16xf32>, vector<16xi1>
      %parallel_loop3A_240 = arith.constant 1 : i32
      %parallel_loop3A_241 = vector.broadcast %parallel_loop3A_240 : i32 to vector<16xi32>
      %parallel_loop3A_242 = arith.addi %parallel_loop3A_219, %parallel_loop3A_241 : vector<16xi32>
      scf.yield %parallel_loop3A_232, %parallel_loop3A_236, %parallel_loop3A_242 : vector<16xf32>, vector<16xf32>, vector<16xi32>
    } {sc.loop_unroll_factor = 1 : i64, sc.parallel_access}
    %scan3A_116 = arith.constant 0 : i32
    %scan3A_117 = arith.constant 15 : i32
    %scan3A_118 = arith.addi %scan3A_116, %scan3A_117 : i32
    %scan3A_119 = arith.constant 1 : i32
    %scan3A_120:3 = scf.for %scan3A_216 = %scan3A_116 to %scan3A_118 step %scan3A_119 iter_args(%scan3A_217 = %parallel_loop3A_115#0, %scan3A_218 = %parallel_loop3A_115#1, %scan3A_219 = %parallel_loop3A_115#2) -> (vector<16xf32>, vector<16xf32>, vector<16xi32>)  : i32 {
      %parallel_loop3A_220 = arith.constant 0 : i32
      %parallel_loop3A_221 = arith.constant 112 : i32
      %parallel_loop3A_222 = arith.constant 1 : i32
      %parallel_loop3A_223:3 = scf.for %parallel_loop3A_228 = %parallel_loop3A_220 to %parallel_loop3A_221 step %parallel_loop3A_222 iter_args(%parallel_loop3A_229 = %scan3A_217, %parallel_loop3A_230 = %scan3A_218, %parallel_loop3A_231 = %scan3A_219) -> (vector<16xf32>, vector<16xf32>, vector<16xi32>)  : i32 {
        %parallel_loop3A_232 = tpu.vector_load_idx %arg5[%parallel_loop3A_231] : memref<65536xf32, #tpu.memory_space<vmem>>[vector<16xi32>], vector<16xf32>,
        %parallel_loop3A_233 = arith.constant 32768 : i32
        %parallel_loop3A_234 = vector.broadcast %parallel_loop3A_233 : i32 to vector<16xi32>
        %parallel_loop3A_235 = arith.addi %parallel_loop3A_231, %parallel_loop3A_234 : vector<16xi32>
        %parallel_loop3A_236 = tpu.vector_load_idx %arg5[%parallel_loop3A_235] : memref<65536xf32, #tpu.memory_space<vmem>>[vector<16xi32>], vector<16xf32>,
        %parallel_loop3A_237 = arith.addf %parallel_loop3A_229, %parallel_loop3A_232 : vector<16xf32>
        %parallel_loop3A_238 = arith.addf %parallel_loop3A_230, %parallel_loop3A_236 : vector<16xf32>
        tpu.vector_store_idx %arg5[%parallel_loop3A_231], %parallel_loop3A_237 : memref<65536xf32, #tpu.memory_space<vmem>>[vector<16xi32>], vector<16xf32>,
        %parallel_loop3A_239 = arith.constant 32768 : i32
        %parallel_loop3A_240 = vector.broadcast %parallel_loop3A_239 : i32 to vector<16xi32>
        %parallel_loop3A_241 = arith.addi %parallel_loop3A_231, %parallel_loop3A_240 : vector<16xi32>
        tpu.vector_store_idx %arg5[%parallel_loop3A_241], %parallel_loop3A_238 : memref<65536xf32, #tpu.memory_space<vmem>>[vector<16xi32>], vector<16xf32>,
        %parallel_loop3A_242 = arith.constant 1 : i32
        %parallel_loop3A_243 = vector.broadcast %parallel_loop3A_242 : i32 to vector<16xi32>
        %parallel_loop3A_244 = arith.addi %parallel_loop3A_231, %parallel_loop3A_243 : vector<16xi32>
        scf.yield %parallel_loop3A_237, %parallel_loop3A_238, %parallel_loop3A_244 : vector<16xf32>, vector<16xf32>, vector<16xi32>
      } {sc.loop_unroll_factor = 16 : i64, sc.parallel_access}
      %parallel_loop3A_224 = arith.constant 112 : i32
      %parallel_loop3A_225 = arith.constant 128 : i32
      %parallel_loop3A_226 = arith.constant 1 : i32
      %parallel_loop3A_227:3 = scf.for %parallel_loop3A_228 = %parallel_loop3A_224 to %parallel_loop3A_225 step %parallel_loop3A_226 iter_args(%parallel_loop3A_229 = %parallel_loop3A_223#0, %parallel_loop3A_230 = %parallel_loop3A_223#1, %parallel_loop3A_231 = %parallel_loop3A_223#2) -> (vector<16xf32>, vector<16xf32>, vector<16xi32>)  : i32 {
        %parallel_loop3A_232 = tpu.vector_load_idx %arg5[%parallel_loop3A_231] : memref<65536xf32, #tpu.memory_space<vmem>>[vector<16xi32>], vector<16xf32>,
        %parallel_loop3A_233 = arith.constant 32768 : i32
        %parallel_loop3A_234 = vector.broadcast %parallel_loop3A_233 : i32 to vector<16xi32>
        %parallel_loop3A_235 = arith.addi %parallel_loop3A_231, %parallel_loop3A_234 : vector<16xi32>
        %parallel_loop3A_236 = tpu.vector_load_idx %arg5[%parallel_loop3A_235] : memref<65536xf32, #tpu.memory_space<vmem>>[vector<16xi32>], vector<16xf32>,
        %parallel_loop3A_237 = arith.addf %parallel_loop3A_229, %parallel_loop3A_232 : vector<16xf32>
        %parallel_loop3A_238 = arith.addf %parallel_loop3A_230, %parallel_loop3A_236 : vector<16xf32>
        tpu.vector_store_idx %arg5[%parallel_loop3A_231], %parallel_loop3A_237 : memref<65536xf32, #tpu.memory_space<vmem>>[vector<16xi32>], vector<16xf32>,
        %parallel_loop3A_239 = arith.constant 32768 : i32
        %parallel_loop3A_240 = vector.broadcast %parallel_loop3A_239 : i32 to vector<16xi32>
        %parallel_loop3A_241 = arith.addi %parallel_loop3A_231, %parallel_loop3A_240 : vector<16xi32>
        tpu.vector_store_idx %arg5[%parallel_loop3A_241], %parallel_loop3A_238 : memref<65536xf32, #tpu.memory_space<vmem>>[vector<16xi32>], vector<16xf32>,
        %parallel_loop3A_242 = arith.constant 127 : i32
        %parallel_loop3A_243 = arith.subi %parallel_loop3A_242, %parallel_loop3A_228 : i32
        %parallel_loop3A_244 = vector.broadcast %parallel_loop3A_243 : i32 to vector<16xi32>
        %parallel_loop3A_245 = arith.cmpi eq, %iota3A, %parallel_loop3A_244 : vector<16xi32>
        %parallel_loop3A_246 = arith.constant 897 : i32
        %parallel_loop3A_247 = arith.constant 1 : i32
        %parallel_loop3A_248 = vector.broadcast %parallel_loop3A_246 : i32 to vector<16xi32>
        %parallel_loop3A_249 = vector.broadcast %parallel_loop3A_247 : i32 to vector<16xi32>
        %parallel_loop3A_250 = arith.select %parallel_loop3A_245, %parallel_loop3A_248, %parallel_loop3A_249 : vector<16xi1>, vector<16xi32>
        %parallel_loop3A_251 = arith.addi %parallel_loop3A_231, %parallel_loop3A_250 : vector<16xi32>
        scf.yield %parallel_loop3A_237, %parallel_loop3A_238, %parallel_loop3A_251 : vector<16xf32>, vector<16xf32>, vector<16xi32>
      } {sc.loop_unroll_factor = 8 : i64, sc.parallel_access}
      scf.yield %parallel_loop3A_227#0, %parallel_loop3A_227#1, %parallel_loop3A_227#2 : vector<16xf32>, vector<16xf32>, vector<16xi32>
    }
    %scan3A_121 = arith.constant 15 : i32
    %parallel_loop3A_122 = arith.constant 0 : i32
    %parallel_loop3A_123 = arith.constant 112 : i32
    %parallel_loop3A_124 = arith.constant 1 : i32
    %parallel_loop3A_125:3 = scf.for %parallel_loop3A_216 = %parallel_loop3A_122 to %parallel_loop3A_123 step %parallel_loop3A_124 iter_args(%parallel_loop3A_217 = %scan3A_120#0, %parallel_loop3A_218 = %scan3A_120#1, %parallel_loop3A_219 = %scan3A_120#2) -> (vector<16xf32>, vector<16xf32>, vector<16xi32>)  : i32 {
      %parallel_loop3A_220 = tpu.vector_load_idx %arg5[%parallel_loop3A_219] : memref<65536xf32, #tpu.memory_space<vmem>>[vector<16xi32>], vector<16xf32>,
      %parallel_loop3A_221 = arith.constant 32768 : i32
      %parallel_loop3A_222 = vector.broadcast %parallel_loop3A_221 : i32 to vector<16xi32>
      %parallel_loop3A_223 = arith.addi %parallel_loop3A_219, %parallel_loop3A_222 : vector<16xi32>
      %parallel_loop3A_224 = tpu.vector_load_idx %arg5[%parallel_loop3A_223] : memref<65536xf32, #tpu.memory_space<vmem>>[vector<16xi32>], vector<16xf32>,
      %parallel_loop3A_225 = arith.addf %parallel_loop3A_217, %parallel_loop3A_220 : vector<16xf32>
      %parallel_loop3A_226 = arith.addf %parallel_loop3A_218, %parallel_loop3A_224 : vector<16xf32>
      tpu.vector_store_idx %arg5[%parallel_loop3A_219], %parallel_loop3A_225 : memref<65536xf32, #tpu.memory_space<vmem>>[vector<16xi32>], vector<16xf32>,
      %parallel_loop3A_227 = arith.constant 32768 : i32
      %parallel_loop3A_228 = vector.broadcast %parallel_loop3A_227 : i32 to vector<16xi32>
      %parallel_loop3A_229 = arith.addi %parallel_loop3A_219, %parallel_loop3A_228 : vector<16xi32>
      tpu.vector_store_idx %arg5[%parallel_loop3A_229], %parallel_loop3A_226 : memref<65536xf32, #tpu.memory_space<vmem>>[vector<16xi32>], vector<16xf32>,
      %parallel_loop3A_230 = arith.constant 1 : i32
      %parallel_loop3A_231 = vector.broadcast %parallel_loop3A_230 : i32 to vector<16xi32>
      %parallel_loop3A_232 = arith.addi %parallel_loop3A_219, %parallel_loop3A_231 : vector<16xi32>
      scf.yield %parallel_loop3A_225, %parallel_loop3A_226, %parallel_loop3A_232 : vector<16xf32>, vector<16xf32>, vector<16xi32>
    } {sc.loop_unroll_factor = 16 : i64, sc.parallel_access}
    %parallel_loop3A_126 = arith.constant 112 : i32
    %parallel_loop3A_127 = arith.constant 128 : i32
    %parallel_loop3A_128 = arith.constant 1 : i32
    %parallel_loop3A_129:3 = scf.for %parallel_loop3A_216 = %parallel_loop3A_126 to %parallel_loop3A_127 step %parallel_loop3A_128 iter_args(%parallel_loop3A_217 = %parallel_loop3A_125#0, %parallel_loop3A_218 = %parallel_loop3A_125#1, %parallel_loop3A_219 = %parallel_loop3A_125#2) -> (vector<16xf32>, vector<16xf32>, vector<16xi32>)  : i32 {
      %parallel_loop3A_220 = arith.constant 127 : i32
      %parallel_loop3A_221 = arith.subi %parallel_loop3A_220, %parallel_loop3A_216 : i32
      %parallel_loop3A_222 = vector.broadcast %parallel_loop3A_221 : i32 to vector<16xi32>
      %parallel_loop3A_223 = arith.cmpi sle, %iota3A, %parallel_loop3A_222 : vector<16xi32>
      %parallel_loop3A_224 = tpu.vector_load_idx %arg5[%parallel_loop3A_219] masked %parallel_loop3A_223 : memref<65536xf32, #tpu.memory_space<vmem>>[vector<16xi32>], vector<16xf32>, vector<16xi1>
      %parallel_loop3A_225 = arith.constant 32768 : i32
      %parallel_loop3A_226 = vector.broadcast %parallel_loop3A_225 : i32 to vector<16xi32>
      %parallel_loop3A_227 = arith.addi %parallel_loop3A_219, %parallel_loop3A_226 : vector<16xi32>
      %parallel_loop3A_228 = tpu.vector_load_idx %arg5[%parallel_loop3A_227] masked %parallel_loop3A_223 : memref<65536xf32, #tpu.memory_space<vmem>>[vector<16xi32>], vector<16xf32>, vector<16xi1>
      %parallel_loop3A_229 = arith.constant 0.000000e+00 : f32
      %parallel_loop3A_230 = vector.broadcast %parallel_loop3A_229 : f32 to vector<16xf32>
      %parallel_loop3A_231 = arith.select %parallel_loop3A_223, %parallel_loop3A_224, %parallel_loop3A_230 : vector<16xi1>, vector<16xf32>
      %parallel_loop3A_232 = arith.addf %parallel_loop3A_217, %parallel_loop3A_231 : vector<16xf32>
      %parallel_loop3A_233 = arith.constant 0.000000e+00 : f32
      %parallel_loop3A_234 = vector.broadcast %parallel_loop3A_233 : f32 to vector<16xf32>
      %parallel_loop3A_235 = arith.select %parallel_loop3A_223, %parallel_loop3A_228, %parallel_loop3A_234 : vector<16xi1>, vector<16xf32>
      %parallel_loop3A_236 = arith.addf %parallel_loop3A_218, %parallel_loop3A_235 : vector<16xf32>
      tpu.vector_store_idx %arg5[%parallel_loop3A_219], %parallel_loop3A_232 masked %parallel_loop3A_223 : memref<65536xf32, #tpu.memory_space<vmem>>[vector<16xi32>], vector<16xf32>, vector<16xi1>
      %parallel_loop3A_237 = arith.constant 32768 : i32
      %parallel_loop3A_238 = vector.broadcast %parallel_loop3A_237 : i32 to vector<16xi32>
      %parallel_loop3A_239 = arith.addi %parallel_loop3A_219, %parallel_loop3A_238 : vector<16xi32>
      tpu.vector_store_idx %arg5[%parallel_loop3A_239], %parallel_loop3A_236 masked %parallel_loop3A_223 : memref<65536xf32, #tpu.memory_space<vmem>>[vector<16xi32>], vector<16xf32>, vector<16xi1>
      %parallel_loop3A_240 = arith.constant 1 : i32
      %parallel_loop3A_241 = vector.broadcast %parallel_loop3A_240 : i32 to vector<16xi32>
      %parallel_loop3A_242 = arith.addi %parallel_loop3A_219, %parallel_loop3A_241 : vector<16xi32>
      scf.yield %parallel_loop3A_232, %parallel_loop3A_236, %parallel_loop3A_242 : vector<16xf32>, vector<16xf32>, vector<16xi32>
    } {sc.loop_unroll_factor = 8 : i64, sc.parallel_access}
    %add3A_130 = arith.constant 2 : i32
    %add3A_131 = arith.addi %mul3A_2, %add3A_130 : i32
    %mul3A_132 = arith.constant 32768 : i32
    %mul3A_133 = arith.muli %add3A_131, %mul3A_132 : i32
    %dma_start3A_134 = tpu.memref_slice %arg3[%mul3A_133] : memref<8388608xf32, #tpu.memory_space<hbm>> -> memref<65536xf32, #tpu.memory_space<hbm>>
    %dma_start3A_135 = tpu.memref_slice %arg3[%mul3A_133] : memref<8388608xf32, #tpu.memory_space<hbm>> -> memref<65536xf32, #tpu.memory_space<hbm>>
    tpu.enqueue_dma source(%arg5 : memref<65536xf32, #tpu.memory_space<vmem>>) target(%dma_start3A_135 : memref<65536xf32, #tpu.memory_space<hbm>>) target_semaphore(%arg9 : memref<!tpu.dma_semaphore, #tpu.memory_space<semaphore_mem>>)
    %dma_wait3A_136 = tpu.memref_slice %arg3[%mul3A_133] : memref<8388608xf32, #tpu.memory_space<hbm>> -> memref<65536xf32, #tpu.memory_space<hbm>>
    %dma_wait3A_137 = tpu.memref_slice %arg3[%mul3A_133] : memref<8388608xf32, #tpu.memory_space<hbm>> -> memref<65536xf32, #tpu.memory_space<hbm>>
    tpu.wait_dma2 semaphore(%arg9 : memref<!tpu.dma_semaphore, #tpu.memory_space<semaphore_mem>>) src(%arg5 : memref<65536xf32, #tpu.memory_space<vmem>>) dst(%dma_wait3A_137 : memref<65536xf32, #tpu.memory_space<hbm>>)
    %add3A_138 = arith.constant 6 : i32
    %add3A_139 = arith.addi %mul3A_2, %add3A_138 : i32
    %mul3A_140 = arith.constant 32768 : i32
    %mul3A_141 = arith.muli %add3A_139, %mul3A_140 : i32
    %dma_start3A_142 = tpu.memref_slice %arg2[%mul3A_141] : memref<8388608xf32, #tpu.memory_space<hbm>> -> memref<65536xf32, #tpu.memory_space<hbm>>
    %dma_start3A_143 = tpu.memref_slice %arg2[%mul3A_141] : memref<8388608xf32, #tpu.memory_space<hbm>> -> memref<65536xf32, #tpu.memory_space<hbm>>
    tpu.enqueue_dma source(%dma_start3A_143 : memref<65536xf32, #tpu.memory_space<hbm>>) target(%arg5 : memref<65536xf32, #tpu.memory_space<vmem>>) target_semaphore(%arg7 : memref<!tpu.dma_semaphore, #tpu.memory_space<semaphore_mem>>)
    %dma_wait3A_144 = tpu.memref_slice %arg2[%mul3A_99] : memref<8388608xf32, #tpu.memory_space<hbm>> -> memref<65536xf32, #tpu.memory_space<hbm>>
    %dma_wait3A_145 = tpu.memref_slice %arg2[%mul3A_99] : memref<8388608xf32, #tpu.memory_space<hbm>> -> memref<65536xf32, #tpu.memory_space<hbm>>
    tpu.wait_dma2 semaphore(%arg6 : memref<!tpu.dma_semaphore, #tpu.memory_space<semaphore_mem>>) src(%dma_wait3A_145 : memref<65536xf32, #tpu.memory_space<hbm>>) dst(%arg4 : memref<65536xf32, #tpu.memory_space<vmem>>)
    %broadcast_in_dim3A_146 = arith.constant 0.000000e+00 : f32
    %broadcast_in_dim3A_147 = vector.broadcast %broadcast_in_dim3A_146 : f32 to vector<16xf32>
    %broadcast_in_dim3A_148 = arith.constant 0.000000e+00 : f32
    %broadcast_in_dim3A_149 = vector.broadcast %broadcast_in_dim3A_148 : f32 to vector<16xf32>
    %sub3A_150 = arith.constant 15 : i32
    %sub3A_151 = vector.broadcast %sub3A_150 : i32 to vector<16xi32>
    %sub3A_152 = arith.subi %add3A_52, %sub3A_151 : vector<16xi32>
    %add3A_153 = arith.addi %sub3A_152, %iota3A : vector<16xi32>
    %parallel_loop3A_154 = arith.constant -15 : i32
    %parallel_loop3A_155 = arith.constant 0 : i32
    %parallel_loop3A_156 = arith.constant 1 : i32
    %parallel_loop3A_157:3 = scf.for %parallel_loop3A_216 = %parallel_loop3A_154 to %parallel_loop3A_155 step %parallel_loop3A_156 iter_args(%parallel_loop3A_217 = %broadcast_in_dim3A_147, %parallel_loop3A_218 = %broadcast_in_dim3A_149, %parallel_loop3A_219 = %add3A_153) -> (vector<16xf32>, vector<16xf32>, vector<16xi32>)  : i32 {
      %parallel_loop3A_220 = arith.constant 0 : i32
      %parallel_loop3A_221 = arith.subi %parallel_loop3A_220, %parallel_loop3A_216 : i32
      %parallel_loop3A_222 = vector.broadcast %parallel_loop3A_221 : i32 to vector<16xi32>
      %parallel_loop3A_223 = arith.cmpi sge, %iota3A, %parallel_loop3A_222 : vector<16xi32>
      %parallel_loop3A_224 = tpu.vector_load_idx %arg4[%parallel_loop3A_219] masked %parallel_loop3A_223 : memref<65536xf32, #tpu.memory_space<vmem>>[vector<16xi32>], vector<16xf32>, vector<16xi1>
      %parallel_loop3A_225 = arith.constant 32768 : i32
      %parallel_loop3A_226 = vector.broadcast %parallel_loop3A_225 : i32 to vector<16xi32>
      %parallel_loop3A_227 = arith.addi %parallel_loop3A_219, %parallel_loop3A_226 : vector<16xi32>
      %parallel_loop3A_228 = tpu.vector_load_idx %arg4[%parallel_loop3A_227] masked %parallel_loop3A_223 : memref<65536xf32, #tpu.memory_space<vmem>>[vector<16xi32>], vector<16xf32>, vector<16xi1>
      %parallel_loop3A_229 = arith.constant 0.000000e+00 : f32
      %parallel_loop3A_230 = vector.broadcast %parallel_loop3A_229 : f32 to vector<16xf32>
      %parallel_loop3A_231 = arith.select %parallel_loop3A_223, %parallel_loop3A_224, %parallel_loop3A_230 : vector<16xi1>, vector<16xf32>
      %parallel_loop3A_232 = arith.addf %parallel_loop3A_217, %parallel_loop3A_231 : vector<16xf32>
      %parallel_loop3A_233 = arith.constant 0.000000e+00 : f32
      %parallel_loop3A_234 = vector.broadcast %parallel_loop3A_233 : f32 to vector<16xf32>
      %parallel_loop3A_235 = arith.select %parallel_loop3A_223, %parallel_loop3A_228, %parallel_loop3A_234 : vector<16xi1>, vector<16xf32>
      %parallel_loop3A_236 = arith.addf %parallel_loop3A_218, %parallel_loop3A_235 : vector<16xf32>
      tpu.vector_store_idx %arg4[%parallel_loop3A_219], %parallel_loop3A_232 masked %parallel_loop3A_223 : memref<65536xf32, #tpu.memory_space<vmem>>[vector<16xi32>], vector<16xf32>, vector<16xi1>
      %parallel_loop3A_237 = arith.constant 32768 : i32
      %parallel_loop3A_238 = vector.broadcast %parallel_loop3A_237 : i32 to vector<16xi32>
      %parallel_loop3A_239 = arith.addi %parallel_loop3A_219, %parallel_loop3A_238 : vector<16xi32>
      tpu.vector_store_idx %arg4[%parallel_loop3A_239], %parallel_loop3A_236 masked %parallel_loop3A_223 : memref<65536xf32, #tpu.memory_space<vmem>>[vector<16xi32>], vector<16xf32>, vector<16xi1>
      %parallel_loop3A_240 = arith.constant 1 : i32
      %parallel_loop3A_241 = vector.broadcast %parallel_loop3A_240 : i32 to vector<16xi32>
      %parallel_loop3A_242 = arith.addi %parallel_loop3A_219, %parallel_loop3A_241 : vector<16xi32>
      scf.yield %parallel_loop3A_232, %parallel_loop3A_236, %parallel_loop3A_242 : vector<16xf32>, vector<16xf32>, vector<16xi32>
    } {sc.loop_unroll_factor = 1 : i64, sc.parallel_access}
    %scan3A_158 = arith.constant 0 : i32
    %scan3A_159 = arith.constant 15 : i32
    %scan3A_160 = arith.addi %scan3A_158, %scan3A_159 : i32
    %scan3A_161 = arith.constant 1 : i32
    %scan3A_162:3 = scf.for %scan3A_216 = %scan3A_158 to %scan3A_160 step %scan3A_161 iter_args(%scan3A_217 = %parallel_loop3A_157#0, %scan3A_218 = %parallel_loop3A_157#1, %scan3A_219 = %parallel_loop3A_157#2) -> (vector<16xf32>, vector<16xf32>, vector<16xi32>)  : i32 {
      %parallel_loop3A_220 = arith.constant 0 : i32
      %parallel_loop3A_221 = arith.constant 112 : i32
      %parallel_loop3A_222 = arith.constant 1 : i32
      %parallel_loop3A_223:3 = scf.for %parallel_loop3A_228 = %parallel_loop3A_220 to %parallel_loop3A_221 step %parallel_loop3A_222 iter_args(%parallel_loop3A_229 = %scan3A_217, %parallel_loop3A_230 = %scan3A_218, %parallel_loop3A_231 = %scan3A_219) -> (vector<16xf32>, vector<16xf32>, vector<16xi32>)  : i32 {
        %parallel_loop3A_232 = tpu.vector_load_idx %arg4[%parallel_loop3A_231] : memref<65536xf32, #tpu.memory_space<vmem>>[vector<16xi32>], vector<16xf32>,
        %parallel_loop3A_233 = arith.constant 32768 : i32
        %parallel_loop3A_234 = vector.broadcast %parallel_loop3A_233 : i32 to vector<16xi32>
        %parallel_loop3A_235 = arith.addi %parallel_loop3A_231, %parallel_loop3A_234 : vector<16xi32>
        %parallel_loop3A_236 = tpu.vector_load_idx %arg4[%parallel_loop3A_235] : memref<65536xf32, #tpu.memory_space<vmem>>[vector<16xi32>], vector<16xf32>,
        %parallel_loop3A_237 = arith.addf %parallel_loop3A_229, %parallel_loop3A_232 : vector<16xf32>
        %parallel_loop3A_238 = arith.addf %parallel_loop3A_230, %parallel_loop3A_236 : vector<16xf32>
        tpu.vector_store_idx %arg4[%parallel_loop3A_231], %parallel_loop3A_237 : memref<65536xf32, #tpu.memory_space<vmem>>[vector<16xi32>], vector<16xf32>,
        %parallel_loop3A_239 = arith.constant 32768 : i32
        %parallel_loop3A_240 = vector.broadcast %parallel_loop3A_239 : i32 to vector<16xi32>
        %parallel_loop3A_241 = arith.addi %parallel_loop3A_231, %parallel_loop3A_240 : vector<16xi32>
        tpu.vector_store_idx %arg4[%parallel_loop3A_241], %parallel_loop3A_238 : memref<65536xf32, #tpu.memory_space<vmem>>[vector<16xi32>], vector<16xf32>,
        %parallel_loop3A_242 = arith.constant 1 : i32
        %parallel_loop3A_243 = vector.broadcast %parallel_loop3A_242 : i32 to vector<16xi32>
        %parallel_loop3A_244 = arith.addi %parallel_loop3A_231, %parallel_loop3A_243 : vector<16xi32>
        scf.yield %parallel_loop3A_237, %parallel_loop3A_238, %parallel_loop3A_244 : vector<16xf32>, vector<16xf32>, vector<16xi32>
      } {sc.loop_unroll_factor = 16 : i64, sc.parallel_access}
      %parallel_loop3A_224 = arith.constant 112 : i32
      %parallel_loop3A_225 = arith.constant 128 : i32
      %parallel_loop3A_226 = arith.constant 1 : i32
      %parallel_loop3A_227:3 = scf.for %parallel_loop3A_228 = %parallel_loop3A_224 to %parallel_loop3A_225 step %parallel_loop3A_226 iter_args(%parallel_loop3A_229 = %parallel_loop3A_223#0, %parallel_loop3A_230 = %parallel_loop3A_223#1, %parallel_loop3A_231 = %parallel_loop3A_223#2) -> (vector<16xf32>, vector<16xf32>, vector<16xi32>)  : i32 {
        %parallel_loop3A_232 = tpu.vector_load_idx %arg4[%parallel_loop3A_231] : memref<65536xf32, #tpu.memory_space<vmem>>[vector<16xi32>], vector<16xf32>,
        %parallel_loop3A_233 = arith.constant 32768 : i32
        %parallel_loop3A_234 = vector.broadcast %parallel_loop3A_233 : i32 to vector<16xi32>
        %parallel_loop3A_235 = arith.addi %parallel_loop3A_231, %parallel_loop3A_234 : vector<16xi32>
        %parallel_loop3A_236 = tpu.vector_load_idx %arg4[%parallel_loop3A_235] : memref<65536xf32, #tpu.memory_space<vmem>>[vector<16xi32>], vector<16xf32>,
        %parallel_loop3A_237 = arith.addf %parallel_loop3A_229, %parallel_loop3A_232 : vector<16xf32>
        %parallel_loop3A_238 = arith.addf %parallel_loop3A_230, %parallel_loop3A_236 : vector<16xf32>
        tpu.vector_store_idx %arg4[%parallel_loop3A_231], %parallel_loop3A_237 : memref<65536xf32, #tpu.memory_space<vmem>>[vector<16xi32>], vector<16xf32>,
        %parallel_loop3A_239 = arith.constant 32768 : i32
        %parallel_loop3A_240 = vector.broadcast %parallel_loop3A_239 : i32 to vector<16xi32>
        %parallel_loop3A_241 = arith.addi %parallel_loop3A_231, %parallel_loop3A_240 : vector<16xi32>
        tpu.vector_store_idx %arg4[%parallel_loop3A_241], %parallel_loop3A_238 : memref<65536xf32, #tpu.memory_space<vmem>>[vector<16xi32>], vector<16xf32>,
        %parallel_loop3A_242 = arith.constant 127 : i32
        %parallel_loop3A_243 = arith.subi %parallel_loop3A_242, %parallel_loop3A_228 : i32
        %parallel_loop3A_244 = vector.broadcast %parallel_loop3A_243 : i32 to vector<16xi32>
        %parallel_loop3A_245 = arith.cmpi eq, %iota3A, %parallel_loop3A_244 : vector<16xi32>
        %parallel_loop3A_246 = arith.constant 897 : i32
        %parallel_loop3A_247 = arith.constant 1 : i32
        %parallel_loop3A_248 = vector.broadcast %parallel_loop3A_246 : i32 to vector<16xi32>
        %parallel_loop3A_249 = vector.broadcast %parallel_loop3A_247 : i32 to vector<16xi32>
        %parallel_loop3A_250 = arith.select %parallel_loop3A_245, %parallel_loop3A_248, %parallel_loop3A_249 : vector<16xi1>, vector<16xi32>
        %parallel_loop3A_251 = arith.addi %parallel_loop3A_231, %parallel_loop3A_250 : vector<16xi32>
        scf.yield %parallel_loop3A_237, %parallel_loop3A_238, %parallel_loop3A_251 : vector<16xf32>, vector<16xf32>, vector<16xi32>
      } {sc.loop_unroll_factor = 8 : i64, sc.parallel_access}
      scf.yield %parallel_loop3A_227#0, %parallel_loop3A_227#1, %parallel_loop3A_227#2 : vector<16xf32>, vector<16xf32>, vector<16xi32>
    }
    %scan3A_163 = arith.constant 15 : i32
    %parallel_loop3A_164 = arith.constant 0 : i32
    %parallel_loop3A_165 = arith.constant 112 : i32
    %parallel_loop3A_166 = arith.constant 1 : i32
    %parallel_loop3A_167:3 = scf.for %parallel_loop3A_216 = %parallel_loop3A_164 to %parallel_loop3A_165 step %parallel_loop3A_166 iter_args(%parallel_loop3A_217 = %scan3A_162#0, %parallel_loop3A_218 = %scan3A_162#1, %parallel_loop3A_219 = %scan3A_162#2) -> (vector<16xf32>, vector<16xf32>, vector<16xi32>)  : i32 {
      %parallel_loop3A_220 = tpu.vector_load_idx %arg4[%parallel_loop3A_219] : memref<65536xf32, #tpu.memory_space<vmem>>[vector<16xi32>], vector<16xf32>,
      %parallel_loop3A_221 = arith.constant 32768 : i32
      %parallel_loop3A_222 = vector.broadcast %parallel_loop3A_221 : i32 to vector<16xi32>
      %parallel_loop3A_223 = arith.addi %parallel_loop3A_219, %parallel_loop3A_222 : vector<16xi32>
      %parallel_loop3A_224 = tpu.vector_load_idx %arg4[%parallel_loop3A_223] : memref<65536xf32, #tpu.memory_space<vmem>>[vector<16xi32>], vector<16xf32>,
      %parallel_loop3A_225 = arith.addf %parallel_loop3A_217, %parallel_loop3A_220 : vector<16xf32>
      %parallel_loop3A_226 = arith.addf %parallel_loop3A_218, %parallel_loop3A_224 : vector<16xf32>
      tpu.vector_store_idx %arg4[%parallel_loop3A_219], %parallel_loop3A_225 : memref<65536xf32, #tpu.memory_space<vmem>>[vector<16xi32>], vector<16xf32>,
      %parallel_loop3A_227 = arith.constant 32768 : i32
      %parallel_loop3A_228 = vector.broadcast %parallel_loop3A_227 : i32 to vector<16xi32>
      %parallel_loop3A_229 = arith.addi %parallel_loop3A_219, %parallel_loop3A_228 : vector<16xi32>
      tpu.vector_store_idx %arg4[%parallel_loop3A_229], %parallel_loop3A_226 : memref<65536xf32, #tpu.memory_space<vmem>>[vector<16xi32>], vector<16xf32>,
      %parallel_loop3A_230 = arith.constant 1 : i32
      %parallel_loop3A_231 = vector.broadcast %parallel_loop3A_230 : i32 to vector<16xi32>
      %parallel_loop3A_232 = arith.addi %parallel_loop3A_219, %parallel_loop3A_231 : vector<16xi32>
      scf.yield %parallel_loop3A_225, %parallel_loop3A_226, %parallel_loop3A_232 : vector<16xf32>, vector<16xf32>, vector<16xi32>
    } {sc.loop_unroll_factor = 16 : i64, sc.parallel_access}
    %parallel_loop3A_168 = arith.constant 112 : i32
    %parallel_loop3A_169 = arith.constant 128 : i32
    %parallel_loop3A_170 = arith.constant 1 : i32
    %parallel_loop3A_171:3 = scf.for %parallel_loop3A_216 = %parallel_loop3A_168 to %parallel_loop3A_169 step %parallel_loop3A_170 iter_args(%parallel_loop3A_217 = %parallel_loop3A_167#0, %parallel_loop3A_218 = %parallel_loop3A_167#1, %parallel_loop3A_219 = %parallel_loop3A_167#2) -> (vector<16xf32>, vector<16xf32>, vector<16xi32>)  : i32 {
      %parallel_loop3A_220 = arith.constant 127 : i32
      %parallel_loop3A_221 = arith.subi %parallel_loop3A_220, %parallel_loop3A_216 : i32
      %parallel_loop3A_222 = vector.broadcast %parallel_loop3A_221 : i32 to vector<16xi32>
      %parallel_loop3A_223 = arith.cmpi sle, %iota3A, %parallel_loop3A_222 : vector<16xi32>
      %parallel_loop3A_224 = tpu.vector_load_idx %arg4[%parallel_loop3A_219] masked %parallel_loop3A_223 : memref<65536xf32, #tpu.memory_space<vmem>>[vector<16xi32>], vector<16xf32>, vector<16xi1>
      %parallel_loop3A_225 = arith.constant 32768 : i32
      %parallel_loop3A_226 = vector.broadcast %parallel_loop3A_225 : i32 to vector<16xi32>
      %parallel_loop3A_227 = arith.addi %parallel_loop3A_219, %parallel_loop3A_226 : vector<16xi32>
      %parallel_loop3A_228 = tpu.vector_load_idx %arg4[%parallel_loop3A_227] masked %parallel_loop3A_223 : memref<65536xf32, #tpu.memory_space<vmem>>[vector<16xi32>], vector<16xf32>, vector<16xi1>
      %parallel_loop3A_229 = arith.constant 0.000000e+00 : f32
      %parallel_loop3A_230 = vector.broadcast %parallel_loop3A_229 : f32 to vector<16xf32>
      %parallel_loop3A_231 = arith.select %parallel_loop3A_223, %parallel_loop3A_224, %parallel_loop3A_230 : vector<16xi1>, vector<16xf32>
      %parallel_loop3A_232 = arith.addf %parallel_loop3A_217, %parallel_loop3A_231 : vector<16xf32>
      %parallel_loop3A_233 = arith.constant 0.000000e+00 : f32
      %parallel_loop3A_234 = vector.broadcast %parallel_loop3A_233 : f32 to vector<16xf32>
      %parallel_loop3A_235 = arith.select %parallel_loop3A_223, %parallel_loop3A_228, %parallel_loop3A_234 : vector<16xi1>, vector<16xf32>
      %parallel_loop3A_236 = arith.addf %parallel_loop3A_218, %parallel_loop3A_235 : vector<16xf32>
      tpu.vector_store_idx %arg4[%parallel_loop3A_219], %parallel_loop3A_232 masked %parallel_loop3A_223 : memref<65536xf32, #tpu.memory_space<vmem>>[vector<16xi32>], vector<16xf32>, vector<16xi1>
      %parallel_loop3A_237 = arith.constant 32768 : i32
      %parallel_loop3A_238 = vector.broadcast %parallel_loop3A_237 : i32 to vector<16xi32>
      %parallel_loop3A_239 = arith.addi %parallel_loop3A_219, %parallel_loop3A_238 : vector<16xi32>
      tpu.vector_store_idx %arg4[%parallel_loop3A_239], %parallel_loop3A_236 masked %parallel_loop3A_223 : memref<65536xf32, #tpu.memory_space<vmem>>[vector<16xi32>], vector<16xf32>, vector<16xi1>
      %parallel_loop3A_240 = arith.constant 1 : i32
      %parallel_loop3A_241 = vector.broadcast %parallel_loop3A_240 : i32 to vector<16xi32>
      %parallel_loop3A_242 = arith.addi %parallel_loop3A_219, %parallel_loop3A_241 : vector<16xi32>
      scf.yield %parallel_loop3A_232, %parallel_loop3A_236, %parallel_loop3A_242 : vector<16xf32>, vector<16xf32>, vector<16xi32>
    } {sc.loop_unroll_factor = 8 : i64, sc.parallel_access}
    %add3A_172 = arith.constant 4 : i32
    %add3A_173 = arith.addi %mul3A_2, %add3A_172 : i32
    %mul3A_174 = arith.constant 32768 : i32
    %mul3A_175 = arith.muli %add3A_173, %mul3A_174 : i32
    %dma_start3A_176 = tpu.memref_slice %arg3[%mul3A_175] : memref<8388608xf32, #tpu.memory_space<hbm>> -> memref<65536xf32, #tpu.memory_space<hbm>>
    %dma_start3A_177 = tpu.memref_slice %arg3[%mul3A_175] : memref<8388608xf32, #tpu.memory_space<hbm>> -> memref<65536xf32, #tpu.memory_space<hbm>>
    tpu.enqueue_dma source(%arg4 : memref<65536xf32, #tpu.memory_space<vmem>>) target(%dma_start3A_177 : memref<65536xf32, #tpu.memory_space<hbm>>) target_semaphore(%arg8 : memref<!tpu.dma_semaphore, #tpu.memory_space<semaphore_mem>>)
    %dma_wait3A_178 = tpu.memref_slice %arg2[%mul3A_141] : memref<8388608xf32, #tpu.memory_space<hbm>> -> memref<65536xf32, #tpu.memory_space<hbm>>
    %dma_wait3A_179 = tpu.memref_slice %arg2[%mul3A_141] : memref<8388608xf32, #tpu.memory_space<hbm>> -> memref<65536xf32, #tpu.memory_space<hbm>>
    tpu.wait_dma2 semaphore(%arg7 : memref<!tpu.dma_semaphore, #tpu.memory_space<semaphore_mem>>) src(%dma_wait3A_179 : memref<65536xf32, #tpu.memory_space<hbm>>) dst(%arg5 : memref<65536xf32, #tpu.memory_space<vmem>>)
    %broadcast_in_dim3A_180 = arith.constant 0.000000e+00 : f32
    %broadcast_in_dim3A_181 = vector.broadcast %broadcast_in_dim3A_180 : f32 to vector<16xf32>
    %broadcast_in_dim3A_182 = arith.constant 0.000000e+00 : f32
    %broadcast_in_dim3A_183 = vector.broadcast %broadcast_in_dim3A_182 : f32 to vector<16xf32>
    %sub3A_184 = arith.constant 15 : i32
    %sub3A_185 = vector.broadcast %sub3A_184 : i32 to vector<16xi32>
    %sub3A_186 = arith.subi %add3A_52, %sub3A_185 : vector<16xi32>
    %add3A_187 = arith.addi %sub3A_186, %iota3A : vector<16xi32>
    %parallel_loop3A_188 = arith.constant -15 : i32
    %parallel_loop3A_189 = arith.constant 0 : i32
    %parallel_loop3A_190 = arith.constant 1 : i32
    %parallel_loop3A_191:3 = scf.for %parallel_loop3A_216 = %parallel_loop3A_188 to %parallel_loop3A_189 step %parallel_loop3A_190 iter_args(%parallel_loop3A_217 = %broadcast_in_dim3A_181, %parallel_loop3A_218 = %broadcast_in_dim3A_183, %parallel_loop3A_219 = %add3A_187) -> (vector<16xf32>, vector<16xf32>, vector<16xi32>)  : i32 {
      %parallel_loop3A_220 = arith.constant 0 : i32
      %parallel_loop3A_221 = arith.subi %parallel_loop3A_220, %parallel_loop3A_216 : i32
      %parallel_loop3A_222 = vector.broadcast %parallel_loop3A_221 : i32 to vector<16xi32>
      %parallel_loop3A_223 = arith.cmpi sge, %iota3A, %parallel_loop3A_222 : vector<16xi32>
      %parallel_loop3A_224 = tpu.vector_load_idx %arg5[%parallel_loop3A_219] masked %parallel_loop3A_223 : memref<65536xf32, #tpu.memory_space<vmem>>[vector<16xi32>], vector<16xf32>, vector<16xi1>
      %parallel_loop3A_225 = arith.constant 32768 : i32
      %parallel_loop3A_226 = vector.broadcast %parallel_loop3A_225 : i32 to vector<16xi32>
      %parallel_loop3A_227 = arith.addi %parallel_loop3A_219, %parallel_loop3A_226 : vector<16xi32>
      %parallel_loop3A_228 = tpu.vector_load_idx %arg5[%parallel_loop3A_227] masked %parallel_loop3A_223 : memref<65536xf32, #tpu.memory_space<vmem>>[vector<16xi32>], vector<16xf32>, vector<16xi1>
      %parallel_loop3A_229 = arith.constant 0.000000e+00 : f32
      %parallel_loop3A_230 = vector.broadcast %parallel_loop3A_229 : f32 to vector<16xf32>
      %parallel_loop3A_231 = arith.select %parallel_loop3A_223, %parallel_loop3A_224, %parallel_loop3A_230 : vector<16xi1>, vector<16xf32>
      %parallel_loop3A_232 = arith.addf %parallel_loop3A_217, %parallel_loop3A_231 : vector<16xf32>
      %parallel_loop3A_233 = arith.constant 0.000000e+00 : f32
      %parallel_loop3A_234 = vector.broadcast %parallel_loop3A_233 : f32 to vector<16xf32>
      %parallel_loop3A_235 = arith.select %parallel_loop3A_223, %parallel_loop3A_228, %parallel_loop3A_234 : vector<16xi1>, vector<16xf32>
      %parallel_loop3A_236 = arith.addf %parallel_loop3A_218, %parallel_loop3A_235 : vector<16xf32>
      tpu.vector_store_idx %arg5[%parallel_loop3A_219], %parallel_loop3A_232 masked %parallel_loop3A_223 : memref<65536xf32, #tpu.memory_space<vmem>>[vector<16xi32>], vector<16xf32>, vector<16xi1>
      %parallel_loop3A_237 = arith.constant 32768 : i32
      %parallel_loop3A_238 = vector.broadcast %parallel_loop3A_237 : i32 to vector<16xi32>
      %parallel_loop3A_239 = arith.addi %parallel_loop3A_219, %parallel_loop3A_238 : vector<16xi32>
      tpu.vector_store_idx %arg5[%parallel_loop3A_239], %parallel_loop3A_236 masked %parallel_loop3A_223 : memref<65536xf32, #tpu.memory_space<vmem>>[vector<16xi32>], vector<16xf32>, vector<16xi1>
      %parallel_loop3A_240 = arith.constant 1 : i32
      %parallel_loop3A_241 = vector.broadcast %parallel_loop3A_240 : i32 to vector<16xi32>
      %parallel_loop3A_242 = arith.addi %parallel_loop3A_219, %parallel_loop3A_241 : vector<16xi32>
      scf.yield %parallel_loop3A_232, %parallel_loop3A_236, %parallel_loop3A_242 : vector<16xf32>, vector<16xf32>, vector<16xi32>
    } {sc.loop_unroll_factor = 1 : i64, sc.parallel_access}
    %scan3A_192 = arith.constant 0 : i32
    %scan3A_193 = arith.constant 15 : i32
    %scan3A_194 = arith.addi %scan3A_192, %scan3A_193 : i32
    %scan3A_195 = arith.constant 1 : i32
    %scan3A_196:3 = scf.for %scan3A_216 = %scan3A_192 to %scan3A_194 step %scan3A_195 iter_args(%scan3A_217 = %parallel_loop3A_191#0, %scan3A_218 = %parallel_loop3A_191#1, %scan3A_219 = %parallel_loop3A_191#2) -> (vector<16xf32>, vector<16xf32>, vector<16xi32>)  : i32 {
      %parallel_loop3A_220 = arith.constant 0 : i32
      %parallel_loop3A_221 = arith.constant 112 : i32
      %parallel_loop3A_222 = arith.constant 1 : i32
      %parallel_loop3A_223:3 = scf.for %parallel_loop3A_228 = %parallel_loop3A_220 to %parallel_loop3A_221 step %parallel_loop3A_222 iter_args(%parallel_loop3A_229 = %scan3A_217, %parallel_loop3A_230 = %scan3A_218, %parallel_loop3A_231 = %scan3A_219) -> (vector<16xf32>, vector<16xf32>, vector<16xi32>)  : i32 {
        %parallel_loop3A_232 = tpu.vector_load_idx %arg5[%parallel_loop3A_231] : memref<65536xf32, #tpu.memory_space<vmem>>[vector<16xi32>], vector<16xf32>,
        %parallel_loop3A_233 = arith.constant 32768 : i32
        %parallel_loop3A_234 = vector.broadcast %parallel_loop3A_233 : i32 to vector<16xi32>
        %parallel_loop3A_235 = arith.addi %parallel_loop3A_231, %parallel_loop3A_234 : vector<16xi32>
        %parallel_loop3A_236 = tpu.vector_load_idx %arg5[%parallel_loop3A_235] : memref<65536xf32, #tpu.memory_space<vmem>>[vector<16xi32>], vector<16xf32>,
        %parallel_loop3A_237 = arith.addf %parallel_loop3A_229, %parallel_loop3A_232 : vector<16xf32>
        %parallel_loop3A_238 = arith.addf %parallel_loop3A_230, %parallel_loop3A_236 : vector<16xf32>
        tpu.vector_store_idx %arg5[%parallel_loop3A_231], %parallel_loop3A_237 : memref<65536xf32, #tpu.memory_space<vmem>>[vector<16xi32>], vector<16xf32>,
        %parallel_loop3A_239 = arith.constant 32768 : i32
        %parallel_loop3A_240 = vector.broadcast %parallel_loop3A_239 : i32 to vector<16xi32>
        %parallel_loop3A_241 = arith.addi %parallel_loop3A_231, %parallel_loop3A_240 : vector<16xi32>
        tpu.vector_store_idx %arg5[%parallel_loop3A_241], %parallel_loop3A_238 : memref<65536xf32, #tpu.memory_space<vmem>>[vector<16xi32>], vector<16xf32>,
        %parallel_loop3A_242 = arith.constant 1 : i32
        %parallel_loop3A_243 = vector.broadcast %parallel_loop3A_242 : i32 to vector<16xi32>
        %parallel_loop3A_244 = arith.addi %parallel_loop3A_231, %parallel_loop3A_243 : vector<16xi32>
        scf.yield %parallel_loop3A_237, %parallel_loop3A_238, %parallel_loop3A_244 : vector<16xf32>, vector<16xf32>, vector<16xi32>
      } {sc.loop_unroll_factor = 16 : i64, sc.parallel_access}
      %parallel_loop3A_224 = arith.constant 112 : i32
      %parallel_loop3A_225 = arith.constant 128 : i32
      %parallel_loop3A_226 = arith.constant 1 : i32
      %parallel_loop3A_227:3 = scf.for %parallel_loop3A_228 = %parallel_loop3A_224 to %parallel_loop3A_225 step %parallel_loop3A_226 iter_args(%parallel_loop3A_229 = %parallel_loop3A_223#0, %parallel_loop3A_230 = %parallel_loop3A_223#1, %parallel_loop3A_231 = %parallel_loop3A_223#2) -> (vector<16xf32>, vector<16xf32>, vector<16xi32>)  : i32 {
        %parallel_loop3A_232 = tpu.vector_load_idx %arg5[%parallel_loop3A_231] : memref<65536xf32, #tpu.memory_space<vmem>>[vector<16xi32>], vector<16xf32>,
        %parallel_loop3A_233 = arith.constant 32768 : i32
        %parallel_loop3A_234 = vector.broadcast %parallel_loop3A_233 : i32 to vector<16xi32>
        %parallel_loop3A_235 = arith.addi %parallel_loop3A_231, %parallel_loop3A_234 : vector<16xi32>
        %parallel_loop3A_236 = tpu.vector_load_idx %arg5[%parallel_loop3A_235] : memref<65536xf32, #tpu.memory_space<vmem>>[vector<16xi32>], vector<16xf32>,
        %parallel_loop3A_237 = arith.addf %parallel_loop3A_229, %parallel_loop3A_232 : vector<16xf32>
        %parallel_loop3A_238 = arith.addf %parallel_loop3A_230, %parallel_loop3A_236 : vector<16xf32>
        tpu.vector_store_idx %arg5[%parallel_loop3A_231], %parallel_loop3A_237 : memref<65536xf32, #tpu.memory_space<vmem>>[vector<16xi32>], vector<16xf32>,
        %parallel_loop3A_239 = arith.constant 32768 : i32
        %parallel_loop3A_240 = vector.broadcast %parallel_loop3A_239 : i32 to vector<16xi32>
        %parallel_loop3A_241 = arith.addi %parallel_loop3A_231, %parallel_loop3A_240 : vector<16xi32>
        tpu.vector_store_idx %arg5[%parallel_loop3A_241], %parallel_loop3A_238 : memref<65536xf32, #tpu.memory_space<vmem>>[vector<16xi32>], vector<16xf32>,
        %parallel_loop3A_242 = arith.constant 127 : i32
        %parallel_loop3A_243 = arith.subi %parallel_loop3A_242, %parallel_loop3A_228 : i32
        %parallel_loop3A_244 = vector.broadcast %parallel_loop3A_243 : i32 to vector<16xi32>
        %parallel_loop3A_245 = arith.cmpi eq, %iota3A, %parallel_loop3A_244 : vector<16xi32>
        %parallel_loop3A_246 = arith.constant 897 : i32
        %parallel_loop3A_247 = arith.constant 1 : i32
        %parallel_loop3A_248 = vector.broadcast %parallel_loop3A_246 : i32 to vector<16xi32>
        %parallel_loop3A_249 = vector.broadcast %parallel_loop3A_247 : i32 to vector<16xi32>
        %parallel_loop3A_250 = arith.select %parallel_loop3A_245, %parallel_loop3A_248, %parallel_loop3A_249 : vector<16xi1>, vector<16xi32>
        %parallel_loop3A_251 = arith.addi %parallel_loop3A_231, %parallel_loop3A_250 : vector<16xi32>
        scf.yield %parallel_loop3A_237, %parallel_loop3A_238, %parallel_loop3A_251 : vector<16xf32>, vector<16xf32>, vector<16xi32>
      } {sc.loop_unroll_factor = 8 : i64, sc.parallel_access}
      scf.yield %parallel_loop3A_227#0, %parallel_loop3A_227#1, %parallel_loop3A_227#2 : vector<16xf32>, vector<16xf32>, vector<16xi32>
    }
    %scan3A_197 = arith.constant 15 : i32
    %parallel_loop3A_198 = arith.constant 0 : i32
    %parallel_loop3A_199 = arith.constant 112 : i32
    %parallel_loop3A_200 = arith.constant 1 : i32
    %parallel_loop3A_201:3 = scf.for %parallel_loop3A_216 = %parallel_loop3A_198 to %parallel_loop3A_199 step %parallel_loop3A_200 iter_args(%parallel_loop3A_217 = %scan3A_196#0, %parallel_loop3A_218 = %scan3A_196#1, %parallel_loop3A_219 = %scan3A_196#2) -> (vector<16xf32>, vector<16xf32>, vector<16xi32>)  : i32 {
      %parallel_loop3A_220 = tpu.vector_load_idx %arg5[%parallel_loop3A_219] : memref<65536xf32, #tpu.memory_space<vmem>>[vector<16xi32>], vector<16xf32>,
      %parallel_loop3A_221 = arith.constant 32768 : i32
      %parallel_loop3A_222 = vector.broadcast %parallel_loop3A_221 : i32 to vector<16xi32>
      %parallel_loop3A_223 = arith.addi %parallel_loop3A_219, %parallel_loop3A_222 : vector<16xi32>
      %parallel_loop3A_224 = tpu.vector_load_idx %arg5[%parallel_loop3A_223] : memref<65536xf32, #tpu.memory_space<vmem>>[vector<16xi32>], vector<16xf32>,
      %parallel_loop3A_225 = arith.addf %parallel_loop3A_217, %parallel_loop3A_220 : vector<16xf32>
      %parallel_loop3A_226 = arith.addf %parallel_loop3A_218, %parallel_loop3A_224 : vector<16xf32>
      tpu.vector_store_idx %arg5[%parallel_loop3A_219], %parallel_loop3A_225 : memref<65536xf32, #tpu.memory_space<vmem>>[vector<16xi32>], vector<16xf32>,
      %parallel_loop3A_227 = arith.constant 32768 : i32
      %parallel_loop3A_228 = vector.broadcast %parallel_loop3A_227 : i32 to vector<16xi32>
      %parallel_loop3A_229 = arith.addi %parallel_loop3A_219, %parallel_loop3A_228 : vector<16xi32>
      tpu.vector_store_idx %arg5[%parallel_loop3A_229], %parallel_loop3A_226 : memref<65536xf32, #tpu.memory_space<vmem>>[vector<16xi32>], vector<16xf32>,
      %parallel_loop3A_230 = arith.constant 1 : i32
      %parallel_loop3A_231 = vector.broadcast %parallel_loop3A_230 : i32 to vector<16xi32>
      %parallel_loop3A_232 = arith.addi %parallel_loop3A_219, %parallel_loop3A_231 : vector<16xi32>
      scf.yield %parallel_loop3A_225, %parallel_loop3A_226, %parallel_loop3A_232 : vector<16xf32>, vector<16xf32>, vector<16xi32>
    } {sc.loop_unroll_factor = 16 : i64, sc.parallel_access}
    %parallel_loop3A_202 = arith.constant 112 : i32
    %parallel_loop3A_203 = arith.constant 128 : i32
    %parallel_loop3A_204 = arith.constant 1 : i32
    %parallel_loop3A_205:3 = scf.for %parallel_loop3A_216 = %parallel_loop3A_202 to %parallel_loop3A_203 step %parallel_loop3A_204 iter_args(%parallel_loop3A_217 = %parallel_loop3A_201#0, %parallel_loop3A_218 = %parallel_loop3A_201#1, %parallel_loop3A_219 = %parallel_loop3A_201#2) -> (vector<16xf32>, vector<16xf32>, vector<16xi32>)  : i32 {
      %parallel_loop3A_220 = arith.constant 127 : i32
      %parallel_loop3A_221 = arith.subi %parallel_loop3A_220, %parallel_loop3A_216 : i32
      %parallel_loop3A_222 = vector.broadcast %parallel_loop3A_221 : i32 to vector<16xi32>
      %parallel_loop3A_223 = arith.cmpi sle, %iota3A, %parallel_loop3A_222 : vector<16xi32>
      %parallel_loop3A_224 = tpu.vector_load_idx %arg5[%parallel_loop3A_219] masked %parallel_loop3A_223 : memref<65536xf32, #tpu.memory_space<vmem>>[vector<16xi32>], vector<16xf32>, vector<16xi1>
      %parallel_loop3A_225 = arith.constant 32768 : i32
      %parallel_loop3A_226 = vector.broadcast %parallel_loop3A_225 : i32 to vector<16xi32>
      %parallel_loop3A_227 = arith.addi %parallel_loop3A_219, %parallel_loop3A_226 : vector<16xi32>
      %parallel_loop3A_228 = tpu.vector_load_idx %arg5[%parallel_loop3A_227] masked %parallel_loop3A_223 : memref<65536xf32, #tpu.memory_space<vmem>>[vector<16xi32>], vector<16xf32>, vector<16xi1>
      %parallel_loop3A_229 = arith.constant 0.000000e+00 : f32
      %parallel_loop3A_230 = vector.broadcast %parallel_loop3A_229 : f32 to vector<16xf32>
      %parallel_loop3A_231 = arith.select %parallel_loop3A_223, %parallel_loop3A_224, %parallel_loop3A_230 : vector<16xi1>, vector<16xf32>
      %parallel_loop3A_232 = arith.addf %parallel_loop3A_217, %parallel_loop3A_231 : vector<16xf32>
      %parallel_loop3A_233 = arith.constant 0.000000e+00 : f32
      %parallel_loop3A_234 = vector.broadcast %parallel_loop3A_233 : f32 to vector<16xf32>
      %parallel_loop3A_235 = arith.select %parallel_loop3A_223, %parallel_loop3A_228, %parallel_loop3A_234 : vector<16xi1>, vector<16xf32>
      %parallel_loop3A_236 = arith.addf %parallel_loop3A_218, %parallel_loop3A_235 : vector<16xf32>
      tpu.vector_store_idx %arg5[%parallel_loop3A_219], %parallel_loop3A_232 masked %parallel_loop3A_223 : memref<65536xf32, #tpu.memory_space<vmem>>[vector<16xi32>], vector<16xf32>, vector<16xi1>
      %parallel_loop3A_237 = arith.constant 32768 : i32
      %parallel_loop3A_238 = vector.broadcast %parallel_loop3A_237 : i32 to vector<16xi32>
      %parallel_loop3A_239 = arith.addi %parallel_loop3A_219, %parallel_loop3A_238 : vector<16xi32>
      tpu.vector_store_idx %arg5[%parallel_loop3A_239], %parallel_loop3A_236 masked %parallel_loop3A_223 : memref<65536xf32, #tpu.memory_space<vmem>>[vector<16xi32>], vector<16xf32>, vector<16xi1>
      %parallel_loop3A_240 = arith.constant 1 : i32
      %parallel_loop3A_241 = vector.broadcast %parallel_loop3A_240 : i32 to vector<16xi32>
      %parallel_loop3A_242 = arith.addi %parallel_loop3A_219, %parallel_loop3A_241 : vector<16xi32>
      scf.yield %parallel_loop3A_232, %parallel_loop3A_236, %parallel_loop3A_242 : vector<16xf32>, vector<16xf32>, vector<16xi32>
    } {sc.loop_unroll_factor = 8 : i64, sc.parallel_access}
    %add3A_206 = arith.constant 6 : i32
    %add3A_207 = arith.addi %mul3A_2, %add3A_206 : i32
    %mul3A_208 = arith.constant 32768 : i32
    %mul3A_209 = arith.muli %add3A_207, %mul3A_208 : i32
    %dma_start3A_210 = tpu.memref_slice %arg3[%mul3A_209] : memref<8388608xf32, #tpu.memory_space<hbm>> -> memref<65536xf32, #tpu.memory_space<hbm>>
    %dma_start3A_211 = tpu.memref_slice %arg3[%mul3A_209] : memref<8388608xf32, #tpu.memory_space<hbm>> -> memref<65536xf32, #tpu.memory_space<hbm>>
    tpu.enqueue_dma source(%arg5 : memref<65536xf32, #tpu.memory_space<vmem>>) target(%dma_start3A_211 : memref<65536xf32, #tpu.memory_space<hbm>>) target_semaphore(%arg9 : memref<!tpu.dma_semaphore, #tpu.memory_space<semaphore_mem>>)
    %dma_wait3A_212 = tpu.memref_slice %arg3[%mul3A_175] : memref<8388608xf32, #tpu.memory_space<hbm>> -> memref<65536xf32, #tpu.memory_space<hbm>>
    %dma_wait3A_213 = tpu.memref_slice %arg3[%mul3A_175] : memref<8388608xf32, #tpu.memory_space<hbm>> -> memref<65536xf32, #tpu.memory_space<hbm>>
    tpu.wait_dma2 semaphore(%arg8 : memref<!tpu.dma_semaphore, #tpu.memory_space<semaphore_mem>>) src(%arg4 : memref<65536xf32, #tpu.memory_space<vmem>>) dst(%dma_wait3A_213 : memref<65536xf32, #tpu.memory_space<hbm>>)
    %dma_wait3A_214 = tpu.memref_slice %arg3[%mul3A_209] : memref<8388608xf32, #tpu.memory_space<hbm>> -> memref<65536xf32, #tpu.memory_space<hbm>>
    %dma_wait3A_215 = tpu.memref_slice %arg3[%mul3A_209] : memref<8388608xf32, #tpu.memory_space<hbm>> -> memref<65536xf32, #tpu.memory_space<hbm>>
    tpu.wait_dma2 semaphore(%arg9 : memref<!tpu.dma_semaphore, #tpu.memory_space<semaphore_mem>>) src(%arg5 : memref<65536xf32, #tpu.memory_space<vmem>>) dst(%dma_wait3A_215 : memref<65536xf32, #tpu.memory_space<hbm>>)
    return
  }
}

</mosaic_0001>

<sc_bundles>
// kernel: kernel.3.cloned.1.call-start
scs
__scs_entry_jumppad:
0x0: {  	(pc) =	sbr.rel $0x88, $3  }
0x1: {  	(tag) =	ssettag $0x0;
	lr =	simm.s32 $0x1  }
0x2: {  	[smem:$0x3FA0] =	sst lr;
	_ =	strace $0xD0000000  }
0x3: {  	_ = 	snop  }
0x4: {  	_ = 	snop  }
0x5: {  	_ = 	snop  }
0x6: {  	_ = 	snop  }
0x7: {  	_ = 	snop  }
__scs_overlays_trampoline_lowered:
0x8: {  	[smem:$0x3FAF] =	sst s0  }
0x9: {  	[smem:$0x3FB0] =	sst s1  }
0xa: {  	[smem:$0x3FB1] =	sst s2  }
0xb: {  	[smem:$0x3FB2] =	sst s3  }
0xc: {  	[smem:$0x3FB3] =	sst s4  }
0xd: {  	[smem:$0x3FB4] =	sst s5  }
0xe: {  	[smem:$0x3FB5] =	sst s6  }
0xf: {  	[smem:$0x3FB6] =	sst s7  }
0x10: {  	[smem:$0x3FB7] =	sst s8  }
0x11: {  	[smem:$0x3FB8] =	sst s9;
	s0 =	simm.s32 @!p0 $0x0  }
0x12: {  	s1 =	sld [smem:$0x3F9E];
	s0 =	simm.s32 @p0 $0x1  }
0x13: {  	[smem:$0x3FB9] =	sst s0;
	s0 =	simm.s32 @!p1 $0x0  }
0x14: {  	s2 =	sld [smem:$0x3F9D];
	s0 =	simm.s32 @p1 $0x1  }
0x15: {  	[smem:$0x3FBA] =	sst s0;
	s0 =	simm.s32 @!p2 $0x0  }
0x16: {  	s3 =	sld [smem:$0x3FDB];
	s0 =	simm.s32 @p2 $0x1  }
0x17: {  	s4 =	simm.s32 $0x1BF5;
	[smem:$0x3FBC] =	sst s0  }
0x18: {  	s0 =	sld [smem:$0x3F9F];
	_ =	swait.ge [sflag:s4], $0x0  }
0x19: {  	s7 =	sld [smem:$0x3FA0]  }
0x1a: {  	s8 =	sadd.s32 $0xFFFFE003, lr  }
0x1b: {  	s9 =	sadd.s32 $0xFFFFFEF7, lr;
	s5 =	simm.s32 $0xFFFFFFFF;
	p2 =	slt.u32 s8, $0xFFFFF086  }
0x1c: {  	p1 =	slt.u32 s9, $0xF7A;
	s5 =	simm.s32 @!p2 $0x0  }
0x1d: {  	s5 =	simm.s32 @p1 $0x1;
	p0 =	seq.s32 s7, s2  }
0x1e: {  	s7 =	smul.u32 @!p0 $0xF7A, s2;
	p2 =	seq.s32 @!p0 s5, $0x0  }
0x1f: {  	s9 =	smul.u32 $0xF7A, s1;
	s8 =	simm.s32 @!p0 $0x1BF5;
	p2 =	por !p2, p0  }
0x20: {  	[sflag:s8] =	ssyncset.s32 @!p0 $0xFFFFF086;
	s6 =	sadd.s32 @!p0 s3, s7;
	s7 =	simm.s32 @!p0 $0x108  }
0x21: {  	s3 =	sadd.s32 s3, s9;
	s6 =	sadd.s32 @!p0 $0x88, s6;
	s7 =	simm.s32 @p2 $0x1082  }
0x22: {  	[simem:s7], [sflag:s8] =	dma.local @!p0 [hbm:s6], $0xF7A  }
0x23: {  	s9 =	sor.u32 $0xD0000000, s2;
	s6 =	simm.s32 $0x108;
	_ =	swait.ge @!p0 [sflag:s8], $0x0  }
0x24: {  	s3 =	sadd.s32 $0x88, s3;
	s6 =	simm.s32 @!p1 $0x1082;
	[sflag:s4] =	ssyncset.s32 $0xFFFFF086  }
0x25: {  	[simem:s6], [sflag:s4] =	dma.local [hbm:s3], $0xF7A  }
0x26: {  	[smem:$0x3FA0] =	sst s1;
	(tag) =	ssettag s2;
	_ =	strace s9  }
0x27: {  	s1 =	sld [smem:$0x3FB0]  }
0x28: {  	s2 =	sld [smem:$0x3FB1]  }
0x29: {  	s4 =	sld [smem:$0x3FB3]  }
0x2a: {  	p0 =	seq.s32 s5, $0x0;
	s5 =	sld [smem:$0x3FB4]  }
0x2b: {  	s6 =	sld [smem:$0x3FB5]  }
0x2c: {  	s7 =	sld [smem:$0x3FB6]  }
0x2d: {  	s3 =	simm.s32 $0x108;
	s8 =	sld [smem:$0x3FB7]  }
0x2e: {  	s3 =	simm.s32 @!p0 $0x1082;
	s9 =	sld [smem:$0x3FB8]  }
0x2f: {  	lr =	sadd.s32 s0, s3;
	s0 =	sld [smem:$0x3FAF]  }
0x30: {  	s3 =	sld [smem:$0x3FB2]  }
0x31: {  	[smem:$0x3FBB] =	sst s10  }
0x32: {  	s10 =	sld [smem:$0x3FB9];
	_ =	sdelay $0x3  }
0x33: {  	p0 =	seq.s32 s10, $0x1;
	s10 =	sld [smem:$0x3FBB];
	_ =	sdelay $0x3  }
0x34: {  	[smem:$0x3FBB] =	sst s10  }
0x35: {  	s10 =	sld [smem:$0x3FBA];
	_ =	sdelay $0x3  }
0x36: {  	p1 =	seq.s32 s10, $0x1;
	s10 =	sld [smem:$0x3FBB];
	_ =	sdelay $0x3  }
0x37: {  	[smem:$0x3FBB] =	sst s10  }
0x38: {  	s10 =	sld [smem:$0x3FBC]  }
0x39: {  	_ = 	snop;
	(pc) =	sbr.ind lr, $3  }
0x3a: {  	_ = 	snop  }
0x3b: {  	_ = 	snop  }
0x3c: {  	p2 =	seq.s32 s10, $0x1;
	s10 =	sld [smem:$0x3FBB]  }
0x3d: {  	_ =	shalt  }
0x3e: {  	_ =	shalt  }
0x3f: {  	_ =	shalt  }
0x40: {  	_ =	shalt  }
0x41: {  	_ =	shalt  }
0x42: {  	_ =	shalt  }
0x43: {  	_ =	shalt  }
0x44: {  	_ =	shalt  }
0x45: {  	_ =	shalt  }
0x46: {  	_ =	shalt  }
0x47: {  	_ =	shalt  }
0x48: {  	_ =	shalt  }
0x49: {  	_ =	shalt  }
0x4a: {  	_ =	shalt  }
0x4b: {  	_ =	shalt  }
0x4c: {  	_ =	shalt  }
0x4d: {  	_ =	shalt  }
0x4e: {  	_ =	shalt  }
0x4f: {  	_ =	shalt  }
0x50: {  	_ =	shalt  }
0x51: {  	_ =	shalt  }
0x52: {  	_ =	shalt  }
0x53: {  	_ =	shalt  }
0x54: {  	_ =	shalt  }
0x55: {  	_ =	shalt  }
0x56: {  	_ =	shalt  }
0x57: {  	_ =	shalt  }
0x58: {  	_ =	shalt  }
0x59: {  	_ =	shalt  }
0x5a: {  	_ =	shalt  }
0x5b: {  	_ =	shalt  }
0x5c: {  	_ =	shalt  }
0x5d: {  	_ =	shalt  }
0x5e: {  	_ =	shalt  }
0x5f: {  	_ =	shalt  }
0x60: {  	_ =	shalt  }
0x61: {  	_ =	shalt  }
0x62: {  	_ =	shalt  }
0x63: {  	_ =	shalt  }
0x64: {  	_ =	shalt  }
0x65: {  	_ =	shalt  }
0x66: {  	_ =	shalt  }
0x67: {  	_ =	shalt  }
0x68: {  	_ =	shalt  }
0x69: {  	_ =	shalt  }
0x6a: {  	_ =	shalt  }
0x6b: {  	_ =	shalt  }
0x6c: {  	_ =	shalt  }
0x6d: {  	_ =	shalt  }
0x6e: {  	_ =	shalt  }
0x6f: {  	_ =	shalt  }
0x70: {  	_ =	shalt  }
0x71: {  	_ =	shalt  }
0x72: {  	_ =	shalt  }
0x73: {  	_ =	shalt  }
0x74: {  	_ =	shalt  }
0x75: {  	_ =	shalt  }
0x76: {  	_ =	shalt  }
0x77: {  	_ =	shalt  }
0x78: {  	_ =	shalt  }
0x79: {  	_ =	shalt  }
0x7a: {  	_ =	shalt  }
0x7b: {  	_ =	shalt  }
0x7c: {  	_ =	shalt  }
0x7d: {  	_ =	shalt  }
0x7e: {  	_ =	shalt  }
0x7f: {  	_ =	shalt  }
0x80: {  	_ =	shalt  }
0x81: {  	_ =	shalt  }
0x82: {  	_ =	shalt  }
0x83: {  	_ =	shalt  }
0x84: {  	_ =	shalt  }
0x85: {  	_ =	shalt  }
0x86: {  	_ =	shalt  }
0x87: {  	_ =	shalt  }
.Lfunc_end0:
.L_simem_size_0:
called_computation_lowered:
.L_overlay_start_0:
0x88: {  	s2 =	sld [smem:$0x3FD9]  }
0x89: {  	s3 =	sld [smem:$0x3FFE];
	_ =	sdelay $0x1  }
0x8a: {  	s1 =	srdreg.scid  }
0x8b: {  	s0 =	sand.u32 $0x1, s1  }
0x8c: {  	s18 =	sshll.u32 s0, $0xA;
	s2 =	sadd.s32 s3, s2  }
0x8d: {  	s2 =	sadd.s32 s2, s18  }
0x8e: {  	[smem:$0x3FC7] =	sst s2  }
0x8f: {  	_ = 	snop  }
0x90: {  	s2 =	sld [smem:$0x3FC9]  }
0x91: {  	s19 =	sld [smem:$0x3FD0];
	(tm) =	ssettm $0x1  }
0x92: {  	s4 =	sld [smem:$0x3FFB];
	_ =	sdelay $0x3  }
0x93: {  	_ =	strace s4  }
0x94: {  	s4 =	sld [smem:$0x3FFC];
	_ =	sdelay $0x3  }
0x95: {  	_ =	strace s4  }
0x96: {  	s4 =	sld [smem:$0x3FFD];
	_ =	sdelay $0x3  }
0x97: {  	_ =	strace s4  }
0x98: {  	_ =	strace $0x8FFFFFFF  }
0x99: {  	s20 =	sld [smem:$0x3FDB];
	_ =	sdelay $0x1  }
0x9a: {  	s5 =	simm.s32 $_scs_section_size  }
0x9b: {  	s6 =	simm.s32 $_size__tile_overlayer_lowered;
	s7 =	simm.s32 $_tile_overlayer_lowered  }
0x9c: {  	s23 =	simm.s32 $0x1BFF;
	s22 =	sshll.u32 s7, $0x1;
	s4 =	sadd.s32 s5, s20  }
0x9d: {  	s8 =	simm.s32 $0x0;
	s21 =	sshll.u32 s6, $0x1;
	s6 =	sadd.s32 s22, s4  }
0x9e: {  	[timem:s8], [sflag:s23] =	dma.local [hbm:s6], s21  }
0x9f: {  	_ =	swait.ge [sflag:s23], s21  }
0xa0: {  	s5 =	ssub.s32 $0x0, s21;
	[sflag:s23] =	ssyncset.done $0x0  }
0xa1: {  	[sflag:s23] =	ssyncadd.s32 s5;
	_ =	sdelay $0x1  }
0xa2: {  	s24 =	simm.s32 $0x1B8B  }
0xa3: {  	_ =	swait.ge [sflag:s24], $0x1  }
0xa4: {  	[sflag:s24] =	ssyncset.done $0x0  }
0xa5: {  	s25 =	simm.s32 $0x1B8E;
	[sflag:s24] =	ssyncadd.s32 $0xFFFFFFFF  }
0xa6: {  	s26 =	simm.s32 $execute0_lowered;
	[smem:$0x3FD2] =	sst s25  }
0xa7: {  	s5 =	sshll.u32 s26, $0x1;
	_ =	strace $0x80000046;
	[dreg:$0x1] =	wrdreg $0xFFFFFFFF  }
0xa8: {  	s28 =	simm.s32 $_size_execute0_lowered;
	s4 =	sadd.s32 s4, s5;
	[dreg:$0x0] =	wrdreg $0x0  }
0xa9: {  	s5 =	sshll.u32 s28, $0x1;
	[dreg:$0x2] =	wrdreg s4  }
0xaa: {  	[dreg:$0x3] =	wrdreg s5  }
0xab: {  	[dreg:$0x4] =	wrdreg $0xC0  }
0xac: {  	_ =	task [dreg:s8], $0x5FFFF  }
0xad: {  	[dreg:$0x1] =	wrdreg $0xFFFFFFFF  }
0xae: {  	[dreg:$0x0] =	wrdreg $0x60  }
0xaf: {  	[dreg:$0x2] =	wrdreg s2  }
0xb0: {  	[dreg:$0x3] =	wrdreg s19  }
0xb1: {  	[dreg:$0x4] =	wrdreg $0x9  }
0xb2: {  	_ =	task.clear_ibuf [dreg:s8], $0x5FFFF;
	_ =	strace $0x90000046  }
0xb3: {  	s29 =	simm.s32 $0x9;
	_ =	strace $0x80000048  }
0xb4: {  	_ =	swait.ge [sflag:s29], $0x1  }
0xb5: {  	[sflag:s29] =	ssyncadd.s32 $0xFFFFFFFF  }
0xb6: {  	_ =	strace $0x90000048  }
0xb7: {  	_ =	sfence  }
0xb8: {  	s30 =	sld [smem:$0x0];
	_ =	sdelay $0x2  }
0xb9: {  	s31 =	sshll.u32 s1, $0xD;
	s1 =	sshrl.u32 s1, $0x2  }
0xba: {  	s3 =	sand.u32 $0x4000, s31;
	s1 =	sadd.s32 s1, s30  }
0xbb: {  	s0 =	sor.u32 s3, s0;
	s1 =	sshll.u32 s1, $0x11  }
0xbc: {  	s0 =	sor.u32 s1, s0  }
0xbd: {  	s0 =	sadd.s32 $0x8F2B, s0  }
0xbe: {  	[sflag:s0] =	ssyncadd.remote.s32 $0x1  }
0xbf: {  	_ =	sfence.sel $0xFFFF  }
0xc0: {  	[dreg:$0x0] =	wrdreg $0xFFFFFFFF;
	(pc) =	sbr.abs _section_cstart, $3  }
0xc1: {  	[dreg:$0x1] =	wrdreg $0xFFFFFFFF  }
0xc2: {  	_ =	task.clear_ibuf [dreg:s8], $0x2FFFF;
	_ =	strace $0x9FFFFFFF  }
0xc3: {  	(tm) =	ssettm $0x7FFFFFFF  }
tec
execute0_lowered:
.L_overlay_start_1:
0x0: {  	(tag) =	ssettag $0x1  }
0x1: {  	v0 =	vimm.s32 $0x72F1  }
0x2: {  	v0 =	vunpack.c.0.s8.s32 v0  }
0x3: {  	vm0 =	vcmask $0x700  }
0x4: {  	vm15 =	vcmask $0xB08;
	v0 =	vnsel vm0, $0x4380, v0  }
0x5: {  	vm4 =	vcmask $0xF0C;
	v0 =	vsel vm15, $0xF3, v0  }
0x6: {  	s8 =	rddreg [dreg:$0x0];
	vm5 =	vcmask $0x1310;
	v0 =	vsel vm4, $0x174, v0  }
0x7: {  	s10 =	rddreg [dreg:$0x1];
	s2 =	srdreg.scid;
	vm6 =	vcmask $0x1714;
	v0 =	vsel vm5, $0x1F5, v0  }
0x8: {  	s0 =	rddreg [dreg:$0x2];
	s1 =	stileid.u32;
	vm7 =	vcmask $0x1B18;
	s13 =	simm.s32 $0x1;
	v0 =	vsel vm6, $0x276, v0  }
0x9: {  	vm8 =	vcmask $0x1F1C;
	s14 =	simm.s32 $0x3;
	s15 =	simm.s32 $0x2;
	s16 =	simm.s32 $0x4;
	v0 =	vsel vm7, $0x2F7, v0  }
0xa: {  	vm9 =	vcmask $0x2320;
	s17 =	simm.s32 $0x0;
	s3 =	sand.u32 $0x1, s2;
	s2 =	simm.s32 $0x0;
	v0 =	vsel vm8, $0x378, v0  }
0xb: {  	vm10 =	vcmask $0x2724;
	s4 =	sshll.u32 s1, $0x10;
	s5 =	sshll.u32 s3, $0xF;
	s3 =	ssub.s32 $0x2, s3;
	v0 =	vsel vm9, $0x3FF9, v0  }
0xc: {  	vm11 =	vcmask $0x2B28;
	[smem:$0x7FF] =	sst s2;
	s6 =	sor.u32 s5, s4;
	s31 =	sshrl.u32 s3, $0x1;
	v0 =	vsel vm10, $0x407A, v0  }
0xd: {  	vm12 =	vcmask $0x2F2C;
	_ =	strace $0x80000047;
	s7 =	sor.u32 $0x2000, s6;
	s11 =	ssub.s32 s3, s31;
	v0 =	vsel vm11, $0x40FB, v0  }
0xe: {  	vm13 =	vcmask $0x3330;
	s3 =	sadd.s32 s8, s6;
	s5 =	sadd.s32 s10, s6;
	s9 =	sor.u32 $0x4000, s6;
	v0 =	vsel vm12, $0x417C, v0  }
0xf: {  	vm14 =	vcmask $0x3734;
	s12 =	sor.u32 $0x6000, s6;
	s4 =	sadd.s32 s8, s7;
	s6 =	sadd.s32 s8, s9;
	v0 =	vsel vm13, $0x41FD, v0  }
0x10: {  	vm15 =	vcmask $0x3B38;
	s7 =	sadd.s32 s10, s7;
	s8 =	sadd.s32 s8, s12;
	s9 =	sadd.s32 s10, s9;
	v1 =	vsel vm14, $0x427E, v0;
	v0 =	vlaneseq.u32  }
0x11: {  	v3 =	vimm.s32 $0x1;
	s10 =	sadd.s32 s10, s12;
	s11 =	smax.u32 s11, $0x1;
	s12 =	simm.s32 $0x10000;
	v1 =	vsel vm15, $0x42FF, v1;
	v2 =	vadd.s32 $0x1, v0  }
.LBB2_1:
0x12: {  	s18 =	simm.s32 $0xF  }
0x13: {  	v4 =	vmov s18  }
0x14: {  	[tilespmem:s2], [sflag:$0x1] =	stream.linear.gather [hbm4b:s3+s2], $0x10000, $0x38;
	vm0 =	vlt.s32 v4, v2;
	v63 =	vld [tilespmem:$0x0]  }
0x15: {  	_ = 	snop  }
0x16: {  	v5 =	vadd.s32 $0x8000, v1;
	[tilespmem:s12], [sflag:$0x2] =	stream.linear.gather [hbm4b:s4+s2], $0x10000, $0x38;
	v63 =	vld [tilespmem:$0x0]  }
0x17: {  	_ =	swait.ge [sflag:s13], $0x10000  }
0x18: {  	[sflag:s13] =	ssyncset.done $0x0  }
0x19: {  	[sflag:s13] =	ssyncadd.s32 $0xFFFF0000  }
0x1a: {  	v7 =	vld.idx.msk [tilespmem:v1+s2+$0x0], vm0  }
0x1b: {  	s30 =	simm.s32 $0xE;
	v8 =	vld.idx.msk [tilespmem:v5+s2+$0x0], vm0  }
0x1c: {  	v4 =	vmov s30  }
0x1d: {  	vm3 =	vlt.s32 v4, v2  }
0x1e: {  	v6 =	vadd.s32 $0x1, v1;
	v11 =	vimm.f32 $0.0e+00;
	vm0 =	vmmov vm0  }
0x1f: {  	v4 =	vadd.s32 $0x8000, v6;
	vm0 =	vmmov vm0  }
0x20: {  	v12 =	vmov v1;
	v7 =	vnsel vm0, $0x0, v7;
	v8 =	vnsel vm0, $0x0, v8  }
0x21: {  	v7 =	vadd.f32 v7, v11;
	v8 =	vadd.f32 v8, v11;
	v11 =	vmov v5  }
0x22: {  	s31 =	simm.s32 $0xD  }
0x23: {  	v10 =	vmov s31;
	v9 =	vld.idx.msk [tilespmem:v6+s2+$0x0], vm3  }
0x24: {  	s20 =	simm.s32 $0xC;
	s19 =	simm.s32 $0x0;
	s18 =	simm.s32 $0x0;
	vm2 =	vlt.s32 v10, v2;
	vm1 =	vmmov vm3;
	v10 =	vld.idx.msk [tilespmem:v4+s2+$0x0], vm3  }
.LBB2_2:
0x25: {  	p0 =	sne.s32 s20, $0x1;
	[tilespmem:v12+s19+$0x0] =	vst.idx.msk vm0, v7;
	v12 =	vmov v6;
	v6 =	vadd.s32 $0x1, v6  }
0x26: {  	[tilespmem:v11+s19+$0x0] =	vst.idx.msk vm0, v8;
	v11 =	vmovc v4;
	v4 =	vadd.s32 $0x8000, v6;
	vm0 =	vmmov vm1;
	vm1 =	vmmov vm2;
	s19 =	smov.u32 s18  }
.Ltmp0:
0x27: {  	(pc) =	sbr.rel @p0 .LBB2_2-.Ltmp0, $4  }
0x28: {  	_ = 	snop  }
0x29: {  	s18 =	simm.s32 $0x0;
	v13 =	vnsel vm0, $0x0, v9  }
0x2a: {  	v14 =	vmov s20;
	v7 =	vadd.f32 v13, v7;
	v13 =	vnsel vm0, $0x0, v10;
	v9 =	vld.idx.msk [tilespmem:v6+s18+$0x0], vm2  }
0x2b: {  	s20 =	sadd.s32 $0xFFFFFFFF, s20;
	v8 =	vadd.f32 v13, v8;
	v10 =	vld.idx.msk [tilespmem:v4+s18+$0x0], vm2;
	vm2 =	vlt.s32 v14, v2  }
0x2c: {  	v13 =	vadd.s32 $0x1, v6  }
0x2d: {  	v14 =	vadd.s32 $0x8000, v13;
	_ =	sdelay $0x3  }
0x2e: {  	vm1 =	vmmov vm1;
	v15 =	vld.idx.msk [tilespmem:v13+s18+$0x0], vm2  }
0x2f: {  	vm15 =	vmmov vm2;
	v16 =	vld.idx.msk [tilespmem:v14+s18+$0x0], vm2  }
0x30: {  	vm2 =	vmmov vm15  }
0x31: {  	v9 =	vnsel vm1, $0x0, v9  }
0x32: {  	[tilespmem:v12+s19+$0x0] =	vst.idx.msk vm0, v7;
	v7 =	vadd.f32 v9, v7;
	v61 =	vnsel vm1, $0x0, v10  }
0x33: {  	[tilespmem:v11+s19+$0x0] =	vst.idx.msk vm0, v8;
	v8 =	vadd.f32 v61, v8;
	v62 =	vnsel vm2, $0x0, v15  }
0x34: {  	[tilespmem:v6+s18+$0x0] =	vst.idx.msk vm1, v7;
	v7 =	vadd.f32 v62, v7;
	v6 =	vnsel vm2, $0x0, v16  }
0x35: {  	[tilespmem:v4+s18+$0x0] =	vst.idx.msk vm1, v8;
	v4 =	vadd.f32 v6, v8  }
0x36: {  	[tilespmem:v13+s18+$0x0] =	vst.idx.msk vm2, v7  }
0x37: {  	v6 =	vadd.s32 $0x1, v13;
	[tilespmem:v14+s18+$0x0] =	vst.idx.msk vm2, v4  }
.LBB2_4:
0x38: {  	v8 =	vadd.s32 $0x8000, v6  }
0x39: {  	v9 =	vadd.s32 $0x1, v6  }
0x3a: {  	v10 =	vadd.s32 $0x8001, v6  }
0x3b: {  	v11 =	vadd.s32 $0x2, v6  }
0x3c: {  	v12 =	vld.idx.msk [tilespmem:v6+s2+$0x0], $0xffff;
	v14 =	vadd.s32 $0x8002, v6  }
0x3d: {  	v15 =	vadd.s32 $0x8006, v6;
	v13 =	vld.idx.msk [tilespmem:v8+s2+$0x0], $0xffff  }
0x3e: {  	v16 =	vadd.s32 $0x4, v6;
	v17 =	vld.idx.msk [tilespmem:v9+s2+$0x0], $0xffff  }
0x3f: {  	v18 =	vadd.s32 $0x8004, v6;
	v19 =	vld.idx.msk [tilespmem:v10+s2+$0x0], $0xffff  }
0x40: {  	v20 =	vadd.s32 $0x5, v6;
	v21 =	vld.idx.msk [tilespmem:v11+s2+$0x0], $0xffff  }
0x41: {  	v22 =	vadd.s32 $0x3, v6;
	v23 =	vld.idx.msk [tilespmem:v14+s2+$0x0], $0xffff  }
0x42: {  	v24 =	vadd.s32 $0x8003, v6;
	v25 =	vld.idx.msk [tilespmem:v15+s2+$0x0], $0xffff  }
0x43: {  	v27 =	vadd.s32 $0x6, v6;
	v26 =	vld.idx.msk [tilespmem:v16+s2+$0x0], $0xffff  }
0x44: {  	v28 =	vadd.s32 $0x8005, v6;
	v29 =	vld.idx.msk [tilespmem:v18+s2+$0x0], $0xffff  }
0x45: {  	v31 =	vadd.s32 $0x7, v6;
	v30 =	vld.idx.msk [tilespmem:v20+s2+$0x0], $0xffff;
	v7 =	vadd.f32 v12, v7  }
0x46: {  	v32 =	vadd.s32 $0x8007, v6;
	v12 =	vld.idx.msk [tilespmem:v22+s2+$0x0], $0xffff;
	v33 =	vadd.f32 v13, v4  }
0x47: {  	v37 =	vadd.s32 $0x800C, v6;
	v34 =	vld.idx.msk [tilespmem:v24+s2+$0x0], $0xffff;
	v17 =	vadd.f32 v17, v7  }
0x48: {  	v35 =	vld.idx.msk [tilespmem:v27+s2+$0x0], $0xffff;
	[tilespmem:v6+s2+$0x0] =	vst.idx.msk $0xffff, v7;
	v13 =	vadd.s32 $0x8, v6;
	v19 =	vadd.f32 v19, v33  }
0x49: {  	v36 =	vld.idx.msk [tilespmem:v28+s2+$0x0], $0xffff;
	v4 =	vadd.s32 $0x8008, v6;
	v7 =	vadd.f32 v21, v17;
	[tilespmem:v8+s2+$0x0] =	vst.idx.msk $0xffff, v33  }
0x4a: {  	v38 =	vadd.s32 $0x9, v6;
	v21 =	vld.idx.msk [tilespmem:v31+s2+$0x0], $0xffff;
	[tilespmem:v9+s2+$0x0] =	vst.idx.msk $0xffff, v17;
	v8 =	vadd.f32 v23, v19  }
0x4b: {  	v48 =	vadd.s32 $0xA, v6;
	v23 =	vld.idx.msk [tilespmem:v32+s2+$0x0], $0xffff;
	v9 =	vadd.f32 v12, v7;
	[tilespmem:v10+s2+$0x0] =	vst.idx.msk $0xffff, v19  }
0x4c: {  	v17 =	vadd.s32 $0x800A, v6;
	[tilespmem:v11+s2+$0x0] =	vst.idx.msk $0xffff, v7;
	v11 =	vld.idx.msk [tilespmem:v37+s2+$0x0], $0xffff;
	v10 =	vadd.f32 v34, v8  }
0x4d: {  	v39 =	vadd.s32 $0x8009, v6;
	v12 =	vld.idx.msk [tilespmem:v13+s2+$0x0], $0xffff;
	v7 =	vadd.f32 v26, v9  }
0x4e: {  	v19 =	vld.idx.msk [tilespmem:v4+s2+$0x0], $0xffff;
	v26 =	vadd.s32 $0xE, v6;
	[tilespmem:v14+s2+$0x0] =	vst.idx.msk $0xffff, v8;
	v8 =	vadd.f32 v29, v10  }
0x4f: {  	v14 =	vld.idx.msk [tilespmem:v38+s2+$0x0], $0xffff;
	[tilespmem:v22+s2+$0x0] =	vst.idx.msk $0xffff, v9;
	v29 =	vadd.s32 $0x800F, v6;
	v9 =	vadd.f32 v30, v7  }
0x50: {  	v49 =	vadd.s32 $0xB, v6;
	v30 =	vld.idx.msk [tilespmem:v48+s2+$0x0], $0xffff;
	[tilespmem:v24+s2+$0x0] =	vst.idx.msk $0xffff, v10;
	v10 =	vadd.f32 v36, v8  }
0x51: {  	v50 =	vadd.s32 $0x800B, v6;
	v24 =	vld.idx.msk [tilespmem:v17+s2+$0x0], $0xffff;
	[tilespmem:v16+s2+$0x0] =	vst.idx.msk $0xffff, v7;
	v7 =	vadd.f32 v35, v9  }
0x52: {  	v51 =	vadd.s32 $0xC, v6;
	v16 =	vld.idx.msk [tilespmem:v39+s2+$0x0], $0xffff;
	[tilespmem:v18+s2+$0x0] =	vst.idx.msk $0xffff, v8;
	v8 =	vadd.f32 v25, v10  }
0x53: {  	[tilespmem:v20+s2+$0x0] =	vst.idx.msk $0xffff, v9;
	v18 =	vld.idx.msk [tilespmem:v26+s2+$0x0], $0xffff;
	v25 =	vadd.s32 $0xF, v6;
	v9 =	vadd.f32 v21, v7  }
0x54: {  	v20 =	vadd.s32 $0xD, v6;
	[tilespmem:v28+s2+$0x0] =	vst.idx.msk $0xffff, v10;
	v21 =	vld.idx.msk [tilespmem:v29+s2+$0x0], $0xffff;
	v10 =	vadd.f32 v23, v8  }
0x55: {  	v28 =	vadd.s32 $0x800D, v6;
	[tilespmem:v27+s2+$0x0] =	vst.idx.msk $0xffff, v7;
	v23 =	vld.idx.msk [tilespmem:v49+s2+$0x0], $0xffff;
	v22 =	vadd.f32 v12, v9  }
0x56: {  	v12 =	vld.idx.msk [tilespmem:v50+s2+$0x0], $0xffff;
	[tilespmem:v15+s2+$0x0] =	vst.idx.msk $0xffff, v8;
	v8 =	vadd.s32 $0x10, v6;
	v7 =	vadd.f32 v19, v10  }
0x57: {  	v27 =	vadd.s32 $0x800E, v6;
	v15 =	vld.idx.msk [tilespmem:v51+s2+$0x0], $0xffff;
	[tilespmem:v31+s2+$0x0] =	vst.idx.msk $0xffff, v9;
	v6 =	vadd.f32 v14, v22  }
0x58: {  	v9 =	vadd.s32 $0x8000, v8;
	[tilespmem:v32+s2+$0x0] =	vst.idx.msk $0xffff, v10;
	v14 =	vld.idx.msk [tilespmem:v25+s2+$0x0], $0xffff;
	v10 =	vadd.f32 v16, v7  }
0x59: {  	v52 =	vadd.s32 $0x2, v8;
	v16 =	vld.idx.msk [tilespmem:v20+s2+$0x0], $0xffff;
	[tilespmem:v38+s2+$0x0] =	vst.idx.msk $0xffff, v6;
	v6 =	vadd.f32 v30, v6  }
0x5a: {  	v54 =	vadd.s32 $0x8002, v8;
	v30 =	vld.idx.msk [tilespmem:v28+s2+$0x0], $0xffff;
	[tilespmem:v39+s2+$0x0] =	vst.idx.msk $0xffff, v10;
	v10 =	vadd.f32 v24, v10  }
0x5b: {  	v40 =	vadd.s32 $0x8006, v8;
	v53 =	vld.idx.msk [tilespmem:v8+s2+$0x0], $0xffff;
	[tilespmem:v48+s2+$0x0] =	vst.idx.msk $0xffff, v6;
	v6 =	vadd.f32 v23, v6  }
0x5c: {  	v19 =	vadd.s32 $0x1, v8;
	v24 =	vld.idx.msk [tilespmem:v27+s2+$0x0], $0xffff;
	[tilespmem:v17+s2+$0x0] =	vst.idx.msk $0xffff, v10;
	v10 =	vadd.f32 v12, v10  }
0x5d: {  	v31 =	vadd.s32 $0x8001, v8;
	v23 =	vld.idx.msk [tilespmem:v9+s2+$0x0], $0xffff;
	[tilespmem:v49+s2+$0x0] =	vst.idx.msk $0xffff, v6;
	v6 =	vadd.f32 v15, v6  }
0x5e: {  	v57 =	vld.idx.msk [tilespmem:v52+s2+$0x0], $0xffff;
	v17 =	vadd.s32 $0x4, v8;
	[tilespmem:v50+s2+$0x0] =	vst.idx.msk $0xffff, v10;
	v10 =	vadd.f32 v11, v10  }
0x5f: {  	v55 =	vadd.s32 $0x8004, v8;
	v41 =	vld.idx.msk [tilespmem:v54+s2+$0x0], $0xffff;
	[tilespmem:v51+s2+$0x0] =	vst.idx.msk $0xffff, v6;
	v6 =	vadd.f32 v16, v6  }
0x60: {  	v56 =	vadd.s32 $0x5, v8;
	v59 =	vld.idx.msk [tilespmem:v40+s2+$0x0], $0xffff;
	[tilespmem:v37+s2+$0x0] =	vst.idx.msk $0xffff, v10;
	v10 =	vadd.f32 v30, v10  }
0x61: {  	v58 =	vadd.s32 $0x3, v8;
	v12 =	vld.idx.msk [tilespmem:v19+s2+$0x0], $0xffff;
	[tilespmem:v20+s2+$0x0] =	vst.idx.msk $0xffff, v6;
	v6 =	vadd.f32 v18, v6  }
0x62: {  	v15 =	vld.idx.msk [tilespmem:v31+s2+$0x0], $0xffff;
	v30 =	vadd.s32 $0x8003, v8;
	[tilespmem:v28+s2+$0x0] =	vst.idx.msk $0xffff, v10;
	v10 =	vadd.f32 v24, v10  }
0x63: {  	v16 =	vadd.s32 $0x8007, v8;
	v18 =	vld.idx.msk [tilespmem:v17+s2+$0x0], $0xffff;
	[tilespmem:v26+s2+$0x0] =	vst.idx.msk $0xffff, v6;
	v6 =	vadd.f32 v14, v6  }
0x64: {  	v43 =	vadd.s32 $0x7, v8;
	v24 =	vld.idx.msk [tilespmem:v55+s2+$0x0], $0xffff;
	[tilespmem:v27+s2+$0x0] =	vst.idx.msk $0xffff, v10;
	v10 =	vadd.f32 v21, v10  }
0x65: {  	v42 =	vadd.s32 $0x6, v8;
	v26 =	vld.idx.msk [tilespmem:v56+s2+$0x0], $0xffff;
	v11 =	vadd.f32 v53, v6;
	[tilespmem:v25+s2+$0x0] =	vst.idx.msk $0xffff, v6  }
0x66: {  	v28 =	vadd.s32 $0x8005, v8;
	v14 =	vld.idx.msk [tilespmem:v58+s2+$0x0], $0xffff;
	v20 =	vadd.f32 v23, v10;
	[tilespmem:v29+s2+$0x0] =	vst.idx.msk $0xffff, v10  }
0x67: {  	v6 =	vadd.s32 $0x8, v8;
	v21 =	vld.idx.msk [tilespmem:v30+s2+$0x0], $0xffff;
	[tilespmem:v8+s2+$0x0] =	vst.idx.msk $0xffff, v11;
	v10 =	vadd.f32 v12, v11  }
0x68: {  	v60 =	vld.idx.msk [tilespmem:v16+s2+$0x0], $0xffff;
	v11 =	vadd.s32 $0x8008, v8;
	[tilespmem:v9+s2+$0x0] =	vst.idx.msk $0xffff, v20;
	v15 =	vadd.f32 v15, v20  }
0x69: {  	v27 =	vld.idx.msk [tilespmem:v43+s2+$0x0], $0xffff;
	v12 =	vadd.s32 $0x9, v8;
	[tilespmem:v19+s2+$0x0] =	vst.idx.msk $0xffff, v10;
	v10 =	vadd.f32 v57, v10  }
0x6a: {  	v23 =	vld.idx.msk [tilespmem:v42+s2+$0x0], $0xffff;
	v9 =	vadd.s32 $0x800C, v8;
	[tilespmem:v31+s2+$0x0] =	vst.idx.msk $0xffff, v15;
	v29 =	vadd.f32 v41, v15  }
0x6b: {  	v25 =	vld.idx.msk [tilespmem:v28+s2+$0x0], $0xffff;
	v20 =	vadd.s32 $0x800A, v8;
	[tilespmem:v52+s2+$0x0] =	vst.idx.msk $0xffff, v10;
	v10 =	vadd.f32 v14, v10  }
0x6c: {  	v19 =	vadd.s32 $0xA, v8;
	v61 =	vld.idx.msk [tilespmem:v6+s2+$0x0], $0xffff;
	[tilespmem:v54+s2+$0x0] =	vst.idx.msk $0xffff, v29;
	v21 =	vadd.f32 v21, v29  }
0x6d: {  	v15 =	vadd.s32 $0x8009, v8;
	v62 =	vld.idx.msk [tilespmem:v11+s2+$0x0], $0xffff;
	[tilespmem:v58+s2+$0x0] =	vst.idx.msk $0xffff, v10;
	v29 =	vadd.f32 v18, v10  }
0x6e: {  	v14 =	vadd.s32 $0xE, v8;
	v33 =	vld.idx.msk [tilespmem:v12+s2+$0x0], $0xffff;
	[tilespmem:v30+s2+$0x0] =	vst.idx.msk $0xffff, v21;
	v21 =	vadd.f32 v24, v21  }
0x6f: {  	v10 =	vadd.s32 $0x800F, v8;
	v18 =	vld.idx.msk [tilespmem:v9+s2+$0x0], $0xffff;
	[tilespmem:v17+s2+$0x0] =	vst.idx.msk $0xffff, v29;
	v17 =	vadd.f32 v26, v29  }
0x70: {  	v31 =	vld.idx.msk [tilespmem:v20+s2+$0x0], $0xffff;
	v24 =	vadd.s32 $0xB, v8;
	[tilespmem:v55+s2+$0x0] =	vst.idx.msk $0xffff, v21;
	v21 =	vadd.f32 v25, v21  }
0x71: {  	v30 =	vld.idx.msk [tilespmem:v19+s2+$0x0], $0xffff;
	v26 =	vadd.s32 $0xC, v8;
	[tilespmem:v56+s2+$0x0] =	vst.idx.msk $0xffff, v17;
	v17 =	vadd.f32 v23, v17  }
0x72: {  	v36 =	vld.idx.msk [tilespmem:v15+s2+$0x0], $0xffff;
	v25 =	vadd.s32 $0x800B, v8;
	[tilespmem:v28+s2+$0x0] =	vst.idx.msk $0xffff, v21;
	v28 =	vadd.f32 v59, v21  }
0x73: {  	v23 =	vld.idx.msk [tilespmem:v14+s2+$0x0], $0xffff;
	[tilespmem:v42+s2+$0x0] =	vst.idx.msk $0xffff, v17;
	v27 =	vadd.f32 v27, v17;
	v17 =	vadd.s32 $0xF, v8  }
0x74: {  	v21 =	vld.idx.msk [tilespmem:v10+s2+$0x0], $0xffff;
	[tilespmem:v40+s2+$0x0] =	vst.idx.msk $0xffff, v28;
	v39 =	vadd.f32 v60, v28;
	v28 =	vadd.s32 $0xD, v8  }
0x75: {  	v29 =	vadd.s32 $0x800D, v8;
	v35 =	vld.idx.msk [tilespmem:v24+s2+$0x0], $0xffff  }
0x76: {  	v37 =	vld.idx.msk [tilespmem:v26+s2+$0x0], $0xffff;
	[tilespmem:v43+s2+$0x0] =	vst.idx.msk $0xffff, v27;
	v34 =	vadd.f32 v61, v27;
	v27 =	vadd.s32 $0x800E, v8  }
0x77: {  	s20 =	simm.s32 $0x10;
	[tilespmem:v13+s2+$0x0] =	vst.idx.msk $0xffff, v22;
	v8 =	vadd.s32 $0x10, v8;
	v38 =	vld.idx.msk [tilespmem:v25+s2+$0x0], $0xffff;
	v32 =	vadd.f32 v62, v39  }
.LBB2_5:
0x78: {  	v40 =	vadd.s32 $0x8000, v8;
	v13 =	vadd.s32 $0x8006, v8;
	s20 =	sadd.s32 $0x10, s20;
	v42 =	vadd.f32 v33, v34;
	v33 =	vld.idx.msk [tilespmem:v17+s2+$0x0], $0xffff;
	[tilespmem:v4+s2+$0x0] =	vst.idx.msk $0xffff, v7;
	s19 =	simm.s32 $0x8  }
0x79: {  	v41 =	vadd.s32 $0x1, v8;
	v4 =	vmov v11;
	p0 =	slt.u32 s20, $0x60;
	[tilespmem:v16+s2+$0x0] =	vst.idx.msk $0xffff, v39;
	v39 =	vadd.f32 v36, v32;
	v16 =	vld.idx.msk [tilespmem:v28+s2+$0x0], $0xffff  }
0x7a: {  	v22 =	vmov v34;
	v36 =	vadd.s32 $0x8001, v8;
	[tilespmem:v12+s2+$0x0] =	vst.idx.msk $0xffff, v42;
	v11 =	vadd.f32 v30, v42;
	v30 =	vld.idx.msk [tilespmem:v29+s2+$0x0], $0xffff  }
0x7b: {  	v34 =	vadd.s32 $0x2, v8;
	v7 =	vmov v32;
	[tilespmem:v15+s2+$0x0] =	vst.idx.msk $0xffff, v39;
	v12 =	vadd.f32 v31, v39;
	v31 =	vld.idx.msk [tilespmem:v27+s2+$0x0], $0xffff  }
0x7c: {  	v39 =	vadd.s32 $0x8002, v8;
	v32 =	vld.idx.msk [tilespmem:v8+s2+$0x0], $0xffff;
	[tilespmem:v19+s2+$0x0] =	vst.idx.msk $0xffff, v11;
	v11 =	vadd.f32 v35, v11  }
0x7d: {  	v42 =	vadd.s32 $0x4, v8;
	v35 =	vadd.s32 $0x3, v8;
	v19 =	vld.idx.msk [tilespmem:v40+s2+$0x0], $0xffff;
	[tilespmem:v20+s2+$0x0] =	vst.idx.msk $0xffff, v12;
	v12 =	vadd.f32 v38, v12  }
0x7e: {  	v43 =	vadd.s32 $0x8004, v8;
	v38 =	vadd.s32 $0x8003, v8;
	v20 =	vld.idx.msk [tilespmem:v41+s2+$0x0], $0xffff;
	[tilespmem:v24+s2+$0x0] =	vst.idx.msk $0xffff, v11;
	v11 =	vadd.f32 v37, v11  }
0x7f: {  	v37 =	vadd.s32 $0x5, v8;
	v24 =	vld.idx.msk [tilespmem:v36+s2+$0x0], $0xffff;
	[tilespmem:v25+s2+$0x0] =	vst.idx.msk $0xffff, v12;
	v15 =	vadd.f32 v18, v12  }
0x80: {  	v44 =	vadd.s32 $0x8005, v8;
	v18 =	vld.idx.msk [tilespmem:v34+s2+$0x0], $0xffff;
	[tilespmem:v26+s2+$0x0] =	vst.idx.msk $0xffff, v11;
	v11 =	vadd.f32 v16, v11  }
0x81: {  	v12 =	vadd.s32 $0x9, v8;
	v25 =	vld.idx.msk [tilespmem:v39+s2+$0x0], $0xffff;
	[tilespmem:v9+s2+$0x0] =	vst.idx.msk $0xffff, v15;
	v9 =	vadd.f32 v30, v15  }
0x82: {  	v15 =	vadd.s32 $0x8009, v8;
	v45 =	vld.idx.msk [tilespmem:v13+s2+$0x0], $0xffff;
	[tilespmem:v28+s2+$0x0] =	vst.idx.msk $0xffff, v11;
	v11 =	vadd.f32 v23, v11  }
0x83: {  	v28 =	vadd.s32 $0x6, v8;
	v23 =	vld.idx.msk [tilespmem:v42+s2+$0x0], $0xffff;
	[tilespmem:v29+s2+$0x0] =	vst.idx.msk $0xffff, v9;
	v9 =	vadd.f32 v31, v9  }
0x84: {  	v26 =	vld.idx.msk [tilespmem:v43+s2+$0x0], $0xffff;
	[tilespmem:v14+s2+$0x0] =	vst.idx.msk $0xffff, v11;
	v11 =	vadd.f32 v33, v11  }
0x85: {  	v46 =	vadd.s32 $0x7, v8;
	v29 =	vld.idx.msk [tilespmem:v37+s2+$0x0], $0xffff;
	[tilespmem:v27+s2+$0x0] =	vst.idx.msk $0xffff, v9;
	v9 =	vadd.f32 v21, v9  }
0x86: {  	v16 =	vadd.s32 $0x8007, v8;
	v14 =	vadd.f32 v32, v11;
	v21 =	vld.idx.msk [tilespmem:v35+s2+$0x0], $0xffff;
	[tilespmem:v17+s2+$0x0] =	vst.idx.msk $0xffff, v11  }
0x87: {  	v47 =	vadd.s32 $0x8, v8;
	v17 =	vadd.f32 v19, v9;
	v27 =	vld.idx.msk [tilespmem:v38+s2+$0x0], $0xffff;
	[tilespmem:v10+s2+$0x0] =	vst.idx.msk $0xffff, v9  }
0x88: {  	v11 =	vadd.s32 $0x8008, v8;
	[tilespmem:v8+s2+$0x0] =	vst.idx.msk $0xffff, v14;
	v10 =	vadd.f32 v20, v14;
	v32 =	vld.idx.msk [tilespmem:v28+s2+$0x0], $0xffff  }
0x89: {  	v9 =	vadd.s32 $0x800C, v8;
	[tilespmem:v40+s2+$0x0] =	vst.idx.msk $0xffff, v17;
	v14 =	vadd.f32 v24, v17;
	v17 =	vld.idx.msk [tilespmem:v44+s2+$0x0], $0xffff  }
0x8a: {  	[tilespmem:v41+s2+$0x0] =	vst.idx.msk $0xffff, v10;
	v10 =	vadd.f32 v18, v10;
	v40 =	vld.idx.msk [tilespmem:v46+s2+$0x0], $0xffff  }
0x8b: {  	v19 =	vadd.s32 $0xA, v8;
	[tilespmem:v36+s2+$0x0] =	vst.idx.msk $0xffff, v14;
	v14 =	vadd.f32 v25, v14;
	v41 =	vld.idx.msk [tilespmem:v16+s2+$0x0], $0xffff  }
0x8c: {  	v20 =	vadd.s32 $0x800A, v8;
	[tilespmem:v34+s2+$0x0] =	vst.idx.msk $0xffff, v10;
	v10 =	vadd.f32 v21, v10;
	v34 =	vld.idx.msk [tilespmem:v47+s2+$0x0], $0xffff  }
0x8d: {  	[tilespmem:v39+s2+$0x0] =	vst.idx.msk $0xffff, v14;
	v21 =	vadd.f32 v27, v14;
	v48 =	vld.idx.msk [tilespmem:v11+s2+$0x0], $0xffff  }
0x8e: {  	v14 =	vadd.s32 $0xE, v8;
	[tilespmem:v35+s2+$0x0] =	vst.idx.msk $0xffff, v10;
	v23 =	vadd.f32 v23, v10;
	v18 =	vld.idx.msk [tilespmem:v9+s2+$0x0], $0xffff  }
0x8f: {  	v10 =	vadd.s32 $0x800F, v8;
	[tilespmem:v38+s2+$0x0] =	vst.idx.msk $0xffff, v21;
	v21 =	vadd.f32 v26, v21;
	v33 =	vld.idx.msk [tilespmem:v12+s2+$0x0], $0xffff  }
0x90: {  	v24 =	vadd.s32 $0xB, v8;
	[tilespmem:v42+s2+$0x0] =	vst.idx.msk $0xffff, v23;
	v23 =	vadd.f32 v29, v23;
	v30 =	vld.idx.msk [tilespmem:v19+s2+$0x0], $0xffff  }
0x91: {  	v25 =	vadd.s32 $0x800B, v8;
	[tilespmem:v43+s2+$0x0] =	vst.idx.msk $0xffff, v21;
	v17 =	vadd.f32 v17, v21;
	v31 =	vld.idx.msk [tilespmem:v20+s2+$0x0], $0xffff  }
0x92: {  	v26 =	vadd.s32 $0xC, v8;
	[tilespmem:v37+s2+$0x0] =	vst.idx.msk $0xffff, v23;
	v21 =	vadd.f32 v32, v23;
	v36 =	vld.idx.msk [tilespmem:v15+s2+$0x0], $0xffff  }
.Ltmp1:
0x93: {  	[tilespmem:v44+s2+$0x0] =	vst.idx.msk $0xffff, v17;
	v27 =	vadd.f32 v45, v17;
	v23 =	vld.idx.msk [tilespmem:v14+s2+$0x0], $0xffff;
	v17 =	vadd.s32 $0xF, v8;
	(pc) =	sbr.rel @p0 .LBB2_5-.Ltmp1, $4  }
0x94: {  	[tilespmem:v28+s2+$0x0] =	vst.idx.msk $0xffff, v21;
	v32 =	vadd.f32 v40, v21;
	v28 =	vadd.s32 $0xD, v8;
	v21 =	vld.idx.msk [tilespmem:v10+s2+$0x0], $0xffff  }
0x95: {  	v29 =	vadd.s32 $0x800D, v8;
	[tilespmem:v13+s2+$0x0] =	vst.idx.msk $0xffff, v27;
	v39 =	vadd.f32 v41, v27;
	v35 =	vld.idx.msk [tilespmem:v24+s2+$0x0], $0xffff  }
0x96: {  	v27 =	vadd.s32 $0x800E, v8;
	[tilespmem:v46+s2+$0x0] =	vst.idx.msk $0xffff, v32;
	v34 =	vadd.f32 v34, v32;
	v38 =	vld.idx.msk [tilespmem:v25+s2+$0x0], $0xffff  }
0x97: {  	v8 =	vadd.s32 $0x10, v8;
	v32 =	vadd.f32 v48, v39;
	v37 =	vld.idx.msk [tilespmem:v26+s2+$0x0], $0xffff;
	[tilespmem:v6+s2+$0x0] =	vst.idx.msk $0xffff, v22;
	v6 =	vmov v47  }
0x98: {  	_ =	sdelay $0x3  }
0x99: {  	v13 =	vadd.f32 v33, v34;
	[tilespmem:v4+s2+$0x0] =	vst.idx.msk $0xffff, v7  }
0x9a: {  	[tilespmem:v16+s2+$0x0] =	vst.idx.msk $0xffff, v39;
	v4 =	vadd.f32 v36, v32  }
0x9b: {  	[tilespmem:v12+s2+$0x0] =	vst.idx.msk $0xffff, v13;
	v7 =	vadd.f32 v30, v13  }
0x9c: {  	v33 =	vld.idx.msk [tilespmem:v28+s2+$0x0], $0xffff;
	[tilespmem:v15+s2+$0x0] =	vst.idx.msk $0xffff, v4;
	v4 =	vadd.f32 v31, v4  }
0x9d: {  	v36 =	vld.idx.msk [tilespmem:v29+s2+$0x0], $0xffff;
	[tilespmem:v19+s2+$0x0] =	vst.idx.msk $0xffff, v7;
	v7 =	vadd.f32 v35, v7  }
0x9e: {  	[tilespmem:v20+s2+$0x0] =	vst.idx.msk $0xffff, v4;
	v4 =	vadd.f32 v38, v4  }
0x9f: {  	v39 =	vld.idx.msk [tilespmem:v27+s2+$0x0], $0xffff;
	[tilespmem:v24+s2+$0x0] =	vst.idx.msk $0xffff, v7;
	v7 =	vadd.f32 v37, v7  }
0xa0: {  	v40 =	vld.idx.msk [tilespmem:v17+s2+$0x0], $0xffff;
	[tilespmem:v25+s2+$0x0] =	vst.idx.msk $0xffff, v4;
	v4 =	vadd.f32 v18, v4  }
0xa1: {  	[tilespmem:v26+s2+$0x0] =	vst.idx.msk $0xffff, v7;
	v7 =	vadd.f32 v33, v7  }
0xa2: {  	[tilespmem:v9+s2+$0x0] =	vst.idx.msk $0xffff, v4;
	v4 =	vadd.f32 v36, v4  }
0xa3: {  	[tilespmem:v28+s2+$0x0] =	vst.idx.msk $0xffff, v7;
	v7 =	vadd.f32 v23, v7  }
0xa4: {  	s20 =	simm.s32 $0xF;
	[tilespmem:v29+s2+$0x0] =	vst.idx.msk $0xffff, v4;
	v4 =	vadd.f32 v39, v4  }
0xa5: {  	v9 =	vmov s20;
	[tilespmem:v14+s2+$0x0] =	vst.idx.msk $0xffff, v7;
	v7 =	vadd.f32 v40, v7  }
0xa6: {  	s26 =	simm.s32 $0xE;
	vm0 =	veq.s32 v9, v0;
	[tilespmem:v27+s2+$0x0] =	vst.idx.msk $0xffff, v4;
	v4 =	vadd.f32 v21, v4  }
0xa7: {  	v41 =	vmov s26;
	v9 =	vadd.s32 $0x8000, v8;
	v42 =	vsel vm0, $0x381, v3;
	[tilespmem:v17+s2+$0x0] =	vst.idx.msk $0xffff, v7  }
0xa8: {  	s28 =	simm.s32 $0xD;
	vm10 =	veq.s32 v41, v0;
	[tilespmem:v10+s2+$0x0] =	vst.idx.msk $0xffff, v4;
	v10 =	vadd.s32 v8, v42  }
0xa9: {  	[tilespmem:v6+s2+$0x0] =	vst.idx.msk $0xffff, v34;
	v6 =	vmov s28;
	v12 =	vsel vm10, $0x381, v3;
	v13 =	vadd.s32 $0x8000, v10  }
0xaa: {  	s29 =	simm.s32 $0xC;
	[tilespmem:v11+s2+$0x0] =	vst.idx.msk $0xffff, v32;
	vm11 =	veq.s32 v6, v0;
	v6 =	vadd.s32 v12, v10  }
0xab: {  	s21 =	simm.s32 $0xB;
	v43 =	vmov s29;
	v11 =	vsel vm11, $0x381, v3;
	v44 =	vld.idx.msk [tilespmem:v8+s2+$0x0], $0xffff;
	v12 =	vadd.s32 $0x8000, v6  }
0xac: {  	s30 =	simm.s32 $0xA;
	v45 =	vmov s21;
	vm12 =	veq.s32 v43, v0;
	v46 =	vld.idx.msk [tilespmem:v9+s2+$0x0], $0xffff;
	v11 =	vadd.s32 v11, v6  }
0xad: {  	s31 =	simm.s32 $0x9;
	v51 =	vmov s30;
	v48 =	vsel vm12, $0x381, v3;
	v47 =	vadd.s32 $0x8000, v11;
	v49 =	vld.idx.msk [tilespmem:v10+s2+$0x0], $0xffff  }
0xae: {  	v55 =	vmov s31;
	vm1 =	veq.s32 v45, v0;
	v17 =	vadd.s32 v48, v11;
	v20 =	vld.idx.msk [tilespmem:v13+s2+$0x0], $0xffff  }
0xaf: {  	vm13 =	veq.s32 v51, v0;
	v50 =	vsel vm1, $0x381, v3;
	v22 =	vadd.s32 $0x8000, v17;
	v52 =	vld.idx.msk [tilespmem:v6+s2+$0x0], $0xffff  }
0xb0: {  	vm14 =	veq.s32 v55, v0;
	v19 =	vadd.s32 v50, v17;
	v7 =	vadd.f32 v44, v7;
	v24 =	vld.idx.msk [tilespmem:v12+s2+$0x0], $0xffff  }
0xb1: {  	v54 =	vsel vm13, $0x381, v3;
	v53 =	vadd.s32 $0x8000, v19;
	v4 =	vadd.f32 v46, v4;
	v25 =	vld.idx.msk [tilespmem:v11+s2+$0x0], $0xffff  }
0xb2: {  	v56 =	vadd.s32 v54, v19;
	v57 =	vld.idx.msk [tilespmem:v47+s2+$0x0], $0xffff;
	[tilespmem:v8+s2+$0x0] =	vst.idx.msk $0xffff, v7;
	v7 =	vadd.f32 v49, v7  }
0xb3: {  	v59 =	vadd.s32 $0x8000, v56;
	v58 =	vld.idx.msk [tilespmem:v17+s2+$0x0], $0xffff;
	v8 =	vsel vm14, $0x381, v3;
	[tilespmem:v9+s2+$0x0] =	vst.idx.msk $0xffff, v4;
	v4 =	vadd.f32 v20, v4  }
0xb4: {  	v9 =	vld.idx.msk [tilespmem:v22+s2+$0x0], $0xffff;
	v60 =	vadd.s32 v8, v56;
	[tilespmem:v10+s2+$0x0] =	vst.idx.msk $0xffff, v7;
	v7 =	vadd.f32 v52, v7  }
0xb5: {  	v8 =	vadd.s32 $0x8000, v60;
	v10 =	vld.idx.msk [tilespmem:v19+s2+$0x0], $0xffff;
	[tilespmem:v13+s2+$0x0] =	vst.idx.msk $0xffff, v4;
	v4 =	vadd.f32 v24, v4  }
0xb6: {  	v61 =	vld.idx.msk [tilespmem:v53+s2+$0x0], $0xffff;
	[tilespmem:v6+s2+$0x0] =	vst.idx.msk $0xffff, v7;
	v6 =	vadd.f32 v25, v7  }
0xb7: {  	v7 =	vld.idx.msk [tilespmem:v56+s2+$0x0], $0xffff;
	[tilespmem:v12+s2+$0x0] =	vst.idx.msk $0xffff, v4;
	v4 =	vadd.f32 v57, v4  }
0xb8: {  	v62 =	vld.idx.msk [tilespmem:v59+s2+$0x0], $0xffff;
	[tilespmem:v11+s2+$0x0] =	vst.idx.msk $0xffff, v6;
	v6 =	vadd.f32 v58, v6  }
0xb9: {  	v11 =	vld.idx.msk [tilespmem:v60+s2+$0x0], $0xffff;
	[tilespmem:v47+s2+$0x0] =	vst.idx.msk $0xffff, v4;
	v4 =	vadd.f32 v9, v4  }
0xba: {  	v9 =	vld.idx.msk [tilespmem:v8+s2+$0x0], $0xffff;
	[tilespmem:v17+s2+$0x0] =	vst.idx.msk $0xffff, v6;
	v6 =	vadd.f32 v10, v6  }
0xbb: {  	[tilespmem:v22+s2+$0x0] =	vst.idx.msk $0xffff, v4;
	v4 =	vadd.f32 v61, v4  }
0xbc: {  	[tilespmem:v19+s2+$0x0] =	vst.idx.msk $0xffff, v6;
	v6 =	vadd.f32 v7, v6  }
0xbd: {  	v7 =	vmov s19;
	[tilespmem:v53+s2+$0x0] =	vst.idx.msk $0xffff, v4;
	v4 =	vadd.f32 v62, v4  }
0xbe: {  	vm15 =	veq.s32 v7, v0;
	[tilespmem:v56+s2+$0x0] =	vst.idx.msk $0xffff, v6;
	v7 =	vadd.f32 v11, v6  }
0xbf: {  	v6 =	vsel vm15, $0x381, v3;
	[tilespmem:v59+s2+$0x0] =	vst.idx.msk $0xffff, v4;
	v4 =	vadd.f32 v9, v4  }
0xc0: {  	s20 =	simm.s32 $0x0;
	s19 =	simm.s32 $0x70;
	v6 =	vadd.s32 v6, v60;
	[tilespmem:v60+s2+$0x0] =	vst.idx.msk $0xffff, v7  }
.LBB2_7:
0xc1: {  	s21 =	sadd.s32 $0x3, s20;
	s19 =	sadd.s32 $0x8, s19;
	[tilespmem:v8+s2+$0x0] =	vst.idx.msk $0xffff, v4  }
0xc2: {  	s22 =	sadd.s32 $0x7, s20;
	v8 =	vmov s21;
	p0 =	slt.u32 s19, $0x78  }
0xc3: {  	v9 =	vmov s22;
	s21 =	sadd.s32 $0x6, s20;
	vm0 =	veq.s32 v8, v0  }
0xc4: {  	v8 =	vadd.s32 $0x8000, v6;
	vm1 =	veq.s32 v9, v0;
	v9 =	vmov s21;
	s21 =	sadd.s32 $0x5, s20  }
0xc5: {  	v10 =	vsel vm1, $0x381, v3;
	vm1 =	veq.s32 v9, v0;
	v9 =	vmov s21;
	s21 =	sadd.s32 $0x4, s20  }
0xc6: {  	v10 =	vadd.s32 v6, v10;
	v11 =	vsel vm1, $0x381, v3;
	vm1 =	veq.s32 v9, v0  }
0xc7: {  	v9 =	vadd.s32 $0x8000, v10;
	v11 =	vadd.s32 v11, v10;
	v12 =	vsel vm1, $0x381, v3  }
0xc8: {  	v14 =	vmov s21;
	v13 =	vadd.s32 $0x8000, v11;
	v12 =	vadd.s32 v12, v11  }
0xc9: {  	vm1 =	veq.s32 v14, v0;
	v16 =	vadd.s32 $0x8000, v12;
	v15 =	vld.idx.msk [tilespmem:v6+s2+$0x0], $0xffff  }
0xca: {  	v17 =	vsel vm1, $0x381, v3;
	v14 =	vld.idx.msk [tilespmem:v8+s2+$0x0], $0xffff  }
0xcb: {  	v19 =	vsel vm0, $0x381, v3;
	v17 =	vadd.s32 v17, v12;
	v18 =	vld.idx.msk [tilespmem:v10+s2+$0x0], $0xffff  }
0xcc: {  	s21 =	sadd.s32 $0x2, s20;
	v21 =	vadd.s32 $0x8000, v17;
	v19 =	vadd.s32 v19, v17;
	v20 =	vld.idx.msk [tilespmem:v9+s2+$0x0], $0xffff  }
0xcd: {  	v24 =	vmov s21;
	v23 =	vadd.s32 $0x8000, v19;
	v22 =	vld.idx.msk [tilespmem:v11+s2+$0x0], $0xffff  }
0xce: {  	s21 =	sadd.s32 $0x1, s20;
	vm0 =	veq.s32 v24, v0;
	v24 =	vmov s20;
	v25 =	vld.idx.msk [tilespmem:v13+s2+$0x0], $0xffff  }
0xcf: {  	v27 =	vmov s21;
	v26 =	vsel vm0, $0x381, v3;
	v7 =	vadd.f32 v15, v7;
	v15 =	vld.idx.msk [tilespmem:v12+s2+$0x0], $0xffff  }
0xd0: {  	vm0 =	veq.s32 v27, v0;
	v26 =	vadd.s32 v26, v19;
	v4 =	vadd.f32 v14, v4;
	v14 =	vld.idx.msk [tilespmem:v16+s2+$0x0], $0xffff  }
0xd1: {  	v27 =	vsel vm0, $0x381, v3;
	[tilespmem:v6+s2+$0x0] =	vst.idx.msk $0xffff, v7;
	v6 =	vadd.f32 v18, v7;
	v7 =	vld.idx.msk [tilespmem:v17+s2+$0x0], $0xffff;
	v18 =	vadd.s32 $0x8000, v26  }
0xd2: {  	v27 =	vadd.s32 v27, v26;
	[tilespmem:v8+s2+$0x0] =	vst.idx.msk $0xffff, v4;
	v4 =	vadd.f32 v20, v4;
	v20 =	vld.idx.msk [tilespmem:v21+s2+$0x0], $0xffff  }
0xd3: {  	v8 =	vadd.s32 $0x8000, v27;
	[tilespmem:v10+s2+$0x0] =	vst.idx.msk $0xffff, v6;
	v6 =	vadd.f32 v22, v6;
	v10 =	vld.idx.msk [tilespmem:v19+s2+$0x0], $0xffff  }
0xd4: {  	vm0 =	veq.s32 v24, v0;
	[tilespmem:v9+s2+$0x0] =	vst.idx.msk $0xffff, v4;
	v4 =	vadd.f32 v25, v4;
	v9 =	vld.idx.msk [tilespmem:v23+s2+$0x0], $0xffff  }
0xd5: {  	[tilespmem:v11+s2+$0x0] =	vst.idx.msk $0xffff, v6;
	v11 =	vadd.f32 v15, v6;
	v15 =	vld.idx.msk [tilespmem:v26+s2+$0x0], $0xffff;
	v6 =	vsel vm0, $0x381, v3  }
0xd6: {  	[tilespmem:v13+s2+$0x0] =	vst.idx.msk $0xffff, v4;
	v4 =	vadd.f32 v14, v4;
	v13 =	vld.idx.msk [tilespmem:v18+s2+$0x0], $0xffff;
	v6 =	vadd.s32 v6, v27  }
0xd7: {  	[tilespmem:v12+s2+$0x0] =	vst.idx.msk $0xffff, v11;
	v7 =	vadd.f32 v7, v11;
	v11 =	vld.idx.msk [tilespmem:v27+s2+$0x0], $0xffff  }
0xd8: {  	[tilespmem:v16+s2+$0x0] =	vst.idx.msk $0xffff, v4;
	v4 =	vadd.f32 v20, v4;
	v12 =	vld.idx.msk [tilespmem:v8+s2+$0x0], $0xffff  }
0xd9: {  	[tilespmem:v17+s2+$0x0] =	vst.idx.msk $0xffff, v7;
	v7 =	vadd.f32 v10, v7  }
0xda: {  	[tilespmem:v21+s2+$0x0] =	vst.idx.msk $0xffff, v4;
	v4 =	vadd.f32 v9, v4  }
.Ltmp2:
0xdb: {  	[tilespmem:v19+s2+$0x0] =	vst.idx.msk $0xffff, v7;
	v7 =	vadd.f32 v15, v7;
	(pc) =	sbr.rel @p0 .LBB2_7-.Ltmp2, $4  }
0xdc: {  	[tilespmem:v23+s2+$0x0] =	vst.idx.msk $0xffff, v4;
	v4 =	vadd.f32 v13, v4  }
0xdd: {  	[tilespmem:v26+s2+$0x0] =	vst.idx.msk $0xffff, v7;
	v7 =	vadd.f32 v11, v7  }
0xde: {  	[tilespmem:v18+s2+$0x0] =	vst.idx.msk $0xffff, v4;
	v4 =	vadd.f32 v12, v4  }
0xdf: {  	s20 =	sadd.s32 $0xFFFFFFF8, s20;
	[tilespmem:v27+s2+$0x0] =	vst.idx.msk $0xffff, v7  }
0xe0: {  	s18 =	sadd.s32 $0x1, s18  }
0xe1: {  	p0 =	sne.s32 s18, $0xF  }
.Ltmp3:
0xe2: {  	_ = 	snop;
	(pc) =	sbr.rel @p0 .LBB2_4-.Ltmp3, $2  }
0xe3: {  	_ =	sdelay $0x2  }
0xe4: {  	[tilespmem:v8+s2+$0x0] =	vst.idx.msk $0xffff, v4  }
0xe5: {  	v8 =	vadd.s32 $0x8000, v6  }
0xe6: {  	v9 =	vadd.s32 $0x1, v6  }
0xe7: {  	v10 =	vadd.s32 $0x8001, v6  }
0xe8: {  	v11 =	vadd.s32 $0x2, v6  }
0xe9: {  	v12 =	vld.idx.msk [tilespmem:v6+s2+$0x0], $0xffff;
	v14 =	vadd.s32 $0x8002, v6  }
0xea: {  	v15 =	vadd.s32 $0x8006, v6;
	v13 =	vld.idx.msk [tilespmem:v8+s2+$0x0], $0xffff  }
0xeb: {  	v16 =	vadd.s32 $0x4, v6;
	v17 =	vld.idx.msk [tilespmem:v9+s2+$0x0], $0xffff  }
0xec: {  	v18 =	vadd.s32 $0x8004, v6;
	v19 =	vld.idx.msk [tilespmem:v10+s2+$0x0], $0xffff  }
0xed: {  	v20 =	vadd.s32 $0x5, v6;
	v21 =	vld.idx.msk [tilespmem:v11+s2+$0x0], $0xffff  }
0xee: {  	v22 =	vadd.s32 $0x3, v6;
	v23 =	vld.idx.msk [tilespmem:v14+s2+$0x0], $0xffff  }
0xef: {  	v24 =	vadd.s32 $0x8003, v6;
	v25 =	vld.idx.msk [tilespmem:v15+s2+$0x0], $0xffff  }
0xf0: {  	v27 =	vadd.s32 $0x6, v6;
	v26 =	vld.idx.msk [tilespmem:v16+s2+$0x0], $0xffff  }
0xf1: {  	v28 =	vadd.s32 $0x8005, v6;
	v29 =	vld.idx.msk [tilespmem:v18+s2+$0x0], $0xffff  }
0xf2: {  	v31 =	vadd.s32 $0x7, v6;
	v30 =	vld.idx.msk [tilespmem:v20+s2+$0x0], $0xffff  }
0xf3: {  	v32 =	vadd.s32 $0x8007, v6;
	v7 =	vadd.f32 v12, v7;
	v12 =	vld.idx.msk [tilespmem:v22+s2+$0x0], $0xffff  }
0xf4: {  	v37 =	vadd.s32 $0x800C, v6;
	v34 =	vld.idx.msk [tilespmem:v24+s2+$0x0], $0xffff;
	v33 =	vadd.f32 v13, v4  }
0xf5: {  	v35 =	vld.idx.msk [tilespmem:v27+s2+$0x0], $0xffff;
	v13 =	vadd.s32 $0x8, v6;
	v17 =	vadd.f32 v17, v7  }
0xf6: {  	v36 =	vld.idx.msk [tilespmem:v28+s2+$0x0], $0xffff;
	[tilespmem:v6+s2+$0x0] =	vst.idx.msk $0xffff, v7;
	v4 =	vadd.s32 $0x8008, v6;
	v19 =	vadd.f32 v19, v33  }
0xf7: {  	v38 =	vadd.s32 $0x9, v6;
	v7 =	vadd.f32 v21, v17;
	v21 =	vld.idx.msk [tilespmem:v31+s2+$0x0], $0xffff;
	[tilespmem:v8+s2+$0x0] =	vst.idx.msk $0xffff, v33  }
0xf8: {  	v47 =	vadd.s32 $0xA, v6;
	[tilespmem:v9+s2+$0x0] =	vst.idx.msk $0xffff, v17;
	v8 =	vadd.f32 v23, v19;
	v23 =	vld.idx.msk [tilespmem:v32+s2+$0x0], $0xffff  }
0xf9: {  	v17 =	vadd.s32 $0x800A, v6;
	v9 =	vadd.f32 v12, v7;
	[tilespmem:v11+s2+$0x0] =	vst.idx.msk $0xffff, v7;
	v11 =	vld.idx.msk [tilespmem:v37+s2+$0x0], $0xffff  }
0xfa: {  	v39 =	vadd.s32 $0x8009, v6;
	[tilespmem:v10+s2+$0x0] =	vst.idx.msk $0xffff, v19;
	v12 =	vld.idx.msk [tilespmem:v13+s2+$0x0], $0xffff;
	v10 =	vadd.f32 v34, v8  }
0xfb: {  	v19 =	vld.idx.msk [tilespmem:v4+s2+$0x0], $0xffff;
	v7 =	vadd.f32 v26, v9;
	v26 =	vadd.s32 $0xE, v6;
	[tilespmem:v14+s2+$0x0] =	vst.idx.msk $0xffff, v8  }
0xfc: {  	v14 =	vld.idx.msk [tilespmem:v38+s2+$0x0], $0xffff;
	[tilespmem:v22+s2+$0x0] =	vst.idx.msk $0xffff, v9;
	v8 =	vadd.f32 v29, v10  }
0xfd: {  	v29 =	vadd.s32 $0x800F, v6;
	v9 =	vadd.f32 v30, v7;
	v30 =	vld.idx.msk [tilespmem:v47+s2+$0x0], $0xffff;
	[tilespmem:v24+s2+$0x0] =	vst.idx.msk $0xffff, v10  }
0xfe: {  	v48 =	vadd.s32 $0xB, v6;
	v49 =	vadd.s32 $0x800B, v6;
	v24 =	vld.idx.msk [tilespmem:v17+s2+$0x0], $0xffff;
	[tilespmem:v16+s2+$0x0] =	vst.idx.msk $0xffff, v7  }
0xff: {  	v16 =	vld.idx.msk [tilespmem:v39+s2+$0x0], $0xffff;
	v10 =	vadd.f32 v36, v8;
	v7 =	vadd.f32 v35, v9;
	[tilespmem:v18+s2+$0x0] =	vst.idx.msk $0xffff, v8  }
0x100: {  	v50 =	vadd.s32 $0xC, v6;
	[tilespmem:v20+s2+$0x0] =	vst.idx.msk $0xffff, v9;
	v20 =	vadd.s32 $0xD, v6;
	v18 =	vld.idx.msk [tilespmem:v26+s2+$0x0], $0xffff  }
0x101: {  	v8 =	vadd.f32 v25, v10;
	v25 =	vadd.s32 $0xF, v6;
	v9 =	vadd.f32 v21, v7;
	[tilespmem:v28+s2+$0x0] =	vst.idx.msk $0xffff, v10  }
0x102: {  	v28 =	vadd.s32 $0x800D, v6;
	[tilespmem:v27+s2+$0x0] =	vst.idx.msk $0xffff, v7;
	v27 =	vadd.s32 $0x800E, v6;
	v6 =	vadd.s32 $0x10, v6;
	v21 =	vld.idx.msk [tilespmem:v29+s2+$0x0], $0xffff  }
0x103: {  	v10 =	vadd.f32 v23, v8;
	v23 =	vld.idx.msk [tilespmem:v48+s2+$0x0], $0xffff  }
0x104: {  	v22 =	vadd.f32 v12, v9;
	v12 =	vld.idx.msk [tilespmem:v49+s2+$0x0], $0xffff  }
0x105: {  	v51 =	vadd.s32 $0x2, v6;
	[tilespmem:v15+s2+$0x0] =	vst.idx.msk $0xffff, v8;
	v8 =	vld.idx.msk [tilespmem:v50+s2+$0x0], $0xffff;
	v7 =	vadd.f32 v19, v10  }
0x106: {  	v53 =	vadd.s32 $0x8002, v6;
	[tilespmem:v31+s2+$0x0] =	vst.idx.msk $0xffff, v9;
	v14 =	vadd.f32 v14, v22;
	v15 =	vld.idx.msk [tilespmem:v25+s2+$0x0], $0xffff  }
0x107: {  	[tilespmem:v32+s2+$0x0] =	vst.idx.msk $0xffff, v10;
	v52 =	vld.idx.msk [tilespmem:v6+s2+$0x0], $0xffff;
	v10 =	vadd.f32 v16, v7  }
0x108: {  	v40 =	vadd.s32 $0x8006, v6;
	v16 =	vld.idx.msk [tilespmem:v20+s2+$0x0], $0xffff;
	[tilespmem:v38+s2+$0x0] =	vst.idx.msk $0xffff, v14;
	v14 =	vadd.f32 v30, v14  }
0x109: {  	v9 =	vadd.s32 $0x8000, v6;
	v30 =	vld.idx.msk [tilespmem:v28+s2+$0x0], $0xffff;
	[tilespmem:v39+s2+$0x0] =	vst.idx.msk $0xffff, v10;
	v10 =	vadd.f32 v24, v10  }
0x10a: {  	v19 =	vadd.s32 $0x1, v6;
	v56 =	vld.idx.msk [tilespmem:v51+s2+$0x0], $0xffff;
	[tilespmem:v47+s2+$0x0] =	vst.idx.msk $0xffff, v14;
	v14 =	vadd.f32 v23, v14  }
0x10b: {  	v31 =	vadd.s32 $0x8001, v6;
	v41 =	vld.idx.msk [tilespmem:v53+s2+$0x0], $0xffff;
	[tilespmem:v17+s2+$0x0] =	vst.idx.msk $0xffff, v10;
	v10 =	vadd.f32 v12, v10  }
0x10c: {  	v24 =	vld.idx.msk [tilespmem:v27+s2+$0x0], $0xffff;
	v17 =	vadd.s32 $0x4, v6;
	[tilespmem:v48+s2+$0x0] =	vst.idx.msk $0xffff, v14;
	v8 =	vadd.f32 v8, v14  }
0x10d: {  	v54 =	vadd.s32 $0x8004, v6;
	v58 =	vld.idx.msk [tilespmem:v40+s2+$0x0], $0xffff;
	[tilespmem:v49+s2+$0x0] =	vst.idx.msk $0xffff, v10;
	v10 =	vadd.f32 v11, v10  }
0x10e: {  	v55 =	vadd.s32 $0x5, v6;
	v23 =	vld.idx.msk [tilespmem:v9+s2+$0x0], $0xffff;
	[tilespmem:v50+s2+$0x0] =	vst.idx.msk $0xffff, v8;
	v8 =	vadd.f32 v16, v8  }
0x10f: {  	v57 =	vadd.s32 $0x3, v6;
	v12 =	vld.idx.msk [tilespmem:v19+s2+$0x0], $0xffff;
	[tilespmem:v37+s2+$0x0] =	vst.idx.msk $0xffff, v10;
	v10 =	vadd.f32 v30, v10  }
0x110: {  	v14 =	vld.idx.msk [tilespmem:v31+s2+$0x0], $0xffff;
	v16 =	vadd.s32 $0x8007, v6;
	[tilespmem:v20+s2+$0x0] =	vst.idx.msk $0xffff, v8;
	v8 =	vadd.f32 v18, v8  }
0x111: {  	v30 =	vadd.s32 $0x8003, v6;
	v18 =	vld.idx.msk [tilespmem:v17+s2+$0x0], $0xffff;
	[tilespmem:v28+s2+$0x0] =	vst.idx.msk $0xffff, v10;
	v10 =	vadd.f32 v24, v10  }
0x112: {  	v42 =	vadd.s32 $0x6, v6;
	v24 =	vld.idx.msk [tilespmem:v54+s2+$0x0], $0xffff;
	[tilespmem:v26+s2+$0x0] =	vst.idx.msk $0xffff, v8;
	v8 =	vadd.f32 v15, v8  }
0x113: {  	v43 =	vadd.s32 $0x7, v6;
	v26 =	vld.idx.msk [tilespmem:v55+s2+$0x0], $0xffff;
	[tilespmem:v27+s2+$0x0] =	vst.idx.msk $0xffff, v10;
	v10 =	vadd.f32 v21, v10  }
0x114: {  	v28 =	vadd.s32 $0x8005, v6;
	v15 =	vld.idx.msk [tilespmem:v57+s2+$0x0], $0xffff;
	v11 =	vadd.f32 v52, v8;
	[tilespmem:v25+s2+$0x0] =	vst.idx.msk $0xffff, v8  }
0x115: {  	v59 =	vld.idx.msk [tilespmem:v16+s2+$0x0], $0xffff;
	v8 =	vadd.s32 $0x8, v6;
	v20 =	vadd.f32 v23, v10;
	[tilespmem:v29+s2+$0x0] =	vst.idx.msk $0xffff, v10  }
0x116: {  	v21 =	vld.idx.msk [tilespmem:v30+s2+$0x0], $0xffff;
	[tilespmem:v6+s2+$0x0] =	vst.idx.msk $0xffff, v11;
	v10 =	vadd.f32 v12, v11;
	v11 =	vadd.s32 $0x8008, v6  }
0x117: {  	v23 =	vld.idx.msk [tilespmem:v42+s2+$0x0], $0xffff;
	v12 =	vadd.s32 $0x9, v6;
	[tilespmem:v9+s2+$0x0] =	vst.idx.msk $0xffff, v20;
	v14 =	vadd.f32 v14, v20  }
0x118: {  	v29 =	vld.idx.msk [tilespmem:v43+s2+$0x0], $0xffff;
	v9 =	vadd.s32 $0x800C, v6;
	[tilespmem:v19+s2+$0x0] =	vst.idx.msk $0xffff, v10;
	v10 =	vadd.f32 v56, v10  }
0x119: {  	v25 =	vld.idx.msk [tilespmem:v28+s2+$0x0], $0xffff;
	v20 =	vadd.s32 $0x800A, v6;
	[tilespmem:v31+s2+$0x0] =	vst.idx.msk $0xffff, v14;
	v14 =	vadd.f32 v41, v14  }
0x11a: {  	v19 =	vadd.s32 $0xA, v6;
	v60 =	vld.idx.msk [tilespmem:v8+s2+$0x0], $0xffff;
	[tilespmem:v51+s2+$0x0] =	vst.idx.msk $0xffff, v10;
	v10 =	vadd.f32 v15, v10  }
0x11b: {  	v15 =	vadd.s32 $0x8009, v6;
	v61 =	vld.idx.msk [tilespmem:v11+s2+$0x0], $0xffff;
	[tilespmem:v53+s2+$0x0] =	vst.idx.msk $0xffff, v14;
	v21 =	vadd.f32 v21, v14  }
0x11c: {  	v33 =	vld.idx.msk [tilespmem:v12+s2+$0x0], $0xffff;
	[tilespmem:v57+s2+$0x0] =	vst.idx.msk $0xffff, v10;
	v27 =	vadd.f32 v18, v10;
	v14 =	vadd.s32 $0xE, v6  }
0x11d: {  	v18 =	vld.idx.msk [tilespmem:v9+s2+$0x0], $0xffff;
	[tilespmem:v30+s2+$0x0] =	vst.idx.msk $0xffff, v21;
	v21 =	vadd.f32 v24, v21  }
0x11e: {  	v10 =	vadd.s32 $0x800F, v6;
	v31 =	vld.idx.msk [tilespmem:v20+s2+$0x0], $0xffff;
	[tilespmem:v17+s2+$0x0] =	vst.idx.msk $0xffff, v27;
	v17 =	vadd.f32 v26, v27  }
0x11f: {  	v30 =	vld.idx.msk [tilespmem:v19+s2+$0x0], $0xffff;
	v24 =	vadd.s32 $0xB, v6;
	v26 =	vadd.s32 $0x800B, v6;
	[tilespmem:v54+s2+$0x0] =	vst.idx.msk $0xffff, v21  }
0x120: {  	v36 =	vld.idx.msk [tilespmem:v15+s2+$0x0], $0xffff;
	v21 =	vadd.f32 v25, v21;
	[tilespmem:v55+s2+$0x0] =	vst.idx.msk $0xffff, v17;
	v17 =	vadd.f32 v23, v17  }
0x121: {  	v27 =	vadd.s32 $0xC, v6;
	v23 =	vld.idx.msk [tilespmem:v14+s2+$0x0], $0xffff  }
0x122: {  	v25 =	vadd.f32 v58, v21;
	[tilespmem:v42+s2+$0x0] =	vst.idx.msk $0xffff, v17;
	v62 =	vadd.f32 v29, v17;
	v17 =	vadd.s32 $0xF, v6  }
0x123: {  	[tilespmem:v28+s2+$0x0] =	vst.idx.msk $0xffff, v21;
	v21 =	vld.idx.msk [tilespmem:v10+s2+$0x0], $0xffff;
	v29 =	vadd.s32 $0xD, v6  }
0x124: {  	[tilespmem:v13+s2+$0x0] =	vst.idx.msk $0xffff, v22;
	v28 =	vadd.s32 $0x800D, v6;
	v35 =	vld.idx.msk [tilespmem:v24+s2+$0x0], $0xffff;
	v39 =	vadd.f32 v59, v25  }
0x125: {  	v38 =	vld.idx.msk [tilespmem:v26+s2+$0x0], $0xffff;
	[tilespmem:v40+s2+$0x0] =	vst.idx.msk $0xffff, v25;
	v34 =	vadd.f32 v60, v62;
	v25 =	vadd.s32 $0x800E, v6  }
0x126: {  	s18 =	simm.s32 $0x10;
	v37 =	vld.idx.msk [tilespmem:v27+s2+$0x0], $0xffff;
	[tilespmem:v43+s2+$0x0] =	vst.idx.msk $0xffff, v62;
	v6 =	vadd.s32 $0x10, v6;
	v32 =	vadd.f32 v61, v39  }
.LBB2_10:
0x127: {  	v40 =	vadd.s32 $0x8000, v6;
	v13 =	vadd.s32 $0x8006, v6;
	s18 =	sadd.s32 $0x10, s18;
	v42 =	vadd.f32 v33, v34;
	v33 =	vld.idx.msk [tilespmem:v17+s2+$0x0], $0xffff;
	[tilespmem:v4+s2+$0x0] =	vst.idx.msk $0xffff, v7  }
0x128: {  	v41 =	vadd.s32 $0x1, v6;
	v4 =	vmov v11;
	p0 =	slt.u32 s18, $0x60;
	[tilespmem:v16+s2+$0x0] =	vst.idx.msk $0xffff, v39;
	v39 =	vadd.f32 v36, v32;
	v16 =	vld.idx.msk [tilespmem:v29+s2+$0x0], $0xffff  }
0x129: {  	v22 =	vmov v34;
	v36 =	vadd.s32 $0x8001, v6;
	[tilespmem:v12+s2+$0x0] =	vst.idx.msk $0xffff, v42;
	v11 =	vadd.f32 v30, v42;
	v30 =	vld.idx.msk [tilespmem:v28+s2+$0x0], $0xffff  }
0x12a: {  	v34 =	vadd.s32 $0x2, v6;
	v7 =	vmov v32;
	[tilespmem:v15+s2+$0x0] =	vst.idx.msk $0xffff, v39;
	v12 =	vadd.f32 v31, v39;
	v31 =	vld.idx.msk [tilespmem:v25+s2+$0x0], $0xffff  }
0x12b: {  	v39 =	vadd.s32 $0x8002, v6;
	v32 =	vld.idx.msk [tilespmem:v6+s2+$0x0], $0xffff;
	[tilespmem:v19+s2+$0x0] =	vst.idx.msk $0xffff, v11;
	v11 =	vadd.f32 v35, v11  }
0x12c: {  	v42 =	vadd.s32 $0x4, v6;
	v35 =	vadd.s32 $0x3, v6;
	v19 =	vld.idx.msk [tilespmem:v40+s2+$0x0], $0xffff;
	[tilespmem:v20+s2+$0x0] =	vst.idx.msk $0xffff, v12;
	v12 =	vadd.f32 v38, v12  }
0x12d: {  	v43 =	vadd.s32 $0x8004, v6;
	v38 =	vadd.s32 $0x8003, v6;
	v20 =	vld.idx.msk [tilespmem:v41+s2+$0x0], $0xffff;
	[tilespmem:v24+s2+$0x0] =	vst.idx.msk $0xffff, v11;
	v11 =	vadd.f32 v37, v11  }
0x12e: {  	v37 =	vadd.s32 $0x5, v6;
	v24 =	vld.idx.msk [tilespmem:v36+s2+$0x0], $0xffff;
	[tilespmem:v26+s2+$0x0] =	vst.idx.msk $0xffff, v12;
	v15 =	vadd.f32 v18, v12  }
0x12f: {  	v44 =	vadd.s32 $0x8005, v6;
	v18 =	vld.idx.msk [tilespmem:v34+s2+$0x0], $0xffff;
	[tilespmem:v27+s2+$0x0] =	vst.idx.msk $0xffff, v11;
	v11 =	vadd.f32 v16, v11  }
0x130: {  	v12 =	vadd.s32 $0x9, v6;
	v26 =	vld.idx.msk [tilespmem:v39+s2+$0x0], $0xffff;
	[tilespmem:v9+s2+$0x0] =	vst.idx.msk $0xffff, v15;
	v9 =	vadd.f32 v30, v15  }
0x131: {  	v15 =	vadd.s32 $0x8009, v6;
	v45 =	vld.idx.msk [tilespmem:v13+s2+$0x0], $0xffff;
	[tilespmem:v29+s2+$0x0] =	vst.idx.msk $0xffff, v11;
	v11 =	vadd.f32 v23, v11  }
0x132: {  	v29 =	vadd.s32 $0x6, v6;
	v23 =	vld.idx.msk [tilespmem:v42+s2+$0x0], $0xffff;
	[tilespmem:v28+s2+$0x0] =	vst.idx.msk $0xffff, v9;
	v9 =	vadd.f32 v31, v9  }
0x133: {  	v27 =	vld.idx.msk [tilespmem:v43+s2+$0x0], $0xffff;
	[tilespmem:v14+s2+$0x0] =	vst.idx.msk $0xffff, v11;
	v11 =	vadd.f32 v33, v11  }
0x134: {  	v46 =	vadd.s32 $0x7, v6;
	v28 =	vld.idx.msk [tilespmem:v37+s2+$0x0], $0xffff;
	[tilespmem:v25+s2+$0x0] =	vst.idx.msk $0xffff, v9;
	v9 =	vadd.f32 v21, v9  }
0x135: {  	v16 =	vadd.s32 $0x8007, v6;
	v14 =	vadd.f32 v32, v11;
	v21 =	vld.idx.msk [tilespmem:v35+s2+$0x0], $0xffff;
	[tilespmem:v17+s2+$0x0] =	vst.idx.msk $0xffff, v11  }
0x136: {  	v47 =	vadd.s32 $0x8, v6;
	v17 =	vadd.f32 v19, v9;
	v25 =	vld.idx.msk [tilespmem:v38+s2+$0x0], $0xffff;
	[tilespmem:v10+s2+$0x0] =	vst.idx.msk $0xffff, v9  }
0x137: {  	v11 =	vadd.s32 $0x8008, v6;
	[tilespmem:v6+s2+$0x0] =	vst.idx.msk $0xffff, v14;
	v10 =	vadd.f32 v20, v14;
	v32 =	vld.idx.msk [tilespmem:v29+s2+$0x0], $0xffff  }
0x138: {  	v9 =	vadd.s32 $0x800C, v6;
	[tilespmem:v40+s2+$0x0] =	vst.idx.msk $0xffff, v17;
	v14 =	vadd.f32 v24, v17;
	v17 =	vld.idx.msk [tilespmem:v44+s2+$0x0], $0xffff  }
0x139: {  	[tilespmem:v41+s2+$0x0] =	vst.idx.msk $0xffff, v10;
	v10 =	vadd.f32 v18, v10;
	v40 =	vld.idx.msk [tilespmem:v46+s2+$0x0], $0xffff  }
0x13a: {  	v19 =	vadd.s32 $0xA, v6;
	[tilespmem:v36+s2+$0x0] =	vst.idx.msk $0xffff, v14;
	v14 =	vadd.f32 v26, v14;
	v41 =	vld.idx.msk [tilespmem:v16+s2+$0x0], $0xffff  }
0x13b: {  	v20 =	vadd.s32 $0x800A, v6;
	[tilespmem:v34+s2+$0x0] =	vst.idx.msk $0xffff, v10;
	v10 =	vadd.f32 v21, v10;
	v34 =	vld.idx.msk [tilespmem:v47+s2+$0x0], $0xffff  }
0x13c: {  	[tilespmem:v39+s2+$0x0] =	vst.idx.msk $0xffff, v14;
	v21 =	vadd.f32 v25, v14;
	v48 =	vld.idx.msk [tilespmem:v11+s2+$0x0], $0xffff  }
0x13d: {  	v14 =	vadd.s32 $0xE, v6;
	[tilespmem:v35+s2+$0x0] =	vst.idx.msk $0xffff, v10;
	v23 =	vadd.f32 v23, v10;
	v18 =	vld.idx.msk [tilespmem:v9+s2+$0x0], $0xffff  }
0x13e: {  	v10 =	vadd.s32 $0x800F, v6;
	[tilespmem:v38+s2+$0x0] =	vst.idx.msk $0xffff, v21;
	v21 =	vadd.f32 v27, v21;
	v33 =	vld.idx.msk [tilespmem:v12+s2+$0x0], $0xffff  }
0x13f: {  	v24 =	vadd.s32 $0xB, v6;
	[tilespmem:v42+s2+$0x0] =	vst.idx.msk $0xffff, v23;
	v23 =	vadd.f32 v28, v23;
	v30 =	vld.idx.msk [tilespmem:v19+s2+$0x0], $0xffff  }
0x140: {  	v26 =	vadd.s32 $0x800B, v6;
	[tilespmem:v43+s2+$0x0] =	vst.idx.msk $0xffff, v21;
	v17 =	vadd.f32 v17, v21;
	v31 =	vld.idx.msk [tilespmem:v20+s2+$0x0], $0xffff  }
0x141: {  	v27 =	vadd.s32 $0xC, v6;
	[tilespmem:v37+s2+$0x0] =	vst.idx.msk $0xffff, v23;
	v21 =	vadd.f32 v32, v23;
	v36 =	vld.idx.msk [tilespmem:v15+s2+$0x0], $0xffff  }
.Ltmp4:
0x142: {  	[tilespmem:v44+s2+$0x0] =	vst.idx.msk $0xffff, v17;
	v25 =	vadd.f32 v45, v17;
	v23 =	vld.idx.msk [tilespmem:v14+s2+$0x0], $0xffff;
	v17 =	vadd.s32 $0xF, v6;
	(pc) =	sbr.rel @p0 .LBB2_10-.Ltmp4, $4  }
0x143: {  	[tilespmem:v29+s2+$0x0] =	vst.idx.msk $0xffff, v21;
	v32 =	vadd.f32 v40, v21;
	v29 =	vadd.s32 $0xD, v6;
	v21 =	vld.idx.msk [tilespmem:v10+s2+$0x0], $0xffff  }
0x144: {  	v28 =	vadd.s32 $0x800D, v6;
	[tilespmem:v13+s2+$0x0] =	vst.idx.msk $0xffff, v25;
	v39 =	vadd.f32 v41, v25;
	v35 =	vld.idx.msk [tilespmem:v24+s2+$0x0], $0xffff  }
0x145: {  	v25 =	vadd.s32 $0x800E, v6;
	[tilespmem:v46+s2+$0x0] =	vst.idx.msk $0xffff, v32;
	v34 =	vadd.f32 v34, v32;
	v38 =	vld.idx.msk [tilespmem:v26+s2+$0x0], $0xffff  }
0x146: {  	v6 =	vadd.s32 $0x10, v6;
	v32 =	vadd.f32 v48, v39;
	v37 =	vld.idx.msk [tilespmem:v27+s2+$0x0], $0xffff;
	[tilespmem:v8+s2+$0x0] =	vst.idx.msk $0xffff, v22;
	v8 =	vmov v47  }
0x147: {  	_ =	sdelay $0x3  }
0x148: {  	v13 =	vadd.f32 v33, v34;
	[tilespmem:v4+s2+$0x0] =	vst.idx.msk $0xffff, v7  }
0x149: {  	[tilespmem:v16+s2+$0x0] =	vst.idx.msk $0xffff, v39;
	v4 =	vadd.f32 v36, v32  }
0x14a: {  	[tilespmem:v12+s2+$0x0] =	vst.idx.msk $0xffff, v13;
	v7 =	vadd.f32 v30, v13  }
0x14b: {  	v12 =	vld.idx.msk [tilespmem:v29+s2+$0x0], $0xffff;
	[tilespmem:v15+s2+$0x0] =	vst.idx.msk $0xffff, v4;
	v4 =	vadd.f32 v31, v4  }
0x14c: {  	v13 =	vld.idx.msk [tilespmem:v28+s2+$0x0], $0xffff;
	[tilespmem:v19+s2+$0x0] =	vst.idx.msk $0xffff, v7;
	v7 =	vadd.f32 v35, v7  }
0x14d: {  	[tilespmem:v20+s2+$0x0] =	vst.idx.msk $0xffff, v4;
	v4 =	vadd.f32 v38, v4  }
0x14e: {  	v15 =	vld.idx.msk [tilespmem:v25+s2+$0x0], $0xffff;
	[tilespmem:v24+s2+$0x0] =	vst.idx.msk $0xffff, v7;
	v7 =	vadd.f32 v37, v7  }
0x14f: {  	[tilespmem:v26+s2+$0x0] =	vst.idx.msk $0xffff, v4;
	v4 =	vadd.f32 v18, v4  }
0x150: {  	v16 =	vld.idx.msk [tilespmem:v17+s2+$0x0], $0xffff;
	[tilespmem:v27+s2+$0x0] =	vst.idx.msk $0xffff, v7;
	v7 =	vadd.f32 v12, v7  }
0x151: {  	s18 =	simm.s32 $0xF;
	[tilespmem:v9+s2+$0x0] =	vst.idx.msk $0xffff, v4;
	v4 =	vadd.f32 v13, v4  }
0x152: {  	v12 =	vmov s18;
	[tilespmem:v29+s2+$0x0] =	vst.idx.msk $0xffff, v7  }
0x153: {  	v7 =	vadd.f32 v23, v7;
	[tilespmem:v28+s2+$0x0] =	vst.idx.msk $0xffff, v4;
	v9 =	vadd.f32 v15, v4;
	v4 =	vadd.s32 $0xFFFFFFFF, v0  }
0x154: {  	[tilespmem:v8+s2+$0x0] =	vst.idx.msk $0xffff, v34;
	s28 =	simm.s32 $0xC;
	vm1 =	vgt.s32 v12, v4  }
0x155: {  	s25 =	simm.s32 $0xE;
	v13 =	vmov s28;
	[tilespmem:v14+s2+$0x0] =	vst.idx.msk $0xffff, v7;
	v16 =	vadd.f32 v16, v7;
	v7 =	vadd.s32 $0x8000, v6  }
0x156: {  	vm3 =	vgt.s32 v13, v4;
	[tilespmem:v25+s2+$0x0] =	vst.idx.msk $0xffff, v9;
	v12 =	vadd.f32 v21, v9;
	v9 =	vmov s25  }
0x157: {  	v19 =	vadd.s32 $0x3, v6;
	[tilespmem:v17+s2+$0x0] =	vst.idx.msk $0xffff, v16;
	vm2 =	vgt.s32 v9, v4  }
0x158: {  	s26 =	simm.s32 $0xD;
	[tilespmem:v10+s2+$0x0] =	vst.idx.msk $0xffff, v12;
	v10 =	vadd.s32 $0x1, v6  }
0x159: {  	v8 =	vadd.s32 $0x8001, v6;
	[tilespmem:v11+s2+$0x0] =	vst.idx.msk $0xffff, v32;
	v9 =	vmov s26  }
0x15a: {  	s29 =	simm.s32 $0xB;
	v17 =	vadd.s32 $0x8003, v6;
	vm6 =	vgt.s32 v9, v4;
	v23 =	vld.idx.msk [tilespmem:v6+s2+$0x0], vm1  }
0x15b: {  	v11 =	vadd.s32 $0x2, v6;
	v13 =	vmov s29;
	v24 =	vld.idx.msk [tilespmem:v7+s2+$0x0], vm1  }
0x15c: {  	s30 =	simm.s32 $0xA;
	vm4 =	vgt.s32 v13, v4;
	v9 =	vadd.s32 $0x8002, v6;
	v27 =	vld.idx.msk [tilespmem:v19+s2+$0x0], vm3  }
0x15d: {  	v22 =	vadd.s32 $0x8005, v6;
	v18 =	vadd.s32 $0x4, v6;
	s18 =	simm.s32 $0x8;
	v13 =	vmov s30;
	v26 =	vld.idx.msk [tilespmem:v10+s2+$0x0], vm2  }
0x15e: {  	s31 =	simm.s32 $0x9;
	v20 =	vadd.s32 $0x8004, v6;
	v62 =	vmov s18;
	vm5 =	vgt.s32 v13, v4;
	v30 =	vld.idx.msk [tilespmem:v8+s2+$0x0], vm2  }
0x15f: {  	v15 =	vmov s31;
	v14 =	vadd.s32 $0x6, v6;
	v21 =	vadd.s32 $0x5, v6;
	v31 =	vld.idx.msk [tilespmem:v17+s2+$0x0], vm3  }
0x160: {  	vm7 =	vgt.s32 v62, v4;
	v13 =	vadd.s32 $0x8, v6;
	vm0 =	vmmov vm6;
	v25 =	vld.idx.msk [tilespmem:v11+s2+$0x0], vm6  }
0x161: {  	v29 =	vld.idx.msk [tilespmem:v9+s2+$0x0], vm6;
	vm6 =	vgt.s32 v15, v4;
	v23 =	vnsel vm1, $0x0, v23;
	v24 =	vnsel vm1, $0x0, v24  }
0x162: {  	v28 =	vld.idx.msk [tilespmem:v18+s2+$0x0], vm4;
	v15 =	vadd.s32 $0x8006, v6;
	v32 =	vadd.f32 v23, v16;
	v12 =	vadd.f32 v24, v12  }
0x163: {  	v23 =	vadd.s32 $0x7, v6;
	v16 =	vnsel vm2, $0x0, v26;
	v24 =	vnsel vm2, $0x0, v30;
	v30 =	vld.idx.msk [tilespmem:v20+s2+$0x0], vm4  }
0x164: {  	s19 =	simm.s32 $0x70;
	v26 =	vld.idx.msk [tilespmem:v21+s2+$0x0], vm5;
	v33 =	vadd.f32 v16, v32;
	v16 =	vadd.f32 v24, v12;
	v24 =	vadd.s32 $0x8007, v6  }
.LBB2_12:
0x165: {  	v25 =	vnsel vm0, $0x0, v25  }
0x166: {  	[tilespmem:v6+s2+$0x0] =	vst.idx.msk vm1, v32;
	v29 =	vnsel vm0, $0x0, v29;
	v32 =	vld.idx.msk [tilespmem:v22+s2+$0x0], vm5;
	v6 =	vmovc v13;
	vm8 =	vmmov vm1;
	vm9 =	vmmov vm2  }
0x167: {  	v34 =	vadd.s32 $0x2, v13;
	v25 =	vadd.f32 v25, v33;
	v29 =	vadd.f32 v29, v16;
	v35 =	vld.idx.msk [tilespmem:v14+s2+$0x0], vm6  }
0x168: {  	v27 =	vnsel vm3, $0x0, v27;
	v31 =	vnsel vm3, $0x0, v31;
	[tilespmem:v10+s2+$0x0] =	vst.idx.msk vm2, v33;
	v10 =	vadd.s32 $0x1, v13;
	v33 =	vld.idx.msk [tilespmem:v15+s2+$0x0], vm6  }
0x169: {  	v36 =	vadd.s32 $0x8001, v13;
	s18 =	sadd.s32 $0xFFFFFFF8, s18;
	v27 =	vadd.f32 v27, v25;
	v31 =	vadd.f32 v31, v29;
	v37 =	vld.idx.msk [tilespmem:v23+s2+$0x0], vm7  }
0x16a: {  	v38 =	vadd.s32 $0x8000, v13;
	s20 =	sadd.s32 $0x7, s18;
	[tilespmem:v11+s2+$0x0] =	vst.idx.msk vm0, v25;
	v25 =	vnsel vm4, $0x0, v28;
	v28 =	vnsel vm4, $0x0, v30;
	v30 =	vld.idx.msk [tilespmem:v24+s2+$0x0], vm7;
	v11 =	vmovc v34  }
0x16b: {  	s19 =	sadd.s32 $0x8, s19;
	v34 =	vmov s20;
	[tilespmem:v19+s2+$0x0] =	vst.idx.msk vm3, v27;
	v19 =	vadd.f32 v25, v27;
	v25 =	vadd.f32 v28, v31  }
0x16c: {  	p0 =	slt.u32 s19, $0x78;
	s20 =	sadd.s32 $0x6, s18;
	vm1 =	vgt.s32 v34, v4;
	[tilespmem:v17+s2+$0x0] =	vst.idx.msk vm3, v31;
	v17 =	vnsel vm5, $0x0, v26;
	v26 =	vnsel vm5, $0x0, v32  }
0x16d: {  	v27 =	vmov s20;
	[tilespmem:v18+s2+$0x0] =	vst.idx.msk vm4, v19;
	v17 =	vadd.f32 v17, v19;
	v18 =	vadd.f32 v26, v25  }
0x16e: {  	s20 =	sadd.s32 $0x5, s18;
	vm2 =	vgt.s32 v27, v4;
	v19 =	vnsel vm6, $0x0, v35;
	[tilespmem:v20+s2+$0x0] =	vst.idx.msk vm4, v25;
	v20 =	vnsel vm6, $0x0, v33  }
0x16f: {  	v25 =	vmov s20;
	[tilespmem:v21+s2+$0x0] =	vst.idx.msk vm5, v17;
	v17 =	vadd.f32 v19, v17;
	v19 =	vadd.f32 v20, v18  }
0x170: {  	s20 =	sadd.s32 $0x4, s18;
	vm10 =	vgt.s32 v25, v4;
	v20 =	vnsel vm7, $0x0, v30;
	[tilespmem:v22+s2+$0x0] =	vst.idx.msk vm5, v18;
	v18 =	vnsel vm7, $0x0, v37  }
0x171: {  	v21 =	vmov s20;
	[tilespmem:v14+s2+$0x0] =	vst.idx.msk vm6, v17;
	v26 =	vadd.f32 v18, v17;
	v28 =	vadd.f32 v20, v19  }
0x172: {  	s20 =	sadd.s32 $0x3, s18;
	vm3 =	vgt.s32 v21, v4;
	v14 =	vadd.s32 $0x8002, v13;
	v30 =	vld.idx.msk [tilespmem:v13+s2+$0x0], vm1;
	[tilespmem:v15+s2+$0x0] =	vst.idx.msk vm6, v19  }
0x173: {  	v19 =	vadd.s32 $0x3, v13;
	v15 =	vmov s20;
	v31 =	vld.idx.msk [tilespmem:v38+s2+$0x0], vm1;
	[tilespmem:v23+s2+$0x0] =	vst.idx.msk vm7, v26  }
0x174: {  	v17 =	vadd.s32 $0x8003, v13;
	s20 =	sadd.s32 $0x2, s18;
	vm4 =	vgt.s32 v15, v4;
	v23 =	vld.idx.msk [tilespmem:v10+s2+$0x0], vm2;
	[tilespmem:v24+s2+$0x0] =	vst.idx.msk vm7, v28  }
0x175: {  	v18 =	vadd.s32 $0x4, v13;
	v15 =	vmov s20;
	v24 =	vld.idx.msk [tilespmem:v36+s2+$0x0], vm2;
	[tilespmem:v9+s2+$0x0] =	vst.idx.msk vm0, v29;
	v9 =	vmovc v14;
	vm0 =	vmmov vm10  }
0x176: {  	v20 =	vadd.s32 $0x8004, v6;
	v13 =	vadd.s32 $0x8, v13;
	s20 =	sadd.s32 $0x1, s18;
	vm5 =	vgt.s32 v15, v4;
	v25 =	vld.idx.msk [tilespmem:v11+s2+$0x0], vm10;
	[tilespmem:v8+s2+$0x0] =	vst.idx.msk vm9, v16  }
0x177: {  	v21 =	vadd.s32 $0x5, v6;
	v15 =	vmov s20;
	v8 =	vmovc v36;
	v29 =	vld.idx.msk [tilespmem:v14+s2+$0x0], vm10;
	v14 =	vadd.s32 $0x6, v6;
	[tilespmem:v7+s2+$0x0] =	vst.idx.msk vm8, v12;
	v7 =	vmovc v38  }
.Ltmp5:
0x178: {  	v22 =	vadd.s32 $0x8005, v6;
	vm6 =	vgt.s32 v15, v4;
	v15 =	vadd.s32 $0x8006, v6;
	v27 =	vld.idx.msk [tilespmem:v19+s2+$0x0], vm3;
	(pc) =	sbr.rel @p0 .LBB2_12-.Ltmp5, $4  }
0x179: {  	v12 =	vnsel vm1, $0x0, v30;
	v30 =	vmov s18;
	v16 =	vnsel vm1, $0x0, v31;
	v31 =	vld.idx.msk [tilespmem:v17+s2+$0x0], vm3  }
0x17a: {  	v32 =	vadd.f32 v12, v26;
	vm7 =	vgt.s32 v30, v4;
	v12 =	vadd.f32 v16, v28;
	v28 =	vld.idx.msk [tilespmem:v18+s2+$0x0], vm4  }
0x17b: {  	v16 =	vnsel vm2, $0x0, v23;
	v23 =	vadd.s32 $0x7, v6;
	v24 =	vnsel vm2, $0x0, v24;
	v30 =	vld.idx.msk [tilespmem:v20+s2+$0x0], vm4  }
0x17c: {  	v33 =	vadd.f32 v16, v32;
	v16 =	vadd.f32 v24, v12;
	v24 =	vadd.s32 $0x8007, v6;
	v26 =	vld.idx.msk [tilespmem:v21+s2+$0x0], vm5  }
0x17d: {  	_ =	sdelay $0x3  }
0x17e: {  	v13 =	vnsel vm0, $0x0, v25  }
0x17f: {  	v56 =	vnsel vm0, $0x0, v29;
	[tilespmem:v6+s2+$0x0] =	vst.idx.msk vm1, v32;
	vm1 =	vmmov vm1;
	v13 =	vadd.f32 v13, v33  }
0x180: {  	v27 =	vnsel vm3, $0x0, v27;
	v25 =	vadd.f32 v56, v16;
	[tilespmem:v10+s2+$0x0] =	vst.idx.msk vm2, v33  }
0x181: {  	v10 =	vnsel vm3, $0x0, v31;
	vm2 =	vmmov vm2;
	v27 =	vadd.f32 v27, v13;
	[tilespmem:v11+s2+$0x0] =	vst.idx.msk vm0, v13  }
0x182: {  	v6 =	vld.idx.msk [tilespmem:v22+s2+$0x0], vm5;
	v10 =	vadd.f32 v10, v25;
	[tilespmem:v9+s2+$0x0] =	vst.idx.msk vm0, v25  }
0x183: {  	v57 =	vld.idx.msk [tilespmem:v14+s2+$0x0], vm6;
	v11 =	vnsel vm4, $0x0, v28;
	[tilespmem:v19+s2+$0x0] =	vst.idx.msk vm3, v27  }
0x184: {  	v58 =	vld.idx.msk [tilespmem:v15+s2+$0x0], vm6;
	v11 =	vadd.f32 v11, v27;
	[tilespmem:v17+s2+$0x0] =	vst.idx.msk vm3, v10  }
0x185: {  	v13 =	vld.idx.msk [tilespmem:v23+s2+$0x0], vm7;
	v59 =	vnsel vm4, $0x0, v30;
	[tilespmem:v7+s2+$0x0] =	vst.idx.msk vm1, v12  }
0x186: {  	v60 =	vld.idx.msk [tilespmem:v24+s2+$0x0], vm7;
	v61 =	vadd.f32 v59, v10;
	v10 =	vnsel vm5, $0x0, v26;
	[tilespmem:v18+s2+$0x0] =	vst.idx.msk vm4, v11  }
0x187: {  	v6 =	vnsel vm5, $0x0, v6;
	v10 =	vadd.f32 v10, v11;
	[tilespmem:v8+s2+$0x0] =	vst.idx.msk vm2, v16  }
0x188: {  	v6 =	vadd.f32 v6, v61;
	v11 =	vnsel vm6, $0x0, v57;
	[tilespmem:v20+s2+$0x0] =	vst.idx.msk vm4, v61  }
0x189: {  	v62 =	vnsel vm6, $0x0, v58;
	[tilespmem:v21+s2+$0x0] =	vst.idx.msk vm5, v10;
	v10 =	vadd.f32 v11, v10  }
0x18a: {  	v11 =	vadd.f32 v62, v6;
	[tilespmem:v22+s2+$0x0] =	vst.idx.msk vm5, v6;
	v6 =	vnsel vm7, $0x0, v13  }
0x18b: {  	v13 =	vnsel vm7, $0x0, v60;
	[tilespmem:v14+s2+$0x0] =	vst.idx.msk vm6, v10;
	v6 =	vadd.f32 v6, v10  }
0x18c: {  	v10 =	vadd.f32 v13, v11;
	[tilespmem:v15+s2+$0x0] =	vst.idx.msk vm6, v11  }
0x18d: {  	[tilespmem:v23+s2+$0x0] =	vst.idx.msk vm7, v6  }
0x18e: {  	s18 =	simm.s32 $0xF;
	[tilespmem:v24+s2+$0x0] =	vst.idx.msk vm7, v10  }
0x18f: {  	[hbm4b:s5+s2] =	stream.linear.scatter [tilespmem:s2], [sflag:$0x3], $0x10000, $0x38;
	v63 =	vld [tilespmem:$0x0]  }
0x190: {  	v6 =	vmov s18;
	_ =	swait.ge [sflag:s14], $0x10000  }
0x191: {  	vm0 =	vlt.s32 v6, v2;
	[sflag:s14] =	ssyncset.done $0x0  }
0x192: {  	[sflag:s14] =	ssyncadd.s32 $0xFFFF0000  }
0x193: {  	[tilespmem:s2], [sflag:$0x1] =	stream.linear.gather [hbm4b:s6+s2], $0x10000, $0x38;
	v63 =	vld [tilespmem:$0x0]  }
0x194: {  	_ =	swait.ge [sflag:s15], $0x10000  }
0x195: {  	[sflag:s15] =	ssyncset.done $0x0  }
0x196: {  	[sflag:s15] =	ssyncadd.s32 $0xFFFF0000  }
0x197: {  	v8 =	vld.idx.msk [tilespmem:v1+s12+$0x0], vm0  }
0x198: {  	s30 =	simm.s32 $0xE;
	v9 =	vld.idx.msk [tilespmem:v5+s12+$0x0], vm0  }
0x199: {  	v6 =	vmov s30  }
0x19a: {  	vm3 =	vlt.s32 v6, v2  }
0x19b: {  	v7 =	vadd.s32 $0x1, v1;
	v11 =	vimm.f32 $0.0e+00;
	vm0 =	vmmov vm0  }
0x19c: {  	v6 =	vadd.s32 $0x8000, v7;
	vm0 =	vmmov vm0  }
0x19d: {  	v13 =	vmov v1;
	v8 =	vnsel vm0, $0x0, v8;
	v9 =	vnsel vm0, $0x0, v9  }
0x19e: {  	v8 =	vadd.f32 v8, v11;
	v9 =	vadd.f32 v9, v11;
	v11 =	vmov v5  }
0x19f: {  	s31 =	simm.s32 $0xD  }
0x1a0: {  	v12 =	vmov s31;
	v10 =	vld.idx.msk [tilespmem:v7+s12+$0x0], vm3  }
0x1a1: {  	vm2 =	vlt.s32 v12, v2;
	s18 =	simm.s32 $0xC;
	vm1 =	vmmov vm3;
	v12 =	vld.idx.msk [tilespmem:v6+s12+$0x0], vm3  }
.LBB2_14:
0x1a2: {  	p0 =	sne.s32 s18, $0x1;
	[tilespmem:v13+s12+$0x0] =	vst.idx.msk vm0, v8;
	v13 =	vmov v7;
	v7 =	vadd.s32 $0x1, v7  }
0x1a3: {  	[tilespmem:v11+s12+$0x0] =	vst.idx.msk vm0, v9;
	v11 =	vmovc v6;
	v6 =	vadd.s32 $0x8000, v7;
	vm0 =	vmmov vm1;
	vm1 =	vmmov vm2  }
.Ltmp6:
0x1a4: {  	(pc) =	sbr.rel @p0 .LBB2_14-.Ltmp6, $4  }
0x1a5: {  	_ = 	snop  }
0x1a6: {  	v14 =	vnsel vm0, $0x0, v10  }
0x1a7: {  	v15 =	vmov s18;
	v8 =	vadd.f32 v14, v8;
	v14 =	vnsel vm0, $0x0, v12;
	v10 =	vld.idx.msk [tilespmem:v7+s12+$0x0], vm2  }
0x1a8: {  	s18 =	sadd.s32 $0xFFFFFFFF, s18;
	v9 =	vadd.f32 v14, v9;
	v12 =	vld.idx.msk [tilespmem:v6+s12+$0x0], vm2;
	vm2 =	vlt.s32 v15, v2  }
0x1a9: {  	v14 =	vadd.s32 $0x1, v7  }
0x1aa: {  	v15 =	vadd.s32 $0x8000, v14;
	_ =	sdelay $0x3  }
0x1ab: {  	vm1 =	vmmov vm1;
	v16 =	vld.idx.msk [tilespmem:v14+s12+$0x0], vm2  }
0x1ac: {  	vm15 =	vmmov vm2;
	v17 =	vld.idx.msk [tilespmem:v15+s12+$0x0], vm2  }
0x1ad: {  	vm2 =	vmmov vm15  }
0x1ae: {  	v10 =	vnsel vm1, $0x0, v10  }
0x1af: {  	[tilespmem:v13+s12+$0x0] =	vst.idx.msk vm0, v8;
	v8 =	vadd.f32 v10, v8;
	v10 =	vnsel vm1, $0x0, v12  }
0x1b0: {  	[tilespmem:v11+s12+$0x0] =	vst.idx.msk vm0, v9;
	v9 =	vadd.f32 v10, v9;
	v10 =	vnsel vm2, $0x0, v16  }
0x1b1: {  	[tilespmem:v7+s12+$0x0] =	vst.idx.msk vm1, v8;
	v8 =	vadd.f32 v10, v8;
	v7 =	vnsel vm2, $0x0, v17  }
0x1b2: {  	[tilespmem:v6+s12+$0x0] =	vst.idx.msk vm1, v9;
	v6 =	vadd.f32 v7, v9  }
0x1b3: {  	[tilespmem:v14+s12+$0x0] =	vst.idx.msk vm2, v8  }
0x1b4: {  	s18 =	simm.s32 $0x0;
	v7 =	vadd.s32 $0x1, v14;
	[tilespmem:v15+s12+$0x0] =	vst.idx.msk vm2, v6  }
.LBB2_16:
0x1b5: {  	v9 =	vadd.s32 $0x8000, v7  }
0x1b6: {  	v10 =	vadd.s32 $0x1, v7  }
0x1b7: {  	v11 =	vadd.s32 $0x8001, v7  }
0x1b8: {  	v12 =	vadd.s32 $0x2, v7  }
0x1b9: {  	v13 =	vld.idx.msk [tilespmem:v7+s12+$0x0], $0xffff;
	v15 =	vadd.s32 $0x8002, v7  }
0x1ba: {  	v16 =	vadd.s32 $0x8006, v7;
	v14 =	vld.idx.msk [tilespmem:v9+s12+$0x0], $0xffff  }
0x1bb: {  	v17 =	vadd.s32 $0x4, v7;
	v18 =	vld.idx.msk [tilespmem:v10+s12+$0x0], $0xffff  }
0x1bc: {  	v19 =	vadd.s32 $0x8004, v7;
	v20 =	vld.idx.msk [tilespmem:v11+s12+$0x0], $0xffff  }
0x1bd: {  	v21 =	vadd.s32 $0x5, v7;
	v22 =	vld.idx.msk [tilespmem:v12+s12+$0x0], $0xffff  }
0x1be: {  	v23 =	vadd.s32 $0x3, v7;
	v24 =	vld.idx.msk [tilespmem:v15+s12+$0x0], $0xffff  }
0x1bf: {  	v25 =	vadd.s32 $0x8003, v7;
	v26 =	vld.idx.msk [tilespmem:v16+s12+$0x0], $0xffff  }
0x1c0: {  	v28 =	vadd.s32 $0x6, v7;
	v27 =	vld.idx.msk [tilespmem:v17+s12+$0x0], $0xffff  }
0x1c1: {  	v29 =	vadd.s32 $0x8005, v7;
	v30 =	vld.idx.msk [tilespmem:v19+s12+$0x0], $0xffff  }
0x1c2: {  	v32 =	vadd.s32 $0x7, v7;
	v31 =	vld.idx.msk [tilespmem:v21+s12+$0x0], $0xffff;
	v8 =	vadd.f32 v13, v8  }
0x1c3: {  	v33 =	vadd.s32 $0x8007, v7;
	v13 =	vld.idx.msk [tilespmem:v23+s12+$0x0], $0xffff;
	v34 =	vadd.f32 v14, v6  }
0x1c4: {  	v38 =	vadd.s32 $0x800C, v7;
	v35 =	vld.idx.msk [tilespmem:v25+s12+$0x0], $0xffff;
	v18 =	vadd.f32 v18, v8  }
0x1c5: {  	v36 =	vld.idx.msk [tilespmem:v28+s12+$0x0], $0xffff;
	[tilespmem:v7+s12+$0x0] =	vst.idx.msk $0xffff, v8;
	v14 =	vadd.s32 $0x8, v7;
	v20 =	vadd.f32 v20, v34  }
0x1c6: {  	v37 =	vld.idx.msk [tilespmem:v29+s12+$0x0], $0xffff;
	v6 =	vadd.s32 $0x8008, v7;
	v8 =	vadd.f32 v22, v18;
	[tilespmem:v9+s12+$0x0] =	vst.idx.msk $0xffff, v34  }
0x1c7: {  	v39 =	vadd.s32 $0x9, v7;
	v22 =	vld.idx.msk [tilespmem:v32+s12+$0x0], $0xffff;
	[tilespmem:v10+s12+$0x0] =	vst.idx.msk $0xffff, v18;
	v9 =	vadd.f32 v24, v20  }
0x1c8: {  	v47 =	vadd.s32 $0xA, v7;
	v24 =	vld.idx.msk [tilespmem:v33+s12+$0x0], $0xffff;
	v10 =	vadd.f32 v13, v8;
	[tilespmem:v11+s12+$0x0] =	vst.idx.msk $0xffff, v20  }
0x1c9: {  	v18 =	vadd.s32 $0x800A, v7;
	[tilespmem:v12+s12+$0x0] =	vst.idx.msk $0xffff, v8;
	v12 =	vld.idx.msk [tilespmem:v38+s12+$0x0], $0xffff;
	v11 =	vadd.f32 v35, v9  }
0x1ca: {  	v40 =	vadd.s32 $0x8009, v7;
	v13 =	vld.idx.msk [tilespmem:v14+s12+$0x0], $0xffff;
	v8 =	vadd.f32 v27, v10  }
0x1cb: {  	v20 =	vld.idx.msk [tilespmem:v6+s12+$0x0], $0xffff;
	v27 =	vadd.s32 $0xE, v7;
	[tilespmem:v15+s12+$0x0] =	vst.idx.msk $0xffff, v9;
	v9 =	vadd.f32 v30, v11  }
0x1cc: {  	v15 =	vld.idx.msk [tilespmem:v39+s12+$0x0], $0xffff;
	[tilespmem:v23+s12+$0x0] =	vst.idx.msk $0xffff, v10;
	v30 =	vadd.s32 $0x800F, v7;
	v10 =	vadd.f32 v31, v8  }
0x1cd: {  	v48 =	vadd.s32 $0xB, v7;
	v31 =	vld.idx.msk [tilespmem:v47+s12+$0x0], $0xffff;
	[tilespmem:v25+s12+$0x0] =	vst.idx.msk $0xffff, v11;
	v11 =	vadd.f32 v37, v9  }
0x1ce: {  	v49 =	vadd.s32 $0x800B, v7;
	v25 =	vld.idx.msk [tilespmem:v18+s12+$0x0], $0xffff;
	[tilespmem:v17+s12+$0x0] =	vst.idx.msk $0xffff, v8;
	v8 =	vadd.f32 v36, v10  }
0x1cf: {  	v50 =	vadd.s32 $0xC, v7;
	v17 =	vld.idx.msk [tilespmem:v40+s12+$0x0], $0xffff;
	[tilespmem:v19+s12+$0x0] =	vst.idx.msk $0xffff, v9;
	v9 =	vadd.f32 v26, v11  }
0x1d0: {  	[tilespmem:v21+s12+$0x0] =	vst.idx.msk $0xffff, v10;
	v19 =	vld.idx.msk [tilespmem:v27+s12+$0x0], $0xffff;
	v26 =	vadd.s32 $0xF, v7;
	v10 =	vadd.f32 v22, v8  }
0x1d1: {  	v21 =	vadd.s32 $0xD, v7;
	[tilespmem:v29+s12+$0x0] =	vst.idx.msk $0xffff, v11;
	v22 =	vld.idx.msk [tilespmem:v30+s12+$0x0], $0xffff;
	v11 =	vadd.f32 v24, v9  }
0x1d2: {  	v29 =	vadd.s32 $0x800D, v7;
	[tilespmem:v28+s12+$0x0] =	vst.idx.msk $0xffff, v8;
	v24 =	vld.idx.msk [tilespmem:v48+s12+$0x0], $0xffff;
	v23 =	vadd.f32 v13, v10  }
0x1d3: {  	v13 =	vld.idx.msk [tilespmem:v49+s12+$0x0], $0xffff;
	[tilespmem:v16+s12+$0x0] =	vst.idx.msk $0xffff, v9;
	v9 =	vadd.s32 $0x10, v7;
	v8 =	vadd.f32 v20, v11  }
0x1d4: {  	v28 =	vadd.s32 $0x800E, v7;
	v16 =	vld.idx.msk [tilespmem:v50+s12+$0x0], $0xffff;
	[tilespmem:v32+s12+$0x0] =	vst.idx.msk $0xffff, v10;
	v7 =	vadd.f32 v15, v23  }
0x1d5: {  	v10 =	vadd.s32 $0x8000, v9;
	[tilespmem:v33+s12+$0x0] =	vst.idx.msk $0xffff, v11;
	v15 =	vld.idx.msk [tilespmem:v26+s12+$0x0], $0xffff;
	v11 =	vadd.f32 v17, v8  }
0x1d6: {  	v52 =	vadd.s32 $0x2, v9;
	v17 =	vld.idx.msk [tilespmem:v21+s12+$0x0], $0xffff;
	[tilespmem:v39+s12+$0x0] =	vst.idx.msk $0xffff, v7;
	v7 =	vadd.f32 v31, v7  }
0x1d7: {  	v54 =	vadd.s32 $0x8002, v9;
	v31 =	vld.idx.msk [tilespmem:v29+s12+$0x0], $0xffff;
	[tilespmem:v40+s12+$0x0] =	vst.idx.msk $0xffff, v11;
	v11 =	vadd.f32 v25, v11  }
0x1d8: {  	v55 =	vadd.s32 $0x8006, v9;
	v53 =	vld.idx.msk [tilespmem:v9+s12+$0x0], $0xffff;
	[tilespmem:v47+s12+$0x0] =	vst.idx.msk $0xffff, v7;
	v7 =	vadd.f32 v24, v7  }
0x1d9: {  	v20 =	vadd.s32 $0x1, v9;
	v25 =	vld.idx.msk [tilespmem:v28+s12+$0x0], $0xffff;
	[tilespmem:v18+s12+$0x0] =	vst.idx.msk $0xffff, v11;
	v11 =	vadd.f32 v13, v11  }
0x1da: {  	v51 =	vadd.s32 $0x8001, v9;
	v24 =	vld.idx.msk [tilespmem:v10+s12+$0x0], $0xffff;
	[tilespmem:v48+s12+$0x0] =	vst.idx.msk $0xffff, v7;
	v7 =	vadd.f32 v16, v7  }
0x1db: {  	v41 =	vld.idx.msk [tilespmem:v52+s12+$0x0], $0xffff;
	v18 =	vadd.s32 $0x4, v9;
	[tilespmem:v49+s12+$0x0] =	vst.idx.msk $0xffff, v11;
	v11 =	vadd.f32 v12, v11  }
0x1dc: {  	v56 =	vadd.s32 $0x8004, v9;
	v42 =	vld.idx.msk [tilespmem:v54+s12+$0x0], $0xffff;
	[tilespmem:v50+s12+$0x0] =	vst.idx.msk $0xffff, v7;
	v7 =	vadd.f32 v17, v7  }
0x1dd: {  	v57 =	vadd.s32 $0x5, v9;
	v59 =	vld.idx.msk [tilespmem:v55+s12+$0x0], $0xffff;
	[tilespmem:v38+s12+$0x0] =	vst.idx.msk $0xffff, v11;
	v11 =	vadd.f32 v31, v11  }
0x1de: {  	v58 =	vadd.s32 $0x3, v9;
	v13 =	vld.idx.msk [tilespmem:v20+s12+$0x0], $0xffff;
	[tilespmem:v21+s12+$0x0] =	vst.idx.msk $0xffff, v7;
	v7 =	vadd.f32 v19, v7  }
0x1df: {  	v16 =	vld.idx.msk [tilespmem:v51+s12+$0x0], $0xffff;
	v31 =	vadd.s32 $0x8003, v9;
	[tilespmem:v29+s12+$0x0] =	vst.idx.msk $0xffff, v11;
	v11 =	vadd.f32 v25, v11  }
0x1e0: {  	v17 =	vadd.s32 $0x8007, v9;
	v19 =	vld.idx.msk [tilespmem:v18+s12+$0x0], $0xffff;
	[tilespmem:v27+s12+$0x0] =	vst.idx.msk $0xffff, v7;
	v7 =	vadd.f32 v15, v7  }
0x1e1: {  	v44 =	vadd.s32 $0x7, v9;
	v25 =	vld.idx.msk [tilespmem:v56+s12+$0x0], $0xffff;
	[tilespmem:v28+s12+$0x0] =	vst.idx.msk $0xffff, v11;
	v11 =	vadd.f32 v22, v11  }
0x1e2: {  	v43 =	vadd.s32 $0x6, v9;
	v27 =	vld.idx.msk [tilespmem:v57+s12+$0x0], $0xffff;
	v12 =	vadd.f32 v53, v7;
	[tilespmem:v26+s12+$0x0] =	vst.idx.msk $0xffff, v7  }
0x1e3: {  	v29 =	vadd.s32 $0x8005, v9;
	v15 =	vld.idx.msk [tilespmem:v58+s12+$0x0], $0xffff;
	v21 =	vadd.f32 v24, v11;
	[tilespmem:v30+s12+$0x0] =	vst.idx.msk $0xffff, v11  }
0x1e4: {  	v7 =	vadd.s32 $0x8, v9;
	v22 =	vld.idx.msk [tilespmem:v31+s12+$0x0], $0xffff;
	[tilespmem:v9+s12+$0x0] =	vst.idx.msk $0xffff, v12;
	v11 =	vadd.f32 v13, v12  }
0x1e5: {  	v60 =	vld.idx.msk [tilespmem:v17+s12+$0x0], $0xffff;
	v12 =	vadd.s32 $0x8008, v9;
	[tilespmem:v10+s12+$0x0] =	vst.idx.msk $0xffff, v21;
	v16 =	vadd.f32 v16, v21  }
0x1e6: {  	v28 =	vld.idx.msk [tilespmem:v44+s12+$0x0], $0xffff;
	v13 =	vadd.s32 $0x9, v9;
	[tilespmem:v20+s12+$0x0] =	vst.idx.msk $0xffff, v11;
	v11 =	vadd.f32 v41, v11  }
0x1e7: {  	v24 =	vld.idx.msk [tilespmem:v43+s12+$0x0], $0xffff;
	v10 =	vadd.s32 $0x800C, v9;
	[tilespmem:v51+s12+$0x0] =	vst.idx.msk $0xffff, v16;
	v30 =	vadd.f32 v42, v16  }
0x1e8: {  	v26 =	vld.idx.msk [tilespmem:v29+s12+$0x0], $0xffff;
	v21 =	vadd.s32 $0x800A, v9;
	[tilespmem:v52+s12+$0x0] =	vst.idx.msk $0xffff, v11;
	v11 =	vadd.f32 v15, v11  }
0x1e9: {  	v20 =	vadd.s32 $0xA, v9;
	v61 =	vld.idx.msk [tilespmem:v7+s12+$0x0], $0xffff;
	[tilespmem:v54+s12+$0x0] =	vst.idx.msk $0xffff, v30;
	v22 =	vadd.f32 v22, v30  }
0x1ea: {  	v16 =	vadd.s32 $0x8009, v9;
	v62 =	vld.idx.msk [tilespmem:v12+s12+$0x0], $0xffff;
	[tilespmem:v58+s12+$0x0] =	vst.idx.msk $0xffff, v11;
	v30 =	vadd.f32 v19, v11  }
0x1eb: {  	v15 =	vadd.s32 $0xE, v9;
	v33 =	vld.idx.msk [tilespmem:v13+s12+$0x0], $0xffff;
	[tilespmem:v31+s12+$0x0] =	vst.idx.msk $0xffff, v22;
	v22 =	vadd.f32 v25, v22  }
0x1ec: {  	v11 =	vadd.s32 $0x800F, v9;
	v19 =	vld.idx.msk [tilespmem:v10+s12+$0x0], $0xffff;
	[tilespmem:v18+s12+$0x0] =	vst.idx.msk $0xffff, v30;
	v18 =	vadd.f32 v27, v30  }
0x1ed: {  	v32 =	vld.idx.msk [tilespmem:v21+s12+$0x0], $0xffff;
	v25 =	vadd.s32 $0xB, v9;
	[tilespmem:v56+s12+$0x0] =	vst.idx.msk $0xffff, v22;
	v22 =	vadd.f32 v26, v22  }
0x1ee: {  	v31 =	vld.idx.msk [tilespmem:v20+s12+$0x0], $0xffff;
	v27 =	vadd.s32 $0xC, v9;
	[tilespmem:v57+s12+$0x0] =	vst.idx.msk $0xffff, v18;
	v18 =	vadd.f32 v24, v18  }
0x1ef: {  	v37 =	vld.idx.msk [tilespmem:v16+s12+$0x0], $0xffff;
	v26 =	vadd.s32 $0x800B, v9;
	[tilespmem:v29+s12+$0x0] =	vst.idx.msk $0xffff, v22;
	v29 =	vadd.f32 v59, v22  }
0x1f0: {  	v24 =	vld.idx.msk [tilespmem:v15+s12+$0x0], $0xffff;
	[tilespmem:v43+s12+$0x0] =	vst.idx.msk $0xffff, v18;
	v28 =	vadd.f32 v28, v18;
	v18 =	vadd.s32 $0xF, v9  }
0x1f1: {  	v22 =	vld.idx.msk [tilespmem:v11+s12+$0x0], $0xffff;
	[tilespmem:v55+s12+$0x0] =	vst.idx.msk $0xffff, v29;
	v40 =	vadd.f32 v60, v29;
	v29 =	vadd.s32 $0xD, v9  }
0x1f2: {  	v30 =	vadd.s32 $0x800D, v9;
	v36 =	vld.idx.msk [tilespmem:v25+s12+$0x0], $0xffff  }
0x1f3: {  	v38 =	vld.idx.msk [tilespmem:v27+s12+$0x0], $0xffff;
	[tilespmem:v44+s12+$0x0] =	vst.idx.msk $0xffff, v28;
	v35 =	vadd.f32 v61, v28;
	v28 =	vadd.s32 $0x800E, v9  }
0x1f4: {  	s19 =	simm.s32 $0x10;
	[tilespmem:v14+s12+$0x0] =	vst.idx.msk $0xffff, v23;
	v9 =	vadd.s32 $0x10, v9;
	v39 =	vld.idx.msk [tilespmem:v26+s12+$0x0], $0xffff;
	v34 =	vadd.f32 v62, v40  }
.LBB2_17:
0x1f5: {  	v41 =	vadd.s32 $0x8000, v9;
	v14 =	vadd.s32 $0x8006, v9;
	s19 =	sadd.s32 $0x10, s19;
	v43 =	vadd.f32 v33, v35;
	v33 =	vld.idx.msk [tilespmem:v18+s12+$0x0], $0xffff;
	[tilespmem:v6+s12+$0x0] =	vst.idx.msk $0xffff, v8  }
0x1f6: {  	v42 =	vadd.s32 $0x1, v9;
	v6 =	vmov v12;
	p0 =	slt.u32 s19, $0x60;
	[tilespmem:v17+s12+$0x0] =	vst.idx.msk $0xffff, v40;
	v40 =	vadd.f32 v37, v34;
	v17 =	vld.idx.msk [tilespmem:v29+s12+$0x0], $0xffff  }
0x1f7: {  	v23 =	vmov v35;
	v37 =	vadd.s32 $0x8001, v9;
	[tilespmem:v13+s12+$0x0] =	vst.idx.msk $0xffff, v43;
	v12 =	vadd.f32 v31, v43;
	v31 =	vld.idx.msk [tilespmem:v30+s12+$0x0], $0xffff  }
0x1f8: {  	v35 =	vadd.s32 $0x2, v9;
	v8 =	vmov v34;
	[tilespmem:v16+s12+$0x0] =	vst.idx.msk $0xffff, v40;
	v13 =	vadd.f32 v32, v40;
	v32 =	vld.idx.msk [tilespmem:v28+s12+$0x0], $0xffff  }
0x1f9: {  	v40 =	vadd.s32 $0x8002, v9;
	v34 =	vld.idx.msk [tilespmem:v9+s12+$0x0], $0xffff;
	[tilespmem:v20+s12+$0x0] =	vst.idx.msk $0xffff, v12;
	v12 =	vadd.f32 v36, v12  }
0x1fa: {  	v43 =	vadd.s32 $0x4, v9;
	v36 =	vadd.s32 $0x3, v9;
	v20 =	vld.idx.msk [tilespmem:v41+s12+$0x0], $0xffff;
	[tilespmem:v21+s12+$0x0] =	vst.idx.msk $0xffff, v13;
	v13 =	vadd.f32 v39, v13  }
0x1fb: {  	v44 =	vadd.s32 $0x8004, v9;
	v39 =	vadd.s32 $0x8003, v9;
	v21 =	vld.idx.msk [tilespmem:v42+s12+$0x0], $0xffff;
	[tilespmem:v25+s12+$0x0] =	vst.idx.msk $0xffff, v12;
	v12 =	vadd.f32 v38, v12  }
0x1fc: {  	v38 =	vadd.s32 $0x5, v9;
	v25 =	vld.idx.msk [tilespmem:v37+s12+$0x0], $0xffff;
	[tilespmem:v26+s12+$0x0] =	vst.idx.msk $0xffff, v13;
	v16 =	vadd.f32 v19, v13  }
0x1fd: {  	v45 =	vadd.s32 $0x8005, v9;
	v19 =	vld.idx.msk [tilespmem:v35+s12+$0x0], $0xffff;
	[tilespmem:v27+s12+$0x0] =	vst.idx.msk $0xffff, v12;
	v12 =	vadd.f32 v17, v12  }
0x1fe: {  	v13 =	vadd.s32 $0x9, v9;
	v26 =	vld.idx.msk [tilespmem:v40+s12+$0x0], $0xffff;
	[tilespmem:v10+s12+$0x0] =	vst.idx.msk $0xffff, v16;
	v10 =	vadd.f32 v31, v16  }
0x1ff: {  	v16 =	vadd.s32 $0x8009, v9;
	v46 =	vld.idx.msk [tilespmem:v14+s12+$0x0], $0xffff;
	[tilespmem:v29+s12+$0x0] =	vst.idx.msk $0xffff, v12;
	v12 =	vadd.f32 v24, v12  }
0x200: {  	v29 =	vadd.s32 $0x6, v9;
	v24 =	vld.idx.msk [tilespmem:v43+s12+$0x0], $0xffff;
	[tilespmem:v30+s12+$0x0] =	vst.idx.msk $0xffff, v10;
	v10 =	vadd.f32 v32, v10  }
0x201: {  	v27 =	vld.idx.msk [tilespmem:v44+s12+$0x0], $0xffff;
	[tilespmem:v15+s12+$0x0] =	vst.idx.msk $0xffff, v12;
	v12 =	vadd.f32 v33, v12  }
0x202: {  	v47 =	vadd.s32 $0x7, v9;
	v30 =	vld.idx.msk [tilespmem:v38+s12+$0x0], $0xffff;
	[tilespmem:v28+s12+$0x0] =	vst.idx.msk $0xffff, v10;
	v10 =	vadd.f32 v22, v10  }
0x203: {  	v17 =	vadd.s32 $0x8007, v9;
	v15 =	vadd.f32 v34, v12;
	v22 =	vld.idx.msk [tilespmem:v36+s12+$0x0], $0xffff;
	[tilespmem:v18+s12+$0x0] =	vst.idx.msk $0xffff, v12  }
0x204: {  	v48 =	vadd.s32 $0x8, v9;
	v18 =	vadd.f32 v20, v10;
	v28 =	vld.idx.msk [tilespmem:v39+s12+$0x0], $0xffff;
	[tilespmem:v11+s12+$0x0] =	vst.idx.msk $0xffff, v10  }
0x205: {  	v12 =	vadd.s32 $0x8008, v9;
	[tilespmem:v9+s12+$0x0] =	vst.idx.msk $0xffff, v15;
	v11 =	vadd.f32 v21, v15;
	v34 =	vld.idx.msk [tilespmem:v29+s12+$0x0], $0xffff  }
0x206: {  	v10 =	vadd.s32 $0x800C, v9;
	[tilespmem:v41+s12+$0x0] =	vst.idx.msk $0xffff, v18;
	v15 =	vadd.f32 v25, v18;
	v18 =	vld.idx.msk [tilespmem:v45+s12+$0x0], $0xffff  }
0x207: {  	[tilespmem:v42+s12+$0x0] =	vst.idx.msk $0xffff, v11;
	v11 =	vadd.f32 v19, v11;
	v41 =	vld.idx.msk [tilespmem:v47+s12+$0x0], $0xffff  }
0x208: {  	v20 =	vadd.s32 $0xA, v9;
	[tilespmem:v37+s12+$0x0] =	vst.idx.msk $0xffff, v15;
	v15 =	vadd.f32 v26, v15;
	v42 =	vld.idx.msk [tilespmem:v17+s12+$0x0], $0xffff  }
0x209: {  	v21 =	vadd.s32 $0x800A, v9;
	[tilespmem:v35+s12+$0x0] =	vst.idx.msk $0xffff, v11;
	v11 =	vadd.f32 v22, v11;
	v35 =	vld.idx.msk [tilespmem:v48+s12+$0x0], $0xffff  }
0x20a: {  	[tilespmem:v40+s12+$0x0] =	vst.idx.msk $0xffff, v15;
	v22 =	vadd.f32 v28, v15;
	v49 =	vld.idx.msk [tilespmem:v12+s12+$0x0], $0xffff  }
0x20b: {  	v15 =	vadd.s32 $0xE, v9;
	[tilespmem:v36+s12+$0x0] =	vst.idx.msk $0xffff, v11;
	v24 =	vadd.f32 v24, v11;
	v19 =	vld.idx.msk [tilespmem:v10+s12+$0x0], $0xffff  }
0x20c: {  	v11 =	vadd.s32 $0x800F, v9;
	[tilespmem:v39+s12+$0x0] =	vst.idx.msk $0xffff, v22;
	v22 =	vadd.f32 v27, v22;
	v33 =	vld.idx.msk [tilespmem:v13+s12+$0x0], $0xffff  }
0x20d: {  	v25 =	vadd.s32 $0xB, v9;
	[tilespmem:v43+s12+$0x0] =	vst.idx.msk $0xffff, v24;
	v24 =	vadd.f32 v30, v24;
	v31 =	vld.idx.msk [tilespmem:v20+s12+$0x0], $0xffff  }
0x20e: {  	v26 =	vadd.s32 $0x800B, v9;
	[tilespmem:v44+s12+$0x0] =	vst.idx.msk $0xffff, v22;
	v18 =	vadd.f32 v18, v22;
	v32 =	vld.idx.msk [tilespmem:v21+s12+$0x0], $0xffff  }
0x20f: {  	v27 =	vadd.s32 $0xC, v9;
	[tilespmem:v38+s12+$0x0] =	vst.idx.msk $0xffff, v24;
	v22 =	vadd.f32 v34, v24;
	v37 =	vld.idx.msk [tilespmem:v16+s12+$0x0], $0xffff  }
.Ltmp7:
0x210: {  	[tilespmem:v45+s12+$0x0] =	vst.idx.msk $0xffff, v18;
	v28 =	vadd.f32 v46, v18;
	v24 =	vld.idx.msk [tilespmem:v15+s12+$0x0], $0xffff;
	v18 =	vadd.s32 $0xF, v9;
	(pc) =	sbr.rel @p0 .LBB2_17-.Ltmp7, $4  }
0x211: {  	[tilespmem:v29+s12+$0x0] =	vst.idx.msk $0xffff, v22;
	v34 =	vadd.f32 v41, v22;
	v29 =	vadd.s32 $0xD, v9;
	v22 =	vld.idx.msk [tilespmem:v11+s12+$0x0], $0xffff  }
0x212: {  	v30 =	vadd.s32 $0x800D, v9;
	[tilespmem:v14+s12+$0x0] =	vst.idx.msk $0xffff, v28;
	v40 =	vadd.f32 v42, v28;
	v36 =	vld.idx.msk [tilespmem:v25+s12+$0x0], $0xffff  }
0x213: {  	v28 =	vadd.s32 $0x800E, v9;
	[tilespmem:v47+s12+$0x0] =	vst.idx.msk $0xffff, v34;
	v35 =	vadd.f32 v35, v34;
	v39 =	vld.idx.msk [tilespmem:v26+s12+$0x0], $0xffff  }
0x214: {  	v9 =	vadd.s32 $0x10, v9;
	v34 =	vadd.f32 v49, v40;
	v38 =	vld.idx.msk [tilespmem:v27+s12+$0x0], $0xffff;
	[tilespmem:v7+s12+$0x0] =	vst.idx.msk $0xffff, v23;
	v7 =	vmov v48  }
0x215: {  	_ =	sdelay $0x3  }
0x216: {  	v14 =	vadd.f32 v33, v35;
	[tilespmem:v6+s12+$0x0] =	vst.idx.msk $0xffff, v8  }
0x217: {  	[tilespmem:v17+s12+$0x0] =	vst.idx.msk $0xffff, v40;
	v6 =	vadd.f32 v37, v34  }
0x218: {  	[tilespmem:v13+s12+$0x0] =	vst.idx.msk $0xffff, v14;
	v8 =	vadd.f32 v31, v14  }
0x219: {  	v31 =	vld.idx.msk [tilespmem:v29+s12+$0x0], $0xffff;
	[tilespmem:v16+s12+$0x0] =	vst.idx.msk $0xffff, v6;
	v6 =	vadd.f32 v32, v6  }
0x21a: {  	v33 =	vld.idx.msk [tilespmem:v30+s12+$0x0], $0xffff;
	[tilespmem:v20+s12+$0x0] =	vst.idx.msk $0xffff, v8;
	v8 =	vadd.f32 v36, v8  }
0x21b: {  	[tilespmem:v21+s12+$0x0] =	vst.idx.msk $0xffff, v6;
	v6 =	vadd.f32 v39, v6  }
0x21c: {  	v37 =	vld.idx.msk [tilespmem:v28+s12+$0x0], $0xffff;
	[tilespmem:v25+s12+$0x0] =	vst.idx.msk $0xffff, v8;
	v8 =	vadd.f32 v38, v8  }
0x21d: {  	v38 =	vld.idx.msk [tilespmem:v18+s12+$0x0], $0xffff;
	[tilespmem:v26+s12+$0x0] =	vst.idx.msk $0xffff, v6;
	v6 =	vadd.f32 v19, v6  }
0x21e: {  	[tilespmem:v27+s12+$0x0] =	vst.idx.msk $0xffff, v8;
	v8 =	vadd.f32 v31, v8  }
0x21f: {  	[tilespmem:v10+s12+$0x0] =	vst.idx.msk $0xffff, v6;
	v6 =	vadd.f32 v33, v6  }
0x220: {  	[tilespmem:v29+s12+$0x0] =	vst.idx.msk $0xffff, v8;
	v8 =	vadd.f32 v24, v8  }
0x221: {  	s19 =	simm.s32 $0xF;
	[tilespmem:v30+s12+$0x0] =	vst.idx.msk $0xffff, v6;
	v6 =	vadd.f32 v37, v6  }
0x222: {  	v10 =	vmov s19;
	[tilespmem:v15+s12+$0x0] =	vst.idx.msk $0xffff, v8;
	v8 =	vadd.f32 v38, v8  }
0x223: {  	s25 =	simm.s32 $0xE;
	vm0 =	veq.s32 v10, v0;
	[tilespmem:v28+s12+$0x0] =	vst.idx.msk $0xffff, v6;
	v6 =	vadd.f32 v22, v6  }
0x224: {  	v39 =	vmov s25;
	v10 =	vadd.s32 $0x8000, v9;
	v40 =	vsel vm0, $0x381, v3;
	[tilespmem:v18+s12+$0x0] =	vst.idx.msk $0xffff, v8  }
0x225: {  	s26 =	simm.s32 $0xD;
	vm10 =	veq.s32 v39, v0;
	[tilespmem:v11+s12+$0x0] =	vst.idx.msk $0xffff, v6;
	v11 =	vadd.s32 v9, v40  }
0x226: {  	[tilespmem:v7+s12+$0x0] =	vst.idx.msk $0xffff, v35;
	v7 =	vmov s26;
	v13 =	vsel vm10, $0x381, v3;
	v14 =	vadd.s32 $0x8000, v11  }
0x227: {  	s28 =	simm.s32 $0xC;
	[tilespmem:v12+s12+$0x0] =	vst.idx.msk $0xffff, v34;
	vm11 =	veq.s32 v7, v0;
	v7 =	vadd.s32 v13, v11  }
0x228: {  	s20 =	simm.s32 $0xB;
	v42 =	vmov s28;
	v41 =	vsel vm11, $0x381, v3;
	v43 =	vld.idx.msk [tilespmem:v9+s12+$0x0], $0xffff;
	v13 =	vadd.s32 $0x8000, v7  }
0x229: {  	s29 =	simm.s32 $0xA;
	v44 =	vmov s20;
	vm12 =	veq.s32 v42, v0;
	v45 =	vld.idx.msk [tilespmem:v10+s12+$0x0], $0xffff;
	v12 =	vadd.s32 v41, v7  }
0x22a: {  	s30 =	simm.s32 $0x9;
	v50 =	vmov s29;
	v47 =	vsel vm12, $0x381, v3;
	v46 =	vadd.s32 $0x8000, v12;
	v48 =	vld.idx.msk [tilespmem:v11+s12+$0x0], $0xffff  }
0x22b: {  	v54 =	vmov s30;
	vm1 =	veq.s32 v44, v0;
	v18 =	vadd.s32 v47, v12;
	v21 =	vld.idx.msk [tilespmem:v14+s12+$0x0], $0xffff  }
0x22c: {  	vm13 =	veq.s32 v50, v0;
	v49 =	vsel vm1, $0x381, v3;
	v23 =	vadd.s32 $0x8000, v18;
	v51 =	vld.idx.msk [tilespmem:v7+s12+$0x0], $0xffff  }
0x22d: {  	vm14 =	veq.s32 v54, v0;
	v20 =	vadd.s32 v49, v18;
	v8 =	vadd.f32 v43, v8;
	v25 =	vld.idx.msk [tilespmem:v13+s12+$0x0], $0xffff  }
0x22e: {  	v53 =	vsel vm13, $0x381, v3;
	v52 =	vadd.s32 $0x8000, v20;
	v6 =	vadd.f32 v45, v6;
	v26 =	vld.idx.msk [tilespmem:v12+s12+$0x0], $0xffff  }
0x22f: {  	v55 =	vadd.s32 v53, v20;
	v56 =	vld.idx.msk [tilespmem:v46+s12+$0x0], $0xffff;
	[tilespmem:v9+s12+$0x0] =	vst.idx.msk $0xffff, v8;
	v8 =	vadd.f32 v48, v8  }
0x230: {  	v58 =	vadd.s32 $0x8000, v55;
	v57 =	vld.idx.msk [tilespmem:v18+s12+$0x0], $0xffff;
	v9 =	vsel vm14, $0x381, v3;
	[tilespmem:v10+s12+$0x0] =	vst.idx.msk $0xffff, v6;
	v6 =	vadd.f32 v21, v6  }
0x231: {  	v10 =	vld.idx.msk [tilespmem:v23+s12+$0x0], $0xffff;
	v59 =	vadd.s32 v9, v55;
	[tilespmem:v11+s12+$0x0] =	vst.idx.msk $0xffff, v8;
	v8 =	vadd.f32 v51, v8  }
0x232: {  	v9 =	vadd.s32 $0x8000, v59;
	v11 =	vld.idx.msk [tilespmem:v20+s12+$0x0], $0xffff;
	[tilespmem:v14+s12+$0x0] =	vst.idx.msk $0xffff, v6;
	v6 =	vadd.f32 v25, v6  }
0x233: {  	v60 =	vld.idx.msk [tilespmem:v52+s12+$0x0], $0xffff;
	[tilespmem:v7+s12+$0x0] =	vst.idx.msk $0xffff, v8;
	v7 =	vadd.f32 v26, v8  }
0x234: {  	v8 =	vld.idx.msk [tilespmem:v55+s12+$0x0], $0xffff;
	[tilespmem:v13+s12+$0x0] =	vst.idx.msk $0xffff, v6;
	v6 =	vadd.f32 v56, v6  }
0x235: {  	v61 =	vld.idx.msk [tilespmem:v58+s12+$0x0], $0xffff;
	[tilespmem:v12+s12+$0x0] =	vst.idx.msk $0xffff, v7;
	v7 =	vadd.f32 v57, v7  }
0x236: {  	v62 =	vld.idx.msk [tilespmem:v59+s12+$0x0], $0xffff;
	[tilespmem:v46+s12+$0x0] =	vst.idx.msk $0xffff, v6;
	v6 =	vadd.f32 v10, v6  }
0x237: {  	v10 =	vld.idx.msk [tilespmem:v9+s12+$0x0], $0xffff;
	[tilespmem:v18+s12+$0x0] =	vst.idx.msk $0xffff, v7;
	v7 =	vadd.f32 v11, v7  }
0x238: {  	[tilespmem:v23+s12+$0x0] =	vst.idx.msk $0xffff, v6;
	v6 =	vadd.f32 v60, v6  }
0x239: {  	s31 =	simm.s32 $0x8;
	[tilespmem:v20+s12+$0x0] =	vst.idx.msk $0xffff, v7;
	v7 =	vadd.f32 v8, v7  }
0x23a: {  	v8 =	vmov s31;
	[tilespmem:v52+s12+$0x0] =	vst.idx.msk $0xffff, v6;
	v6 =	vadd.f32 v61, v6  }
0x23b: {  	vm15 =	veq.s32 v8, v0;
	[tilespmem:v55+s12+$0x0] =	vst.idx.msk $0xffff, v7;
	v8 =	vadd.f32 v62, v7  }
0x23c: {  	v7 =	vsel vm15, $0x381, v3;
	[tilespmem:v58+s12+$0x0] =	vst.idx.msk $0xffff, v6;
	v6 =	vadd.f32 v10, v6  }
0x23d: {  	s20 =	simm.s32 $0x0;
	s19 =	simm.s32 $0x70;
	v7 =	vadd.s32 v7, v59;
	[tilespmem:v59+s12+$0x0] =	vst.idx.msk $0xffff, v8  }
.LBB2_19:
0x23e: {  	s21 =	sadd.s32 $0x3, s20;
	s19 =	sadd.s32 $0x8, s19;
	[tilespmem:v9+s12+$0x0] =	vst.idx.msk $0xffff, v6  }
0x23f: {  	s22 =	sadd.s32 $0x7, s20;
	v9 =	vmov s21;
	p0 =	slt.u32 s19, $0x78  }
0x240: {  	v10 =	vmov s22;
	s21 =	sadd.s32 $0x6, s20;
	vm0 =	veq.s32 v9, v0  }
0x241: {  	v9 =	vadd.s32 $0x8000, v7;
	vm1 =	veq.s32 v10, v0;
	v10 =	vmov s21;
	s21 =	sadd.s32 $0x5, s20  }
0x242: {  	v11 =	vsel vm1, $0x381, v3;
	vm1 =	veq.s32 v10, v0;
	v10 =	vmov s21;
	s21 =	sadd.s32 $0x4, s20  }
0x243: {  	v11 =	vadd.s32 v7, v11;
	v12 =	vsel vm1, $0x381, v3;
	vm1 =	veq.s32 v10, v0  }
0x244: {  	v10 =	vadd.s32 $0x8000, v11;
	v12 =	vadd.s32 v12, v11;
	v13 =	vsel vm1, $0x381, v3  }
0x245: {  	v15 =	vmov s21;
	v14 =	vadd.s32 $0x8000, v12;
	v13 =	vadd.s32 v13, v12  }
0x246: {  	vm1 =	veq.s32 v15, v0;
	v17 =	vadd.s32 $0x8000, v13;
	v16 =	vld.idx.msk [tilespmem:v7+s12+$0x0], $0xffff  }
0x247: {  	v18 =	vsel vm1, $0x381, v3;
	v15 =	vld.idx.msk [tilespmem:v9+s12+$0x0], $0xffff  }
0x248: {  	v20 =	vsel vm0, $0x381, v3;
	v18 =	vadd.s32 v18, v13;
	v19 =	vld.idx.msk [tilespmem:v11+s12+$0x0], $0xffff  }
0x249: {  	s21 =	sadd.s32 $0x2, s20;
	v22 =	vadd.s32 $0x8000, v18;
	v20 =	vadd.s32 v20, v18;
	v21 =	vld.idx.msk [tilespmem:v10+s12+$0x0], $0xffff  }
0x24a: {  	v25 =	vmov s21;
	v24 =	vadd.s32 $0x8000, v20;
	v23 =	vld.idx.msk [tilespmem:v12+s12+$0x0], $0xffff  }
0x24b: {  	s21 =	sadd.s32 $0x1, s20;
	vm0 =	veq.s32 v25, v0;
	v25 =	vmov s20;
	v26 =	vld.idx.msk [tilespmem:v14+s12+$0x0], $0xffff  }
0x24c: {  	v28 =	vmov s21;
	v27 =	vsel vm0, $0x381, v3;
	v8 =	vadd.f32 v16, v8;
	v16 =	vld.idx.msk [tilespmem:v13+s12+$0x0], $0xffff  }
0x24d: {  	vm0 =	veq.s32 v28, v0;
	v27 =	vadd.s32 v27, v20;
	v6 =	vadd.f32 v15, v6;
	v15 =	vld.idx.msk [tilespmem:v17+s12+$0x0], $0xffff  }
0x24e: {  	v28 =	vsel vm0, $0x381, v3;
	[tilespmem:v7+s12+$0x0] =	vst.idx.msk $0xffff, v8;
	v7 =	vadd.f32 v19, v8;
	v8 =	vld.idx.msk [tilespmem:v18+s12+$0x0], $0xffff;
	v19 =	vadd.s32 $0x8000, v27  }
0x24f: {  	v28 =	vadd.s32 v28, v27;
	[tilespmem:v9+s12+$0x0] =	vst.idx.msk $0xffff, v6;
	v6 =	vadd.f32 v21, v6;
	v21 =	vld.idx.msk [tilespmem:v22+s12+$0x0], $0xffff  }
0x250: {  	v9 =	vadd.s32 $0x8000, v28;
	[tilespmem:v11+s12+$0x0] =	vst.idx.msk $0xffff, v7;
	v7 =	vadd.f32 v23, v7;
	v11 =	vld.idx.msk [tilespmem:v20+s12+$0x0], $0xffff  }
0x251: {  	vm0 =	veq.s32 v25, v0;
	[tilespmem:v10+s12+$0x0] =	vst.idx.msk $0xffff, v6;
	v6 =	vadd.f32 v26, v6;
	v10 =	vld.idx.msk [tilespmem:v24+s12+$0x0], $0xffff  }
0x252: {  	[tilespmem:v12+s12+$0x0] =	vst.idx.msk $0xffff, v7;
	v12 =	vadd.f32 v16, v7;
	v16 =	vld.idx.msk [tilespmem:v27+s12+$0x0], $0xffff;
	v7 =	vsel vm0, $0x381, v3  }
0x253: {  	[tilespmem:v14+s12+$0x0] =	vst.idx.msk $0xffff, v6;
	v6 =	vadd.f32 v15, v6;
	v14 =	vld.idx.msk [tilespmem:v19+s12+$0x0], $0xffff;
	v7 =	vadd.s32 v7, v28  }
0x254: {  	[tilespmem:v13+s12+$0x0] =	vst.idx.msk $0xffff, v12;
	v8 =	vadd.f32 v8, v12;
	v12 =	vld.idx.msk [tilespmem:v28+s12+$0x0], $0xffff  }
0x255: {  	[tilespmem:v17+s12+$0x0] =	vst.idx.msk $0xffff, v6;
	v6 =	vadd.f32 v21, v6;
	v13 =	vld.idx.msk [tilespmem:v9+s12+$0x0], $0xffff  }
0x256: {  	[tilespmem:v18+s12+$0x0] =	vst.idx.msk $0xffff, v8;
	v8 =	vadd.f32 v11, v8  }
0x257: {  	[tilespmem:v22+s12+$0x0] =	vst.idx.msk $0xffff, v6;
	v6 =	vadd.f32 v10, v6  }
.Ltmp8:
0x258: {  	[tilespmem:v20+s12+$0x0] =	vst.idx.msk $0xffff, v8;
	v8 =	vadd.f32 v16, v8;
	(pc) =	sbr.rel @p0 .LBB2_19-.Ltmp8, $4  }
0x259: {  	[tilespmem:v24+s12+$0x0] =	vst.idx.msk $0xffff, v6;
	v6 =	vadd.f32 v14, v6  }
0x25a: {  	[tilespmem:v27+s12+$0x0] =	vst.idx.msk $0xffff, v8;
	v8 =	vadd.f32 v12, v8  }
0x25b: {  	[tilespmem:v19+s12+$0x0] =	vst.idx.msk $0xffff, v6;
	v6 =	vadd.f32 v13, v6  }
0x25c: {  	s20 =	sadd.s32 $0xFFFFFFF8, s20;
	[tilespmem:v28+s12+$0x0] =	vst.idx.msk $0xffff, v8  }
0x25d: {  	s18 =	sadd.s32 $0x1, s18  }
0x25e: {  	p0 =	sne.s32 s18, $0xF  }
.Ltmp9:
0x25f: {  	_ = 	snop;
	(pc) =	sbr.rel @p0 .LBB2_16-.Ltmp9, $2  }
0x260: {  	_ =	sdelay $0x2  }
0x261: {  	[tilespmem:v9+s12+$0x0] =	vst.idx.msk $0xffff, v6  }
0x262: {  	v9 =	vadd.s32 $0x8000, v7  }
0x263: {  	v10 =	vadd.s32 $0x1, v7  }
0x264: {  	v11 =	vadd.s32 $0x8001, v7  }
0x265: {  	v12 =	vadd.s32 $0x2, v7  }
0x266: {  	v13 =	vld.idx.msk [tilespmem:v7+s12+$0x0], $0xffff;
	v15 =	vadd.s32 $0x8002, v7  }
0x267: {  	v16 =	vadd.s32 $0x8006, v7;
	v14 =	vld.idx.msk [tilespmem:v9+s12+$0x0], $0xffff  }
0x268: {  	v17 =	vadd.s32 $0x4, v7;
	v18 =	vld.idx.msk [tilespmem:v10+s12+$0x0], $0xffff  }
0x269: {  	v19 =	vadd.s32 $0x8004, v7;
	v20 =	vld.idx.msk [tilespmem:v11+s12+$0x0], $0xffff  }
0x26a: {  	v21 =	vadd.s32 $0x5, v7;
	v22 =	vld.idx.msk [tilespmem:v12+s12+$0x0], $0xffff  }
0x26b: {  	v23 =	vadd.s32 $0x3, v7;
	v24 =	vld.idx.msk [tilespmem:v15+s12+$0x0], $0xffff  }
0x26c: {  	v25 =	vadd.s32 $0x8003, v7;
	v26 =	vld.idx.msk [tilespmem:v16+s12+$0x0], $0xffff  }
0x26d: {  	v28 =	vadd.s32 $0x6, v7;
	v27 =	vld.idx.msk [tilespmem:v17+s12+$0x0], $0xffff  }
0x26e: {  	v29 =	vadd.s32 $0x8005, v7;
	v30 =	vld.idx.msk [tilespmem:v19+s12+$0x0], $0xffff  }
0x26f: {  	v32 =	vadd.s32 $0x7, v7;
	v31 =	vld.idx.msk [tilespmem:v21+s12+$0x0], $0xffff  }
0x270: {  	v33 =	vadd.s32 $0x8007, v7;
	v8 =	vadd.f32 v13, v8;
	v13 =	vld.idx.msk [tilespmem:v23+s12+$0x0], $0xffff  }
0x271: {  	v38 =	vadd.s32 $0x800C, v7;
	v35 =	vld.idx.msk [tilespmem:v25+s12+$0x0], $0xffff;
	v34 =	vadd.f32 v14, v6  }
0x272: {  	v36 =	vld.idx.msk [tilespmem:v28+s12+$0x0], $0xffff;
	v14 =	vadd.s32 $0x8, v7;
	v18 =	vadd.f32 v18, v8  }
0x273: {  	v37 =	vld.idx.msk [tilespmem:v29+s12+$0x0], $0xffff;
	[tilespmem:v7+s12+$0x0] =	vst.idx.msk $0xffff, v8;
	v6 =	vadd.s32 $0x8008, v7;
	v20 =	vadd.f32 v20, v34  }
0x274: {  	v39 =	vadd.s32 $0x9, v7;
	v8 =	vadd.f32 v22, v18;
	v22 =	vld.idx.msk [tilespmem:v32+s12+$0x0], $0xffff;
	[tilespmem:v9+s12+$0x0] =	vst.idx.msk $0xffff, v34  }
0x275: {  	v46 =	vadd.s32 $0xA, v7;
	[tilespmem:v10+s12+$0x0] =	vst.idx.msk $0xffff, v18;
	v9 =	vadd.f32 v24, v20;
	v24 =	vld.idx.msk [tilespmem:v33+s12+$0x0], $0xffff  }
0x276: {  	v18 =	vadd.s32 $0x800A, v7;
	v10 =	vadd.f32 v13, v8;
	[tilespmem:v12+s12+$0x0] =	vst.idx.msk $0xffff, v8;
	v12 =	vld.idx.msk [tilespmem:v38+s12+$0x0], $0xffff  }
0x277: {  	v40 =	vadd.s32 $0x8009, v7;
	[tilespmem:v11+s12+$0x0] =	vst.idx.msk $0xffff, v20;
	v13 =	vld.idx.msk [tilespmem:v14+s12+$0x0], $0xffff;
	v11 =	vadd.f32 v35, v9  }
0x278: {  	v20 =	vld.idx.msk [tilespmem:v6+s12+$0x0], $0xffff;
	v8 =	vadd.f32 v27, v10;
	v27 =	vadd.s32 $0xE, v7;
	[tilespmem:v15+s12+$0x0] =	vst.idx.msk $0xffff, v9  }
0x279: {  	v15 =	vld.idx.msk [tilespmem:v39+s12+$0x0], $0xffff;
	[tilespmem:v23+s12+$0x0] =	vst.idx.msk $0xffff, v10;
	v9 =	vadd.f32 v30, v11;
	v30 =	vadd.s32 $0x800F, v7  }
0x27a: {  	v47 =	vadd.s32 $0xB, v7;
	v10 =	vadd.f32 v31, v8;
	v31 =	vld.idx.msk [tilespmem:v46+s12+$0x0], $0xffff;
	[tilespmem:v25+s12+$0x0] =	vst.idx.msk $0xffff, v11  }
0x27b: {  	v48 =	vadd.s32 $0x800B, v7;
	v25 =	vld.idx.msk [tilespmem:v18+s12+$0x0], $0xffff;
	[tilespmem:v17+s12+$0x0] =	vst.idx.msk $0xffff, v8;
	v11 =	vadd.f32 v37, v9  }
0x27c: {  	v49 =	vadd.s32 $0xC, v7;
	v17 =	vld.idx.msk [tilespmem:v40+s12+$0x0], $0xffff;
	v8 =	vadd.f32 v36, v10;
	[tilespmem:v19+s12+$0x0] =	vst.idx.msk $0xffff, v9  }
0x27d: {  	[tilespmem:v21+s12+$0x0] =	vst.idx.msk $0xffff, v10;
	v19 =	vld.idx.msk [tilespmem:v27+s12+$0x0], $0xffff;
	v9 =	vadd.f32 v26, v11;
	v26 =	vadd.s32 $0xF, v7  }
0x27e: {  	v21 =	vadd.s32 $0xD, v7;
	v10 =	vadd.f32 v22, v8;
	[tilespmem:v29+s12+$0x0] =	vst.idx.msk $0xffff, v11;
	v22 =	vld.idx.msk [tilespmem:v30+s12+$0x0], $0xffff  }
0x27f: {  	v29 =	vadd.s32 $0x800D, v7;
	[tilespmem:v28+s12+$0x0] =	vst.idx.msk $0xffff, v8;
	v11 =	vadd.f32 v24, v9;
	v24 =	vld.idx.msk [tilespmem:v47+s12+$0x0], $0xffff  }
0x280: {  	v23 =	vadd.f32 v13, v10;
	v13 =	vld.idx.msk [tilespmem:v48+s12+$0x0], $0xffff;
	[tilespmem:v16+s12+$0x0] =	vst.idx.msk $0xffff, v9;
	v9 =	vadd.s32 $0x10, v7  }
0x281: {  	v28 =	vadd.s32 $0x800E, v7;
	v16 =	vld.idx.msk [tilespmem:v49+s12+$0x0], $0xffff;
	v8 =	vadd.f32 v20, v11  }
0x282: {  	[tilespmem:v32+s12+$0x0] =	vst.idx.msk $0xffff, v10;
	v10 =	vadd.s32 $0x8000, v9;
	v7 =	vadd.f32 v15, v23;
	v15 =	vld.idx.msk [tilespmem:v26+s12+$0x0], $0xffff  }
0x283: {  	v51 =	vadd.s32 $0x2, v9;
	[tilespmem:v33+s12+$0x0] =	vst.idx.msk $0xffff, v11;
	v11 =	vadd.f32 v17, v8;
	v17 =	vld.idx.msk [tilespmem:v21+s12+$0x0], $0xffff  }
0x284: {  	v53 =	vadd.s32 $0x8002, v9;
	[tilespmem:v39+s12+$0x0] =	vst.idx.msk $0xffff, v7;
	v7 =	vadd.f32 v31, v7;
	v31 =	vld.idx.msk [tilespmem:v29+s12+$0x0], $0xffff  }
0x285: {  	v54 =	vadd.s32 $0x8006, v9;
	v52 =	vld.idx.msk [tilespmem:v9+s12+$0x0], $0xffff;
	[tilespmem:v40+s12+$0x0] =	vst.idx.msk $0xffff, v11;
	v11 =	vadd.f32 v25, v11  }
0x286: {  	v20 =	vadd.s32 $0x1, v9;
	v25 =	vld.idx.msk [tilespmem:v28+s12+$0x0], $0xffff;
	[tilespmem:v46+s12+$0x0] =	vst.idx.msk $0xffff, v7;
	v7 =	vadd.f32 v24, v7  }
0x287: {  	v50 =	vadd.s32 $0x8001, v9;
	v24 =	vld.idx.msk [tilespmem:v10+s12+$0x0], $0xffff;
	[tilespmem:v18+s12+$0x0] =	vst.idx.msk $0xffff, v11;
	v11 =	vadd.f32 v13, v11  }
0x288: {  	v41 =	vld.idx.msk [tilespmem:v51+s12+$0x0], $0xffff;
	v18 =	vadd.s32 $0x4, v9;
	[tilespmem:v47+s12+$0x0] =	vst.idx.msk $0xffff, v7;
	v7 =	vadd.f32 v16, v7  }
0x289: {  	v55 =	vadd.s32 $0x8004, v9;
	v42 =	vld.idx.msk [tilespmem:v53+s12+$0x0], $0xffff;
	[tilespmem:v48+s12+$0x0] =	vst.idx.msk $0xffff, v11;
	v11 =	vadd.f32 v12, v11  }
0x28a: {  	v56 =	vadd.s32 $0x5, v9;
	v58 =	vld.idx.msk [tilespmem:v54+s12+$0x0], $0xffff;
	[tilespmem:v49+s12+$0x0] =	vst.idx.msk $0xffff, v7;
	v7 =	vadd.f32 v17, v7  }
0x28b: {  	v57 =	vadd.s32 $0x3, v9;
	v13 =	vld.idx.msk [tilespmem:v20+s12+$0x0], $0xffff;
	[tilespmem:v38+s12+$0x0] =	vst.idx.msk $0xffff, v11;
	v11 =	vadd.f32 v31, v11  }
0x28c: {  	v16 =	vld.idx.msk [tilespmem:v50+s12+$0x0], $0xffff;
	v17 =	vadd.s32 $0x8007, v9;
	[tilespmem:v21+s12+$0x0] =	vst.idx.msk $0xffff, v7;
	v7 =	vadd.f32 v19, v7  }
0x28d: {  	v31 =	vadd.s32 $0x8003, v9;
	v19 =	vld.idx.msk [tilespmem:v18+s12+$0x0], $0xffff;
	[tilespmem:v29+s12+$0x0] =	vst.idx.msk $0xffff, v11;
	v11 =	vadd.f32 v25, v11  }
0x28e: {  	v43 =	vadd.s32 $0x6, v9;
	v25 =	vld.idx.msk [tilespmem:v55+s12+$0x0], $0xffff;
	[tilespmem:v27+s12+$0x0] =	vst.idx.msk $0xffff, v7;
	v7 =	vadd.f32 v15, v7  }
0x28f: {  	v44 =	vadd.s32 $0x7, v9;
	v27 =	vld.idx.msk [tilespmem:v56+s12+$0x0], $0xffff;
	[tilespmem:v28+s12+$0x0] =	vst.idx.msk $0xffff, v11;
	v11 =	vadd.f32 v22, v11  }
0x290: {  	v29 =	vadd.s32 $0x8005, v9;
	v15 =	vld.idx.msk [tilespmem:v57+s12+$0x0], $0xffff;
	v12 =	vadd.f32 v52, v7;
	[tilespmem:v26+s12+$0x0] =	vst.idx.msk $0xffff, v7  }
0x291: {  	v59 =	vld.idx.msk [tilespmem:v17+s12+$0x0], $0xffff;
	v7 =	vadd.s32 $0x8, v9;
	v21 =	vadd.f32 v24, v11;
	[tilespmem:v30+s12+$0x0] =	vst.idx.msk $0xffff, v11  }
0x292: {  	v22 =	vld.idx.msk [tilespmem:v31+s12+$0x0], $0xffff;
	[tilespmem:v9+s12+$0x0] =	vst.idx.msk $0xffff, v12;
	v11 =	vadd.f32 v13, v12;
	v12 =	vadd.s32 $0x8008, v9  }
0x293: {  	v24 =	vld.idx.msk [tilespmem:v43+s12+$0x0], $0xffff;
	v13 =	vadd.s32 $0x9, v9;
	[tilespmem:v10+s12+$0x0] =	vst.idx.msk $0xffff, v21;
	v16 =	vadd.f32 v16, v21  }
0x294: {  	v30 =	vld.idx.msk [tilespmem:v44+s12+$0x0], $0xffff;
	v10 =	vadd.s32 $0x800C, v9;
	[tilespmem:v20+s12+$0x0] =	vst.idx.msk $0xffff, v11;
	v11 =	vadd.f32 v41, v11  }
0x295: {  	v26 =	vld.idx.msk [tilespmem:v29+s12+$0x0], $0xffff;
	v21 =	vadd.s32 $0x800A, v9;
	[tilespmem:v50+s12+$0x0] =	vst.idx.msk $0xffff, v16;
	v28 =	vadd.f32 v42, v16  }
0x296: {  	v20 =	vadd.s32 $0xA, v9;
	v60 =	vld.idx.msk [tilespmem:v7+s12+$0x0], $0xffff;
	[tilespmem:v51+s12+$0x0] =	vst.idx.msk $0xffff, v11;
	v11 =	vadd.f32 v15, v11  }
0x297: {  	v16 =	vadd.s32 $0x8009, v9;
	v61 =	vld.idx.msk [tilespmem:v12+s12+$0x0], $0xffff;
	[tilespmem:v53+s12+$0x0] =	vst.idx.msk $0xffff, v28;
	v22 =	vadd.f32 v22, v28  }
0x298: {  	v15 =	vadd.s32 $0xE, v9;
	v33 =	vld.idx.msk [tilespmem:v13+s12+$0x0], $0xffff;
	[tilespmem:v57+s12+$0x0] =	vst.idx.msk $0xffff, v11;
	v28 =	vadd.f32 v19, v11  }
0x299: {  	v19 =	vld.idx.msk [tilespmem:v10+s12+$0x0], $0xffff;
	[tilespmem:v31+s12+$0x0] =	vst.idx.msk $0xffff, v22;
	v22 =	vadd.f32 v25, v22  }
0x29a: {  	v11 =	vadd.s32 $0x800F, v9;
	v32 =	vld.idx.msk [tilespmem:v21+s12+$0x0], $0xffff;
	[tilespmem:v18+s12+$0x0] =	vst.idx.msk $0xffff, v28;
	v18 =	vadd.f32 v27, v28  }
0x29b: {  	v31 =	vld.idx.msk [tilespmem:v20+s12+$0x0], $0xffff;
	v25 =	vadd.s32 $0xB, v9;
	v28 =	vadd.s32 $0xC, v9;
	[tilespmem:v55+s12+$0x0] =	vst.idx.msk $0xffff, v22  }
0x29c: {  	v37 =	vld.idx.msk [tilespmem:v16+s12+$0x0], $0xffff;
	v22 =	vadd.f32 v26, v22;
	[tilespmem:v56+s12+$0x0] =	vst.idx.msk $0xffff, v18;
	v18 =	vadd.f32 v24, v18  }
0x29d: {  	v26 =	vadd.s32 $0x800B, v9;
	v24 =	vld.idx.msk [tilespmem:v15+s12+$0x0], $0xffff  }
0x29e: {  	v27 =	vadd.f32 v58, v22;
	[tilespmem:v43+s12+$0x0] =	vst.idx.msk $0xffff, v18;
	v62 =	vadd.f32 v30, v18;
	v18 =	vadd.s32 $0xF, v9  }
0x29f: {  	[tilespmem:v29+s12+$0x0] =	vst.idx.msk $0xffff, v22;
	v22 =	vld.idx.msk [tilespmem:v11+s12+$0x0], $0xffff;
	v30 =	vadd.s32 $0xD, v9  }
0x2a0: {  	[tilespmem:v14+s12+$0x0] =	vst.idx.msk $0xffff, v23;
	v29 =	vadd.s32 $0x800D, v9;
	v36 =	vld.idx.msk [tilespmem:v25+s12+$0x0], $0xffff;
	v40 =	vadd.f32 v59, v27  }
0x2a1: {  	v38 =	vld.idx.msk [tilespmem:v28+s12+$0x0], $0xffff;
	[tilespmem:v54+s12+$0x0] =	vst.idx.msk $0xffff, v27;
	v35 =	vadd.f32 v60, v62;
	v27 =	vadd.s32 $0x800E, v9  }
0x2a2: {  	s18 =	simm.s32 $0x10;
	[tilespmem:v44+s12+$0x0] =	vst.idx.msk $0xffff, v62;
	v9 =	vadd.s32 $0x10, v9;
	v39 =	vld.idx.msk [tilespmem:v26+s12+$0x0], $0xffff;
	v34 =	vadd.f32 v61, v40  }
.LBB2_22:
0x2a3: {  	v41 =	vadd.s32 $0x8000, v9;
	v14 =	vadd.s32 $0x8006, v9;
	s18 =	sadd.s32 $0x10, s18;
	v43 =	vadd.f32 v33, v35;
	v33 =	vld.idx.msk [tilespmem:v18+s12+$0x0], $0xffff;
	[tilespmem:v6+s12+$0x0] =	vst.idx.msk $0xffff, v8  }
0x2a4: {  	v42 =	vadd.s32 $0x1, v9;
	v6 =	vmov v12;
	p0 =	slt.u32 s18, $0x60;
	[tilespmem:v17+s12+$0x0] =	vst.idx.msk $0xffff, v40;
	v40 =	vadd.f32 v37, v34;
	v17 =	vld.idx.msk [tilespmem:v30+s12+$0x0], $0xffff  }
0x2a5: {  	v23 =	vmov v35;
	v37 =	vadd.s32 $0x8001, v9;
	[tilespmem:v13+s12+$0x0] =	vst.idx.msk $0xffff, v43;
	v12 =	vadd.f32 v31, v43;
	v31 =	vld.idx.msk [tilespmem:v29+s12+$0x0], $0xffff  }
0x2a6: {  	v35 =	vadd.s32 $0x2, v9;
	v8 =	vmov v34;
	[tilespmem:v16+s12+$0x0] =	vst.idx.msk $0xffff, v40;
	v13 =	vadd.f32 v32, v40;
	v32 =	vld.idx.msk [tilespmem:v27+s12+$0x0], $0xffff  }
0x2a7: {  	v40 =	vadd.s32 $0x8002, v9;
	v34 =	vld.idx.msk [tilespmem:v9+s12+$0x0], $0xffff;
	[tilespmem:v20+s12+$0x0] =	vst.idx.msk $0xffff, v12;
	v12 =	vadd.f32 v36, v12  }
0x2a8: {  	v43 =	vadd.s32 $0x4, v9;
	v36 =	vadd.s32 $0x3, v9;
	v20 =	vld.idx.msk [tilespmem:v41+s12+$0x0], $0xffff;
	[tilespmem:v21+s12+$0x0] =	vst.idx.msk $0xffff, v13;
	v13 =	vadd.f32 v39, v13  }
0x2a9: {  	v44 =	vadd.s32 $0x8004, v9;
	v39 =	vadd.s32 $0x8003, v9;
	v21 =	vld.idx.msk [tilespmem:v42+s12+$0x0], $0xffff;
	[tilespmem:v25+s12+$0x0] =	vst.idx.msk $0xffff, v12;
	v12 =	vadd.f32 v38, v12  }
0x2aa: {  	v38 =	vadd.s32 $0x5, v9;
	v25 =	vld.idx.msk [tilespmem:v37+s12+$0x0], $0xffff;
	[tilespmem:v26+s12+$0x0] =	vst.idx.msk $0xffff, v13;
	v16 =	vadd.f32 v19, v13  }
0x2ab: {  	v45 =	vadd.s32 $0x8005, v9;
	v19 =	vld.idx.msk [tilespmem:v35+s12+$0x0], $0xffff;
	[tilespmem:v28+s12+$0x0] =	vst.idx.msk $0xffff, v12;
	v12 =	vadd.f32 v17, v12  }
0x2ac: {  	v13 =	vadd.s32 $0x9, v9;
	v26 =	vld.idx.msk [tilespmem:v40+s12+$0x0], $0xffff;
	[tilespmem:v10+s12+$0x0] =	vst.idx.msk $0xffff, v16;
	v10 =	vadd.f32 v31, v16  }
0x2ad: {  	v16 =	vadd.s32 $0x8009, v9;
	v46 =	vld.idx.msk [tilespmem:v14+s12+$0x0], $0xffff;
	[tilespmem:v30+s12+$0x0] =	vst.idx.msk $0xffff, v12;
	v12 =	vadd.f32 v24, v12  }
0x2ae: {  	v30 =	vadd.s32 $0x6, v9;
	v24 =	vld.idx.msk [tilespmem:v43+s12+$0x0], $0xffff;
	[tilespmem:v29+s12+$0x0] =	vst.idx.msk $0xffff, v10;
	v10 =	vadd.f32 v32, v10  }
0x2af: {  	v28 =	vld.idx.msk [tilespmem:v44+s12+$0x0], $0xffff;
	[tilespmem:v15+s12+$0x0] =	vst.idx.msk $0xffff, v12;
	v12 =	vadd.f32 v33, v12  }
0x2b0: {  	v47 =	vadd.s32 $0x7, v9;
	v29 =	vld.idx.msk [tilespmem:v38+s12+$0x0], $0xffff;
	[tilespmem:v27+s12+$0x0] =	vst.idx.msk $0xffff, v10;
	v10 =	vadd.f32 v22, v10  }
0x2b1: {  	v17 =	vadd.s32 $0x8007, v9;
	v15 =	vadd.f32 v34, v12;
	v22 =	vld.idx.msk [tilespmem:v36+s12+$0x0], $0xffff;
	[tilespmem:v18+s12+$0x0] =	vst.idx.msk $0xffff, v12  }
0x2b2: {  	v48 =	vadd.s32 $0x8, v9;
	v18 =	vadd.f32 v20, v10;
	v27 =	vld.idx.msk [tilespmem:v39+s12+$0x0], $0xffff;
	[tilespmem:v11+s12+$0x0] =	vst.idx.msk $0xffff, v10  }
0x2b3: {  	v12 =	vadd.s32 $0x8008, v9;
	[tilespmem:v9+s12+$0x0] =	vst.idx.msk $0xffff, v15;
	v11 =	vadd.f32 v21, v15;
	v34 =	vld.idx.msk [tilespmem:v30+s12+$0x0], $0xffff  }
0x2b4: {  	v10 =	vadd.s32 $0x800C, v9;
	[tilespmem:v41+s12+$0x0] =	vst.idx.msk $0xffff, v18;
	v15 =	vadd.f32 v25, v18;
	v18 =	vld.idx.msk [tilespmem:v45+s12+$0x0], $0xffff  }
0x2b5: {  	[tilespmem:v42+s12+$0x0] =	vst.idx.msk $0xffff, v11;
	v11 =	vadd.f32 v19, v11;
	v41 =	vld.idx.msk [tilespmem:v47+s12+$0x0], $0xffff  }
0x2b6: {  	v20 =	vadd.s32 $0xA, v9;
	[tilespmem:v37+s12+$0x0] =	vst.idx.msk $0xffff, v15;
	v15 =	vadd.f32 v26, v15;
	v42 =	vld.idx.msk [tilespmem:v17+s12+$0x0], $0xffff  }
0x2b7: {  	v21 =	vadd.s32 $0x800A, v9;
	[tilespmem:v35+s12+$0x0] =	vst.idx.msk $0xffff, v11;
	v11 =	vadd.f32 v22, v11;
	v35 =	vld.idx.msk [tilespmem:v48+s12+$0x0], $0xffff  }
0x2b8: {  	[tilespmem:v40+s12+$0x0] =	vst.idx.msk $0xffff, v15;
	v22 =	vadd.f32 v27, v15;
	v49 =	vld.idx.msk [tilespmem:v12+s12+$0x0], $0xffff  }
0x2b9: {  	v15 =	vadd.s32 $0xE, v9;
	[tilespmem:v36+s12+$0x0] =	vst.idx.msk $0xffff, v11;
	v24 =	vadd.f32 v24, v11;
	v19 =	vld.idx.msk [tilespmem:v10+s12+$0x0], $0xffff  }
0x2ba: {  	v11 =	vadd.s32 $0x800F, v9;
	[tilespmem:v39+s12+$0x0] =	vst.idx.msk $0xffff, v22;
	v22 =	vadd.f32 v28, v22;
	v33 =	vld.idx.msk [tilespmem:v13+s12+$0x0], $0xffff  }
0x2bb: {  	v25 =	vadd.s32 $0xB, v9;
	[tilespmem:v43+s12+$0x0] =	vst.idx.msk $0xffff, v24;
	v24 =	vadd.f32 v29, v24;
	v31 =	vld.idx.msk [tilespmem:v20+s12+$0x0], $0xffff  }
0x2bc: {  	v26 =	vadd.s32 $0x800B, v9;
	[tilespmem:v44+s12+$0x0] =	vst.idx.msk $0xffff, v22;
	v18 =	vadd.f32 v18, v22;
	v32 =	vld.idx.msk [tilespmem:v21+s12+$0x0], $0xffff  }
0x2bd: {  	v28 =	vadd.s32 $0xC, v9;
	[tilespmem:v38+s12+$0x0] =	vst.idx.msk $0xffff, v24;
	v22 =	vadd.f32 v34, v24;
	v37 =	vld.idx.msk [tilespmem:v16+s12+$0x0], $0xffff  }
.Ltmp10:
0x2be: {  	[tilespmem:v45+s12+$0x0] =	vst.idx.msk $0xffff, v18;
	v27 =	vadd.f32 v46, v18;
	v24 =	vld.idx.msk [tilespmem:v15+s12+$0x0], $0xffff;
	v18 =	vadd.s32 $0xF, v9;
	(pc) =	sbr.rel @p0 .LBB2_22-.Ltmp10, $4  }
0x2bf: {  	[tilespmem:v30+s12+$0x0] =	vst.idx.msk $0xffff, v22;
	v34 =	vadd.f32 v41, v22;
	v30 =	vadd.s32 $0xD, v9;
	v22 =	vld.idx.msk [tilespmem:v11+s12+$0x0], $0xffff  }
0x2c0: {  	v29 =	vadd.s32 $0x800D, v9;
	[tilespmem:v14+s12+$0x0] =	vst.idx.msk $0xffff, v27;
	v40 =	vadd.f32 v42, v27;
	v36 =	vld.idx.msk [tilespmem:v25+s12+$0x0], $0xffff  }
0x2c1: {  	v27 =	vadd.s32 $0x800E, v9;
	[tilespmem:v47+s12+$0x0] =	vst.idx.msk $0xffff, v34;
	v35 =	vadd.f32 v35, v34;
	v39 =	vld.idx.msk [tilespmem:v26+s12+$0x0], $0xffff  }
0x2c2: {  	v9 =	vadd.s32 $0x10, v9;
	v34 =	vadd.f32 v49, v40;
	v38 =	vld.idx.msk [tilespmem:v28+s12+$0x0], $0xffff;
	[tilespmem:v7+s12+$0x0] =	vst.idx.msk $0xffff, v23;
	v7 =	vmov v48  }
0x2c3: {  	_ =	sdelay $0x3  }
0x2c4: {  	[tilespmem:v6+s12+$0x0] =	vst.idx.msk $0xffff, v8  }
0x2c5: {  	v14 =	vadd.f32 v33, v35;
	[tilespmem:v17+s12+$0x0] =	vst.idx.msk $0xffff, v40  }
0x2c6: {  	[tilespmem:v7+s12+$0x0] =	vst.idx.msk $0xffff, v35;
	v6 =	vadd.f32 v37, v34  }
0x2c7: {  	[tilespmem:v13+s12+$0x0] =	vst.idx.msk $0xffff, v14;
	v8 =	vadd.f32 v31, v14  }
0x2c8: {  	v13 =	vld.idx.msk [tilespmem:v30+s12+$0x0], $0xffff;
	[tilespmem:v16+s12+$0x0] =	vst.idx.msk $0xffff, v6;
	v6 =	vadd.f32 v32, v6  }
0x2c9: {  	v14 =	vld.idx.msk [tilespmem:v29+s12+$0x0], $0xffff;
	[tilespmem:v20+s12+$0x0] =	vst.idx.msk $0xffff, v8;
	v8 =	vadd.f32 v36, v8  }
0x2ca: {  	[tilespmem:v21+s12+$0x0] =	vst.idx.msk $0xffff, v6;
	v6 =	vadd.f32 v39, v6  }
0x2cb: {  	v16 =	vld.idx.msk [tilespmem:v27+s12+$0x0], $0xffff;
	[tilespmem:v25+s12+$0x0] =	vst.idx.msk $0xffff, v8;
	v8 =	vadd.f32 v38, v8  }
0x2cc: {  	v17 =	vld.idx.msk [tilespmem:v18+s12+$0x0], $0xffff;
	[tilespmem:v26+s12+$0x0] =	vst.idx.msk $0xffff, v6;
	v6 =	vadd.f32 v19, v6  }
0x2cd: {  	[tilespmem:v28+s12+$0x0] =	vst.idx.msk $0xffff, v8;
	v8 =	vadd.f32 v13, v8  }
0x2ce: {  	s18 =	simm.s32 $0xF;
	[tilespmem:v10+s12+$0x0] =	vst.idx.msk $0xffff, v6;
	v6 =	vadd.f32 v14, v6  }
0x2cf: {  	v10 =	vmov s18;
	[tilespmem:v30+s12+$0x0] =	vst.idx.msk $0xffff, v8;
	v8 =	vadd.f32 v24, v8  }
0x2d0: {  	s25 =	simm.s32 $0xE;
	vm1 =	vgt.s32 v10, v4;
	[tilespmem:v29+s12+$0x0] =	vst.idx.msk $0xffff, v6;
	v6 =	vadd.f32 v16, v6  }
0x2d1: {  	[tilespmem:v15+s12+$0x0] =	vst.idx.msk $0xffff, v8;
	v15 =	vadd.f32 v17, v8;
	v8 =	vmov s25  }
0x2d2: {  	s26 =	simm.s32 $0xD;
	[tilespmem:v27+s12+$0x0] =	vst.idx.msk $0xffff, v6;
	v22 =	vadd.f32 v22, v6;
	v6 =	vadd.s32 $0x8000, v9;
	vm2 =	vgt.s32 v8, v4  }
0x2d3: {  	[tilespmem:v12+s12+$0x0] =	vst.idx.msk $0xffff, v34;
	v10 =	vadd.s32 $0x1, v9;
	v8 =	vmov s26  }
0x2d4: {  	v7 =	vadd.s32 $0x8001, v9;
	s28 =	simm.s32 $0xC;
	[tilespmem:v18+s12+$0x0] =	vst.idx.msk $0xffff, v15;
	vm6 =	vgt.s32 v8, v4  }
0x2d5: {  	s29 =	simm.s32 $0xB;
	v12 =	vmov s28;
	[tilespmem:v11+s12+$0x0] =	vst.idx.msk $0xffff, v22;
	v11 =	vadd.s32 $0x2, v9  }
0x2d6: {  	vm3 =	vgt.s32 v12, v4;
	v13 =	vmov s29;
	v8 =	vadd.s32 $0x8002, v9;
	v23 =	vld.idx.msk [tilespmem:v9+s12+$0x0], vm1  }
0x2d7: {  	vm4 =	vgt.s32 v13, v4;
	v16 =	vadd.s32 $0x8003, v9;
	v12 =	vld.idx.msk [tilespmem:v6+s12+$0x0], vm1  }
0x2d8: {  	s30 =	simm.s32 $0xA;
	v19 =	vadd.s32 $0x8004, v9;
	v24 =	vld.idx.msk [tilespmem:v10+s12+$0x0], vm2  }
0x2d9: {  	v13 =	vmov s30;
	v17 =	vadd.s32 $0x4, v9;
	v27 =	vld.idx.msk [tilespmem:v7+s12+$0x0], vm2  }
0x2da: {  	s31 =	simm.s32 $0x9;
	v20 =	vadd.s32 $0x5, v9;
	s18 =	simm.s32 $0x8;
	vm5 =	vgt.s32 v13, v4;
	v18 =	vadd.s32 $0x3, v9;
	v31 =	vld.idx.msk [tilespmem:v11+s12+$0x0], vm6  }
0x2db: {  	v21 =	vadd.s32 $0x8005, v9;
	v14 =	vmov s31;
	v28 =	vmov s18;
	v61 =	vld.idx.msk [tilespmem:v8+s12+$0x0], vm6  }
0x2dc: {  	v13 =	vadd.s32 $0x6, v9;
	vm7 =	vgt.s32 v28, v4;
	vm0 =	vmmov vm6;
	v29 =	vld.idx.msk [tilespmem:v16+s12+$0x0], vm3  }
0x2dd: {  	v28 =	vld.idx.msk [tilespmem:v19+s12+$0x0], vm4;
	vm6 =	vgt.s32 v14, v4;
	v23 =	vnsel vm1, $0x0, v23;
	v12 =	vnsel vm1, $0x0, v12  }
0x2de: {  	v26 =	vld.idx.msk [tilespmem:v17+s12+$0x0], vm4;
	v14 =	vadd.s32 $0x8006, v9;
	v62 =	vadd.f32 v23, v15;
	v12 =	vadd.f32 v12, v22  }
0x2df: {  	v25 =	vld.idx.msk [tilespmem:v18+s12+$0x0], vm3;
	v15 =	vnsel vm2, $0x0, v24;
	v23 =	vnsel vm2, $0x0, v27;
	v22 =	vadd.s32 $0x7, v9  }
0x2e0: {  	v24 =	vld.idx.msk [tilespmem:v20+s12+$0x0], vm5;
	v30 =	vadd.f32 v15, v62;
	v31 =	vnsel vm0, $0x0, v31;
	v32 =	vnsel vm0, $0x0, v61  }
0x2e1: {  	s19 =	simm.s32 $0x70;
	[tilespmem:v9+s12+$0x0] =	vst.idx.msk vm1, v62;
	v27 =	vld.idx.msk [tilespmem:v21+s12+$0x0], vm5;
	v15 =	vadd.f32 v23, v12;
	v23 =	vadd.s32 $0x8007, v9;
	v9 =	vadd.s32 $0x8, v9  }
.LBB2_24:
0x2e2: {  	v33 =	vadd.s32 $0x2, v9;
	v31 =	vadd.f32 v31, v30  }
0x2e3: {  	v32 =	vadd.f32 v32, v15;
	v34 =	vld.idx.msk [tilespmem:v13+s12+$0x0], vm6;
	vm8 =	vmmov vm1;
	vm9 =	vmmov vm2  }
0x2e4: {  	v25 =	vnsel vm3, $0x0, v25;
	v29 =	vnsel vm3, $0x0, v29;
	[tilespmem:v10+s12+$0x0] =	vst.idx.msk vm2, v30;
	v10 =	vadd.s32 $0x1, v9;
	v30 =	vld.idx.msk [tilespmem:v14+s12+$0x0], vm6  }
0x2e5: {  	v35 =	vadd.s32 $0x8001, v9;
	s18 =	sadd.s32 $0xFFFFFFF8, s18;
	v25 =	vadd.f32 v25, v31;
	v29 =	vadd.f32 v29, v32;
	v36 =	vld.idx.msk [tilespmem:v22+s12+$0x0], vm7  }
0x2e6: {  	v37 =	vadd.s32 $0x8000, v9;
	s20 =	sadd.s32 $0x7, s18;
	v26 =	vnsel vm4, $0x0, v26;
	v28 =	vnsel vm4, $0x0, v28;
	[tilespmem:v11+s12+$0x0] =	vst.idx.msk vm0, v31;
	v31 =	vld.idx.msk [tilespmem:v23+s12+$0x0], vm7;
	v11 =	vmovc v33  }
0x2e7: {  	s19 =	sadd.s32 $0x8, s19;
	v33 =	vmov s20;
	[tilespmem:v18+s12+$0x0] =	vst.idx.msk vm3, v25;
	v18 =	vadd.f32 v26, v25;
	v25 =	vadd.f32 v28, v29  }
0x2e8: {  	p0 =	slt.u32 s19, $0x78;
	s20 =	sadd.s32 $0x6, s18;
	vm1 =	vgt.s32 v33, v4;
	[tilespmem:v16+s12+$0x0] =	vst.idx.msk vm3, v29;
	v16 =	vnsel vm5, $0x0, v24;
	v24 =	vnsel vm5, $0x0, v27  }
0x2e9: {  	v26 =	vmov s20;
	[tilespmem:v17+s12+$0x0] =	vst.idx.msk vm4, v18;
	v16 =	vadd.f32 v16, v18;
	v17 =	vadd.f32 v24, v25  }
0x2ea: {  	s20 =	sadd.s32 $0x5, s18;
	vm2 =	vgt.s32 v26, v4;
	v18 =	vnsel vm6, $0x0, v34;
	[tilespmem:v19+s12+$0x0] =	vst.idx.msk vm4, v25;
	v19 =	vnsel vm6, $0x0, v30  }
0x2eb: {  	v24 =	vmov s20;
	[tilespmem:v20+s12+$0x0] =	vst.idx.msk vm5, v16;
	v16 =	vadd.f32 v18, v16;
	v18 =	vadd.f32 v19, v17  }
0x2ec: {  	s20 =	sadd.s32 $0x4, s18;
	vm10 =	vgt.s32 v24, v4;
	v19 =	vnsel vm7, $0x0, v31;
	[tilespmem:v21+s12+$0x0] =	vst.idx.msk vm5, v17;
	v17 =	vnsel vm7, $0x0, v36  }
0x2ed: {  	v20 =	vmov s20;
	[tilespmem:v13+s12+$0x0] =	vst.idx.msk vm6, v16;
	v24 =	vadd.f32 v17, v16;
	v26 =	vadd.f32 v19, v18  }
0x2ee: {  	s20 =	sadd.s32 $0x3, s18;
	vm3 =	vgt.s32 v20, v4;
	v13 =	vadd.s32 $0x8002, v9;
	v27 =	vld.idx.msk [tilespmem:v9+s12+$0x0], vm1;
	[tilespmem:v14+s12+$0x0] =	vst.idx.msk vm6, v18  }
0x2ef: {  	v18 =	vadd.s32 $0x3, v9;
	v14 =	vmov s20;
	v28 =	vld.idx.msk [tilespmem:v37+s12+$0x0], vm1;
	[tilespmem:v22+s12+$0x0] =	vst.idx.msk vm7, v24  }
0x2f0: {  	v16 =	vadd.s32 $0x8003, v9;
	s20 =	sadd.s32 $0x2, s18;
	vm4 =	vgt.s32 v14, v4;
	v22 =	vld.idx.msk [tilespmem:v10+s12+$0x0], vm2;
	[tilespmem:v23+s12+$0x0] =	vst.idx.msk vm7, v26  }
0x2f1: {  	v17 =	vadd.s32 $0x4, v9;
	v14 =	vmov s20;
	v23 =	vld.idx.msk [tilespmem:v35+s12+$0x0], vm2;
	[tilespmem:v8+s12+$0x0] =	vst.idx.msk vm0, v32;
	v8 =	vmovc v13;
	vm0 =	vmmov vm10  }
0x2f2: {  	v19 =	vadd.s32 $0x8004, v9;
	s20 =	sadd.s32 $0x1, s18;
	vm5 =	vgt.s32 v14, v4;
	v31 =	vld.idx.msk [tilespmem:v11+s12+$0x0], vm10;
	[tilespmem:v7+s12+$0x0] =	vst.idx.msk vm9, v15;
	v7 =	vmov v35  }
0x2f3: {  	v20 =	vadd.s32 $0x5, v9;
	v14 =	vmov s20;
	v32 =	vld.idx.msk [tilespmem:v13+s12+$0x0], vm10;
	v13 =	vadd.s32 $0x6, v9;
	[tilespmem:v6+s12+$0x0] =	vst.idx.msk vm8, v12;
	v6 =	vmovc v37  }
0x2f4: {  	v21 =	vadd.s32 $0x8005, v9;
	vm6 =	vgt.s32 v14, v4;
	v14 =	vadd.s32 $0x8006, v9;
	v25 =	vld.idx.msk [tilespmem:v18+s12+$0x0], vm3  }
.Ltmp11:
0x2f5: {  	v12 =	vnsel vm1, $0x0, v27;
	v27 =	vmov s18;
	v15 =	vnsel vm1, $0x0, v28;
	v29 =	vld.idx.msk [tilespmem:v16+s12+$0x0], vm3;
	(pc) =	sbr.rel @p0 .LBB2_24-.Ltmp11, $4  }
0x2f6: {  	v33 =	vadd.f32 v12, v24;
	vm7 =	vgt.s32 v27, v4;
	v12 =	vadd.f32 v15, v26;
	v26 =	vld.idx.msk [tilespmem:v17+s12+$0x0], vm4  }
0x2f7: {  	v15 =	vnsel vm2, $0x0, v22;
	v22 =	vadd.s32 $0x7, v9;
	v23 =	vnsel vm2, $0x0, v23;
	v28 =	vld.idx.msk [tilespmem:v19+s12+$0x0], vm4  }
0x2f8: {  	v30 =	vadd.f32 v15, v33;
	v15 =	vadd.f32 v23, v12;
	v23 =	vadd.s32 $0x8007, v9;
	v24 =	vld.idx.msk [tilespmem:v20+s12+$0x0], vm5  }
0x2f9: {  	v31 =	vnsel vm0, $0x0, v31;
	v32 =	vnsel vm0, $0x0, v32;
	[tilespmem:v9+s12+$0x0] =	vst.idx.msk vm1, v33;
	v27 =	vld.idx.msk [tilespmem:v21+s12+$0x0], vm5;
	v9 =	vadd.s32 $0x8, v9  }
0x2fa: {  	_ =	sdelay $0x3  }
0x2fb: {  	v9 =	vadd.f32 v31, v30  }
0x2fc: {  	v53 =	vadd.f32 v32, v15;
	v25 =	vnsel vm3, $0x0, v25;
	[tilespmem:v10+s12+$0x0] =	vst.idx.msk vm2, v30;
	vm2 =	vmmov vm2  }
0x2fd: {  	v10 =	vnsel vm3, $0x0, v29;
	vm1 =	vmmov vm1;
	v25 =	vadd.f32 v25, v9;
	[tilespmem:v11+s12+$0x0] =	vst.idx.msk vm0, v9  }
0x2fe: {  	v10 =	vadd.f32 v10, v53;
	v9 =	vnsel vm4, $0x0, v26;
	[tilespmem:v8+s12+$0x0] =	vst.idx.msk vm0, v53  }
0x2ff: {  	v54 =	vld.idx.msk [tilespmem:v13+s12+$0x0], vm6;
	[tilespmem:v18+s12+$0x0] =	vst.idx.msk vm3, v25;
	v9 =	vadd.f32 v9, v25  }
0x300: {  	v55 =	vld.idx.msk [tilespmem:v14+s12+$0x0], vm6;
	[tilespmem:v16+s12+$0x0] =	vst.idx.msk vm3, v10  }
0x301: {  	v11 =	vld.idx.msk [tilespmem:v22+s12+$0x0], vm7;
	v56 =	vnsel vm4, $0x0, v28;
	[tilespmem:v17+s12+$0x0] =	vst.idx.msk vm4, v9  }
0x302: {  	v57 =	vld.idx.msk [tilespmem:v23+s12+$0x0], vm7;
	v58 =	vadd.f32 v56, v10;
	v10 =	vnsel vm5, $0x0, v24;
	[tilespmem:v7+s12+$0x0] =	vst.idx.msk vm2, v15  }
0x303: {  	v59 =	vnsel vm5, $0x0, v27;
	v9 =	vadd.f32 v10, v9;
	[tilespmem:v6+s12+$0x0] =	vst.idx.msk vm1, v12  }
0x304: {  	v60 =	vnsel vm6, $0x0, v54;
	v10 =	vadd.f32 v59, v58;
	[tilespmem:v19+s12+$0x0] =	vst.idx.msk vm4, v58  }
0x305: {  	v61 =	vnsel vm6, $0x0, v55;
	[tilespmem:v20+s12+$0x0] =	vst.idx.msk vm5, v9;
	v9 =	vadd.f32 v60, v9  }
0x306: {  	v62 =	vadd.f32 v61, v10;
	[tilespmem:v21+s12+$0x0] =	vst.idx.msk vm5, v10;
	v10 =	vnsel vm7, $0x0, v11  }
0x307: {  	v11 =	vnsel vm7, $0x0, v57;
	[tilespmem:v13+s12+$0x0] =	vst.idx.msk vm6, v9;
	v9 =	vadd.f32 v10, v9  }
0x308: {  	v10 =	vadd.f32 v11, v62;
	[tilespmem:v14+s12+$0x0] =	vst.idx.msk vm6, v62  }
0x309: {  	[tilespmem:v22+s12+$0x0] =	vst.idx.msk vm7, v9  }
0x30a: {  	s18 =	simm.s32 $0xF;
	[tilespmem:v23+s12+$0x0] =	vst.idx.msk vm7, v10  }
0x30b: {  	[hbm4b:s7+s2] =	stream.linear.scatter [tilespmem:s12], [sflag:$0x4], $0x10000, $0x38;
	v63 =	vld [tilespmem:$0x0]  }
0x30c: {  	v6 =	vmov s18;
	_ =	swait.ge [sflag:s16], $0x10000  }
0x30d: {  	vm0 =	vlt.s32 v6, v2;
	[sflag:s16] =	ssyncset.done $0x0  }
0x30e: {  	[sflag:s16] =	ssyncadd.s32 $0xFFFF0000  }
0x30f: {  	[tilespmem:s12], [sflag:$0x2] =	stream.linear.gather [hbm4b:s8+s2], $0x10000, $0x38;
	v63 =	vld [tilespmem:$0x0]  }
0x310: {  	_ =	swait.ge [sflag:s13], $0x10000  }
0x311: {  	[sflag:s13] =	ssyncset.done $0x0  }
0x312: {  	s19 =	simm.s32 $0x0;
	[sflag:s13] =	ssyncadd.s32 $0xFFFF0000  }
0x313: {  	v8 =	vld.idx.msk [tilespmem:v1+s19+$0x0], vm0  }
0x314: {  	s30 =	simm.s32 $0xE;
	v9 =	vld.idx.msk [tilespmem:v5+s19+$0x0], vm0  }
0x315: {  	v6 =	vmov s30  }
0x316: {  	vm3 =	vlt.s32 v6, v2  }
0x317: {  	v7 =	vadd.s32 $0x1, v1;
	v12 =	vimm.f32 $0.0e+00;
	vm0 =	vmmov vm0  }
0x318: {  	v6 =	vadd.s32 $0x8000, v7;
	vm0 =	vmmov vm0  }
0x319: {  	v13 =	vmov v1;
	v8 =	vnsel vm0, $0x0, v8;
	v9 =	vnsel vm0, $0x0, v9  }
0x31a: {  	v8 =	vadd.f32 v8, v12;
	v9 =	vadd.f32 v9, v12;
	v12 =	vmov v5  }
0x31b: {  	s31 =	simm.s32 $0xD  }
0x31c: {  	v11 =	vmov s31;
	v10 =	vld.idx.msk [tilespmem:v7+s19+$0x0], vm3  }
0x31d: {  	s20 =	simm.s32 $0x0;
	s18 =	simm.s32 $0xC;
	vm1 =	vmmov vm3;
	vm2 =	vlt.s32 v11, v2;
	v11 =	vld.idx.msk [tilespmem:v6+s19+$0x0], vm3  }
.LBB2_26:
0x31e: {  	p0 =	sne.s32 s18, $0x1;
	[tilespmem:v13+s20+$0x0] =	vst.idx.msk vm0, v8;
	v13 =	vmov v7;
	v7 =	vadd.s32 $0x1, v7  }
0x31f: {  	[tilespmem:v12+s20+$0x0] =	vst.idx.msk vm0, v9;
	v12 =	vmovc v6;
	v6 =	vadd.s32 $0x8000, v7;
	vm0 =	vmmov vm1;
	vm1 =	vmmov vm2;
	s20 =	smov.u32 s19  }
.Ltmp12:
0x320: {  	(pc) =	sbr.rel @p0 .LBB2_26-.Ltmp12, $4  }
0x321: {  	_ = 	snop  }
0x322: {  	v14 =	vnsel vm0, $0x0, v10  }
0x323: {  	v15 =	vmov s18;
	v8 =	vadd.f32 v14, v8;
	v14 =	vnsel vm0, $0x0, v11;
	v10 =	vld.idx.msk [tilespmem:v7+s19+$0x0], vm2  }
0x324: {  	s18 =	sadd.s32 $0xFFFFFFFF, s18;
	v9 =	vadd.f32 v14, v9;
	v11 =	vld.idx.msk [tilespmem:v6+s19+$0x0], vm2;
	vm2 =	vlt.s32 v15, v2  }
0x325: {  	v14 =	vadd.s32 $0x1, v7  }
0x326: {  	v15 =	vadd.s32 $0x8000, v14;
	_ =	sdelay $0x2  }
0x327: {  	s18 =	simm.s32 $0x0  }
0x328: {  	vm1 =	vmmov vm1;
	v16 =	vld.idx.msk [tilespmem:v14+s18+$0x0], vm2  }
0x329: {  	vm15 =	vmmov vm2;
	v17 =	vld.idx.msk [tilespmem:v15+s18+$0x0], vm2  }
0x32a: {  	vm2 =	vmmov vm15  }
0x32b: {  	v10 =	vnsel vm1, $0x0, v10  }
0x32c: {  	[tilespmem:v13+s20+$0x0] =	vst.idx.msk vm0, v8;
	v8 =	vadd.f32 v10, v8;
	v10 =	vnsel vm1, $0x0, v11  }
0x32d: {  	[tilespmem:v12+s20+$0x0] =	vst.idx.msk vm0, v9;
	v9 =	vadd.f32 v10, v9;
	v10 =	vnsel vm2, $0x0, v16  }
0x32e: {  	[tilespmem:v7+s19+$0x0] =	vst.idx.msk vm1, v8;
	v8 =	vadd.f32 v10, v8;
	v7 =	vnsel vm2, $0x0, v17  }
0x32f: {  	[tilespmem:v6+s19+$0x0] =	vst.idx.msk vm1, v9;
	v6 =	vadd.f32 v7, v9  }
0x330: {  	[tilespmem:v14+s18+$0x0] =	vst.idx.msk vm2, v8  }
0x331: {  	v7 =	vadd.s32 $0x1, v14;
	[tilespmem:v15+s18+$0x0] =	vst.idx.msk vm2, v6  }
.LBB2_28:
0x332: {  	v9 =	vadd.s32 $0x8000, v7  }
0x333: {  	v10 =	vadd.s32 $0x1, v7  }
0x334: {  	v11 =	vadd.s32 $0x8001, v7  }
0x335: {  	v12 =	vadd.s32 $0x2, v7  }
0x336: {  	v13 =	vld.idx.msk [tilespmem:v7+s2+$0x0], $0xffff;
	v15 =	vadd.s32 $0x8002, v7  }
0x337: {  	v16 =	vadd.s32 $0x8006, v7;
	v14 =	vld.idx.msk [tilespmem:v9+s2+$0x0], $0xffff  }
0x338: {  	v17 =	vadd.s32 $0x4, v7;
	v18 =	vld.idx.msk [tilespmem:v10+s2+$0x0], $0xffff  }
0x339: {  	v19 =	vadd.s32 $0x8004, v7;
	v20 =	vld.idx.msk [tilespmem:v11+s2+$0x0], $0xffff  }
0x33a: {  	v21 =	vadd.s32 $0x5, v7;
	v22 =	vld.idx.msk [tilespmem:v12+s2+$0x0], $0xffff  }
0x33b: {  	v23 =	vadd.s32 $0x3, v7;
	v24 =	vld.idx.msk [tilespmem:v15+s2+$0x0], $0xffff  }
0x33c: {  	v25 =	vadd.s32 $0x8003, v7;
	v26 =	vld.idx.msk [tilespmem:v16+s2+$0x0], $0xffff  }
0x33d: {  	v28 =	vadd.s32 $0x6, v7;
	v27 =	vld.idx.msk [tilespmem:v17+s2+$0x0], $0xffff  }
0x33e: {  	v29 =	vadd.s32 $0x8005, v7;
	v30 =	vld.idx.msk [tilespmem:v19+s2+$0x0], $0xffff  }
0x33f: {  	v32 =	vadd.s32 $0x7, v7;
	v31 =	vld.idx.msk [tilespmem:v21+s2+$0x0], $0xffff;
	v8 =	vadd.f32 v13, v8  }
0x340: {  	v33 =	vadd.s32 $0x8007, v7;
	v13 =	vld.idx.msk [tilespmem:v23+s2+$0x0], $0xffff;
	v34 =	vadd.f32 v14, v6  }
0x341: {  	v38 =	vadd.s32 $0x800C, v7;
	v35 =	vld.idx.msk [tilespmem:v25+s2+$0x0], $0xffff;
	v18 =	vadd.f32 v18, v8  }
0x342: {  	v36 =	vld.idx.msk [tilespmem:v28+s2+$0x0], $0xffff;
	[tilespmem:v7+s2+$0x0] =	vst.idx.msk $0xffff, v8;
	v14 =	vadd.s32 $0x8, v7;
	v20 =	vadd.f32 v20, v34  }
0x343: {  	v37 =	vld.idx.msk [tilespmem:v29+s2+$0x0], $0xffff;
	v6 =	vadd.s32 $0x8008, v7;
	v8 =	vadd.f32 v22, v18;
	[tilespmem:v9+s2+$0x0] =	vst.idx.msk $0xffff, v34  }
0x344: {  	v39 =	vadd.s32 $0x9, v7;
	v22 =	vld.idx.msk [tilespmem:v32+s2+$0x0], $0xffff;
	[tilespmem:v10+s2+$0x0] =	vst.idx.msk $0xffff, v18;
	v9 =	vadd.f32 v24, v20  }
0x345: {  	v47 =	vadd.s32 $0xA, v7;
	v24 =	vld.idx.msk [tilespmem:v33+s2+$0x0], $0xffff;
	v10 =	vadd.f32 v13, v8;
	[tilespmem:v11+s2+$0x0] =	vst.idx.msk $0xffff, v20  }
0x346: {  	v18 =	vadd.s32 $0x800A, v7;
	[tilespmem:v12+s2+$0x0] =	vst.idx.msk $0xffff, v8;
	v12 =	vld.idx.msk [tilespmem:v38+s2+$0x0], $0xffff;
	v11 =	vadd.f32 v35, v9  }
0x347: {  	v40 =	vadd.s32 $0x8009, v7;
	v13 =	vld.idx.msk [tilespmem:v14+s2+$0x0], $0xffff;
	v8 =	vadd.f32 v27, v10  }
0x348: {  	v20 =	vld.idx.msk [tilespmem:v6+s2+$0x0], $0xffff;
	v27 =	vadd.s32 $0xE, v7;
	[tilespmem:v15+s2+$0x0] =	vst.idx.msk $0xffff, v9;
	v9 =	vadd.f32 v30, v11  }
0x349: {  	v15 =	vld.idx.msk [tilespmem:v39+s2+$0x0], $0xffff;
	[tilespmem:v23+s2+$0x0] =	vst.idx.msk $0xffff, v10;
	v30 =	vadd.s32 $0x800F, v7;
	v10 =	vadd.f32 v31, v8  }
0x34a: {  	v48 =	vadd.s32 $0xB, v7;
	v31 =	vld.idx.msk [tilespmem:v47+s2+$0x0], $0xffff;
	[tilespmem:v25+s2+$0x0] =	vst.idx.msk $0xffff, v11;
	v11 =	vadd.f32 v37, v9  }
0x34b: {  	v49 =	vadd.s32 $0x800B, v7;
	v25 =	vld.idx.msk [tilespmem:v18+s2+$0x0], $0xffff;
	[tilespmem:v17+s2+$0x0] =	vst.idx.msk $0xffff, v8;
	v8 =	vadd.f32 v36, v10  }
0x34c: {  	v50 =	vadd.s32 $0xC, v7;
	v17 =	vld.idx.msk [tilespmem:v40+s2+$0x0], $0xffff;
	[tilespmem:v19+s2+$0x0] =	vst.idx.msk $0xffff, v9;
	v9 =	vadd.f32 v26, v11  }
0x34d: {  	[tilespmem:v21+s2+$0x0] =	vst.idx.msk $0xffff, v10;
	v19 =	vld.idx.msk [tilespmem:v27+s2+$0x0], $0xffff;
	v26 =	vadd.s32 $0xF, v7;
	v10 =	vadd.f32 v22, v8  }
0x34e: {  	v21 =	vadd.s32 $0xD, v7;
	[tilespmem:v29+s2+$0x0] =	vst.idx.msk $0xffff, v11;
	v22 =	vld.idx.msk [tilespmem:v30+s2+$0x0], $0xffff;
	v11 =	vadd.f32 v24, v9  }
0x34f: {  	v29 =	vadd.s32 $0x800D, v7;
	[tilespmem:v28+s2+$0x0] =	vst.idx.msk $0xffff, v8;
	v24 =	vld.idx.msk [tilespmem:v48+s2+$0x0], $0xffff;
	v23 =	vadd.f32 v13, v10  }
0x350: {  	v13 =	vld.idx.msk [tilespmem:v49+s2+$0x0], $0xffff;
	[tilespmem:v16+s2+$0x0] =	vst.idx.msk $0xffff, v9;
	v9 =	vadd.s32 $0x10, v7;
	v8 =	vadd.f32 v20, v11  }
0x351: {  	v28 =	vadd.s32 $0x800E, v7;
	v16 =	vld.idx.msk [tilespmem:v50+s2+$0x0], $0xffff;
	[tilespmem:v32+s2+$0x0] =	vst.idx.msk $0xffff, v10;
	v7 =	vadd.f32 v15, v23  }
0x352: {  	v10 =	vadd.s32 $0x8000, v9;
	[tilespmem:v33+s2+$0x0] =	vst.idx.msk $0xffff, v11;
	v15 =	vld.idx.msk [tilespmem:v26+s2+$0x0], $0xffff;
	v11 =	vadd.f32 v17, v8  }
0x353: {  	v52 =	vadd.s32 $0x2, v9;
	v17 =	vld.idx.msk [tilespmem:v21+s2+$0x0], $0xffff;
	[tilespmem:v39+s2+$0x0] =	vst.idx.msk $0xffff, v7;
	v7 =	vadd.f32 v31, v7  }
0x354: {  	v54 =	vadd.s32 $0x8002, v9;
	v31 =	vld.idx.msk [tilespmem:v29+s2+$0x0], $0xffff;
	[tilespmem:v40+s2+$0x0] =	vst.idx.msk $0xffff, v11;
	v11 =	vadd.f32 v25, v11  }
0x355: {  	v55 =	vadd.s32 $0x8006, v9;
	v53 =	vld.idx.msk [tilespmem:v9+s2+$0x0], $0xffff;
	[tilespmem:v47+s2+$0x0] =	vst.idx.msk $0xffff, v7;
	v7 =	vadd.f32 v24, v7  }
0x356: {  	v20 =	vadd.s32 $0x1, v9;
	v25 =	vld.idx.msk [tilespmem:v28+s2+$0x0], $0xffff;
	[tilespmem:v18+s2+$0x0] =	vst.idx.msk $0xffff, v11;
	v11 =	vadd.f32 v13, v11  }
0x357: {  	v51 =	vadd.s32 $0x8001, v9;
	v24 =	vld.idx.msk [tilespmem:v10+s2+$0x0], $0xffff;
	[tilespmem:v48+s2+$0x0] =	vst.idx.msk $0xffff, v7;
	v7 =	vadd.f32 v16, v7  }
0x358: {  	v41 =	vld.idx.msk [tilespmem:v52+s2+$0x0], $0xffff;
	v18 =	vadd.s32 $0x4, v9;
	[tilespmem:v49+s2+$0x0] =	vst.idx.msk $0xffff, v11;
	v11 =	vadd.f32 v12, v11  }
0x359: {  	v56 =	vadd.s32 $0x8004, v9;
	v42 =	vld.idx.msk [tilespmem:v54+s2+$0x0], $0xffff;
	[tilespmem:v50+s2+$0x0] =	vst.idx.msk $0xffff, v7;
	v7 =	vadd.f32 v17, v7  }
0x35a: {  	v57 =	vadd.s32 $0x5, v9;
	v59 =	vld.idx.msk [tilespmem:v55+s2+$0x0], $0xffff;
	[tilespmem:v38+s2+$0x0] =	vst.idx.msk $0xffff, v11;
	v11 =	vadd.f32 v31, v11  }
0x35b: {  	v58 =	vadd.s32 $0x3, v9;
	v13 =	vld.idx.msk [tilespmem:v20+s2+$0x0], $0xffff;
	[tilespmem:v21+s2+$0x0] =	vst.idx.msk $0xffff, v7;
	v7 =	vadd.f32 v19, v7  }
0x35c: {  	v16 =	vld.idx.msk [tilespmem:v51+s2+$0x0], $0xffff;
	v31 =	vadd.s32 $0x8003, v9;
	[tilespmem:v29+s2+$0x0] =	vst.idx.msk $0xffff, v11;
	v11 =	vadd.f32 v25, v11  }
0x35d: {  	v17 =	vadd.s32 $0x8007, v9;
	v19 =	vld.idx.msk [tilespmem:v18+s2+$0x0], $0xffff;
	[tilespmem:v27+s2+$0x0] =	vst.idx.msk $0xffff, v7;
	v7 =	vadd.f32 v15, v7  }
0x35e: {  	v44 =	vadd.s32 $0x7, v9;
	v25 =	vld.idx.msk [tilespmem:v56+s2+$0x0], $0xffff;
	[tilespmem:v28+s2+$0x0] =	vst.idx.msk $0xffff, v11;
	v11 =	vadd.f32 v22, v11  }
0x35f: {  	v43 =	vadd.s32 $0x6, v9;
	v27 =	vld.idx.msk [tilespmem:v57+s2+$0x0], $0xffff;
	v12 =	vadd.f32 v53, v7;
	[tilespmem:v26+s2+$0x0] =	vst.idx.msk $0xffff, v7  }
0x360: {  	v29 =	vadd.s32 $0x8005, v9;
	v15 =	vld.idx.msk [tilespmem:v58+s2+$0x0], $0xffff;
	v21 =	vadd.f32 v24, v11;
	[tilespmem:v30+s2+$0x0] =	vst.idx.msk $0xffff, v11  }
0x361: {  	v7 =	vadd.s32 $0x8, v9;
	v22 =	vld.idx.msk [tilespmem:v31+s2+$0x0], $0xffff;
	[tilespmem:v9+s2+$0x0] =	vst.idx.msk $0xffff, v12;
	v11 =	vadd.f32 v13, v12  }
0x362: {  	v60 =	vld.idx.msk [tilespmem:v17+s2+$0x0], $0xffff;
	v12 =	vadd.s32 $0x8008, v9;
	[tilespmem:v10+s2+$0x0] =	vst.idx.msk $0xffff, v21;
	v16 =	vadd.f32 v16, v21  }
0x363: {  	v28 =	vld.idx.msk [tilespmem:v44+s2+$0x0], $0xffff;
	v13 =	vadd.s32 $0x9, v9;
	[tilespmem:v20+s2+$0x0] =	vst.idx.msk $0xffff, v11;
	v11 =	vadd.f32 v41, v11  }
0x364: {  	v24 =	vld.idx.msk [tilespmem:v43+s2+$0x0], $0xffff;
	v10 =	vadd.s32 $0x800C, v9;
	[tilespmem:v51+s2+$0x0] =	vst.idx.msk $0xffff, v16;
	v30 =	vadd.f32 v42, v16  }
0x365: {  	v26 =	vld.idx.msk [tilespmem:v29+s2+$0x0], $0xffff;
	v21 =	vadd.s32 $0x800A, v9;
	[tilespmem:v52+s2+$0x0] =	vst.idx.msk $0xffff, v11;
	v11 =	vadd.f32 v15, v11  }
0x366: {  	v20 =	vadd.s32 $0xA, v9;
	v61 =	vld.idx.msk [tilespmem:v7+s2+$0x0], $0xffff;
	[tilespmem:v54+s2+$0x0] =	vst.idx.msk $0xffff, v30;
	v22 =	vadd.f32 v22, v30  }
0x367: {  	v16 =	vadd.s32 $0x8009, v9;
	v62 =	vld.idx.msk [tilespmem:v12+s2+$0x0], $0xffff;
	[tilespmem:v58+s2+$0x0] =	vst.idx.msk $0xffff, v11;
	v30 =	vadd.f32 v19, v11  }
0x368: {  	v15 =	vadd.s32 $0xE, v9;
	v33 =	vld.idx.msk [tilespmem:v13+s2+$0x0], $0xffff;
	[tilespmem:v31+s2+$0x0] =	vst.idx.msk $0xffff, v22;
	v22 =	vadd.f32 v25, v22  }
0x369: {  	v11 =	vadd.s32 $0x800F, v9;
	v19 =	vld.idx.msk [tilespmem:v10+s2+$0x0], $0xffff;
	[tilespmem:v18+s2+$0x0] =	vst.idx.msk $0xffff, v30;
	v18 =	vadd.f32 v27, v30  }
0x36a: {  	v32 =	vld.idx.msk [tilespmem:v21+s2+$0x0], $0xffff;
	v25 =	vadd.s32 $0xB, v9;
	[tilespmem:v56+s2+$0x0] =	vst.idx.msk $0xffff, v22;
	v22 =	vadd.f32 v26, v22  }
0x36b: {  	v31 =	vld.idx.msk [tilespmem:v20+s2+$0x0], $0xffff;
	v27 =	vadd.s32 $0xC, v9;
	[tilespmem:v57+s2+$0x0] =	vst.idx.msk $0xffff, v18;
	v18 =	vadd.f32 v24, v18  }
0x36c: {  	v37 =	vld.idx.msk [tilespmem:v16+s2+$0x0], $0xffff;
	v26 =	vadd.s32 $0x800B, v9;
	[tilespmem:v29+s2+$0x0] =	vst.idx.msk $0xffff, v22;
	v29 =	vadd.f32 v59, v22  }
0x36d: {  	v24 =	vld.idx.msk [tilespmem:v15+s2+$0x0], $0xffff;
	[tilespmem:v43+s2+$0x0] =	vst.idx.msk $0xffff, v18;
	v28 =	vadd.f32 v28, v18;
	v18 =	vadd.s32 $0xF, v9  }
0x36e: {  	v22 =	vld.idx.msk [tilespmem:v11+s2+$0x0], $0xffff;
	[tilespmem:v55+s2+$0x0] =	vst.idx.msk $0xffff, v29;
	v40 =	vadd.f32 v60, v29;
	v29 =	vadd.s32 $0xD, v9  }
0x36f: {  	v30 =	vadd.s32 $0x800D, v9;
	v36 =	vld.idx.msk [tilespmem:v25+s2+$0x0], $0xffff  }
0x370: {  	v38 =	vld.idx.msk [tilespmem:v27+s2+$0x0], $0xffff;
	[tilespmem:v44+s2+$0x0] =	vst.idx.msk $0xffff, v28;
	v35 =	vadd.f32 v61, v28;
	v28 =	vadd.s32 $0x800E, v9  }
0x371: {  	s19 =	simm.s32 $0x10;
	[tilespmem:v14+s2+$0x0] =	vst.idx.msk $0xffff, v23;
	v9 =	vadd.s32 $0x10, v9;
	v39 =	vld.idx.msk [tilespmem:v26+s2+$0x0], $0xffff;
	v34 =	vadd.f32 v62, v40  }
.LBB2_29:
0x372: {  	v41 =	vadd.s32 $0x8000, v9;
	v14 =	vadd.s32 $0x8006, v9;
	s19 =	sadd.s32 $0x10, s19;
	v43 =	vadd.f32 v33, v35;
	v33 =	vld.idx.msk [tilespmem:v18+s2+$0x0], $0xffff;
	[tilespmem:v6+s2+$0x0] =	vst.idx.msk $0xffff, v8  }
0x373: {  	v42 =	vadd.s32 $0x1, v9;
	v6 =	vmov v12;
	p0 =	slt.u32 s19, $0x60;
	[tilespmem:v17+s2+$0x0] =	vst.idx.msk $0xffff, v40;
	v40 =	vadd.f32 v37, v34;
	v17 =	vld.idx.msk [tilespmem:v29+s2+$0x0], $0xffff  }
0x374: {  	v23 =	vmov v35;
	v37 =	vadd.s32 $0x8001, v9;
	[tilespmem:v13+s2+$0x0] =	vst.idx.msk $0xffff, v43;
	v12 =	vadd.f32 v31, v43;
	v31 =	vld.idx.msk [tilespmem:v30+s2+$0x0], $0xffff  }
0x375: {  	v35 =	vadd.s32 $0x2, v9;
	v8 =	vmov v34;
	[tilespmem:v16+s2+$0x0] =	vst.idx.msk $0xffff, v40;
	v13 =	vadd.f32 v32, v40;
	v32 =	vld.idx.msk [tilespmem:v28+s2+$0x0], $0xffff  }
0x376: {  	v40 =	vadd.s32 $0x8002, v9;
	v34 =	vld.idx.msk [tilespmem:v9+s2+$0x0], $0xffff;
	[tilespmem:v20+s2+$0x0] =	vst.idx.msk $0xffff, v12;
	v12 =	vadd.f32 v36, v12  }
0x377: {  	v43 =	vadd.s32 $0x4, v9;
	v36 =	vadd.s32 $0x3, v9;
	v20 =	vld.idx.msk [tilespmem:v41+s2+$0x0], $0xffff;
	[tilespmem:v21+s2+$0x0] =	vst.idx.msk $0xffff, v13;
	v13 =	vadd.f32 v39, v13  }
0x378: {  	v44 =	vadd.s32 $0x8004, v9;
	v39 =	vadd.s32 $0x8003, v9;
	v21 =	vld.idx.msk [tilespmem:v42+s2+$0x0], $0xffff;
	[tilespmem:v25+s2+$0x0] =	vst.idx.msk $0xffff, v12;
	v12 =	vadd.f32 v38, v12  }
0x379: {  	v38 =	vadd.s32 $0x5, v9;
	v25 =	vld.idx.msk [tilespmem:v37+s2+$0x0], $0xffff;
	[tilespmem:v26+s2+$0x0] =	vst.idx.msk $0xffff, v13;
	v16 =	vadd.f32 v19, v13  }
0x37a: {  	v45 =	vadd.s32 $0x8005, v9;
	v19 =	vld.idx.msk [tilespmem:v35+s2+$0x0], $0xffff;
	[tilespmem:v27+s2+$0x0] =	vst.idx.msk $0xffff, v12;
	v12 =	vadd.f32 v17, v12  }
0x37b: {  	v13 =	vadd.s32 $0x9, v9;
	v26 =	vld.idx.msk [tilespmem:v40+s2+$0x0], $0xffff;
	[tilespmem:v10+s2+$0x0] =	vst.idx.msk $0xffff, v16;
	v10 =	vadd.f32 v31, v16  }
0x37c: {  	v16 =	vadd.s32 $0x8009, v9;
	v46 =	vld.idx.msk [tilespmem:v14+s2+$0x0], $0xffff;
	[tilespmem:v29+s2+$0x0] =	vst.idx.msk $0xffff, v12;
	v12 =	vadd.f32 v24, v12  }
0x37d: {  	v29 =	vadd.s32 $0x6, v9;
	v24 =	vld.idx.msk [tilespmem:v43+s2+$0x0], $0xffff;
	[tilespmem:v30+s2+$0x0] =	vst.idx.msk $0xffff, v10;
	v10 =	vadd.f32 v32, v10  }
0x37e: {  	v27 =	vld.idx.msk [tilespmem:v44+s2+$0x0], $0xffff;
	[tilespmem:v15+s2+$0x0] =	vst.idx.msk $0xffff, v12;
	v12 =	vadd.f32 v33, v12  }
0x37f: {  	v47 =	vadd.s32 $0x7, v9;
	v30 =	vld.idx.msk [tilespmem:v38+s2+$0x0], $0xffff;
	[tilespmem:v28+s2+$0x0] =	vst.idx.msk $0xffff, v10;
	v10 =	vadd.f32 v22, v10  }
0x380: {  	v17 =	vadd.s32 $0x8007, v9;
	v15 =	vadd.f32 v34, v12;
	v22 =	vld.idx.msk [tilespmem:v36+s2+$0x0], $0xffff;
	[tilespmem:v18+s2+$0x0] =	vst.idx.msk $0xffff, v12  }
0x381: {  	v48 =	vadd.s32 $0x8, v9;
	v18 =	vadd.f32 v20, v10;
	v28 =	vld.idx.msk [tilespmem:v39+s2+$0x0], $0xffff;
	[tilespmem:v11+s2+$0x0] =	vst.idx.msk $0xffff, v10  }
0x382: {  	v12 =	vadd.s32 $0x8008, v9;
	[tilespmem:v9+s2+$0x0] =	vst.idx.msk $0xffff, v15;
	v11 =	vadd.f32 v21, v15;
	v34 =	vld.idx.msk [tilespmem:v29+s2+$0x0], $0xffff  }
0x383: {  	v10 =	vadd.s32 $0x800C, v9;
	[tilespmem:v41+s2+$0x0] =	vst.idx.msk $0xffff, v18;
	v15 =	vadd.f32 v25, v18;
	v18 =	vld.idx.msk [tilespmem:v45+s2+$0x0], $0xffff  }
0x384: {  	[tilespmem:v42+s2+$0x0] =	vst.idx.msk $0xffff, v11;
	v11 =	vadd.f32 v19, v11;
	v41 =	vld.idx.msk [tilespmem:v47+s2+$0x0], $0xffff  }
0x385: {  	v20 =	vadd.s32 $0xA, v9;
	[tilespmem:v37+s2+$0x0] =	vst.idx.msk $0xffff, v15;
	v15 =	vadd.f32 v26, v15;
	v42 =	vld.idx.msk [tilespmem:v17+s2+$0x0], $0xffff  }
0x386: {  	v21 =	vadd.s32 $0x800A, v9;
	[tilespmem:v35+s2+$0x0] =	vst.idx.msk $0xffff, v11;
	v11 =	vadd.f32 v22, v11;
	v35 =	vld.idx.msk [tilespmem:v48+s2+$0x0], $0xffff  }
0x387: {  	[tilespmem:v40+s2+$0x0] =	vst.idx.msk $0xffff, v15;
	v22 =	vadd.f32 v28, v15;
	v49 =	vld.idx.msk [tilespmem:v12+s2+$0x0], $0xffff  }
0x388: {  	v15 =	vadd.s32 $0xE, v9;
	[tilespmem:v36+s2+$0x0] =	vst.idx.msk $0xffff, v11;
	v24 =	vadd.f32 v24, v11;
	v19 =	vld.idx.msk [tilespmem:v10+s2+$0x0], $0xffff  }
0x389: {  	v11 =	vadd.s32 $0x800F, v9;
	[tilespmem:v39+s2+$0x0] =	vst.idx.msk $0xffff, v22;
	v22 =	vadd.f32 v27, v22;
	v33 =	vld.idx.msk [tilespmem:v13+s2+$0x0], $0xffff  }
0x38a: {  	v25 =	vadd.s32 $0xB, v9;
	[tilespmem:v43+s2+$0x0] =	vst.idx.msk $0xffff, v24;
	v24 =	vadd.f32 v30, v24;
	v31 =	vld.idx.msk [tilespmem:v20+s2+$0x0], $0xffff  }
0x38b: {  	v26 =	vadd.s32 $0x800B, v9;
	[tilespmem:v44+s2+$0x0] =	vst.idx.msk $0xffff, v22;
	v18 =	vadd.f32 v18, v22;
	v32 =	vld.idx.msk [tilespmem:v21+s2+$0x0], $0xffff  }
0x38c: {  	v27 =	vadd.s32 $0xC, v9;
	[tilespmem:v38+s2+$0x0] =	vst.idx.msk $0xffff, v24;
	v22 =	vadd.f32 v34, v24;
	v37 =	vld.idx.msk [tilespmem:v16+s2+$0x0], $0xffff  }
.Ltmp13:
0x38d: {  	[tilespmem:v45+s2+$0x0] =	vst.idx.msk $0xffff, v18;
	v28 =	vadd.f32 v46, v18;
	v24 =	vld.idx.msk [tilespmem:v15+s2+$0x0], $0xffff;
	v18 =	vadd.s32 $0xF, v9;
	(pc) =	sbr.rel @p0 .LBB2_29-.Ltmp13, $4  }
0x38e: {  	[tilespmem:v29+s2+$0x0] =	vst.idx.msk $0xffff, v22;
	v34 =	vadd.f32 v41, v22;
	v29 =	vadd.s32 $0xD, v9;
	v22 =	vld.idx.msk [tilespmem:v11+s2+$0x0], $0xffff  }
0x38f: {  	v30 =	vadd.s32 $0x800D, v9;
	[tilespmem:v14+s2+$0x0] =	vst.idx.msk $0xffff, v28;
	v40 =	vadd.f32 v42, v28;
	v36 =	vld.idx.msk [tilespmem:v25+s2+$0x0], $0xffff  }
0x390: {  	v28 =	vadd.s32 $0x800E, v9;
	[tilespmem:v47+s2+$0x0] =	vst.idx.msk $0xffff, v34;
	v35 =	vadd.f32 v35, v34;
	v39 =	vld.idx.msk [tilespmem:v26+s2+$0x0], $0xffff  }
0x391: {  	v9 =	vadd.s32 $0x10, v9;
	v34 =	vadd.f32 v49, v40;
	v38 =	vld.idx.msk [tilespmem:v27+s2+$0x0], $0xffff;
	[tilespmem:v7+s2+$0x0] =	vst.idx.msk $0xffff, v23;
	v7 =	vmov v48  }
0x392: {  	_ =	sdelay $0x3  }
0x393: {  	v14 =	vadd.f32 v33, v35;
	[tilespmem:v6+s2+$0x0] =	vst.idx.msk $0xffff, v8  }
0x394: {  	[tilespmem:v17+s2+$0x0] =	vst.idx.msk $0xffff, v40;
	v6 =	vadd.f32 v37, v34  }
0x395: {  	[tilespmem:v13+s2+$0x0] =	vst.idx.msk $0xffff, v14;
	v8 =	vadd.f32 v31, v14  }
0x396: {  	v31 =	vld.idx.msk [tilespmem:v29+s2+$0x0], $0xffff;
	[tilespmem:v16+s2+$0x0] =	vst.idx.msk $0xffff, v6;
	v6 =	vadd.f32 v32, v6  }
0x397: {  	v33 =	vld.idx.msk [tilespmem:v30+s2+$0x0], $0xffff;
	[tilespmem:v20+s2+$0x0] =	vst.idx.msk $0xffff, v8;
	v8 =	vadd.f32 v36, v8  }
0x398: {  	[tilespmem:v21+s2+$0x0] =	vst.idx.msk $0xffff, v6;
	v6 =	vadd.f32 v39, v6  }
0x399: {  	v37 =	vld.idx.msk [tilespmem:v28+s2+$0x0], $0xffff;
	[tilespmem:v25+s2+$0x0] =	vst.idx.msk $0xffff, v8;
	v8 =	vadd.f32 v38, v8  }
0x39a: {  	v38 =	vld.idx.msk [tilespmem:v18+s2+$0x0], $0xffff;
	[tilespmem:v26+s2+$0x0] =	vst.idx.msk $0xffff, v6;
	v6 =	vadd.f32 v19, v6  }
0x39b: {  	[tilespmem:v27+s2+$0x0] =	vst.idx.msk $0xffff, v8;
	v8 =	vadd.f32 v31, v8  }
0x39c: {  	[tilespmem:v10+s2+$0x0] =	vst.idx.msk $0xffff, v6;
	v6 =	vadd.f32 v33, v6  }
0x39d: {  	[tilespmem:v29+s2+$0x0] =	vst.idx.msk $0xffff, v8;
	v8 =	vadd.f32 v24, v8  }
0x39e: {  	s19 =	simm.s32 $0xF;
	[tilespmem:v30+s2+$0x0] =	vst.idx.msk $0xffff, v6;
	v6 =	vadd.f32 v37, v6  }
0x39f: {  	v10 =	vmov s19;
	[tilespmem:v15+s2+$0x0] =	vst.idx.msk $0xffff, v8;
	v8 =	vadd.f32 v38, v8  }
0x3a0: {  	s25 =	simm.s32 $0xE;
	vm0 =	veq.s32 v10, v0;
	[tilespmem:v28+s2+$0x0] =	vst.idx.msk $0xffff, v6;
	v6 =	vadd.f32 v22, v6  }
0x3a1: {  	v39 =	vmov s25;
	v10 =	vadd.s32 $0x8000, v9;
	v40 =	vsel vm0, $0x381, v3;
	[tilespmem:v18+s2+$0x0] =	vst.idx.msk $0xffff, v8  }
0x3a2: {  	s26 =	simm.s32 $0xD;
	vm10 =	veq.s32 v39, v0;
	[tilespmem:v11+s2+$0x0] =	vst.idx.msk $0xffff, v6;
	v11 =	vadd.s32 v9, v40  }
0x3a3: {  	[tilespmem:v7+s2+$0x0] =	vst.idx.msk $0xffff, v35;
	v7 =	vmov s26;
	v13 =	vsel vm10, $0x381, v3;
	v14 =	vadd.s32 $0x8000, v11  }
0x3a4: {  	s28 =	simm.s32 $0xC;
	[tilespmem:v12+s2+$0x0] =	vst.idx.msk $0xffff, v34;
	vm11 =	veq.s32 v7, v0;
	v7 =	vadd.s32 v13, v11  }
0x3a5: {  	s20 =	simm.s32 $0xB;
	v42 =	vmov s28;
	v41 =	vsel vm11, $0x381, v3;
	v43 =	vld.idx.msk [tilespmem:v9+s2+$0x0], $0xffff;
	v13 =	vadd.s32 $0x8000, v7  }
0x3a6: {  	s29 =	simm.s32 $0xA;
	v44 =	vmov s20;
	vm12 =	veq.s32 v42, v0;
	v45 =	vld.idx.msk [tilespmem:v10+s2+$0x0], $0xffff;
	v12 =	vadd.s32 v41, v7  }
0x3a7: {  	s30 =	simm.s32 $0x9;
	v50 =	vmov s29;
	v47 =	vsel vm12, $0x381, v3;
	v46 =	vadd.s32 $0x8000, v12;
	v48 =	vld.idx.msk [tilespmem:v11+s2+$0x0], $0xffff  }
0x3a8: {  	v54 =	vmov s30;
	vm1 =	veq.s32 v44, v0;
	v18 =	vadd.s32 v47, v12;
	v21 =	vld.idx.msk [tilespmem:v14+s2+$0x0], $0xffff  }
0x3a9: {  	vm13 =	veq.s32 v50, v0;
	v49 =	vsel vm1, $0x381, v3;
	v23 =	vadd.s32 $0x8000, v18;
	v51 =	vld.idx.msk [tilespmem:v7+s2+$0x0], $0xffff  }
0x3aa: {  	vm14 =	veq.s32 v54, v0;
	v20 =	vadd.s32 v49, v18;
	v8 =	vadd.f32 v43, v8;
	v25 =	vld.idx.msk [tilespmem:v13+s2+$0x0], $0xffff  }
0x3ab: {  	v53 =	vsel vm13, $0x381, v3;
	v52 =	vadd.s32 $0x8000, v20;
	v6 =	vadd.f32 v45, v6;
	v26 =	vld.idx.msk [tilespmem:v12+s2+$0x0], $0xffff  }
0x3ac: {  	v55 =	vadd.s32 v53, v20;
	v56 =	vld.idx.msk [tilespmem:v46+s2+$0x0], $0xffff;
	[tilespmem:v9+s2+$0x0] =	vst.idx.msk $0xffff, v8;
	v8 =	vadd.f32 v48, v8  }
0x3ad: {  	v58 =	vadd.s32 $0x8000, v55;
	v57 =	vld.idx.msk [tilespmem:v18+s2+$0x0], $0xffff;
	v9 =	vsel vm14, $0x381, v3;
	[tilespmem:v10+s2+$0x0] =	vst.idx.msk $0xffff, v6;
	v6 =	vadd.f32 v21, v6  }
0x3ae: {  	v10 =	vld.idx.msk [tilespmem:v23+s2+$0x0], $0xffff;
	v59 =	vadd.s32 v9, v55;
	[tilespmem:v11+s2+$0x0] =	vst.idx.msk $0xffff, v8;
	v8 =	vadd.f32 v51, v8  }
0x3af: {  	v9 =	vadd.s32 $0x8000, v59;
	v11 =	vld.idx.msk [tilespmem:v20+s2+$0x0], $0xffff;
	[tilespmem:v14+s2+$0x0] =	vst.idx.msk $0xffff, v6;
	v6 =	vadd.f32 v25, v6  }
0x3b0: {  	v60 =	vld.idx.msk [tilespmem:v52+s2+$0x0], $0xffff;
	[tilespmem:v7+s2+$0x0] =	vst.idx.msk $0xffff, v8;
	v7 =	vadd.f32 v26, v8  }
0x3b1: {  	v8 =	vld.idx.msk [tilespmem:v55+s2+$0x0], $0xffff;
	[tilespmem:v13+s2+$0x0] =	vst.idx.msk $0xffff, v6;
	v6 =	vadd.f32 v56, v6  }
0x3b2: {  	v61 =	vld.idx.msk [tilespmem:v58+s2+$0x0], $0xffff;
	[tilespmem:v12+s2+$0x0] =	vst.idx.msk $0xffff, v7;
	v7 =	vadd.f32 v57, v7  }
0x3b3: {  	v62 =	vld.idx.msk [tilespmem:v59+s2+$0x0], $0xffff;
	[tilespmem:v46+s2+$0x0] =	vst.idx.msk $0xffff, v6;
	v6 =	vadd.f32 v10, v6  }
0x3b4: {  	v10 =	vld.idx.msk [tilespmem:v9+s2+$0x0], $0xffff;
	[tilespmem:v18+s2+$0x0] =	vst.idx.msk $0xffff, v7;
	v7 =	vadd.f32 v11, v7  }
0x3b5: {  	[tilespmem:v23+s2+$0x0] =	vst.idx.msk $0xffff, v6;
	v6 =	vadd.f32 v60, v6  }
0x3b6: {  	s31 =	simm.s32 $0x8;
	[tilespmem:v20+s2+$0x0] =	vst.idx.msk $0xffff, v7;
	v7 =	vadd.f32 v8, v7  }
0x3b7: {  	v8 =	vmov s31;
	[tilespmem:v52+s2+$0x0] =	vst.idx.msk $0xffff, v6;
	v6 =	vadd.f32 v61, v6  }
0x3b8: {  	vm15 =	veq.s32 v8, v0;
	[tilespmem:v55+s2+$0x0] =	vst.idx.msk $0xffff, v7;
	v8 =	vadd.f32 v62, v7  }
0x3b9: {  	v7 =	vsel vm15, $0x381, v3;
	[tilespmem:v58+s2+$0x0] =	vst.idx.msk $0xffff, v6;
	v6 =	vadd.f32 v10, v6  }
0x3ba: {  	s20 =	simm.s32 $0x0;
	s19 =	simm.s32 $0x70;
	v7 =	vadd.s32 v7, v59;
	[tilespmem:v59+s2+$0x0] =	vst.idx.msk $0xffff, v8  }
.LBB2_31:
0x3bb: {  	s21 =	sadd.s32 $0x3, s20;
	s19 =	sadd.s32 $0x8, s19;
	[tilespmem:v9+s2+$0x0] =	vst.idx.msk $0xffff, v6  }
0x3bc: {  	s22 =	sadd.s32 $0x7, s20;
	v9 =	vmov s21;
	p0 =	slt.u32 s19, $0x78  }
0x3bd: {  	v10 =	vmov s22;
	s21 =	sadd.s32 $0x6, s20;
	vm0 =	veq.s32 v9, v0  }
0x3be: {  	v9 =	vadd.s32 $0x8000, v7;
	vm1 =	veq.s32 v10, v0;
	v10 =	vmov s21;
	s21 =	sadd.s32 $0x5, s20  }
0x3bf: {  	v11 =	vsel vm1, $0x381, v3;
	vm1 =	veq.s32 v10, v0;
	v10 =	vmov s21;
	s21 =	sadd.s32 $0x4, s20  }
0x3c0: {  	v11 =	vadd.s32 v7, v11;
	v12 =	vsel vm1, $0x381, v3;
	vm1 =	veq.s32 v10, v0  }
0x3c1: {  	v10 =	vadd.s32 $0x8000, v11;
	v12 =	vadd.s32 v12, v11;
	v13 =	vsel vm1, $0x381, v3  }
0x3c2: {  	v15 =	vmov s21;
	v14 =	vadd.s32 $0x8000, v12;
	v13 =	vadd.s32 v13, v12  }
0x3c3: {  	vm1 =	veq.s32 v15, v0;
	v17 =	vadd.s32 $0x8000, v13;
	v16 =	vld.idx.msk [tilespmem:v7+s2+$0x0], $0xffff  }
0x3c4: {  	v18 =	vsel vm1, $0x381, v3;
	v15 =	vld.idx.msk [tilespmem:v9+s2+$0x0], $0xffff  }
0x3c5: {  	v20 =	vsel vm0, $0x381, v3;
	v18 =	vadd.s32 v18, v13;
	v19 =	vld.idx.msk [tilespmem:v11+s2+$0x0], $0xffff  }
0x3c6: {  	s21 =	sadd.s32 $0x2, s20;
	v22 =	vadd.s32 $0x8000, v18;
	v20 =	vadd.s32 v20, v18;
	v21 =	vld.idx.msk [tilespmem:v10+s2+$0x0], $0xffff  }
0x3c7: {  	v25 =	vmov s21;
	v24 =	vadd.s32 $0x8000, v20;
	v23 =	vld.idx.msk [tilespmem:v12+s2+$0x0], $0xffff  }
0x3c8: {  	s21 =	sadd.s32 $0x1, s20;
	vm0 =	veq.s32 v25, v0;
	v25 =	vmov s20;
	v26 =	vld.idx.msk [tilespmem:v14+s2+$0x0], $0xffff  }
0x3c9: {  	v28 =	vmov s21;
	v27 =	vsel vm0, $0x381, v3;
	v8 =	vadd.f32 v16, v8;
	v16 =	vld.idx.msk [tilespmem:v13+s2+$0x0], $0xffff  }
0x3ca: {  	vm0 =	veq.s32 v28, v0;
	v27 =	vadd.s32 v27, v20;
	v6 =	vadd.f32 v15, v6;
	v15 =	vld.idx.msk [tilespmem:v17+s2+$0x0], $0xffff  }
0x3cb: {  	v28 =	vsel vm0, $0x381, v3;
	[tilespmem:v7+s2+$0x0] =	vst.idx.msk $0xffff, v8;
	v7 =	vadd.f32 v19, v8;
	v8 =	vld.idx.msk [tilespmem:v18+s2+$0x0], $0xffff;
	v19 =	vadd.s32 $0x8000, v27  }
0x3cc: {  	v28 =	vadd.s32 v28, v27;
	[tilespmem:v9+s2+$0x0] =	vst.idx.msk $0xffff, v6;
	v6 =	vadd.f32 v21, v6;
	v21 =	vld.idx.msk [tilespmem:v22+s2+$0x0], $0xffff  }
0x3cd: {  	v9 =	vadd.s32 $0x8000, v28;
	[tilespmem:v11+s2+$0x0] =	vst.idx.msk $0xffff, v7;
	v7 =	vadd.f32 v23, v7;
	v11 =	vld.idx.msk [tilespmem:v20+s2+$0x0], $0xffff  }
0x3ce: {  	vm0 =	veq.s32 v25, v0;
	[tilespmem:v10+s2+$0x0] =	vst.idx.msk $0xffff, v6;
	v6 =	vadd.f32 v26, v6;
	v10 =	vld.idx.msk [tilespmem:v24+s2+$0x0], $0xffff  }
0x3cf: {  	[tilespmem:v12+s2+$0x0] =	vst.idx.msk $0xffff, v7;
	v12 =	vadd.f32 v16, v7;
	v16 =	vld.idx.msk [tilespmem:v27+s2+$0x0], $0xffff;
	v7 =	vsel vm0, $0x381, v3  }
0x3d0: {  	[tilespmem:v14+s2+$0x0] =	vst.idx.msk $0xffff, v6;
	v6 =	vadd.f32 v15, v6;
	v14 =	vld.idx.msk [tilespmem:v19+s2+$0x0], $0xffff;
	v7 =	vadd.s32 v7, v28  }
0x3d1: {  	[tilespmem:v13+s2+$0x0] =	vst.idx.msk $0xffff, v12;
	v8 =	vadd.f32 v8, v12;
	v12 =	vld.idx.msk [tilespmem:v28+s2+$0x0], $0xffff  }
0x3d2: {  	[tilespmem:v17+s2+$0x0] =	vst.idx.msk $0xffff, v6;
	v6 =	vadd.f32 v21, v6;
	v13 =	vld.idx.msk [tilespmem:v9+s2+$0x0], $0xffff  }
0x3d3: {  	[tilespmem:v18+s2+$0x0] =	vst.idx.msk $0xffff, v8;
	v8 =	vadd.f32 v11, v8  }
0x3d4: {  	[tilespmem:v22+s2+$0x0] =	vst.idx.msk $0xffff, v6;
	v6 =	vadd.f32 v10, v6  }
.Ltmp14:
0x3d5: {  	[tilespmem:v20+s2+$0x0] =	vst.idx.msk $0xffff, v8;
	v8 =	vadd.f32 v16, v8;
	(pc) =	sbr.rel @p0 .LBB2_31-.Ltmp14, $4  }
0x3d6: {  	[tilespmem:v24+s2+$0x0] =	vst.idx.msk $0xffff, v6;
	v6 =	vadd.f32 v14, v6  }
0x3d7: {  	[tilespmem:v27+s2+$0x0] =	vst.idx.msk $0xffff, v8;
	v8 =	vadd.f32 v12, v8  }
0x3d8: {  	[tilespmem:v19+s2+$0x0] =	vst.idx.msk $0xffff, v6;
	v6 =	vadd.f32 v13, v6  }
0x3d9: {  	s20 =	sadd.s32 $0xFFFFFFF8, s20;
	[tilespmem:v28+s2+$0x0] =	vst.idx.msk $0xffff, v8  }
0x3da: {  	s18 =	sadd.s32 $0x1, s18  }
0x3db: {  	p0 =	sne.s32 s18, $0xF  }
.Ltmp15:
0x3dc: {  	_ = 	snop;
	(pc) =	sbr.rel @p0 .LBB2_28-.Ltmp15, $2  }
0x3dd: {  	_ =	sdelay $0x2  }
0x3de: {  	[tilespmem:v9+s2+$0x0] =	vst.idx.msk $0xffff, v6  }
0x3df: {  	v9 =	vadd.s32 $0x8000, v7  }
0x3e0: {  	v10 =	vadd.s32 $0x1, v7  }
0x3e1: {  	v11 =	vadd.s32 $0x8001, v7  }
0x3e2: {  	v12 =	vadd.s32 $0x2, v7  }
0x3e3: {  	v13 =	vld.idx.msk [tilespmem:v7+s2+$0x0], $0xffff;
	v15 =	vadd.s32 $0x8002, v7  }
0x3e4: {  	v16 =	vadd.s32 $0x8006, v7;
	v14 =	vld.idx.msk [tilespmem:v9+s2+$0x0], $0xffff  }
0x3e5: {  	v17 =	vadd.s32 $0x4, v7;
	v18 =	vld.idx.msk [tilespmem:v10+s2+$0x0], $0xffff  }
0x3e6: {  	v19 =	vadd.s32 $0x8004, v7;
	v20 =	vld.idx.msk [tilespmem:v11+s2+$0x0], $0xffff  }
0x3e7: {  	v21 =	vadd.s32 $0x5, v7;
	v22 =	vld.idx.msk [tilespmem:v12+s2+$0x0], $0xffff  }
0x3e8: {  	v23 =	vadd.s32 $0x3, v7;
	v24 =	vld.idx.msk [tilespmem:v15+s2+$0x0], $0xffff  }
0x3e9: {  	v25 =	vadd.s32 $0x8003, v7;
	v26 =	vld.idx.msk [tilespmem:v16+s2+$0x0], $0xffff  }
0x3ea: {  	v28 =	vadd.s32 $0x6, v7;
	v27 =	vld.idx.msk [tilespmem:v17+s2+$0x0], $0xffff  }
0x3eb: {  	v29 =	vadd.s32 $0x8005, v7;
	v30 =	vld.idx.msk [tilespmem:v19+s2+$0x0], $0xffff  }
0x3ec: {  	v32 =	vadd.s32 $0x7, v7;
	v31 =	vld.idx.msk [tilespmem:v21+s2+$0x0], $0xffff  }
0x3ed: {  	v33 =	vadd.s32 $0x8007, v7;
	v8 =	vadd.f32 v13, v8;
	v13 =	vld.idx.msk [tilespmem:v23+s2+$0x0], $0xffff  }
0x3ee: {  	v38 =	vadd.s32 $0x800C, v7;
	v35 =	vld.idx.msk [tilespmem:v25+s2+$0x0], $0xffff;
	v34 =	vadd.f32 v14, v6  }
0x3ef: {  	v36 =	vld.idx.msk [tilespmem:v28+s2+$0x0], $0xffff;
	v14 =	vadd.s32 $0x8, v7;
	v18 =	vadd.f32 v18, v8  }
0x3f0: {  	v37 =	vld.idx.msk [tilespmem:v29+s2+$0x0], $0xffff;
	[tilespmem:v7+s2+$0x0] =	vst.idx.msk $0xffff, v8;
	v6 =	vadd.s32 $0x8008, v7;
	v20 =	vadd.f32 v20, v34  }
0x3f1: {  	v39 =	vadd.s32 $0x9, v7;
	v8 =	vadd.f32 v22, v18;
	v22 =	vld.idx.msk [tilespmem:v32+s2+$0x0], $0xffff;
	[tilespmem:v9+s2+$0x0] =	vst.idx.msk $0xffff, v34  }
0x3f2: {  	v46 =	vadd.s32 $0xA, v7;
	[tilespmem:v10+s2+$0x0] =	vst.idx.msk $0xffff, v18;
	v9 =	vadd.f32 v24, v20;
	v24 =	vld.idx.msk [tilespmem:v33+s2+$0x0], $0xffff  }
0x3f3: {  	v18 =	vadd.s32 $0x800A, v7;
	v10 =	vadd.f32 v13, v8;
	[tilespmem:v12+s2+$0x0] =	vst.idx.msk $0xffff, v8;
	v12 =	vld.idx.msk [tilespmem:v38+s2+$0x0], $0xffff  }
0x3f4: {  	v40 =	vadd.s32 $0x8009, v7;
	[tilespmem:v11+s2+$0x0] =	vst.idx.msk $0xffff, v20;
	v13 =	vld.idx.msk [tilespmem:v14+s2+$0x0], $0xffff;
	v11 =	vadd.f32 v35, v9  }
0x3f5: {  	v20 =	vld.idx.msk [tilespmem:v6+s2+$0x0], $0xffff;
	v8 =	vadd.f32 v27, v10;
	v27 =	vadd.s32 $0xE, v7;
	[tilespmem:v15+s2+$0x0] =	vst.idx.msk $0xffff, v9  }
0x3f6: {  	v15 =	vld.idx.msk [tilespmem:v39+s2+$0x0], $0xffff;
	[tilespmem:v23+s2+$0x0] =	vst.idx.msk $0xffff, v10;
	v9 =	vadd.f32 v30, v11;
	v30 =	vadd.s32 $0x800F, v7  }
0x3f7: {  	v47 =	vadd.s32 $0xB, v7;
	v10 =	vadd.f32 v31, v8;
	v31 =	vld.idx.msk [tilespmem:v46+s2+$0x0], $0xffff;
	[tilespmem:v25+s2+$0x0] =	vst.idx.msk $0xffff, v11  }
0x3f8: {  	v48 =	vadd.s32 $0x800B, v7;
	v25 =	vld.idx.msk [tilespmem:v18+s2+$0x0], $0xffff;
	[tilespmem:v17+s2+$0x0] =	vst.idx.msk $0xffff, v8;
	v11 =	vadd.f32 v37, v9  }
0x3f9: {  	v49 =	vadd.s32 $0xC, v7;
	v17 =	vld.idx.msk [tilespmem:v40+s2+$0x0], $0xffff;
	v8 =	vadd.f32 v36, v10;
	[tilespmem:v19+s2+$0x0] =	vst.idx.msk $0xffff, v9  }
0x3fa: {  	[tilespmem:v21+s2+$0x0] =	vst.idx.msk $0xffff, v10;
	v19 =	vld.idx.msk [tilespmem:v27+s2+$0x0], $0xffff;
	v9 =	vadd.f32 v26, v11;
	v26 =	vadd.s32 $0xF, v7  }
0x3fb: {  	v21 =	vadd.s32 $0xD, v7;
	v10 =	vadd.f32 v22, v8;
	[tilespmem:v29+s2+$0x0] =	vst.idx.msk $0xffff, v11;
	v22 =	vld.idx.msk [tilespmem:v30+s2+$0x0], $0xffff  }
0x3fc: {  	v29 =	vadd.s32 $0x800D, v7;
	[tilespmem:v28+s2+$0x0] =	vst.idx.msk $0xffff, v8;
	v11 =	vadd.f32 v24, v9;
	v24 =	vld.idx.msk [tilespmem:v47+s2+$0x0], $0xffff  }
0x3fd: {  	v23 =	vadd.f32 v13, v10;
	v13 =	vld.idx.msk [tilespmem:v48+s2+$0x0], $0xffff;
	[tilespmem:v16+s2+$0x0] =	vst.idx.msk $0xffff, v9;
	v9 =	vadd.s32 $0x10, v7  }
0x3fe: {  	v28 =	vadd.s32 $0x800E, v7;
	v16 =	vld.idx.msk [tilespmem:v49+s2+$0x0], $0xffff;
	v8 =	vadd.f32 v20, v11  }
0x3ff: {  	[tilespmem:v32+s2+$0x0] =	vst.idx.msk $0xffff, v10;
	v10 =	vadd.s32 $0x8000, v9;
	v7 =	vadd.f32 v15, v23;
	v15 =	vld.idx.msk [tilespmem:v26+s2+$0x0], $0xffff  }
0x400: {  	v51 =	vadd.s32 $0x2, v9;
	[tilespmem:v33+s2+$0x0] =	vst.idx.msk $0xffff, v11;
	v11 =	vadd.f32 v17, v8;
	v17 =	vld.idx.msk [tilespmem:v21+s2+$0x0], $0xffff  }
0x401: {  	v53 =	vadd.s32 $0x8002, v9;
	[tilespmem:v39+s2+$0x0] =	vst.idx.msk $0xffff, v7;
	v7 =	vadd.f32 v31, v7;
	v31 =	vld.idx.msk [tilespmem:v29+s2+$0x0], $0xffff  }
0x402: {  	v54 =	vadd.s32 $0x8006, v9;
	v52 =	vld.idx.msk [tilespmem:v9+s2+$0x0], $0xffff;
	[tilespmem:v40+s2+$0x0] =	vst.idx.msk $0xffff, v11;
	v11 =	vadd.f32 v25, v11  }
0x403: {  	v20 =	vadd.s32 $0x1, v9;
	v25 =	vld.idx.msk [tilespmem:v28+s2+$0x0], $0xffff;
	[tilespmem:v46+s2+$0x0] =	vst.idx.msk $0xffff, v7;
	v7 =	vadd.f32 v24, v7  }
0x404: {  	v50 =	vadd.s32 $0x8001, v9;
	v24 =	vld.idx.msk [tilespmem:v10+s2+$0x0], $0xffff;
	[tilespmem:v18+s2+$0x0] =	vst.idx.msk $0xffff, v11;
	v11 =	vadd.f32 v13, v11  }
0x405: {  	v41 =	vld.idx.msk [tilespmem:v51+s2+$0x0], $0xffff;
	v18 =	vadd.s32 $0x4, v9;
	[tilespmem:v47+s2+$0x0] =	vst.idx.msk $0xffff, v7;
	v7 =	vadd.f32 v16, v7  }
0x406: {  	v55 =	vadd.s32 $0x8004, v9;
	v42 =	vld.idx.msk [tilespmem:v53+s2+$0x0], $0xffff;
	[tilespmem:v48+s2+$0x0] =	vst.idx.msk $0xffff, v11;
	v11 =	vadd.f32 v12, v11  }
0x407: {  	v56 =	vadd.s32 $0x5, v9;
	v58 =	vld.idx.msk [tilespmem:v54+s2+$0x0], $0xffff;
	[tilespmem:v49+s2+$0x0] =	vst.idx.msk $0xffff, v7;
	v7 =	vadd.f32 v17, v7  }
0x408: {  	v57 =	vadd.s32 $0x3, v9;
	v13 =	vld.idx.msk [tilespmem:v20+s2+$0x0], $0xffff;
	[tilespmem:v38+s2+$0x0] =	vst.idx.msk $0xffff, v11;
	v11 =	vadd.f32 v31, v11  }
0x409: {  	v16 =	vld.idx.msk [tilespmem:v50+s2+$0x0], $0xffff;
	v17 =	vadd.s32 $0x8007, v9;
	[tilespmem:v21+s2+$0x0] =	vst.idx.msk $0xffff, v7;
	v7 =	vadd.f32 v19, v7  }
0x40a: {  	v31 =	vadd.s32 $0x8003, v9;
	v19 =	vld.idx.msk [tilespmem:v18+s2+$0x0], $0xffff;
	[tilespmem:v29+s2+$0x0] =	vst.idx.msk $0xffff, v11;
	v11 =	vadd.f32 v25, v11  }
0x40b: {  	v43 =	vadd.s32 $0x6, v9;
	v25 =	vld.idx.msk [tilespmem:v55+s2+$0x0], $0xffff;
	[tilespmem:v27+s2+$0x0] =	vst.idx.msk $0xffff, v7;
	v7 =	vadd.f32 v15, v7  }
0x40c: {  	v44 =	vadd.s32 $0x7, v9;
	v27 =	vld.idx.msk [tilespmem:v56+s2+$0x0], $0xffff;
	[tilespmem:v28+s2+$0x0] =	vst.idx.msk $0xffff, v11;
	v11 =	vadd.f32 v22, v11  }
0x40d: {  	v29 =	vadd.s32 $0x8005, v9;
	v15 =	vld.idx.msk [tilespmem:v57+s2+$0x0], $0xffff;
	v12 =	vadd.f32 v52, v7;
	[tilespmem:v26+s2+$0x0] =	vst.idx.msk $0xffff, v7  }
0x40e: {  	v59 =	vld.idx.msk [tilespmem:v17+s2+$0x0], $0xffff;
	v7 =	vadd.s32 $0x8, v9;
	v21 =	vadd.f32 v24, v11;
	[tilespmem:v30+s2+$0x0] =	vst.idx.msk $0xffff, v11  }
0x40f: {  	v22 =	vld.idx.msk [tilespmem:v31+s2+$0x0], $0xffff;
	[tilespmem:v9+s2+$0x0] =	vst.idx.msk $0xffff, v12;
	v11 =	vadd.f32 v13, v12;
	v12 =	vadd.s32 $0x8008, v9  }
0x410: {  	v24 =	vld.idx.msk [tilespmem:v43+s2+$0x0], $0xffff;
	v13 =	vadd.s32 $0x9, v9;
	[tilespmem:v10+s2+$0x0] =	vst.idx.msk $0xffff, v21;
	v16 =	vadd.f32 v16, v21  }
0x411: {  	v30 =	vld.idx.msk [tilespmem:v44+s2+$0x0], $0xffff;
	v10 =	vadd.s32 $0x800C, v9;
	[tilespmem:v20+s2+$0x0] =	vst.idx.msk $0xffff, v11;
	v11 =	vadd.f32 v41, v11  }
0x412: {  	v26 =	vld.idx.msk [tilespmem:v29+s2+$0x0], $0xffff;
	v21 =	vadd.s32 $0x800A, v9;
	[tilespmem:v50+s2+$0x0] =	vst.idx.msk $0xffff, v16;
	v28 =	vadd.f32 v42, v16  }
0x413: {  	v20 =	vadd.s32 $0xA, v9;
	v60 =	vld.idx.msk [tilespmem:v7+s2+$0x0], $0xffff;
	[tilespmem:v51+s2+$0x0] =	vst.idx.msk $0xffff, v11;
	v11 =	vadd.f32 v15, v11  }
0x414: {  	v16 =	vadd.s32 $0x8009, v9;
	v61 =	vld.idx.msk [tilespmem:v12+s2+$0x0], $0xffff;
	[tilespmem:v53+s2+$0x0] =	vst.idx.msk $0xffff, v28;
	v22 =	vadd.f32 v22, v28  }
0x415: {  	v15 =	vadd.s32 $0xE, v9;
	v33 =	vld.idx.msk [tilespmem:v13+s2+$0x0], $0xffff;
	[tilespmem:v57+s2+$0x0] =	vst.idx.msk $0xffff, v11;
	v28 =	vadd.f32 v19, v11  }
0x416: {  	v19 =	vld.idx.msk [tilespmem:v10+s2+$0x0], $0xffff;
	[tilespmem:v31+s2+$0x0] =	vst.idx.msk $0xffff, v22;
	v22 =	vadd.f32 v25, v22  }
0x417: {  	v11 =	vadd.s32 $0x800F, v9;
	v32 =	vld.idx.msk [tilespmem:v21+s2+$0x0], $0xffff;
	[tilespmem:v18+s2+$0x0] =	vst.idx.msk $0xffff, v28;
	v18 =	vadd.f32 v27, v28  }
0x418: {  	v31 =	vld.idx.msk [tilespmem:v20+s2+$0x0], $0xffff;
	v25 =	vadd.s32 $0xB, v9;
	v28 =	vadd.s32 $0xC, v9;
	[tilespmem:v55+s2+$0x0] =	vst.idx.msk $0xffff, v22  }
0x419: {  	v37 =	vld.idx.msk [tilespmem:v16+s2+$0x0], $0xffff;
	v22 =	vadd.f32 v26, v22;
	[tilespmem:v56+s2+$0x0] =	vst.idx.msk $0xffff, v18;
	v18 =	vadd.f32 v24, v18  }
0x41a: {  	v26 =	vadd.s32 $0x800B, v9;
	v24 =	vld.idx.msk [tilespmem:v15+s2+$0x0], $0xffff  }
0x41b: {  	v27 =	vadd.f32 v58, v22;
	[tilespmem:v43+s2+$0x0] =	vst.idx.msk $0xffff, v18;
	v62 =	vadd.f32 v30, v18;
	v18 =	vadd.s32 $0xF, v9  }
0x41c: {  	[tilespmem:v29+s2+$0x0] =	vst.idx.msk $0xffff, v22;
	v22 =	vld.idx.msk [tilespmem:v11+s2+$0x0], $0xffff;
	v30 =	vadd.s32 $0xD, v9  }
0x41d: {  	[tilespmem:v14+s2+$0x0] =	vst.idx.msk $0xffff, v23;
	v29 =	vadd.s32 $0x800D, v9;
	v36 =	vld.idx.msk [tilespmem:v25+s2+$0x0], $0xffff;
	v40 =	vadd.f32 v59, v27  }
0x41e: {  	v38 =	vld.idx.msk [tilespmem:v28+s2+$0x0], $0xffff;
	[tilespmem:v54+s2+$0x0] =	vst.idx.msk $0xffff, v27;
	v35 =	vadd.f32 v60, v62;
	v27 =	vadd.s32 $0x800E, v9  }
0x41f: {  	s18 =	simm.s32 $0x10;
	[tilespmem:v44+s2+$0x0] =	vst.idx.msk $0xffff, v62;
	v9 =	vadd.s32 $0x10, v9;
	v39 =	vld.idx.msk [tilespmem:v26+s2+$0x0], $0xffff;
	v34 =	vadd.f32 v61, v40  }
.LBB2_34:
0x420: {  	v41 =	vadd.s32 $0x8000, v9;
	v14 =	vadd.s32 $0x8006, v9;
	s18 =	sadd.s32 $0x10, s18;
	v43 =	vadd.f32 v33, v35;
	v33 =	vld.idx.msk [tilespmem:v18+s2+$0x0], $0xffff;
	[tilespmem:v6+s2+$0x0] =	vst.idx.msk $0xffff, v8  }
0x421: {  	v42 =	vadd.s32 $0x1, v9;
	v6 =	vmov v12;
	p0 =	slt.u32 s18, $0x60;
	[tilespmem:v17+s2+$0x0] =	vst.idx.msk $0xffff, v40;
	v40 =	vadd.f32 v37, v34;
	v17 =	vld.idx.msk [tilespmem:v30+s2+$0x0], $0xffff  }
0x422: {  	v23 =	vmov v35;
	v37 =	vadd.s32 $0x8001, v9;
	[tilespmem:v13+s2+$0x0] =	vst.idx.msk $0xffff, v43;
	v12 =	vadd.f32 v31, v43;
	v31 =	vld.idx.msk [tilespmem:v29+s2+$0x0], $0xffff  }
0x423: {  	v35 =	vadd.s32 $0x2, v9;
	v8 =	vmov v34;
	[tilespmem:v16+s2+$0x0] =	vst.idx.msk $0xffff, v40;
	v13 =	vadd.f32 v32, v40;
	v32 =	vld.idx.msk [tilespmem:v27+s2+$0x0], $0xffff  }
0x424: {  	v40 =	vadd.s32 $0x8002, v9;
	v34 =	vld.idx.msk [tilespmem:v9+s2+$0x0], $0xffff;
	[tilespmem:v20+s2+$0x0] =	vst.idx.msk $0xffff, v12;
	v12 =	vadd.f32 v36, v12  }
0x425: {  	v43 =	vadd.s32 $0x4, v9;
	v36 =	vadd.s32 $0x3, v9;
	v20 =	vld.idx.msk [tilespmem:v41+s2+$0x0], $0xffff;
	[tilespmem:v21+s2+$0x0] =	vst.idx.msk $0xffff, v13;
	v13 =	vadd.f32 v39, v13  }
0x426: {  	v44 =	vadd.s32 $0x8004, v9;
	v39 =	vadd.s32 $0x8003, v9;
	v21 =	vld.idx.msk [tilespmem:v42+s2+$0x0], $0xffff;
	[tilespmem:v25+s2+$0x0] =	vst.idx.msk $0xffff, v12;
	v12 =	vadd.f32 v38, v12  }
0x427: {  	v38 =	vadd.s32 $0x5, v9;
	v25 =	vld.idx.msk [tilespmem:v37+s2+$0x0], $0xffff;
	[tilespmem:v26+s2+$0x0] =	vst.idx.msk $0xffff, v13;
	v16 =	vadd.f32 v19, v13  }
0x428: {  	v45 =	vadd.s32 $0x8005, v9;
	v19 =	vld.idx.msk [tilespmem:v35+s2+$0x0], $0xffff;
	[tilespmem:v28+s2+$0x0] =	vst.idx.msk $0xffff, v12;
	v12 =	vadd.f32 v17, v12  }
0x429: {  	v13 =	vadd.s32 $0x9, v9;
	v26 =	vld.idx.msk [tilespmem:v40+s2+$0x0], $0xffff;
	[tilespmem:v10+s2+$0x0] =	vst.idx.msk $0xffff, v16;
	v10 =	vadd.f32 v31, v16  }
0x42a: {  	v16 =	vadd.s32 $0x8009, v9;
	v46 =	vld.idx.msk [tilespmem:v14+s2+$0x0], $0xffff;
	[tilespmem:v30+s2+$0x0] =	vst.idx.msk $0xffff, v12;
	v12 =	vadd.f32 v24, v12  }
0x42b: {  	v30 =	vadd.s32 $0x6, v9;
	v24 =	vld.idx.msk [tilespmem:v43+s2+$0x0], $0xffff;
	[tilespmem:v29+s2+$0x0] =	vst.idx.msk $0xffff, v10;
	v10 =	vadd.f32 v32, v10  }
0x42c: {  	v28 =	vld.idx.msk [tilespmem:v44+s2+$0x0], $0xffff;
	[tilespmem:v15+s2+$0x0] =	vst.idx.msk $0xffff, v12;
	v12 =	vadd.f32 v33, v12  }
0x42d: {  	v47 =	vadd.s32 $0x7, v9;
	v29 =	vld.idx.msk [tilespmem:v38+s2+$0x0], $0xffff;
	[tilespmem:v27+s2+$0x0] =	vst.idx.msk $0xffff, v10;
	v10 =	vadd.f32 v22, v10  }
0x42e: {  	v17 =	vadd.s32 $0x8007, v9;
	v15 =	vadd.f32 v34, v12;
	v22 =	vld.idx.msk [tilespmem:v36+s2+$0x0], $0xffff;
	[tilespmem:v18+s2+$0x0] =	vst.idx.msk $0xffff, v12  }
0x42f: {  	v48 =	vadd.s32 $0x8, v9;
	v18 =	vadd.f32 v20, v10;
	v27 =	vld.idx.msk [tilespmem:v39+s2+$0x0], $0xffff;
	[tilespmem:v11+s2+$0x0] =	vst.idx.msk $0xffff, v10  }
0x430: {  	v12 =	vadd.s32 $0x8008, v9;
	[tilespmem:v9+s2+$0x0] =	vst.idx.msk $0xffff, v15;
	v11 =	vadd.f32 v21, v15;
	v34 =	vld.idx.msk [tilespmem:v30+s2+$0x0], $0xffff  }
0x431: {  	v10 =	vadd.s32 $0x800C, v9;
	[tilespmem:v41+s2+$0x0] =	vst.idx.msk $0xffff, v18;
	v15 =	vadd.f32 v25, v18;
	v18 =	vld.idx.msk [tilespmem:v45+s2+$0x0], $0xffff  }
0x432: {  	[tilespmem:v42+s2+$0x0] =	vst.idx.msk $0xffff, v11;
	v11 =	vadd.f32 v19, v11;
	v41 =	vld.idx.msk [tilespmem:v47+s2+$0x0], $0xffff  }
0x433: {  	v20 =	vadd.s32 $0xA, v9;
	[tilespmem:v37+s2+$0x0] =	vst.idx.msk $0xffff, v15;
	v15 =	vadd.f32 v26, v15;
	v42 =	vld.idx.msk [tilespmem:v17+s2+$0x0], $0xffff  }
0x434: {  	v21 =	vadd.s32 $0x800A, v9;
	[tilespmem:v35+s2+$0x0] =	vst.idx.msk $0xffff, v11;
	v11 =	vadd.f32 v22, v11;
	v35 =	vld.idx.msk [tilespmem:v48+s2+$0x0], $0xffff  }
0x435: {  	[tilespmem:v40+s2+$0x0] =	vst.idx.msk $0xffff, v15;
	v22 =	vadd.f32 v27, v15;
	v49 =	vld.idx.msk [tilespmem:v12+s2+$0x0], $0xffff  }
0x436: {  	v15 =	vadd.s32 $0xE, v9;
	[tilespmem:v36+s2+$0x0] =	vst.idx.msk $0xffff, v11;
	v24 =	vadd.f32 v24, v11;
	v19 =	vld.idx.msk [tilespmem:v10+s2+$0x0], $0xffff  }
0x437: {  	v11 =	vadd.s32 $0x800F, v9;
	[tilespmem:v39+s2+$0x0] =	vst.idx.msk $0xffff, v22;
	v22 =	vadd.f32 v28, v22;
	v33 =	vld.idx.msk [tilespmem:v13+s2+$0x0], $0xffff  }
0x438: {  	v25 =	vadd.s32 $0xB, v9;
	[tilespmem:v43+s2+$0x0] =	vst.idx.msk $0xffff, v24;
	v24 =	vadd.f32 v29, v24;
	v31 =	vld.idx.msk [tilespmem:v20+s2+$0x0], $0xffff  }
0x439: {  	v26 =	vadd.s32 $0x800B, v9;
	[tilespmem:v44+s2+$0x0] =	vst.idx.msk $0xffff, v22;
	v18 =	vadd.f32 v18, v22;
	v32 =	vld.idx.msk [tilespmem:v21+s2+$0x0], $0xffff  }
0x43a: {  	v28 =	vadd.s32 $0xC, v9;
	[tilespmem:v38+s2+$0x0] =	vst.idx.msk $0xffff, v24;
	v22 =	vadd.f32 v34, v24;
	v37 =	vld.idx.msk [tilespmem:v16+s2+$0x0], $0xffff  }
.Ltmp16:
0x43b: {  	[tilespmem:v45+s2+$0x0] =	vst.idx.msk $0xffff, v18;
	v27 =	vadd.f32 v46, v18;
	v24 =	vld.idx.msk [tilespmem:v15+s2+$0x0], $0xffff;
	v18 =	vadd.s32 $0xF, v9;
	(pc) =	sbr.rel @p0 .LBB2_34-.Ltmp16, $4  }
0x43c: {  	[tilespmem:v30+s2+$0x0] =	vst.idx.msk $0xffff, v22;
	v34 =	vadd.f32 v41, v22;
	v30 =	vadd.s32 $0xD, v9;
	v22 =	vld.idx.msk [tilespmem:v11+s2+$0x0], $0xffff  }
0x43d: {  	v29 =	vadd.s32 $0x800D, v9;
	[tilespmem:v14+s2+$0x0] =	vst.idx.msk $0xffff, v27;
	v40 =	vadd.f32 v42, v27;
	v36 =	vld.idx.msk [tilespmem:v25+s2+$0x0], $0xffff  }
0x43e: {  	v27 =	vadd.s32 $0x800E, v9;
	[tilespmem:v47+s2+$0x0] =	vst.idx.msk $0xffff, v34;
	v35 =	vadd.f32 v35, v34;
	v39 =	vld.idx.msk [tilespmem:v26+s2+$0x0], $0xffff  }
0x43f: {  	v9 =	vadd.s32 $0x10, v9;
	v34 =	vadd.f32 v49, v40;
	v38 =	vld.idx.msk [tilespmem:v28+s2+$0x0], $0xffff;
	[tilespmem:v7+s2+$0x0] =	vst.idx.msk $0xffff, v23;
	v7 =	vmov v48  }
0x440: {  	_ =	sdelay $0x3  }
0x441: {  	[tilespmem:v6+s2+$0x0] =	vst.idx.msk $0xffff, v8  }
0x442: {  	v14 =	vadd.f32 v33, v35;
	[tilespmem:v17+s2+$0x0] =	vst.idx.msk $0xffff, v40  }
0x443: {  	[tilespmem:v7+s2+$0x0] =	vst.idx.msk $0xffff, v35;
	v6 =	vadd.f32 v37, v34  }
0x444: {  	[tilespmem:v13+s2+$0x0] =	vst.idx.msk $0xffff, v14;
	v8 =	vadd.f32 v31, v14  }
0x445: {  	v13 =	vld.idx.msk [tilespmem:v30+s2+$0x0], $0xffff;
	[tilespmem:v16+s2+$0x0] =	vst.idx.msk $0xffff, v6;
	v6 =	vadd.f32 v32, v6  }
0x446: {  	v14 =	vld.idx.msk [tilespmem:v29+s2+$0x0], $0xffff;
	[tilespmem:v20+s2+$0x0] =	vst.idx.msk $0xffff, v8;
	v8 =	vadd.f32 v36, v8  }
0x447: {  	[tilespmem:v21+s2+$0x0] =	vst.idx.msk $0xffff, v6;
	v6 =	vadd.f32 v39, v6  }
0x448: {  	v16 =	vld.idx.msk [tilespmem:v27+s2+$0x0], $0xffff;
	[tilespmem:v25+s2+$0x0] =	vst.idx.msk $0xffff, v8;
	v8 =	vadd.f32 v38, v8  }
0x449: {  	v17 =	vld.idx.msk [tilespmem:v18+s2+$0x0], $0xffff;
	[tilespmem:v26+s2+$0x0] =	vst.idx.msk $0xffff, v6;
	v6 =	vadd.f32 v19, v6  }
0x44a: {  	[tilespmem:v28+s2+$0x0] =	vst.idx.msk $0xffff, v8;
	v8 =	vadd.f32 v13, v8  }
0x44b: {  	s18 =	simm.s32 $0xF;
	[tilespmem:v10+s2+$0x0] =	vst.idx.msk $0xffff, v6;
	v6 =	vadd.f32 v14, v6  }
0x44c: {  	v10 =	vmov s18;
	[tilespmem:v30+s2+$0x0] =	vst.idx.msk $0xffff, v8;
	v8 =	vadd.f32 v24, v8  }
0x44d: {  	s25 =	simm.s32 $0xE;
	vm1 =	vgt.s32 v10, v4;
	[tilespmem:v29+s2+$0x0] =	vst.idx.msk $0xffff, v6;
	v6 =	vadd.f32 v16, v6  }
0x44e: {  	[tilespmem:v15+s2+$0x0] =	vst.idx.msk $0xffff, v8;
	v15 =	vadd.f32 v17, v8;
	v8 =	vmov s25  }
0x44f: {  	s26 =	simm.s32 $0xD;
	[tilespmem:v27+s2+$0x0] =	vst.idx.msk $0xffff, v6;
	v22 =	vadd.f32 v22, v6;
	v6 =	vadd.s32 $0x8000, v9;
	vm2 =	vgt.s32 v8, v4  }
0x450: {  	[tilespmem:v12+s2+$0x0] =	vst.idx.msk $0xffff, v34;
	v10 =	vadd.s32 $0x1, v9;
	v8 =	vmov s26  }
0x451: {  	v7 =	vadd.s32 $0x8001, v9;
	s28 =	simm.s32 $0xC;
	[tilespmem:v18+s2+$0x0] =	vst.idx.msk $0xffff, v15;
	vm6 =	vgt.s32 v8, v4  }
0x452: {  	s29 =	simm.s32 $0xB;
	v12 =	vmov s28;
	[tilespmem:v11+s2+$0x0] =	vst.idx.msk $0xffff, v22;
	v11 =	vadd.s32 $0x2, v9  }
0x453: {  	vm3 =	vgt.s32 v12, v4;
	v13 =	vmov s29;
	v8 =	vadd.s32 $0x8002, v9;
	v23 =	vld.idx.msk [tilespmem:v9+s2+$0x0], vm1  }
0x454: {  	vm4 =	vgt.s32 v13, v4;
	v16 =	vadd.s32 $0x8003, v9;
	v12 =	vld.idx.msk [tilespmem:v6+s2+$0x0], vm1  }
0x455: {  	s30 =	simm.s32 $0xA;
	v19 =	vadd.s32 $0x8004, v9;
	v24 =	vld.idx.msk [tilespmem:v10+s2+$0x0], vm2  }
0x456: {  	v13 =	vmov s30;
	v17 =	vadd.s32 $0x4, v9;
	v27 =	vld.idx.msk [tilespmem:v7+s2+$0x0], vm2  }
0x457: {  	s31 =	simm.s32 $0x9;
	v20 =	vadd.s32 $0x5, v9;
	s18 =	simm.s32 $0x8;
	vm5 =	vgt.s32 v13, v4;
	v18 =	vadd.s32 $0x3, v9;
	v31 =	vld.idx.msk [tilespmem:v11+s2+$0x0], vm6  }
0x458: {  	v21 =	vadd.s32 $0x8005, v9;
	v14 =	vmov s31;
	v28 =	vmov s18;
	v61 =	vld.idx.msk [tilespmem:v8+s2+$0x0], vm6  }
0x459: {  	v13 =	vadd.s32 $0x6, v9;
	vm7 =	vgt.s32 v28, v4;
	vm0 =	vmmov vm6;
	v29 =	vld.idx.msk [tilespmem:v16+s2+$0x0], vm3  }
0x45a: {  	v28 =	vld.idx.msk [tilespmem:v19+s2+$0x0], vm4;
	vm6 =	vgt.s32 v14, v4;
	v23 =	vnsel vm1, $0x0, v23;
	v12 =	vnsel vm1, $0x0, v12  }
0x45b: {  	v26 =	vld.idx.msk [tilespmem:v17+s2+$0x0], vm4;
	v14 =	vadd.s32 $0x8006, v9;
	v62 =	vadd.f32 v23, v15;
	v12 =	vadd.f32 v12, v22  }
0x45c: {  	v25 =	vld.idx.msk [tilespmem:v18+s2+$0x0], vm3;
	v15 =	vnsel vm2, $0x0, v24;
	v23 =	vnsel vm2, $0x0, v27;
	v22 =	vadd.s32 $0x7, v9  }
0x45d: {  	v24 =	vld.idx.msk [tilespmem:v20+s2+$0x0], vm5;
	v30 =	vadd.f32 v15, v62;
	v31 =	vnsel vm0, $0x0, v31;
	v32 =	vnsel vm0, $0x0, v61  }
0x45e: {  	s19 =	simm.s32 $0x70;
	[tilespmem:v9+s2+$0x0] =	vst.idx.msk vm1, v62;
	v27 =	vld.idx.msk [tilespmem:v21+s2+$0x0], vm5;
	v15 =	vadd.f32 v23, v12;
	v23 =	vadd.s32 $0x8007, v9;
	v9 =	vadd.s32 $0x8, v9  }
.LBB2_36:
0x45f: {  	v33 =	vadd.s32 $0x2, v9;
	v31 =	vadd.f32 v31, v30  }
0x460: {  	v32 =	vadd.f32 v32, v15;
	v34 =	vld.idx.msk [tilespmem:v13+s2+$0x0], vm6;
	vm8 =	vmmov vm1;
	vm9 =	vmmov vm2  }
0x461: {  	v25 =	vnsel vm3, $0x0, v25;
	v29 =	vnsel vm3, $0x0, v29;
	[tilespmem:v10+s2+$0x0] =	vst.idx.msk vm2, v30;
	v10 =	vadd.s32 $0x1, v9;
	v30 =	vld.idx.msk [tilespmem:v14+s2+$0x0], vm6  }
0x462: {  	v35 =	vadd.s32 $0x8001, v9;
	s18 =	sadd.s32 $0xFFFFFFF8, s18;
	v25 =	vadd.f32 v25, v31;
	v29 =	vadd.f32 v29, v32;
	v36 =	vld.idx.msk [tilespmem:v22+s2+$0x0], vm7  }
0x463: {  	v37 =	vadd.s32 $0x8000, v9;
	s20 =	sadd.s32 $0x7, s18;
	v26 =	vnsel vm4, $0x0, v26;
	v28 =	vnsel vm4, $0x0, v28;
	[tilespmem:v11+s2+$0x0] =	vst.idx.msk vm0, v31;
	v31 =	vld.idx.msk [tilespmem:v23+s2+$0x0], vm7;
	v11 =	vmovc v33  }
0x464: {  	s19 =	sadd.s32 $0x8, s19;
	v33 =	vmov s20;
	[tilespmem:v18+s2+$0x0] =	vst.idx.msk vm3, v25;
	v18 =	vadd.f32 v26, v25;
	v25 =	vadd.f32 v28, v29  }
0x465: {  	p0 =	slt.u32 s19, $0x78;
	s20 =	sadd.s32 $0x6, s18;
	vm1 =	vgt.s32 v33, v4;
	[tilespmem:v16+s2+$0x0] =	vst.idx.msk vm3, v29;
	v16 =	vnsel vm5, $0x0, v24;
	v24 =	vnsel vm5, $0x0, v27  }
0x466: {  	v26 =	vmov s20;
	[tilespmem:v17+s2+$0x0] =	vst.idx.msk vm4, v18;
	v16 =	vadd.f32 v16, v18;
	v17 =	vadd.f32 v24, v25  }
0x467: {  	s20 =	sadd.s32 $0x5, s18;
	vm2 =	vgt.s32 v26, v4;
	v18 =	vnsel vm6, $0x0, v34;
	[tilespmem:v19+s2+$0x0] =	vst.idx.msk vm4, v25;
	v19 =	vnsel vm6, $0x0, v30  }
0x468: {  	v24 =	vmov s20;
	[tilespmem:v20+s2+$0x0] =	vst.idx.msk vm5, v16;
	v16 =	vadd.f32 v18, v16;
	v18 =	vadd.f32 v19, v17  }
0x469: {  	s20 =	sadd.s32 $0x4, s18;
	vm10 =	vgt.s32 v24, v4;
	v19 =	vnsel vm7, $0x0, v31;
	[tilespmem:v21+s2+$0x0] =	vst.idx.msk vm5, v17;
	v17 =	vnsel vm7, $0x0, v36  }
0x46a: {  	v20 =	vmov s20;
	[tilespmem:v13+s2+$0x0] =	vst.idx.msk vm6, v16;
	v24 =	vadd.f32 v17, v16;
	v26 =	vadd.f32 v19, v18  }
0x46b: {  	s20 =	sadd.s32 $0x3, s18;
	vm3 =	vgt.s32 v20, v4;
	v13 =	vadd.s32 $0x8002, v9;
	v27 =	vld.idx.msk [tilespmem:v9+s2+$0x0], vm1;
	[tilespmem:v14+s2+$0x0] =	vst.idx.msk vm6, v18  }
0x46c: {  	v18 =	vadd.s32 $0x3, v9;
	v14 =	vmov s20;
	v28 =	vld.idx.msk [tilespmem:v37+s2+$0x0], vm1;
	[tilespmem:v22+s2+$0x0] =	vst.idx.msk vm7, v24  }
0x46d: {  	v16 =	vadd.s32 $0x8003, v9;
	s20 =	sadd.s32 $0x2, s18;
	vm4 =	vgt.s32 v14, v4;
	v22 =	vld.idx.msk [tilespmem:v10+s2+$0x0], vm2;
	[tilespmem:v23+s2+$0x0] =	vst.idx.msk vm7, v26  }
0x46e: {  	v17 =	vadd.s32 $0x4, v9;
	v14 =	vmov s20;
	v23 =	vld.idx.msk [tilespmem:v35+s2+$0x0], vm2;
	[tilespmem:v8+s2+$0x0] =	vst.idx.msk vm0, v32;
	v8 =	vmovc v13;
	vm0 =	vmmov vm10  }
0x46f: {  	v19 =	vadd.s32 $0x8004, v9;
	s20 =	sadd.s32 $0x1, s18;
	vm5 =	vgt.s32 v14, v4;
	v31 =	vld.idx.msk [tilespmem:v11+s2+$0x0], vm10;
	[tilespmem:v7+s2+$0x0] =	vst.idx.msk vm9, v15;
	v7 =	vmov v35  }
0x470: {  	v20 =	vadd.s32 $0x5, v9;
	v14 =	vmov s20;
	v32 =	vld.idx.msk [tilespmem:v13+s2+$0x0], vm10;
	v13 =	vadd.s32 $0x6, v9;
	[tilespmem:v6+s2+$0x0] =	vst.idx.msk vm8, v12;
	v6 =	vmovc v37  }
0x471: {  	v21 =	vadd.s32 $0x8005, v9;
	vm6 =	vgt.s32 v14, v4;
	v14 =	vadd.s32 $0x8006, v9;
	v25 =	vld.idx.msk [tilespmem:v18+s2+$0x0], vm3  }
.Ltmp17:
0x472: {  	v12 =	vnsel vm1, $0x0, v27;
	v27 =	vmov s18;
	v15 =	vnsel vm1, $0x0, v28;
	v29 =	vld.idx.msk [tilespmem:v16+s2+$0x0], vm3;
	(pc) =	sbr.rel @p0 .LBB2_36-.Ltmp17, $4  }
0x473: {  	v33 =	vadd.f32 v12, v24;
	vm7 =	vgt.s32 v27, v4;
	v12 =	vadd.f32 v15, v26;
	v26 =	vld.idx.msk [tilespmem:v17+s2+$0x0], vm4  }
0x474: {  	v15 =	vnsel vm2, $0x0, v22;
	v22 =	vadd.s32 $0x7, v9;
	v23 =	vnsel vm2, $0x0, v23;
	v28 =	vld.idx.msk [tilespmem:v19+s2+$0x0], vm4  }
0x475: {  	v30 =	vadd.f32 v15, v33;
	v15 =	vadd.f32 v23, v12;
	v23 =	vadd.s32 $0x8007, v9;
	v24 =	vld.idx.msk [tilespmem:v20+s2+$0x0], vm5  }
0x476: {  	v31 =	vnsel vm0, $0x0, v31;
	v32 =	vnsel vm0, $0x0, v32;
	[tilespmem:v9+s2+$0x0] =	vst.idx.msk vm1, v33;
	v27 =	vld.idx.msk [tilespmem:v21+s2+$0x0], vm5;
	v9 =	vadd.s32 $0x8, v9  }
0x477: {  	_ =	sdelay $0x3  }
0x478: {  	v9 =	vadd.f32 v31, v30  }
0x479: {  	v53 =	vadd.f32 v32, v15;
	v25 =	vnsel vm3, $0x0, v25;
	[tilespmem:v10+s2+$0x0] =	vst.idx.msk vm2, v30;
	vm2 =	vmmov vm2  }
0x47a: {  	v10 =	vnsel vm3, $0x0, v29;
	vm1 =	vmmov vm1;
	v25 =	vadd.f32 v25, v9;
	[tilespmem:v11+s2+$0x0] =	vst.idx.msk vm0, v9  }
0x47b: {  	v10 =	vadd.f32 v10, v53;
	v9 =	vnsel vm4, $0x0, v26;
	[tilespmem:v8+s2+$0x0] =	vst.idx.msk vm0, v53  }
0x47c: {  	v54 =	vld.idx.msk [tilespmem:v13+s2+$0x0], vm6;
	[tilespmem:v18+s2+$0x0] =	vst.idx.msk vm3, v25;
	v9 =	vadd.f32 v9, v25  }
0x47d: {  	v55 =	vld.idx.msk [tilespmem:v14+s2+$0x0], vm6;
	[tilespmem:v16+s2+$0x0] =	vst.idx.msk vm3, v10  }
0x47e: {  	v11 =	vld.idx.msk [tilespmem:v22+s2+$0x0], vm7;
	v56 =	vnsel vm4, $0x0, v28;
	[tilespmem:v17+s2+$0x0] =	vst.idx.msk vm4, v9  }
0x47f: {  	v57 =	vld.idx.msk [tilespmem:v23+s2+$0x0], vm7;
	v58 =	vadd.f32 v56, v10;
	v10 =	vnsel vm5, $0x0, v24;
	[tilespmem:v7+s2+$0x0] =	vst.idx.msk vm2, v15  }
0x480: {  	v59 =	vnsel vm5, $0x0, v27;
	v9 =	vadd.f32 v10, v9;
	[tilespmem:v6+s2+$0x0] =	vst.idx.msk vm1, v12  }
0x481: {  	v60 =	vnsel vm6, $0x0, v54;
	v10 =	vadd.f32 v59, v58;
	[tilespmem:v19+s2+$0x0] =	vst.idx.msk vm4, v58  }
0x482: {  	v61 =	vnsel vm6, $0x0, v55;
	[tilespmem:v20+s2+$0x0] =	vst.idx.msk vm5, v9;
	v9 =	vadd.f32 v60, v9  }
0x483: {  	v62 =	vadd.f32 v61, v10;
	[tilespmem:v21+s2+$0x0] =	vst.idx.msk vm5, v10;
	v10 =	vnsel vm7, $0x0, v11  }
0x484: {  	s18 =	simm.s32 $0xF;
	v11 =	vnsel vm7, $0x0, v57;
	[tilespmem:v13+s2+$0x0] =	vst.idx.msk vm6, v9;
	v9 =	vadd.f32 v10, v9  }
0x485: {  	v8 =	vmov s18;
	v10 =	vadd.f32 v11, v62;
	[tilespmem:v14+s2+$0x0] =	vst.idx.msk vm6, v62  }
0x486: {  	vm0 =	vlt.s32 v8, v2;
	[tilespmem:v22+s2+$0x0] =	vst.idx.msk vm7, v9  }
0x487: {  	[tilespmem:v23+s2+$0x0] =	vst.idx.msk vm7, v10  }
0x488: {  	[hbm4b:s9+s2] =	stream.linear.scatter [tilespmem:s2], [sflag:$0x3], $0x10000, $0x38;
	v63 =	vld [tilespmem:$0x0]  }
0x489: {  	_ =	swait.ge [sflag:s15], $0x10000  }
0x48a: {  	[sflag:s15] =	ssyncset.done $0x0  }
0x48b: {  	[sflag:s15] =	ssyncadd.s32 $0xFFFF0000  }
0x48c: {  	v8 =	vld.idx.msk [tilespmem:v1+s12+$0x0], vm0  }
0x48d: {  	v9 =	vld.idx.msk [tilespmem:v5+s12+$0x0], vm0  }
0x48e: {  	s30 =	simm.s32 $0xE  }
0x48f: {  	v6 =	vmov s30  }
0x490: {  	v12 =	vimm.f32 $0.0e+00;
	vm3 =	vlt.s32 v6, v2;
	vm0 =	vmmov vm0  }
0x491: {  	v7 =	vadd.s32 $0x1, v1;
	vm0 =	vmmov vm0  }
0x492: {  	v6 =	vadd.s32 $0x8000, v7;
	v8 =	vnsel vm0, $0x0, v8;
	v9 =	vnsel vm0, $0x0, v9  }
0x493: {  	v8 =	vadd.f32 v8, v12;
	v9 =	vadd.f32 v9, v12;
	v12 =	vmov v1;
	_ =	sdelay $0x1  }
0x494: {  	s31 =	simm.s32 $0xD  }
0x495: {  	v11 =	vmov s31;
	v10 =	vld.idx.msk [tilespmem:v7+s12+$0x0], vm3  }
0x496: {  	s18 =	simm.s32 $0xC;
	vm1 =	vmmov vm3;
	vm2 =	vlt.s32 v11, v2;
	v11 =	vld.idx.msk [tilespmem:v6+s12+$0x0], vm3  }
.LBB2_38:
0x497: {  	p0 =	sne.s32 s18, $0x1;
	[tilespmem:v12+s12+$0x0] =	vst.idx.msk vm0, v8;
	v12 =	vmov v7;
	v7 =	vadd.s32 $0x1, v7  }
0x498: {  	[tilespmem:v5+s12+$0x0] =	vst.idx.msk vm0, v9;
	v5 =	vmovc v6;
	v6 =	vadd.s32 $0x8000, v7;
	vm0 =	vmmov vm1;
	vm1 =	vmmov vm2  }
.Ltmp18:
0x499: {  	(pc) =	sbr.rel @p0 .LBB2_38-.Ltmp18, $4  }
0x49a: {  	_ = 	snop  }
0x49b: {  	v13 =	vnsel vm0, $0x0, v10  }
0x49c: {  	v14 =	vmov s18;
	v8 =	vadd.f32 v13, v8;
	v13 =	vnsel vm0, $0x0, v11;
	v10 =	vld.idx.msk [tilespmem:v7+s12+$0x0], vm2  }
0x49d: {  	s18 =	sadd.s32 $0xFFFFFFFF, s18;
	v9 =	vadd.f32 v13, v9;
	v11 =	vld.idx.msk [tilespmem:v6+s12+$0x0], vm2;
	vm2 =	vlt.s32 v14, v2  }
0x49e: {  	v13 =	vadd.s32 $0x1, v7  }
0x49f: {  	v14 =	vadd.s32 $0x8000, v13;
	_ =	sdelay $0x3  }
0x4a0: {  	vm1 =	vmmov vm1;
	v15 =	vld.idx.msk [tilespmem:v13+s12+$0x0], vm2  }
0x4a1: {  	vm15 =	vmmov vm2;
	v16 =	vld.idx.msk [tilespmem:v14+s12+$0x0], vm2  }
0x4a2: {  	vm2 =	vmmov vm15  }
0x4a3: {  	v10 =	vnsel vm1, $0x0, v10  }
0x4a4: {  	[tilespmem:v12+s12+$0x0] =	vst.idx.msk vm0, v8;
	v8 =	vadd.f32 v10, v8;
	v61 =	vnsel vm1, $0x0, v11  }
0x4a5: {  	[tilespmem:v5+s12+$0x0] =	vst.idx.msk vm0, v9;
	v5 =	vadd.f32 v61, v9;
	v62 =	vnsel vm2, $0x0, v15  }
0x4a6: {  	[tilespmem:v7+s12+$0x0] =	vst.idx.msk vm1, v8;
	v7 =	vadd.f32 v62, v8;
	v8 =	vnsel vm2, $0x0, v16  }
0x4a7: {  	[tilespmem:v6+s12+$0x0] =	vst.idx.msk vm1, v5;
	v5 =	vadd.f32 v8, v5  }
0x4a8: {  	[tilespmem:v13+s12+$0x0] =	vst.idx.msk vm2, v7  }
0x4a9: {  	s18 =	simm.s32 $0x0;
	v6 =	vadd.s32 $0x1, v13;
	[tilespmem:v14+s12+$0x0] =	vst.idx.msk vm2, v5  }
.LBB2_40:
0x4aa: {  	v8 =	vadd.s32 $0x8000, v6  }
0x4ab: {  	v9 =	vadd.s32 $0x1, v6  }
0x4ac: {  	v10 =	vadd.s32 $0x8001, v6  }
0x4ad: {  	v11 =	vadd.s32 $0x2, v6  }
0x4ae: {  	v12 =	vld.idx.msk [tilespmem:v6+s12+$0x0], $0xffff;
	v14 =	vadd.s32 $0x8002, v6  }
0x4af: {  	v15 =	vadd.s32 $0x8006, v6;
	v13 =	vld.idx.msk [tilespmem:v8+s12+$0x0], $0xffff  }
0x4b0: {  	v16 =	vadd.s32 $0x4, v6;
	v17 =	vld.idx.msk [tilespmem:v9+s12+$0x0], $0xffff  }
0x4b1: {  	v18 =	vadd.s32 $0x8004, v6;
	v19 =	vld.idx.msk [tilespmem:v10+s12+$0x0], $0xffff  }
0x4b2: {  	v20 =	vadd.s32 $0x5, v6;
	v21 =	vld.idx.msk [tilespmem:v11+s12+$0x0], $0xffff  }
0x4b3: {  	v22 =	vadd.s32 $0x3, v6;
	v23 =	vld.idx.msk [tilespmem:v14+s12+$0x0], $0xffff  }
0x4b4: {  	v24 =	vadd.s32 $0x8003, v6;
	v25 =	vld.idx.msk [tilespmem:v15+s12+$0x0], $0xffff  }
0x4b5: {  	v27 =	vadd.s32 $0x6, v6;
	v26 =	vld.idx.msk [tilespmem:v16+s12+$0x0], $0xffff  }
0x4b6: {  	v28 =	vadd.s32 $0x8005, v6;
	v29 =	vld.idx.msk [tilespmem:v18+s12+$0x0], $0xffff  }
0x4b7: {  	v31 =	vadd.s32 $0x7, v6;
	v30 =	vld.idx.msk [tilespmem:v20+s12+$0x0], $0xffff;
	v7 =	vadd.f32 v12, v7  }
0x4b8: {  	v32 =	vadd.s32 $0x8007, v6;
	v12 =	vld.idx.msk [tilespmem:v22+s12+$0x0], $0xffff;
	v33 =	vadd.f32 v13, v5  }
0x4b9: {  	v37 =	vadd.s32 $0x800C, v6;
	v34 =	vld.idx.msk [tilespmem:v24+s12+$0x0], $0xffff;
	v17 =	vadd.f32 v17, v7  }
0x4ba: {  	v35 =	vld.idx.msk [tilespmem:v27+s12+$0x0], $0xffff;
	[tilespmem:v6+s12+$0x0] =	vst.idx.msk $0xffff, v7;
	v13 =	vadd.s32 $0x8, v6;
	v19 =	vadd.f32 v19, v33  }
0x4bb: {  	v36 =	vld.idx.msk [tilespmem:v28+s12+$0x0], $0xffff;
	v5 =	vadd.s32 $0x8008, v6;
	v7 =	vadd.f32 v21, v17;
	[tilespmem:v8+s12+$0x0] =	vst.idx.msk $0xffff, v33  }
0x4bc: {  	v38 =	vadd.s32 $0x9, v6;
	v21 =	vld.idx.msk [tilespmem:v31+s12+$0x0], $0xffff;
	[tilespmem:v9+s12+$0x0] =	vst.idx.msk $0xffff, v17;
	v8 =	vadd.f32 v23, v19  }
0x4bd: {  	v48 =	vadd.s32 $0xA, v6;
	v23 =	vld.idx.msk [tilespmem:v32+s12+$0x0], $0xffff;
	v9 =	vadd.f32 v12, v7;
	[tilespmem:v10+s12+$0x0] =	vst.idx.msk $0xffff, v19  }
0x4be: {  	v17 =	vadd.s32 $0x800A, v6;
	[tilespmem:v11+s12+$0x0] =	vst.idx.msk $0xffff, v7;
	v11 =	vld.idx.msk [tilespmem:v37+s12+$0x0], $0xffff;
	v10 =	vadd.f32 v34, v8  }
0x4bf: {  	v39 =	vadd.s32 $0x8009, v6;
	v12 =	vld.idx.msk [tilespmem:v13+s12+$0x0], $0xffff;
	v7 =	vadd.f32 v26, v9  }
0x4c0: {  	v19 =	vld.idx.msk [tilespmem:v5+s12+$0x0], $0xffff;
	v26 =	vadd.s32 $0xE, v6;
	[tilespmem:v14+s12+$0x0] =	vst.idx.msk $0xffff, v8;
	v8 =	vadd.f32 v29, v10  }
0x4c1: {  	v14 =	vld.idx.msk [tilespmem:v38+s12+$0x0], $0xffff;
	[tilespmem:v22+s12+$0x0] =	vst.idx.msk $0xffff, v9;
	v29 =	vadd.s32 $0x800F, v6;
	v9 =	vadd.f32 v30, v7  }
0x4c2: {  	v49 =	vadd.s32 $0xB, v6;
	v30 =	vld.idx.msk [tilespmem:v48+s12+$0x0], $0xffff;
	[tilespmem:v24+s12+$0x0] =	vst.idx.msk $0xffff, v10;
	v10 =	vadd.f32 v36, v8  }
0x4c3: {  	v50 =	vadd.s32 $0x800B, v6;
	v24 =	vld.idx.msk [tilespmem:v17+s12+$0x0], $0xffff;
	[tilespmem:v16+s12+$0x0] =	vst.idx.msk $0xffff, v7;
	v7 =	vadd.f32 v35, v9  }
0x4c4: {  	v51 =	vadd.s32 $0xC, v6;
	v16 =	vld.idx.msk [tilespmem:v39+s12+$0x0], $0xffff;
	[tilespmem:v18+s12+$0x0] =	vst.idx.msk $0xffff, v8;
	v8 =	vadd.f32 v25, v10  }
0x4c5: {  	[tilespmem:v20+s12+$0x0] =	vst.idx.msk $0xffff, v9;
	v18 =	vld.idx.msk [tilespmem:v26+s12+$0x0], $0xffff;
	v25 =	vadd.s32 $0xF, v6;
	v9 =	vadd.f32 v21, v7  }
0x4c6: {  	v20 =	vadd.s32 $0xD, v6;
	[tilespmem:v28+s12+$0x0] =	vst.idx.msk $0xffff, v10;
	v21 =	vld.idx.msk [tilespmem:v29+s12+$0x0], $0xffff;
	v10 =	vadd.f32 v23, v8  }
0x4c7: {  	v28 =	vadd.s32 $0x800D, v6;
	[tilespmem:v27+s12+$0x0] =	vst.idx.msk $0xffff, v7;
	v23 =	vld.idx.msk [tilespmem:v49+s12+$0x0], $0xffff;
	v22 =	vadd.f32 v12, v9  }
0x4c8: {  	v12 =	vld.idx.msk [tilespmem:v50+s12+$0x0], $0xffff;
	[tilespmem:v15+s12+$0x0] =	vst.idx.msk $0xffff, v8;
	v8 =	vadd.s32 $0x10, v6;
	v7 =	vadd.f32 v19, v10  }
0x4c9: {  	v27 =	vadd.s32 $0x800E, v6;
	v15 =	vld.idx.msk [tilespmem:v51+s12+$0x0], $0xffff;
	[tilespmem:v31+s12+$0x0] =	vst.idx.msk $0xffff, v9;
	v6 =	vadd.f32 v14, v22  }
0x4ca: {  	v9 =	vadd.s32 $0x8000, v8;
	[tilespmem:v32+s12+$0x0] =	vst.idx.msk $0xffff, v10;
	v14 =	vld.idx.msk [tilespmem:v25+s12+$0x0], $0xffff;
	v10 =	vadd.f32 v16, v7  }
0x4cb: {  	v52 =	vadd.s32 $0x2, v8;
	v16 =	vld.idx.msk [tilespmem:v20+s12+$0x0], $0xffff;
	[tilespmem:v38+s12+$0x0] =	vst.idx.msk $0xffff, v6;
	v6 =	vadd.f32 v30, v6  }
0x4cc: {  	v54 =	vadd.s32 $0x8002, v8;
	v30 =	vld.idx.msk [tilespmem:v28+s12+$0x0], $0xffff;
	[tilespmem:v39+s12+$0x0] =	vst.idx.msk $0xffff, v10;
	v10 =	vadd.f32 v24, v10  }
0x4cd: {  	v55 =	vadd.s32 $0x8006, v8;
	v53 =	vld.idx.msk [tilespmem:v8+s12+$0x0], $0xffff;
	[tilespmem:v48+s12+$0x0] =	vst.idx.msk $0xffff, v6;
	v6 =	vadd.f32 v23, v6  }
0x4ce: {  	v19 =	vadd.s32 $0x1, v8;
	v24 =	vld.idx.msk [tilespmem:v27+s12+$0x0], $0xffff;
	[tilespmem:v17+s12+$0x0] =	vst.idx.msk $0xffff, v10;
	v10 =	vadd.f32 v12, v10  }
0x4cf: {  	v31 =	vadd.s32 $0x8001, v8;
	v23 =	vld.idx.msk [tilespmem:v9+s12+$0x0], $0xffff;
	[tilespmem:v49+s12+$0x0] =	vst.idx.msk $0xffff, v6;
	v6 =	vadd.f32 v15, v6  }
0x4d0: {  	v40 =	vld.idx.msk [tilespmem:v52+s12+$0x0], $0xffff;
	v17 =	vadd.s32 $0x4, v8;
	[tilespmem:v50+s12+$0x0] =	vst.idx.msk $0xffff, v10;
	v10 =	vadd.f32 v11, v10  }
0x4d1: {  	v56 =	vadd.s32 $0x8004, v8;
	v41 =	vld.idx.msk [tilespmem:v54+s12+$0x0], $0xffff;
	[tilespmem:v51+s12+$0x0] =	vst.idx.msk $0xffff, v6;
	v6 =	vadd.f32 v16, v6  }
0x4d2: {  	v57 =	vadd.s32 $0x5, v8;
	v59 =	vld.idx.msk [tilespmem:v55+s12+$0x0], $0xffff;
	[tilespmem:v37+s12+$0x0] =	vst.idx.msk $0xffff, v10;
	v10 =	vadd.f32 v30, v10  }
0x4d3: {  	v58 =	vadd.s32 $0x3, v8;
	v12 =	vld.idx.msk [tilespmem:v19+s12+$0x0], $0xffff;
	[tilespmem:v20+s12+$0x0] =	vst.idx.msk $0xffff, v6;
	v6 =	vadd.f32 v18, v6  }
0x4d4: {  	v15 =	vld.idx.msk [tilespmem:v31+s12+$0x0], $0xffff;
	v30 =	vadd.s32 $0x8003, v8;
	[tilespmem:v28+s12+$0x0] =	vst.idx.msk $0xffff, v10;
	v10 =	vadd.f32 v24, v10  }
0x4d5: {  	v16 =	vadd.s32 $0x8007, v8;
	v18 =	vld.idx.msk [tilespmem:v17+s12+$0x0], $0xffff;
	[tilespmem:v26+s12+$0x0] =	vst.idx.msk $0xffff, v6;
	v6 =	vadd.f32 v14, v6  }
0x4d6: {  	v43 =	vadd.s32 $0x7, v8;
	v24 =	vld.idx.msk [tilespmem:v56+s12+$0x0], $0xffff;
	[tilespmem:v27+s12+$0x0] =	vst.idx.msk $0xffff, v10;
	v10 =	vadd.f32 v21, v10  }
0x4d7: {  	v42 =	vadd.s32 $0x6, v8;
	v26 =	vld.idx.msk [tilespmem:v57+s12+$0x0], $0xffff;
	v11 =	vadd.f32 v53, v6;
	[tilespmem:v25+s12+$0x0] =	vst.idx.msk $0xffff, v6  }
0x4d8: {  	v28 =	vadd.s32 $0x8005, v8;
	v14 =	vld.idx.msk [tilespmem:v58+s12+$0x0], $0xffff;
	v20 =	vadd.f32 v23, v10;
	[tilespmem:v29+s12+$0x0] =	vst.idx.msk $0xffff, v10  }
0x4d9: {  	v6 =	vadd.s32 $0x8, v8;
	v21 =	vld.idx.msk [tilespmem:v30+s12+$0x0], $0xffff;
	[tilespmem:v8+s12+$0x0] =	vst.idx.msk $0xffff, v11;
	v10 =	vadd.f32 v12, v11  }
0x4da: {  	v60 =	vld.idx.msk [tilespmem:v16+s12+$0x0], $0xffff;
	v11 =	vadd.s32 $0x8008, v8;
	[tilespmem:v9+s12+$0x0] =	vst.idx.msk $0xffff, v20;
	v15 =	vadd.f32 v15, v20  }
0x4db: {  	v27 =	vld.idx.msk [tilespmem:v43+s12+$0x0], $0xffff;
	v12 =	vadd.s32 $0x9, v8;
	[tilespmem:v19+s12+$0x0] =	vst.idx.msk $0xffff, v10;
	v10 =	vadd.f32 v40, v10  }
0x4dc: {  	v23 =	vld.idx.msk [tilespmem:v42+s12+$0x0], $0xffff;
	v9 =	vadd.s32 $0x800C, v8;
	[tilespmem:v31+s12+$0x0] =	vst.idx.msk $0xffff, v15;
	v29 =	vadd.f32 v41, v15  }
0x4dd: {  	v25 =	vld.idx.msk [tilespmem:v28+s12+$0x0], $0xffff;
	v20 =	vadd.s32 $0x800A, v8;
	[tilespmem:v52+s12+$0x0] =	vst.idx.msk $0xffff, v10;
	v10 =	vadd.f32 v14, v10  }
0x4de: {  	v19 =	vadd.s32 $0xA, v8;
	v61 =	vld.idx.msk [tilespmem:v6+s12+$0x0], $0xffff;
	[tilespmem:v54+s12+$0x0] =	vst.idx.msk $0xffff, v29;
	v21 =	vadd.f32 v21, v29  }
0x4df: {  	v15 =	vadd.s32 $0x8009, v8;
	v62 =	vld.idx.msk [tilespmem:v11+s12+$0x0], $0xffff;
	[tilespmem:v58+s12+$0x0] =	vst.idx.msk $0xffff, v10;
	v29 =	vadd.f32 v18, v10  }
0x4e0: {  	v14 =	vadd.s32 $0xE, v8;
	v32 =	vld.idx.msk [tilespmem:v12+s12+$0x0], $0xffff;
	[tilespmem:v30+s12+$0x0] =	vst.idx.msk $0xffff, v21;
	v21 =	vadd.f32 v24, v21  }
0x4e1: {  	v10 =	vadd.s32 $0x800F, v8;
	v18 =	vld.idx.msk [tilespmem:v9+s12+$0x0], $0xffff;
	[tilespmem:v17+s12+$0x0] =	vst.idx.msk $0xffff, v29;
	v17 =	vadd.f32 v26, v29  }
0x4e2: {  	v31 =	vld.idx.msk [tilespmem:v20+s12+$0x0], $0xffff;
	v24 =	vadd.s32 $0xB, v8;
	[tilespmem:v56+s12+$0x0] =	vst.idx.msk $0xffff, v21;
	v21 =	vadd.f32 v25, v21  }
0x4e3: {  	v30 =	vld.idx.msk [tilespmem:v19+s12+$0x0], $0xffff;
	v26 =	vadd.s32 $0xC, v8;
	[tilespmem:v57+s12+$0x0] =	vst.idx.msk $0xffff, v17;
	v17 =	vadd.f32 v23, v17  }
0x4e4: {  	v36 =	vld.idx.msk [tilespmem:v15+s12+$0x0], $0xffff;
	v25 =	vadd.s32 $0x800B, v8;
	[tilespmem:v28+s12+$0x0] =	vst.idx.msk $0xffff, v21;
	v28 =	vadd.f32 v59, v21  }
0x4e5: {  	v23 =	vld.idx.msk [tilespmem:v14+s12+$0x0], $0xffff;
	[tilespmem:v42+s12+$0x0] =	vst.idx.msk $0xffff, v17;
	v27 =	vadd.f32 v27, v17;
	v17 =	vadd.s32 $0xF, v8  }
0x4e6: {  	v21 =	vld.idx.msk [tilespmem:v10+s12+$0x0], $0xffff;
	[tilespmem:v55+s12+$0x0] =	vst.idx.msk $0xffff, v28;
	v39 =	vadd.f32 v60, v28;
	v28 =	vadd.s32 $0xD, v8  }
0x4e7: {  	v29 =	vadd.s32 $0x800D, v8;
	v35 =	vld.idx.msk [tilespmem:v24+s12+$0x0], $0xffff  }
0x4e8: {  	v37 =	vld.idx.msk [tilespmem:v26+s12+$0x0], $0xffff;
	[tilespmem:v43+s12+$0x0] =	vst.idx.msk $0xffff, v27;
	v34 =	vadd.f32 v61, v27;
	v27 =	vadd.s32 $0x800E, v8  }
0x4e9: {  	s19 =	simm.s32 $0x10;
	[tilespmem:v13+s12+$0x0] =	vst.idx.msk $0xffff, v22;
	v8 =	vadd.s32 $0x10, v8;
	v38 =	vld.idx.msk [tilespmem:v25+s12+$0x0], $0xffff;
	v33 =	vadd.f32 v62, v39  }
.LBB2_41:
0x4ea: {  	v40 =	vadd.s32 $0x8000, v8;
	v13 =	vadd.s32 $0x8006, v8;
	s19 =	sadd.s32 $0x10, s19;
	v42 =	vadd.f32 v32, v34;
	v32 =	vld.idx.msk [tilespmem:v17+s12+$0x0], $0xffff;
	[tilespmem:v5+s12+$0x0] =	vst.idx.msk $0xffff, v7  }
0x4eb: {  	v41 =	vadd.s32 $0x1, v8;
	v5 =	vmov v11;
	p0 =	slt.u32 s19, $0x60;
	[tilespmem:v16+s12+$0x0] =	vst.idx.msk $0xffff, v39;
	v39 =	vadd.f32 v36, v33;
	v16 =	vld.idx.msk [tilespmem:v28+s12+$0x0], $0xffff  }
0x4ec: {  	v22 =	vmov v34;
	v36 =	vadd.s32 $0x8001, v8;
	[tilespmem:v12+s12+$0x0] =	vst.idx.msk $0xffff, v42;
	v11 =	vadd.f32 v30, v42;
	v30 =	vld.idx.msk [tilespmem:v29+s12+$0x0], $0xffff  }
0x4ed: {  	v34 =	vadd.s32 $0x2, v8;
	v7 =	vmov v33;
	[tilespmem:v15+s12+$0x0] =	vst.idx.msk $0xffff, v39;
	v12 =	vadd.f32 v31, v39;
	v31 =	vld.idx.msk [tilespmem:v27+s12+$0x0], $0xffff  }
0x4ee: {  	v39 =	vadd.s32 $0x8002, v8;
	v33 =	vld.idx.msk [tilespmem:v8+s12+$0x0], $0xffff;
	[tilespmem:v19+s12+$0x0] =	vst.idx.msk $0xffff, v11;
	v11 =	vadd.f32 v35, v11  }
0x4ef: {  	v42 =	vadd.s32 $0x4, v8;
	v35 =	vadd.s32 $0x3, v8;
	v19 =	vld.idx.msk [tilespmem:v40+s12+$0x0], $0xffff;
	[tilespmem:v20+s12+$0x0] =	vst.idx.msk $0xffff, v12;
	v12 =	vadd.f32 v38, v12  }
0x4f0: {  	v43 =	vadd.s32 $0x8004, v8;
	v38 =	vadd.s32 $0x8003, v8;
	v20 =	vld.idx.msk [tilespmem:v41+s12+$0x0], $0xffff;
	[tilespmem:v24+s12+$0x0] =	vst.idx.msk $0xffff, v11;
	v11 =	vadd.f32 v37, v11  }
0x4f1: {  	v37 =	vadd.s32 $0x5, v8;
	v24 =	vld.idx.msk [tilespmem:v36+s12+$0x0], $0xffff;
	[tilespmem:v25+s12+$0x0] =	vst.idx.msk $0xffff, v12;
	v15 =	vadd.f32 v18, v12  }
0x4f2: {  	v44 =	vadd.s32 $0x8005, v8;
	v18 =	vld.idx.msk [tilespmem:v34+s12+$0x0], $0xffff;
	[tilespmem:v26+s12+$0x0] =	vst.idx.msk $0xffff, v11;
	v11 =	vadd.f32 v16, v11  }
0x4f3: {  	v12 =	vadd.s32 $0x9, v8;
	v25 =	vld.idx.msk [tilespmem:v39+s12+$0x0], $0xffff;
	[tilespmem:v9+s12+$0x0] =	vst.idx.msk $0xffff, v15;
	v9 =	vadd.f32 v30, v15  }
0x4f4: {  	v15 =	vadd.s32 $0x8009, v8;
	v45 =	vld.idx.msk [tilespmem:v13+s12+$0x0], $0xffff;
	[tilespmem:v28+s12+$0x0] =	vst.idx.msk $0xffff, v11;
	v11 =	vadd.f32 v23, v11  }
0x4f5: {  	v28 =	vadd.s32 $0x6, v8;
	v23 =	vld.idx.msk [tilespmem:v42+s12+$0x0], $0xffff;
	[tilespmem:v29+s12+$0x0] =	vst.idx.msk $0xffff, v9;
	v9 =	vadd.f32 v31, v9  }
0x4f6: {  	v26 =	vld.idx.msk [tilespmem:v43+s12+$0x0], $0xffff;
	[tilespmem:v14+s12+$0x0] =	vst.idx.msk $0xffff, v11;
	v11 =	vadd.f32 v32, v11  }
0x4f7: {  	v46 =	vadd.s32 $0x7, v8;
	v29 =	vld.idx.msk [tilespmem:v37+s12+$0x0], $0xffff;
	[tilespmem:v27+s12+$0x0] =	vst.idx.msk $0xffff, v9;
	v9 =	vadd.f32 v21, v9  }
0x4f8: {  	v16 =	vadd.s32 $0x8007, v8;
	v14 =	vadd.f32 v33, v11;
	v21 =	vld.idx.msk [tilespmem:v35+s12+$0x0], $0xffff;
	[tilespmem:v17+s12+$0x0] =	vst.idx.msk $0xffff, v11  }
0x4f9: {  	v47 =	vadd.s32 $0x8, v8;
	v17 =	vadd.f32 v19, v9;
	v27 =	vld.idx.msk [tilespmem:v38+s12+$0x0], $0xffff;
	[tilespmem:v10+s12+$0x0] =	vst.idx.msk $0xffff, v9  }
0x4fa: {  	v11 =	vadd.s32 $0x8008, v8;
	[tilespmem:v8+s12+$0x0] =	vst.idx.msk $0xffff, v14;
	v10 =	vadd.f32 v20, v14;
	v33 =	vld.idx.msk [tilespmem:v28+s12+$0x0], $0xffff  }
0x4fb: {  	v9 =	vadd.s32 $0x800C, v8;
	[tilespmem:v40+s12+$0x0] =	vst.idx.msk $0xffff, v17;
	v14 =	vadd.f32 v24, v17;
	v17 =	vld.idx.msk [tilespmem:v44+s12+$0x0], $0xffff  }
0x4fc: {  	[tilespmem:v41+s12+$0x0] =	vst.idx.msk $0xffff, v10;
	v10 =	vadd.f32 v18, v10;
	v40 =	vld.idx.msk [tilespmem:v46+s12+$0x0], $0xffff  }
0x4fd: {  	v19 =	vadd.s32 $0xA, v8;
	[tilespmem:v36+s12+$0x0] =	vst.idx.msk $0xffff, v14;
	v14 =	vadd.f32 v25, v14;
	v41 =	vld.idx.msk [tilespmem:v16+s12+$0x0], $0xffff  }
0x4fe: {  	v20 =	vadd.s32 $0x800A, v8;
	[tilespmem:v34+s12+$0x0] =	vst.idx.msk $0xffff, v10;
	v10 =	vadd.f32 v21, v10;
	v34 =	vld.idx.msk [tilespmem:v47+s12+$0x0], $0xffff  }
0x4ff: {  	[tilespmem:v39+s12+$0x0] =	vst.idx.msk $0xffff, v14;
	v21 =	vadd.f32 v27, v14;
	v48 =	vld.idx.msk [tilespmem:v11+s12+$0x0], $0xffff  }
0x500: {  	v14 =	vadd.s32 $0xE, v8;
	[tilespmem:v35+s12+$0x0] =	vst.idx.msk $0xffff, v10;
	v23 =	vadd.f32 v23, v10;
	v18 =	vld.idx.msk [tilespmem:v9+s12+$0x0], $0xffff  }
0x501: {  	v10 =	vadd.s32 $0x800F, v8;
	[tilespmem:v38+s12+$0x0] =	vst.idx.msk $0xffff, v21;
	v21 =	vadd.f32 v26, v21;
	v32 =	vld.idx.msk [tilespmem:v12+s12+$0x0], $0xffff  }
0x502: {  	v24 =	vadd.s32 $0xB, v8;
	[tilespmem:v42+s12+$0x0] =	vst.idx.msk $0xffff, v23;
	v23 =	vadd.f32 v29, v23;
	v30 =	vld.idx.msk [tilespmem:v19+s12+$0x0], $0xffff  }
0x503: {  	v25 =	vadd.s32 $0x800B, v8;
	[tilespmem:v43+s12+$0x0] =	vst.idx.msk $0xffff, v21;
	v17 =	vadd.f32 v17, v21;
	v31 =	vld.idx.msk [tilespmem:v20+s12+$0x0], $0xffff  }
0x504: {  	v26 =	vadd.s32 $0xC, v8;
	[tilespmem:v37+s12+$0x0] =	vst.idx.msk $0xffff, v23;
	v21 =	vadd.f32 v33, v23;
	v36 =	vld.idx.msk [tilespmem:v15+s12+$0x0], $0xffff  }
.Ltmp19:
0x505: {  	[tilespmem:v44+s12+$0x0] =	vst.idx.msk $0xffff, v17;
	v27 =	vadd.f32 v45, v17;
	v23 =	vld.idx.msk [tilespmem:v14+s12+$0x0], $0xffff;
	v17 =	vadd.s32 $0xF, v8;
	(pc) =	sbr.rel @p0 .LBB2_41-.Ltmp19, $4  }
0x506: {  	[tilespmem:v28+s12+$0x0] =	vst.idx.msk $0xffff, v21;
	v33 =	vadd.f32 v40, v21;
	v28 =	vadd.s32 $0xD, v8;
	v21 =	vld.idx.msk [tilespmem:v10+s12+$0x0], $0xffff  }
0x507: {  	v29 =	vadd.s32 $0x800D, v8;
	[tilespmem:v13+s12+$0x0] =	vst.idx.msk $0xffff, v27;
	v39 =	vadd.f32 v41, v27;
	v35 =	vld.idx.msk [tilespmem:v24+s12+$0x0], $0xffff  }
0x508: {  	v27 =	vadd.s32 $0x800E, v8;
	[tilespmem:v46+s12+$0x0] =	vst.idx.msk $0xffff, v33;
	v34 =	vadd.f32 v34, v33;
	v38 =	vld.idx.msk [tilespmem:v25+s12+$0x0], $0xffff  }
0x509: {  	v8 =	vadd.s32 $0x10, v8;
	v33 =	vadd.f32 v48, v39;
	v37 =	vld.idx.msk [tilespmem:v26+s12+$0x0], $0xffff;
	[tilespmem:v6+s12+$0x0] =	vst.idx.msk $0xffff, v22;
	v6 =	vmov v47  }
0x50a: {  	_ =	sdelay $0x3  }
0x50b: {  	v13 =	vadd.f32 v32, v34;
	[tilespmem:v5+s12+$0x0] =	vst.idx.msk $0xffff, v7  }
0x50c: {  	[tilespmem:v16+s12+$0x0] =	vst.idx.msk $0xffff, v39;
	v5 =	vadd.f32 v36, v33  }
0x50d: {  	[tilespmem:v12+s12+$0x0] =	vst.idx.msk $0xffff, v13;
	v7 =	vadd.f32 v30, v13  }
0x50e: {  	v32 =	vld.idx.msk [tilespmem:v28+s12+$0x0], $0xffff;
	[tilespmem:v15+s12+$0x0] =	vst.idx.msk $0xffff, v5;
	v5 =	vadd.f32 v31, v5  }
0x50f: {  	v36 =	vld.idx.msk [tilespmem:v29+s12+$0x0], $0xffff;
	[tilespmem:v19+s12+$0x0] =	vst.idx.msk $0xffff, v7;
	v7 =	vadd.f32 v35, v7  }
0x510: {  	[tilespmem:v20+s12+$0x0] =	vst.idx.msk $0xffff, v5;
	v5 =	vadd.f32 v38, v5  }
0x511: {  	v39 =	vld.idx.msk [tilespmem:v27+s12+$0x0], $0xffff;
	[tilespmem:v24+s12+$0x0] =	vst.idx.msk $0xffff, v7;
	v7 =	vadd.f32 v37, v7  }
0x512: {  	v40 =	vld.idx.msk [tilespmem:v17+s12+$0x0], $0xffff;
	[tilespmem:v25+s12+$0x0] =	vst.idx.msk $0xffff, v5;
	v5 =	vadd.f32 v18, v5  }
0x513: {  	[tilespmem:v26+s12+$0x0] =	vst.idx.msk $0xffff, v7;
	v7 =	vadd.f32 v32, v7  }
0x514: {  	[tilespmem:v9+s12+$0x0] =	vst.idx.msk $0xffff, v5;
	v5 =	vadd.f32 v36, v5  }
0x515: {  	[tilespmem:v28+s12+$0x0] =	vst.idx.msk $0xffff, v7;
	v7 =	vadd.f32 v23, v7  }
0x516: {  	s19 =	simm.s32 $0xF;
	[tilespmem:v29+s12+$0x0] =	vst.idx.msk $0xffff, v5;
	v5 =	vadd.f32 v39, v5  }
0x517: {  	v9 =	vmov s19;
	[tilespmem:v14+s12+$0x0] =	vst.idx.msk $0xffff, v7;
	v7 =	vadd.f32 v40, v7  }
0x518: {  	s25 =	simm.s32 $0xE;
	vm0 =	veq.s32 v9, v0;
	[tilespmem:v27+s12+$0x0] =	vst.idx.msk $0xffff, v5;
	v5 =	vadd.f32 v21, v5  }
0x519: {  	v41 =	vmov s25;
	v9 =	vadd.s32 $0x8000, v8;
	v42 =	vsel vm0, $0x381, v3;
	[tilespmem:v17+s12+$0x0] =	vst.idx.msk $0xffff, v7  }
0x51a: {  	s26 =	simm.s32 $0xD;
	vm10 =	veq.s32 v41, v0;
	[tilespmem:v10+s12+$0x0] =	vst.idx.msk $0xffff, v5;
	v10 =	vadd.s32 v8, v42  }
0x51b: {  	[tilespmem:v6+s12+$0x0] =	vst.idx.msk $0xffff, v34;
	v6 =	vmov s26;
	v12 =	vsel vm10, $0x381, v3;
	v13 =	vadd.s32 $0x8000, v10  }
0x51c: {  	s28 =	simm.s32 $0xC;
	[tilespmem:v11+s12+$0x0] =	vst.idx.msk $0xffff, v33;
	vm11 =	veq.s32 v6, v0;
	v6 =	vadd.s32 v12, v10  }
0x51d: {  	s20 =	simm.s32 $0xB;
	v43 =	vmov s28;
	v11 =	vsel vm11, $0x381, v3;
	v44 =	vld.idx.msk [tilespmem:v8+s12+$0x0], $0xffff;
	v12 =	vadd.s32 $0x8000, v6  }
0x51e: {  	s29 =	simm.s32 $0xA;
	v45 =	vmov s20;
	vm12 =	veq.s32 v43, v0;
	v46 =	vld.idx.msk [tilespmem:v9+s12+$0x0], $0xffff;
	v11 =	vadd.s32 v11, v6  }
0x51f: {  	s30 =	simm.s32 $0x9;
	v51 =	vmov s29;
	v48 =	vsel vm12, $0x381, v3;
	v47 =	vadd.s32 $0x8000, v11;
	v49 =	vld.idx.msk [tilespmem:v10+s12+$0x0], $0xffff  }
0x520: {  	v55 =	vmov s30;
	vm1 =	veq.s32 v45, v0;
	v17 =	vadd.s32 v48, v11;
	v20 =	vld.idx.msk [tilespmem:v13+s12+$0x0], $0xffff  }
0x521: {  	vm13 =	veq.s32 v51, v0;
	v50 =	vsel vm1, $0x381, v3;
	v22 =	vadd.s32 $0x8000, v17;
	v52 =	vld.idx.msk [tilespmem:v6+s12+$0x0], $0xffff  }
0x522: {  	vm14 =	veq.s32 v55, v0;
	v19 =	vadd.s32 v50, v17;
	v7 =	vadd.f32 v44, v7;
	v24 =	vld.idx.msk [tilespmem:v12+s12+$0x0], $0xffff  }
0x523: {  	v54 =	vsel vm13, $0x381, v3;
	v53 =	vadd.s32 $0x8000, v19;
	v5 =	vadd.f32 v46, v5;
	v25 =	vld.idx.msk [tilespmem:v11+s12+$0x0], $0xffff  }
0x524: {  	v56 =	vadd.s32 v54, v19;
	v57 =	vld.idx.msk [tilespmem:v47+s12+$0x0], $0xffff;
	[tilespmem:v8+s12+$0x0] =	vst.idx.msk $0xffff, v7;
	v7 =	vadd.f32 v49, v7  }
0x525: {  	v59 =	vadd.s32 $0x8000, v56;
	v58 =	vld.idx.msk [tilespmem:v17+s12+$0x0], $0xffff;
	v8 =	vsel vm14, $0x381, v3;
	[tilespmem:v9+s12+$0x0] =	vst.idx.msk $0xffff, v5;
	v5 =	vadd.f32 v20, v5  }
0x526: {  	v9 =	vld.idx.msk [tilespmem:v22+s12+$0x0], $0xffff;
	v60 =	vadd.s32 v8, v56;
	[tilespmem:v10+s12+$0x0] =	vst.idx.msk $0xffff, v7;
	v7 =	vadd.f32 v52, v7  }
0x527: {  	v8 =	vadd.s32 $0x8000, v60;
	v10 =	vld.idx.msk [tilespmem:v19+s12+$0x0], $0xffff;
	[tilespmem:v13+s12+$0x0] =	vst.idx.msk $0xffff, v5;
	v5 =	vadd.f32 v24, v5  }
0x528: {  	v61 =	vld.idx.msk [tilespmem:v53+s12+$0x0], $0xffff;
	[tilespmem:v6+s12+$0x0] =	vst.idx.msk $0xffff, v7;
	v6 =	vadd.f32 v25, v7  }
0x529: {  	v7 =	vld.idx.msk [tilespmem:v56+s12+$0x0], $0xffff;
	[tilespmem:v12+s12+$0x0] =	vst.idx.msk $0xffff, v5;
	v5 =	vadd.f32 v57, v5  }
0x52a: {  	v62 =	vld.idx.msk [tilespmem:v59+s12+$0x0], $0xffff;
	[tilespmem:v11+s12+$0x0] =	vst.idx.msk $0xffff, v6;
	v6 =	vadd.f32 v58, v6  }
0x52b: {  	v11 =	vld.idx.msk [tilespmem:v60+s12+$0x0], $0xffff;
	[tilespmem:v47+s12+$0x0] =	vst.idx.msk $0xffff, v5;
	v5 =	vadd.f32 v9, v5  }
0x52c: {  	v9 =	vld.idx.msk [tilespmem:v8+s12+$0x0], $0xffff;
	[tilespmem:v17+s12+$0x0] =	vst.idx.msk $0xffff, v6;
	v6 =	vadd.f32 v10, v6  }
0x52d: {  	[tilespmem:v22+s12+$0x0] =	vst.idx.msk $0xffff, v5;
	v5 =	vadd.f32 v61, v5  }
0x52e: {  	s31 =	simm.s32 $0x8;
	[tilespmem:v19+s12+$0x0] =	vst.idx.msk $0xffff, v6;
	v6 =	vadd.f32 v7, v6  }
0x52f: {  	v7 =	vmov s31;
	[tilespmem:v53+s12+$0x0] =	vst.idx.msk $0xffff, v5;
	v5 =	vadd.f32 v62, v5  }
0x530: {  	vm15 =	veq.s32 v7, v0;
	[tilespmem:v56+s12+$0x0] =	vst.idx.msk $0xffff, v6;
	v7 =	vadd.f32 v11, v6  }
0x531: {  	v6 =	vsel vm15, $0x381, v3;
	[tilespmem:v59+s12+$0x0] =	vst.idx.msk $0xffff, v5;
	v5 =	vadd.f32 v9, v5  }
0x532: {  	s20 =	simm.s32 $0x0;
	s19 =	simm.s32 $0x70;
	v6 =	vadd.s32 v6, v60;
	[tilespmem:v60+s12+$0x0] =	vst.idx.msk $0xffff, v7  }
.LBB2_43:
0x533: {  	s21 =	sadd.s32 $0x3, s20;
	s19 =	sadd.s32 $0x8, s19;
	[tilespmem:v8+s12+$0x0] =	vst.idx.msk $0xffff, v5  }
0x534: {  	s22 =	sadd.s32 $0x7, s20;
	v8 =	vmov s21;
	p0 =	slt.u32 s19, $0x78  }
0x535: {  	v9 =	vmov s22;
	s21 =	sadd.s32 $0x6, s20;
	vm0 =	veq.s32 v8, v0  }
0x536: {  	v8 =	vadd.s32 $0x8000, v6;
	vm1 =	veq.s32 v9, v0;
	v9 =	vmov s21;
	s21 =	sadd.s32 $0x5, s20  }
0x537: {  	v10 =	vsel vm1, $0x381, v3;
	vm1 =	veq.s32 v9, v0;
	v9 =	vmov s21;
	s21 =	sadd.s32 $0x4, s20  }
0x538: {  	v10 =	vadd.s32 v6, v10;
	v11 =	vsel vm1, $0x381, v3;
	vm1 =	veq.s32 v9, v0  }
0x539: {  	v9 =	vadd.s32 $0x8000, v10;
	v11 =	vadd.s32 v11, v10;
	v12 =	vsel vm1, $0x381, v3  }
0x53a: {  	v14 =	vmov s21;
	v13 =	vadd.s32 $0x8000, v11;
	v12 =	vadd.s32 v12, v11  }
0x53b: {  	vm1 =	veq.s32 v14, v0;
	v16 =	vadd.s32 $0x8000, v12;
	v15 =	vld.idx.msk [tilespmem:v6+s12+$0x0], $0xffff  }
0x53c: {  	v17 =	vsel vm1, $0x381, v3;
	v14 =	vld.idx.msk [tilespmem:v8+s12+$0x0], $0xffff  }
0x53d: {  	v19 =	vsel vm0, $0x381, v3;
	v17 =	vadd.s32 v17, v12;
	v18 =	vld.idx.msk [tilespmem:v10+s12+$0x0], $0xffff  }
0x53e: {  	s21 =	sadd.s32 $0x2, s20;
	v21 =	vadd.s32 $0x8000, v17;
	v19 =	vadd.s32 v19, v17;
	v20 =	vld.idx.msk [tilespmem:v9+s12+$0x0], $0xffff  }
0x53f: {  	v24 =	vmov s21;
	v23 =	vadd.s32 $0x8000, v19;
	v22 =	vld.idx.msk [tilespmem:v11+s12+$0x0], $0xffff  }
0x540: {  	s21 =	sadd.s32 $0x1, s20;
	vm0 =	veq.s32 v24, v0;
	v24 =	vmov s20;
	v25 =	vld.idx.msk [tilespmem:v13+s12+$0x0], $0xffff  }
0x541: {  	v27 =	vmov s21;
	v26 =	vsel vm0, $0x381, v3;
	v7 =	vadd.f32 v15, v7;
	v15 =	vld.idx.msk [tilespmem:v12+s12+$0x0], $0xffff  }
0x542: {  	vm0 =	veq.s32 v27, v0;
	v26 =	vadd.s32 v26, v19;
	v5 =	vadd.f32 v14, v5;
	v14 =	vld.idx.msk [tilespmem:v16+s12+$0x0], $0xffff  }
0x543: {  	v27 =	vsel vm0, $0x381, v3;
	[tilespmem:v6+s12+$0x0] =	vst.idx.msk $0xffff, v7;
	v6 =	vadd.f32 v18, v7;
	v7 =	vld.idx.msk [tilespmem:v17+s12+$0x0], $0xffff;
	v18 =	vadd.s32 $0x8000, v26  }
0x544: {  	v27 =	vadd.s32 v27, v26;
	[tilespmem:v8+s12+$0x0] =	vst.idx.msk $0xffff, v5;
	v5 =	vadd.f32 v20, v5;
	v20 =	vld.idx.msk [tilespmem:v21+s12+$0x0], $0xffff  }
0x545: {  	v8 =	vadd.s32 $0x8000, v27;
	[tilespmem:v10+s12+$0x0] =	vst.idx.msk $0xffff, v6;
	v6 =	vadd.f32 v22, v6;
	v10 =	vld.idx.msk [tilespmem:v19+s12+$0x0], $0xffff  }
0x546: {  	vm0 =	veq.s32 v24, v0;
	[tilespmem:v9+s12+$0x0] =	vst.idx.msk $0xffff, v5;
	v5 =	vadd.f32 v25, v5;
	v9 =	vld.idx.msk [tilespmem:v23+s12+$0x0], $0xffff  }
0x547: {  	[tilespmem:v11+s12+$0x0] =	vst.idx.msk $0xffff, v6;
	v11 =	vadd.f32 v15, v6;
	v15 =	vld.idx.msk [tilespmem:v26+s12+$0x0], $0xffff;
	v6 =	vsel vm0, $0x381, v3  }
0x548: {  	[tilespmem:v13+s12+$0x0] =	vst.idx.msk $0xffff, v5;
	v5 =	vadd.f32 v14, v5;
	v13 =	vld.idx.msk [tilespmem:v18+s12+$0x0], $0xffff;
	v6 =	vadd.s32 v6, v27  }
0x549: {  	[tilespmem:v12+s12+$0x0] =	vst.idx.msk $0xffff, v11;
	v7 =	vadd.f32 v7, v11;
	v11 =	vld.idx.msk [tilespmem:v27+s12+$0x0], $0xffff  }
0x54a: {  	[tilespmem:v16+s12+$0x0] =	vst.idx.msk $0xffff, v5;
	v5 =	vadd.f32 v20, v5;
	v12 =	vld.idx.msk [tilespmem:v8+s12+$0x0], $0xffff  }
0x54b: {  	[tilespmem:v17+s12+$0x0] =	vst.idx.msk $0xffff, v7;
	v7 =	vadd.f32 v10, v7  }
0x54c: {  	[tilespmem:v21+s12+$0x0] =	vst.idx.msk $0xffff, v5;
	v5 =	vadd.f32 v9, v5  }
.Ltmp20:
0x54d: {  	[tilespmem:v19+s12+$0x0] =	vst.idx.msk $0xffff, v7;
	v7 =	vadd.f32 v15, v7;
	(pc) =	sbr.rel @p0 .LBB2_43-.Ltmp20, $4  }
0x54e: {  	[tilespmem:v23+s12+$0x0] =	vst.idx.msk $0xffff, v5;
	v5 =	vadd.f32 v13, v5  }
0x54f: {  	[tilespmem:v26+s12+$0x0] =	vst.idx.msk $0xffff, v7;
	v7 =	vadd.f32 v11, v7  }
0x550: {  	[tilespmem:v18+s12+$0x0] =	vst.idx.msk $0xffff, v5;
	v5 =	vadd.f32 v12, v5  }
0x551: {  	s20 =	sadd.s32 $0xFFFFFFF8, s20;
	[tilespmem:v27+s12+$0x0] =	vst.idx.msk $0xffff, v7  }
0x552: {  	s18 =	sadd.s32 $0x1, s18  }
0x553: {  	p0 =	sne.s32 s18, $0xF  }
.Ltmp21:
0x554: {  	_ = 	snop;
	(pc) =	sbr.rel @p0 .LBB2_40-.Ltmp21, $2  }
0x555: {  	_ =	sdelay $0x2  }
0x556: {  	[tilespmem:v8+s12+$0x0] =	vst.idx.msk $0xffff, v5  }
0x557: {  	v8 =	vadd.s32 $0x8000, v6  }
0x558: {  	v9 =	vadd.s32 $0x1, v6  }
0x559: {  	v10 =	vadd.s32 $0x8001, v6  }
0x55a: {  	v11 =	vadd.s32 $0x2, v6  }
0x55b: {  	v12 =	vld.idx.msk [tilespmem:v6+s12+$0x0], $0xffff;
	v14 =	vadd.s32 $0x8002, v6  }
0x55c: {  	v15 =	vadd.s32 $0x8006, v6;
	v13 =	vld.idx.msk [tilespmem:v8+s12+$0x0], $0xffff  }
0x55d: {  	v16 =	vadd.s32 $0x4, v6;
	v17 =	vld.idx.msk [tilespmem:v9+s12+$0x0], $0xffff  }
0x55e: {  	v18 =	vadd.s32 $0x8004, v6;
	v19 =	vld.idx.msk [tilespmem:v10+s12+$0x0], $0xffff  }
0x55f: {  	v20 =	vadd.s32 $0x5, v6;
	v21 =	vld.idx.msk [tilespmem:v11+s12+$0x0], $0xffff  }
0x560: {  	v22 =	vadd.s32 $0x3, v6;
	v23 =	vld.idx.msk [tilespmem:v14+s12+$0x0], $0xffff  }
0x561: {  	v24 =	vadd.s32 $0x8003, v6;
	v25 =	vld.idx.msk [tilespmem:v15+s12+$0x0], $0xffff  }
0x562: {  	v27 =	vadd.s32 $0x6, v6;
	v26 =	vld.idx.msk [tilespmem:v16+s12+$0x0], $0xffff  }
0x563: {  	v28 =	vadd.s32 $0x8005, v6;
	v29 =	vld.idx.msk [tilespmem:v18+s12+$0x0], $0xffff  }
0x564: {  	v31 =	vadd.s32 $0x7, v6;
	v30 =	vld.idx.msk [tilespmem:v20+s12+$0x0], $0xffff  }
0x565: {  	v32 =	vadd.s32 $0x8007, v6;
	v7 =	vadd.f32 v12, v7;
	v12 =	vld.idx.msk [tilespmem:v22+s12+$0x0], $0xffff  }
0x566: {  	v37 =	vadd.s32 $0x800C, v6;
	v34 =	vld.idx.msk [tilespmem:v24+s12+$0x0], $0xffff;
	v33 =	vadd.f32 v13, v5  }
0x567: {  	v35 =	vld.idx.msk [tilespmem:v27+s12+$0x0], $0xffff;
	v13 =	vadd.s32 $0x8, v6;
	v17 =	vadd.f32 v17, v7  }
0x568: {  	v36 =	vld.idx.msk [tilespmem:v28+s12+$0x0], $0xffff;
	[tilespmem:v6+s12+$0x0] =	vst.idx.msk $0xffff, v7;
	v5 =	vadd.s32 $0x8008, v6;
	v19 =	vadd.f32 v19, v33  }
0x569: {  	v38 =	vadd.s32 $0x9, v6;
	v7 =	vadd.f32 v21, v17;
	v21 =	vld.idx.msk [tilespmem:v31+s12+$0x0], $0xffff;
	[tilespmem:v8+s12+$0x0] =	vst.idx.msk $0xffff, v33  }
0x56a: {  	v47 =	vadd.s32 $0xA, v6;
	[tilespmem:v9+s12+$0x0] =	vst.idx.msk $0xffff, v17;
	v8 =	vadd.f32 v23, v19;
	v23 =	vld.idx.msk [tilespmem:v32+s12+$0x0], $0xffff  }
0x56b: {  	v17 =	vadd.s32 $0x800A, v6;
	v9 =	vadd.f32 v12, v7;
	[tilespmem:v11+s12+$0x0] =	vst.idx.msk $0xffff, v7;
	v11 =	vld.idx.msk [tilespmem:v37+s12+$0x0], $0xffff  }
0x56c: {  	v39 =	vadd.s32 $0x8009, v6;
	[tilespmem:v10+s12+$0x0] =	vst.idx.msk $0xffff, v19;
	v12 =	vld.idx.msk [tilespmem:v13+s12+$0x0], $0xffff;
	v10 =	vadd.f32 v34, v8  }
0x56d: {  	v19 =	vld.idx.msk [tilespmem:v5+s12+$0x0], $0xffff;
	v7 =	vadd.f32 v26, v9;
	v26 =	vadd.s32 $0xE, v6;
	[tilespmem:v14+s12+$0x0] =	vst.idx.msk $0xffff, v8  }
0x56e: {  	v14 =	vld.idx.msk [tilespmem:v38+s12+$0x0], $0xffff;
	[tilespmem:v22+s12+$0x0] =	vst.idx.msk $0xffff, v9;
	v8 =	vadd.f32 v29, v10;
	v29 =	vadd.s32 $0x800F, v6  }
0x56f: {  	v48 =	vadd.s32 $0xB, v6;
	v9 =	vadd.f32 v30, v7;
	v30 =	vld.idx.msk [tilespmem:v47+s12+$0x0], $0xffff;
	[tilespmem:v24+s12+$0x0] =	vst.idx.msk $0xffff, v10  }
0x570: {  	v49 =	vadd.s32 $0x800B, v6;
	v24 =	vld.idx.msk [tilespmem:v17+s12+$0x0], $0xffff;
	[tilespmem:v16+s12+$0x0] =	vst.idx.msk $0xffff, v7;
	v10 =	vadd.f32 v36, v8  }
0x571: {  	v50 =	vadd.s32 $0xC, v6;
	v16 =	vld.idx.msk [tilespmem:v39+s12+$0x0], $0xffff;
	v7 =	vadd.f32 v35, v9;
	[tilespmem:v18+s12+$0x0] =	vst.idx.msk $0xffff, v8  }
0x572: {  	[tilespmem:v20+s12+$0x0] =	vst.idx.msk $0xffff, v9;
	v18 =	vld.idx.msk [tilespmem:v26+s12+$0x0], $0xffff;
	v8 =	vadd.f32 v25, v10;
	v25 =	vadd.s32 $0xF, v6  }
0x573: {  	v20 =	vadd.s32 $0xD, v6;
	v9 =	vadd.f32 v21, v7;
	[tilespmem:v28+s12+$0x0] =	vst.idx.msk $0xffff, v10;
	v21 =	vld.idx.msk [tilespmem:v29+s12+$0x0], $0xffff  }
0x574: {  	v28 =	vadd.s32 $0x800D, v6;
	[tilespmem:v27+s12+$0x0] =	vst.idx.msk $0xffff, v7;
	v10 =	vadd.f32 v23, v8;
	v23 =	vld.idx.msk [tilespmem:v48+s12+$0x0], $0xffff  }
0x575: {  	v22 =	vadd.f32 v12, v9;
	v12 =	vld.idx.msk [tilespmem:v49+s12+$0x0], $0xffff;
	[tilespmem:v15+s12+$0x0] =	vst.idx.msk $0xffff, v8;
	v8 =	vadd.s32 $0x10, v6  }
0x576: {  	v27 =	vadd.s32 $0x800E, v6;
	v15 =	vld.idx.msk [tilespmem:v50+s12+$0x0], $0xffff;
	v7 =	vadd.f32 v19, v10  }
0x577: {  	[tilespmem:v31+s12+$0x0] =	vst.idx.msk $0xffff, v9;
	v9 =	vadd.s32 $0x8000, v8;
	v6 =	vadd.f32 v14, v22;
	v14 =	vld.idx.msk [tilespmem:v25+s12+$0x0], $0xffff  }
0x578: {  	v51 =	vadd.s32 $0x2, v8;
	[tilespmem:v32+s12+$0x0] =	vst.idx.msk $0xffff, v10;
	v10 =	vadd.f32 v16, v7;
	v16 =	vld.idx.msk [tilespmem:v20+s12+$0x0], $0xffff  }
0x579: {  	v53 =	vadd.s32 $0x8002, v8;
	[tilespmem:v38+s12+$0x0] =	vst.idx.msk $0xffff, v6;
	v6 =	vadd.f32 v30, v6;
	v30 =	vld.idx.msk [tilespmem:v28+s12+$0x0], $0xffff  }
0x57a: {  	v54 =	vadd.s32 $0x8006, v8;
	v52 =	vld.idx.msk [tilespmem:v8+s12+$0x0], $0xffff;
	[tilespmem:v39+s12+$0x0] =	vst.idx.msk $0xffff, v10;
	v10 =	vadd.f32 v24, v10  }
0x57b: {  	v19 =	vadd.s32 $0x1, v8;
	v24 =	vld.idx.msk [tilespmem:v27+s12+$0x0], $0xffff;
	[tilespmem:v47+s12+$0x0] =	vst.idx.msk $0xffff, v6;
	v6 =	vadd.f32 v23, v6  }
0x57c: {  	v31 =	vadd.s32 $0x8001, v8;
	v23 =	vld.idx.msk [tilespmem:v9+s12+$0x0], $0xffff;
	[tilespmem:v17+s12+$0x0] =	vst.idx.msk $0xffff, v10;
	v10 =	vadd.f32 v12, v10  }
0x57d: {  	v40 =	vld.idx.msk [tilespmem:v51+s12+$0x0], $0xffff;
	v17 =	vadd.s32 $0x4, v8;
	[tilespmem:v48+s12+$0x0] =	vst.idx.msk $0xffff, v6;
	v6 =	vadd.f32 v15, v6  }
0x57e: {  	v55 =	vadd.s32 $0x8004, v8;
	v41 =	vld.idx.msk [tilespmem:v53+s12+$0x0], $0xffff;
	[tilespmem:v49+s12+$0x0] =	vst.idx.msk $0xffff, v10;
	v10 =	vadd.f32 v11, v10  }
0x57f: {  	v56 =	vadd.s32 $0x5, v8;
	v58 =	vld.idx.msk [tilespmem:v54+s12+$0x0], $0xffff;
	[tilespmem:v50+s12+$0x0] =	vst.idx.msk $0xffff, v6;
	v6 =	vadd.f32 v16, v6  }
0x580: {  	v57 =	vadd.s32 $0x3, v8;
	v12 =	vld.idx.msk [tilespmem:v19+s12+$0x0], $0xffff;
	[tilespmem:v37+s12+$0x0] =	vst.idx.msk $0xffff, v10;
	v10 =	vadd.f32 v30, v10  }
0x581: {  	v15 =	vld.idx.msk [tilespmem:v31+s12+$0x0], $0xffff;
	v16 =	vadd.s32 $0x8007, v8;
	[tilespmem:v20+s12+$0x0] =	vst.idx.msk $0xffff, v6;
	v6 =	vadd.f32 v18, v6  }
0x582: {  	v30 =	vadd.s32 $0x8003, v8;
	v18 =	vld.idx.msk [tilespmem:v17+s12+$0x0], $0xffff;
	[tilespmem:v28+s12+$0x0] =	vst.idx.msk $0xffff, v10;
	v10 =	vadd.f32 v24, v10  }
0x583: {  	v42 =	vadd.s32 $0x6, v8;
	v24 =	vld.idx.msk [tilespmem:v55+s12+$0x0], $0xffff;
	[tilespmem:v26+s12+$0x0] =	vst.idx.msk $0xffff, v6;
	v6 =	vadd.f32 v14, v6  }
0x584: {  	v43 =	vadd.s32 $0x7, v8;
	v26 =	vld.idx.msk [tilespmem:v56+s12+$0x0], $0xffff;
	[tilespmem:v27+s12+$0x0] =	vst.idx.msk $0xffff, v10;
	v10 =	vadd.f32 v21, v10  }
0x585: {  	v28 =	vadd.s32 $0x8005, v8;
	v14 =	vld.idx.msk [tilespmem:v57+s12+$0x0], $0xffff;
	v11 =	vadd.f32 v52, v6;
	[tilespmem:v25+s12+$0x0] =	vst.idx.msk $0xffff, v6  }
0x586: {  	v59 =	vld.idx.msk [tilespmem:v16+s12+$0x0], $0xffff;
	v6 =	vadd.s32 $0x8, v8;
	v20 =	vadd.f32 v23, v10;
	[tilespmem:v29+s12+$0x0] =	vst.idx.msk $0xffff, v10  }
0x587: {  	v21 =	vld.idx.msk [tilespmem:v30+s12+$0x0], $0xffff;
	[tilespmem:v8+s12+$0x0] =	vst.idx.msk $0xffff, v11;
	v10 =	vadd.f32 v12, v11;
	v11 =	vadd.s32 $0x8008, v8  }
0x588: {  	v23 =	vld.idx.msk [tilespmem:v42+s12+$0x0], $0xffff;
	v12 =	vadd.s32 $0x9, v8;
	[tilespmem:v9+s12+$0x0] =	vst.idx.msk $0xffff, v20;
	v15 =	vadd.f32 v15, v20  }
0x589: {  	v29 =	vld.idx.msk [tilespmem:v43+s12+$0x0], $0xffff;
	v9 =	vadd.s32 $0x800C, v8;
	[tilespmem:v19+s12+$0x0] =	vst.idx.msk $0xffff, v10;
	v10 =	vadd.f32 v40, v10  }
0x58a: {  	v25 =	vld.idx.msk [tilespmem:v28+s12+$0x0], $0xffff;
	v20 =	vadd.s32 $0x800A, v8;
	[tilespmem:v31+s12+$0x0] =	vst.idx.msk $0xffff, v15;
	v27 =	vadd.f32 v41, v15  }
0x58b: {  	v19 =	vadd.s32 $0xA, v8;
	v60 =	vld.idx.msk [tilespmem:v6+s12+$0x0], $0xffff;
	[tilespmem:v51+s12+$0x0] =	vst.idx.msk $0xffff, v10;
	v10 =	vadd.f32 v14, v10  }
0x58c: {  	v15 =	vadd.s32 $0x8009, v8;
	v61 =	vld.idx.msk [tilespmem:v11+s12+$0x0], $0xffff;
	[tilespmem:v53+s12+$0x0] =	vst.idx.msk $0xffff, v27;
	v21 =	vadd.f32 v21, v27  }
0x58d: {  	v14 =	vadd.s32 $0xE, v8;
	v32 =	vld.idx.msk [tilespmem:v12+s12+$0x0], $0xffff;
	[tilespmem:v57+s12+$0x0] =	vst.idx.msk $0xffff, v10;
	v27 =	vadd.f32 v18, v10  }
0x58e: {  	v18 =	vld.idx.msk [tilespmem:v9+s12+$0x0], $0xffff;
	[tilespmem:v30+s12+$0x0] =	vst.idx.msk $0xffff, v21;
	v21 =	vadd.f32 v24, v21  }
0x58f: {  	v10 =	vadd.s32 $0x800F, v8;
	v31 =	vld.idx.msk [tilespmem:v20+s12+$0x0], $0xffff;
	[tilespmem:v17+s12+$0x0] =	vst.idx.msk $0xffff, v27;
	v17 =	vadd.f32 v26, v27  }
0x590: {  	v30 =	vld.idx.msk [tilespmem:v19+s12+$0x0], $0xffff;
	v24 =	vadd.s32 $0xB, v8;
	v27 =	vadd.s32 $0xC, v8;
	[tilespmem:v55+s12+$0x0] =	vst.idx.msk $0xffff, v21  }
0x591: {  	v36 =	vld.idx.msk [tilespmem:v15+s12+$0x0], $0xffff;
	v21 =	vadd.f32 v25, v21;
	[tilespmem:v56+s12+$0x0] =	vst.idx.msk $0xffff, v17;
	v17 =	vadd.f32 v23, v17  }
0x592: {  	v25 =	vadd.s32 $0x800B, v8;
	v23 =	vld.idx.msk [tilespmem:v14+s12+$0x0], $0xffff  }
0x593: {  	v26 =	vadd.f32 v58, v21;
	[tilespmem:v42+s12+$0x0] =	vst.idx.msk $0xffff, v17;
	v62 =	vadd.f32 v29, v17;
	v17 =	vadd.s32 $0xF, v8  }
0x594: {  	[tilespmem:v28+s12+$0x0] =	vst.idx.msk $0xffff, v21;
	v21 =	vld.idx.msk [tilespmem:v10+s12+$0x0], $0xffff;
	v29 =	vadd.s32 $0xD, v8  }
0x595: {  	[tilespmem:v13+s12+$0x0] =	vst.idx.msk $0xffff, v22;
	v28 =	vadd.s32 $0x800D, v8;
	v35 =	vld.idx.msk [tilespmem:v24+s12+$0x0], $0xffff;
	v39 =	vadd.f32 v59, v26  }
0x596: {  	v37 =	vld.idx.msk [tilespmem:v27+s12+$0x0], $0xffff;
	[tilespmem:v54+s12+$0x0] =	vst.idx.msk $0xffff, v26;
	v34 =	vadd.f32 v60, v62;
	v26 =	vadd.s32 $0x800E, v8  }
0x597: {  	s18 =	simm.s32 $0x10;
	[tilespmem:v43+s12+$0x0] =	vst.idx.msk $0xffff, v62;
	v8 =	vadd.s32 $0x10, v8;
	v38 =	vld.idx.msk [tilespmem:v25+s12+$0x0], $0xffff;
	v33 =	vadd.f32 v61, v39  }
.LBB2_46:
0x598: {  	v40 =	vadd.s32 $0x8000, v8;
	v13 =	vadd.s32 $0x8006, v8;
	s18 =	sadd.s32 $0x10, s18;
	v42 =	vadd.f32 v32, v34;
	v32 =	vld.idx.msk [tilespmem:v17+s12+$0x0], $0xffff;
	[tilespmem:v5+s12+$0x0] =	vst.idx.msk $0xffff, v7  }
0x599: {  	v41 =	vadd.s32 $0x1, v8;
	v5 =	vmov v11;
	p0 =	slt.u32 s18, $0x60;
	[tilespmem:v16+s12+$0x0] =	vst.idx.msk $0xffff, v39;
	v39 =	vadd.f32 v36, v33;
	v16 =	vld.idx.msk [tilespmem:v29+s12+$0x0], $0xffff  }
0x59a: {  	v22 =	vmov v34;
	v36 =	vadd.s32 $0x8001, v8;
	[tilespmem:v12+s12+$0x0] =	vst.idx.msk $0xffff, v42;
	v11 =	vadd.f32 v30, v42;
	v30 =	vld.idx.msk [tilespmem:v28+s12+$0x0], $0xffff  }
0x59b: {  	v34 =	vadd.s32 $0x2, v8;
	v7 =	vmov v33;
	[tilespmem:v15+s12+$0x0] =	vst.idx.msk $0xffff, v39;
	v12 =	vadd.f32 v31, v39;
	v31 =	vld.idx.msk [tilespmem:v26+s12+$0x0], $0xffff  }
0x59c: {  	v39 =	vadd.s32 $0x8002, v8;
	v33 =	vld.idx.msk [tilespmem:v8+s12+$0x0], $0xffff;
	[tilespmem:v19+s12+$0x0] =	vst.idx.msk $0xffff, v11;
	v11 =	vadd.f32 v35, v11  }
0x59d: {  	v42 =	vadd.s32 $0x4, v8;
	v35 =	vadd.s32 $0x3, v8;
	v19 =	vld.idx.msk [tilespmem:v40+s12+$0x0], $0xffff;
	[tilespmem:v20+s12+$0x0] =	vst.idx.msk $0xffff, v12;
	v12 =	vadd.f32 v38, v12  }
0x59e: {  	v43 =	vadd.s32 $0x8004, v8;
	v38 =	vadd.s32 $0x8003, v8;
	v20 =	vld.idx.msk [tilespmem:v41+s12+$0x0], $0xffff;
	[tilespmem:v24+s12+$0x0] =	vst.idx.msk $0xffff, v11;
	v11 =	vadd.f32 v37, v11  }
0x59f: {  	v37 =	vadd.s32 $0x5, v8;
	v24 =	vld.idx.msk [tilespmem:v36+s12+$0x0], $0xffff;
	[tilespmem:v25+s12+$0x0] =	vst.idx.msk $0xffff, v12;
	v15 =	vadd.f32 v18, v12  }
0x5a0: {  	v44 =	vadd.s32 $0x8005, v8;
	v18 =	vld.idx.msk [tilespmem:v34+s12+$0x0], $0xffff;
	[tilespmem:v27+s12+$0x0] =	vst.idx.msk $0xffff, v11;
	v11 =	vadd.f32 v16, v11  }
0x5a1: {  	v12 =	vadd.s32 $0x9, v8;
	v25 =	vld.idx.msk [tilespmem:v39+s12+$0x0], $0xffff;
	[tilespmem:v9+s12+$0x0] =	vst.idx.msk $0xffff, v15;
	v9 =	vadd.f32 v30, v15  }
0x5a2: {  	v15 =	vadd.s32 $0x8009, v8;
	v45 =	vld.idx.msk [tilespmem:v13+s12+$0x0], $0xffff;
	[tilespmem:v29+s12+$0x0] =	vst.idx.msk $0xffff, v11;
	v11 =	vadd.f32 v23, v11  }
0x5a3: {  	v29 =	vadd.s32 $0x6, v8;
	v23 =	vld.idx.msk [tilespmem:v42+s12+$0x0], $0xffff;
	[tilespmem:v28+s12+$0x0] =	vst.idx.msk $0xffff, v9;
	v9 =	vadd.f32 v31, v9  }
0x5a4: {  	v27 =	vld.idx.msk [tilespmem:v43+s12+$0x0], $0xffff;
	[tilespmem:v14+s12+$0x0] =	vst.idx.msk $0xffff, v11;
	v11 =	vadd.f32 v32, v11  }
0x5a5: {  	v46 =	vadd.s32 $0x7, v8;
	v28 =	vld.idx.msk [tilespmem:v37+s12+$0x0], $0xffff;
	[tilespmem:v26+s12+$0x0] =	vst.idx.msk $0xffff, v9;
	v9 =	vadd.f32 v21, v9  }
0x5a6: {  	v16 =	vadd.s32 $0x8007, v8;
	v14 =	vadd.f32 v33, v11;
	v21 =	vld.idx.msk [tilespmem:v35+s12+$0x0], $0xffff;
	[tilespmem:v17+s12+$0x0] =	vst.idx.msk $0xffff, v11  }
0x5a7: {  	v47 =	vadd.s32 $0x8, v8;
	v17 =	vadd.f32 v19, v9;
	v26 =	vld.idx.msk [tilespmem:v38+s12+$0x0], $0xffff;
	[tilespmem:v10+s12+$0x0] =	vst.idx.msk $0xffff, v9  }
0x5a8: {  	v11 =	vadd.s32 $0x8008, v8;
	[tilespmem:v8+s12+$0x0] =	vst.idx.msk $0xffff, v14;
	v10 =	vadd.f32 v20, v14;
	v33 =	vld.idx.msk [tilespmem:v29+s12+$0x0], $0xffff  }
0x5a9: {  	v9 =	vadd.s32 $0x800C, v8;
	[tilespmem:v40+s12+$0x0] =	vst.idx.msk $0xffff, v17;
	v14 =	vadd.f32 v24, v17;
	v17 =	vld.idx.msk [tilespmem:v44+s12+$0x0], $0xffff  }
0x5aa: {  	[tilespmem:v41+s12+$0x0] =	vst.idx.msk $0xffff, v10;
	v10 =	vadd.f32 v18, v10;
	v40 =	vld.idx.msk [tilespmem:v46+s12+$0x0], $0xffff  }
0x5ab: {  	v19 =	vadd.s32 $0xA, v8;
	[tilespmem:v36+s12+$0x0] =	vst.idx.msk $0xffff, v14;
	v14 =	vadd.f32 v25, v14;
	v41 =	vld.idx.msk [tilespmem:v16+s12+$0x0], $0xffff  }
0x5ac: {  	v20 =	vadd.s32 $0x800A, v8;
	[tilespmem:v34+s12+$0x0] =	vst.idx.msk $0xffff, v10;
	v10 =	vadd.f32 v21, v10;
	v34 =	vld.idx.msk [tilespmem:v47+s12+$0x0], $0xffff  }
0x5ad: {  	[tilespmem:v39+s12+$0x0] =	vst.idx.msk $0xffff, v14;
	v21 =	vadd.f32 v26, v14;
	v48 =	vld.idx.msk [tilespmem:v11+s12+$0x0], $0xffff  }
0x5ae: {  	v14 =	vadd.s32 $0xE, v8;
	[tilespmem:v35+s12+$0x0] =	vst.idx.msk $0xffff, v10;
	v23 =	vadd.f32 v23, v10;
	v18 =	vld.idx.msk [tilespmem:v9+s12+$0x0], $0xffff  }
0x5af: {  	v10 =	vadd.s32 $0x800F, v8;
	[tilespmem:v38+s12+$0x0] =	vst.idx.msk $0xffff, v21;
	v21 =	vadd.f32 v27, v21;
	v32 =	vld.idx.msk [tilespmem:v12+s12+$0x0], $0xffff  }
0x5b0: {  	v24 =	vadd.s32 $0xB, v8;
	[tilespmem:v42+s12+$0x0] =	vst.idx.msk $0xffff, v23;
	v23 =	vadd.f32 v28, v23;
	v30 =	vld.idx.msk [tilespmem:v19+s12+$0x0], $0xffff  }
0x5b1: {  	v25 =	vadd.s32 $0x800B, v8;
	[tilespmem:v43+s12+$0x0] =	vst.idx.msk $0xffff, v21;
	v17 =	vadd.f32 v17, v21;
	v31 =	vld.idx.msk [tilespmem:v20+s12+$0x0], $0xffff  }
0x5b2: {  	v27 =	vadd.s32 $0xC, v8;
	[tilespmem:v37+s12+$0x0] =	vst.idx.msk $0xffff, v23;
	v21 =	vadd.f32 v33, v23;
	v36 =	vld.idx.msk [tilespmem:v15+s12+$0x0], $0xffff  }
.Ltmp22:
0x5b3: {  	[tilespmem:v44+s12+$0x0] =	vst.idx.msk $0xffff, v17;
	v26 =	vadd.f32 v45, v17;
	v23 =	vld.idx.msk [tilespmem:v14+s12+$0x0], $0xffff;
	v17 =	vadd.s32 $0xF, v8;
	(pc) =	sbr.rel @p0 .LBB2_46-.Ltmp22, $4  }
0x5b4: {  	[tilespmem:v29+s12+$0x0] =	vst.idx.msk $0xffff, v21;
	v33 =	vadd.f32 v40, v21;
	v29 =	vadd.s32 $0xD, v8;
	v21 =	vld.idx.msk [tilespmem:v10+s12+$0x0], $0xffff  }
0x5b5: {  	v28 =	vadd.s32 $0x800D, v8;
	[tilespmem:v13+s12+$0x0] =	vst.idx.msk $0xffff, v26;
	v39 =	vadd.f32 v41, v26;
	v35 =	vld.idx.msk [tilespmem:v24+s12+$0x0], $0xffff  }
0x5b6: {  	v26 =	vadd.s32 $0x800E, v8;
	[tilespmem:v46+s12+$0x0] =	vst.idx.msk $0xffff, v33;
	v34 =	vadd.f32 v34, v33;
	v38 =	vld.idx.msk [tilespmem:v25+s12+$0x0], $0xffff  }
0x5b7: {  	v8 =	vadd.s32 $0x10, v8;
	v33 =	vadd.f32 v48, v39;
	v37 =	vld.idx.msk [tilespmem:v27+s12+$0x0], $0xffff;
	[tilespmem:v6+s12+$0x0] =	vst.idx.msk $0xffff, v22;
	v6 =	vmov v47  }
0x5b8: {  	_ =	sdelay $0x3  }
0x5b9: {  	[tilespmem:v5+s12+$0x0] =	vst.idx.msk $0xffff, v7  }
0x5ba: {  	v13 =	vadd.f32 v32, v34;
	[tilespmem:v16+s12+$0x0] =	vst.idx.msk $0xffff, v39  }
0x5bb: {  	[tilespmem:v6+s12+$0x0] =	vst.idx.msk $0xffff, v34;
	v5 =	vadd.f32 v36, v33  }
0x5bc: {  	[tilespmem:v12+s12+$0x0] =	vst.idx.msk $0xffff, v13;
	v7 =	vadd.f32 v30, v13  }
0x5bd: {  	v12 =	vld.idx.msk [tilespmem:v29+s12+$0x0], $0xffff;
	[tilespmem:v15+s12+$0x0] =	vst.idx.msk $0xffff, v5;
	v5 =	vadd.f32 v31, v5  }
0x5be: {  	v13 =	vld.idx.msk [tilespmem:v28+s12+$0x0], $0xffff;
	[tilespmem:v19+s12+$0x0] =	vst.idx.msk $0xffff, v7;
	v7 =	vadd.f32 v35, v7  }
0x5bf: {  	[tilespmem:v20+s12+$0x0] =	vst.idx.msk $0xffff, v5;
	v5 =	vadd.f32 v38, v5  }
0x5c0: {  	v15 =	vld.idx.msk [tilespmem:v26+s12+$0x0], $0xffff;
	[tilespmem:v24+s12+$0x0] =	vst.idx.msk $0xffff, v7;
	v7 =	vadd.f32 v37, v7  }
0x5c1: {  	v16 =	vld.idx.msk [tilespmem:v17+s12+$0x0], $0xffff;
	[tilespmem:v25+s12+$0x0] =	vst.idx.msk $0xffff, v5;
	v5 =	vadd.f32 v18, v5  }
0x5c2: {  	[tilespmem:v27+s12+$0x0] =	vst.idx.msk $0xffff, v7;
	v7 =	vadd.f32 v12, v7  }
0x5c3: {  	s18 =	simm.s32 $0xF;
	[tilespmem:v9+s12+$0x0] =	vst.idx.msk $0xffff, v5;
	v5 =	vadd.f32 v13, v5  }
0x5c4: {  	v9 =	vmov s18;
	[tilespmem:v29+s12+$0x0] =	vst.idx.msk $0xffff, v7;
	v7 =	vadd.f32 v23, v7  }
0x5c5: {  	s25 =	simm.s32 $0xE;
	vm1 =	vgt.s32 v9, v4;
	[tilespmem:v28+s12+$0x0] =	vst.idx.msk $0xffff, v5;
	v5 =	vadd.f32 v15, v5  }
0x5c6: {  	[tilespmem:v14+s12+$0x0] =	vst.idx.msk $0xffff, v7;
	v14 =	vadd.f32 v16, v7;
	v7 =	vmov s25  }
0x5c7: {  	s26 =	simm.s32 $0xD;
	[tilespmem:v26+s12+$0x0] =	vst.idx.msk $0xffff, v5;
	v21 =	vadd.f32 v21, v5;
	v5 =	vadd.s32 $0x8000, v8;
	vm2 =	vgt.s32 v7, v4  }
0x5c8: {  	[tilespmem:v11+s12+$0x0] =	vst.idx.msk $0xffff, v33;
	v9 =	vadd.s32 $0x1, v8;
	v7 =	vmov s26  }
0x5c9: {  	v6 =	vadd.s32 $0x8001, v8;
	s28 =	simm.s32 $0xC;
	[tilespmem:v17+s12+$0x0] =	vst.idx.msk $0xffff, v14;
	vm6 =	vgt.s32 v7, v4  }
0x5ca: {  	s29 =	simm.s32 $0xB;
	v11 =	vmov s28;
	[tilespmem:v10+s12+$0x0] =	vst.idx.msk $0xffff, v21;
	v10 =	vadd.s32 $0x2, v8  }
0x5cb: {  	vm3 =	vgt.s32 v11, v4;
	v12 =	vmov s29;
	v7 =	vadd.s32 $0x8002, v8;
	v22 =	vld.idx.msk [tilespmem:v8+s12+$0x0], vm1  }
0x5cc: {  	vm4 =	vgt.s32 v12, v4;
	v15 =	vadd.s32 $0x8003, v8;
	v11 =	vld.idx.msk [tilespmem:v5+s12+$0x0], vm1  }
0x5cd: {  	s30 =	simm.s32 $0xA;
	v18 =	vadd.s32 $0x8004, v8;
	v23 =	vld.idx.msk [tilespmem:v9+s12+$0x0], vm2  }
0x5ce: {  	v12 =	vmov s30;
	v16 =	vadd.s32 $0x4, v8;
	v26 =	vld.idx.msk [tilespmem:v6+s12+$0x0], vm2  }
0x5cf: {  	s31 =	simm.s32 $0x9;
	v19 =	vadd.s32 $0x5, v8;
	s18 =	simm.s32 $0x8;
	vm5 =	vgt.s32 v12, v4;
	v17 =	vadd.s32 $0x3, v8;
	v30 =	vld.idx.msk [tilespmem:v10+s12+$0x0], vm6  }
0x5d0: {  	v20 =	vadd.s32 $0x8005, v8;
	v13 =	vmov s31;
	v27 =	vmov s18;
	v31 =	vld.idx.msk [tilespmem:v7+s12+$0x0], vm6  }
0x5d1: {  	v12 =	vadd.s32 $0x6, v8;
	vm7 =	vgt.s32 v27, v4;
	vm0 =	vmmov vm6;
	v28 =	vld.idx.msk [tilespmem:v15+s12+$0x0], vm3  }
0x5d2: {  	v27 =	vld.idx.msk [tilespmem:v18+s12+$0x0], vm4;
	vm6 =	vgt.s32 v13, v4;
	v22 =	vnsel vm1, $0x0, v22;
	v11 =	vnsel vm1, $0x0, v11  }
0x5d3: {  	v25 =	vld.idx.msk [tilespmem:v16+s12+$0x0], vm4;
	v13 =	vadd.s32 $0x8006, v8;
	v62 =	vadd.f32 v22, v14;
	v11 =	vadd.f32 v11, v21  }
0x5d4: {  	v24 =	vld.idx.msk [tilespmem:v17+s12+$0x0], vm3;
	v14 =	vnsel vm2, $0x0, v23;
	v22 =	vnsel vm2, $0x0, v26;
	v21 =	vadd.s32 $0x7, v8  }
0x5d5: {  	v23 =	vld.idx.msk [tilespmem:v19+s12+$0x0], vm5;
	v29 =	vadd.f32 v14, v62;
	v30 =	vnsel vm0, $0x0, v30;
	v31 =	vnsel vm0, $0x0, v31  }
0x5d6: {  	s19 =	simm.s32 $0x70;
	[tilespmem:v8+s12+$0x0] =	vst.idx.msk vm1, v62;
	v26 =	vld.idx.msk [tilespmem:v20+s12+$0x0], vm5;
	v14 =	vadd.f32 v22, v11;
	v22 =	vadd.s32 $0x8007, v8;
	v8 =	vadd.s32 $0x8, v8  }
.LBB2_48:
0x5d7: {  	v32 =	vadd.s32 $0x2, v8;
	v30 =	vadd.f32 v30, v29  }
0x5d8: {  	v31 =	vadd.f32 v31, v14;
	v33 =	vld.idx.msk [tilespmem:v12+s12+$0x0], vm6;
	vm8 =	vmmov vm1;
	vm9 =	vmmov vm2  }
0x5d9: {  	v24 =	vnsel vm3, $0x0, v24;
	v28 =	vnsel vm3, $0x0, v28;
	[tilespmem:v9+s12+$0x0] =	vst.idx.msk vm2, v29;
	v9 =	vadd.s32 $0x1, v8;
	v29 =	vld.idx.msk [tilespmem:v13+s12+$0x0], vm6  }
0x5da: {  	v34 =	vadd.s32 $0x8001, v8;
	s18 =	sadd.s32 $0xFFFFFFF8, s18;
	v24 =	vadd.f32 v24, v30;
	v28 =	vadd.f32 v28, v31;
	v35 =	vld.idx.msk [tilespmem:v21+s12+$0x0], vm7  }
0x5db: {  	v36 =	vadd.s32 $0x8000, v8;
	s20 =	sadd.s32 $0x7, s18;
	v25 =	vnsel vm4, $0x0, v25;
	v27 =	vnsel vm4, $0x0, v27;
	[tilespmem:v10+s12+$0x0] =	vst.idx.msk vm0, v30;
	v30 =	vld.idx.msk [tilespmem:v22+s12+$0x0], vm7;
	v10 =	vmovc v32  }
0x5dc: {  	s19 =	sadd.s32 $0x8, s19;
	v32 =	vmov s20;
	[tilespmem:v17+s12+$0x0] =	vst.idx.msk vm3, v24;
	v17 =	vadd.f32 v25, v24;
	v24 =	vadd.f32 v27, v28  }
0x5dd: {  	p0 =	slt.u32 s19, $0x78;
	s20 =	sadd.s32 $0x6, s18;
	vm1 =	vgt.s32 v32, v4;
	[tilespmem:v15+s12+$0x0] =	vst.idx.msk vm3, v28;
	v15 =	vnsel vm5, $0x0, v23;
	v23 =	vnsel vm5, $0x0, v26  }
0x5de: {  	v25 =	vmov s20;
	[tilespmem:v16+s12+$0x0] =	vst.idx.msk vm4, v17;
	v15 =	vadd.f32 v15, v17;
	v16 =	vadd.f32 v23, v24  }
0x5df: {  	s20 =	sadd.s32 $0x5, s18;
	vm2 =	vgt.s32 v25, v4;
	v17 =	vnsel vm6, $0x0, v33;
	[tilespmem:v18+s12+$0x0] =	vst.idx.msk vm4, v24;
	v18 =	vnsel vm6, $0x0, v29  }
0x5e0: {  	v23 =	vmov s20;
	[tilespmem:v19+s12+$0x0] =	vst.idx.msk vm5, v15;
	v15 =	vadd.f32 v17, v15;
	v17 =	vadd.f32 v18, v16  }
0x5e1: {  	s20 =	sadd.s32 $0x4, s18;
	vm10 =	vgt.s32 v23, v4;
	v18 =	vnsel vm7, $0x0, v30;
	[tilespmem:v20+s12+$0x0] =	vst.idx.msk vm5, v16;
	v16 =	vnsel vm7, $0x0, v35  }
0x5e2: {  	v19 =	vmov s20;
	[tilespmem:v12+s12+$0x0] =	vst.idx.msk vm6, v15;
	v23 =	vadd.f32 v16, v15;
	v25 =	vadd.f32 v18, v17  }
0x5e3: {  	s20 =	sadd.s32 $0x3, s18;
	vm3 =	vgt.s32 v19, v4;
	v12 =	vadd.s32 $0x8002, v8;
	v26 =	vld.idx.msk [tilespmem:v8+s12+$0x0], vm1;
	[tilespmem:v13+s12+$0x0] =	vst.idx.msk vm6, v17  }
0x5e4: {  	v17 =	vadd.s32 $0x3, v8;
	v13 =	vmov s20;
	v27 =	vld.idx.msk [tilespmem:v36+s12+$0x0], vm1;
	[tilespmem:v21+s12+$0x0] =	vst.idx.msk vm7, v23  }
0x5e5: {  	v15 =	vadd.s32 $0x8003, v8;
	s20 =	sadd.s32 $0x2, s18;
	vm4 =	vgt.s32 v13, v4;
	v21 =	vld.idx.msk [tilespmem:v9+s12+$0x0], vm2;
	[tilespmem:v22+s12+$0x0] =	vst.idx.msk vm7, v25  }
0x5e6: {  	v16 =	vadd.s32 $0x4, v8;
	v13 =	vmov s20;
	v22 =	vld.idx.msk [tilespmem:v34+s12+$0x0], vm2;
	[tilespmem:v7+s12+$0x0] =	vst.idx.msk vm0, v31;
	v7 =	vmovc v12;
	vm0 =	vmmov vm10  }
0x5e7: {  	v18 =	vadd.s32 $0x8004, v8;
	s20 =	sadd.s32 $0x1, s18;
	vm5 =	vgt.s32 v13, v4;
	v30 =	vld.idx.msk [tilespmem:v10+s12+$0x0], vm10;
	[tilespmem:v6+s12+$0x0] =	vst.idx.msk vm9, v14;
	v6 =	vmov v34  }
0x5e8: {  	v19 =	vadd.s32 $0x5, v8;
	v13 =	vmov s20;
	v31 =	vld.idx.msk [tilespmem:v12+s12+$0x0], vm10;
	v12 =	vadd.s32 $0x6, v8;
	[tilespmem:v5+s12+$0x0] =	vst.idx.msk vm8, v11;
	v5 =	vmovc v36  }
0x5e9: {  	v20 =	vadd.s32 $0x8005, v8;
	vm6 =	vgt.s32 v13, v4;
	v13 =	vadd.s32 $0x8006, v8;
	v24 =	vld.idx.msk [tilespmem:v17+s12+$0x0], vm3  }
.Ltmp23:
0x5ea: {  	v11 =	vnsel vm1, $0x0, v26;
	v26 =	vmov s18;
	v14 =	vnsel vm1, $0x0, v27;
	v28 =	vld.idx.msk [tilespmem:v15+s12+$0x0], vm3;
	(pc) =	sbr.rel @p0 .LBB2_48-.Ltmp23, $4  }
0x5eb: {  	v32 =	vadd.f32 v11, v23;
	vm7 =	vgt.s32 v26, v4;
	v11 =	vadd.f32 v14, v25;
	v25 =	vld.idx.msk [tilespmem:v16+s12+$0x0], vm4  }
0x5ec: {  	v14 =	vnsel vm2, $0x0, v21;
	v21 =	vadd.s32 $0x7, v8;
	v22 =	vnsel vm2, $0x0, v22;
	v27 =	vld.idx.msk [tilespmem:v18+s12+$0x0], vm4  }
0x5ed: {  	v29 =	vadd.f32 v14, v32;
	v14 =	vadd.f32 v22, v11;
	v22 =	vadd.s32 $0x8007, v8;
	v23 =	vld.idx.msk [tilespmem:v19+s12+$0x0], vm5  }
0x5ee: {  	v30 =	vnsel vm0, $0x0, v30;
	v31 =	vnsel vm0, $0x0, v31;
	[tilespmem:v8+s12+$0x0] =	vst.idx.msk vm1, v32;
	v26 =	vld.idx.msk [tilespmem:v20+s12+$0x0], vm5;
	v8 =	vadd.s32 $0x8, v8  }
0x5ef: {  	_ =	sdelay $0x3  }
0x5f0: {  	v4 =	vadd.f32 v30, v29  }
0x5f1: {  	v8 =	vadd.f32 v31, v14;
	v24 =	vnsel vm3, $0x0, v24;
	[tilespmem:v9+s12+$0x0] =	vst.idx.msk vm2, v29;
	vm15 =	vmmov vm2  }
0x5f2: {  	v48 =	vnsel vm3, $0x0, v28;
	vm1 =	vmmov vm1;
	v24 =	vadd.f32 v24, v4;
	[tilespmem:v10+s12+$0x0] =	vst.idx.msk vm0, v4  }
0x5f3: {  	v9 =	vadd.f32 v48, v8;
	v4 =	vnsel vm4, $0x0, v25;
	[tilespmem:v7+s12+$0x0] =	vst.idx.msk vm0, v8  }
0x5f4: {  	v47 =	vld.idx.msk [tilespmem:v12+s12+$0x0], vm6;
	[tilespmem:v17+s12+$0x0] =	vst.idx.msk vm3, v24;
	v4 =	vadd.f32 v4, v24  }
0x5f5: {  	v49 =	vld.idx.msk [tilespmem:v13+s12+$0x0], vm6;
	[tilespmem:v15+s12+$0x0] =	vst.idx.msk vm3, v9  }
0x5f6: {  	v50 =	vld.idx.msk [tilespmem:v21+s12+$0x0], vm7;
	v51 =	vnsel vm4, $0x0, v27;
	[tilespmem:v16+s12+$0x0] =	vst.idx.msk vm4, v4  }
0x5f7: {  	v52 =	vld.idx.msk [tilespmem:v22+s12+$0x0], vm7;
	v54 =	vnsel vm5, $0x0, v23;
	v53 =	vadd.f32 v51, v9;
	[tilespmem:v6+s12+$0x0] =	vst.idx.msk vm15, v14  }
0x5f8: {  	v55 =	vnsel vm5, $0x0, v26;
	v4 =	vadd.f32 v54, v4;
	[tilespmem:v5+s12+$0x0] =	vst.idx.msk vm1, v11  }
0x5f9: {  	v57 =	vnsel vm6, $0x0, v47;
	v56 =	vadd.f32 v55, v53;
	[tilespmem:v18+s12+$0x0] =	vst.idx.msk vm4, v53  }
0x5fa: {  	v58 =	vnsel vm6, $0x0, v49;
	[tilespmem:v19+s12+$0x0] =	vst.idx.msk vm5, v4;
	v4 =	vadd.f32 v57, v4  }
0x5fb: {  	v60 =	vnsel vm7, $0x0, v50;
	v59 =	vadd.f32 v58, v56;
	[tilespmem:v20+s12+$0x0] =	vst.idx.msk vm5, v56  }
0x5fc: {  	v61 =	vnsel vm7, $0x0, v52;
	[tilespmem:v12+s12+$0x0] =	vst.idx.msk vm6, v4;
	v4 =	vadd.f32 v60, v4  }
0x5fd: {  	v62 =	vadd.f32 v61, v59;
	[tilespmem:v13+s12+$0x0] =	vst.idx.msk vm6, v59  }
0x5fe: {  	[tilespmem:v21+s12+$0x0] =	vst.idx.msk vm7, v4  }
0x5ff: {  	s17 =	sadd.s32 $0x1, s17;
	[tilespmem:v22+s12+$0x0] =	vst.idx.msk vm7, v62  }
0x600: {  	[hbm4b:s10+s2] =	stream.linear.scatter [tilespmem:s12], [sflag:$0x4], $0x10000, $0x38;
	v63 =	vld [tilespmem:$0x0]  }
0x601: {  	p0 =	sne.s32 s17, s11;
	_ =	swait.ge [sflag:s14], $0x10000  }
.Ltmp24:
0x602: {  	[sflag:s14] =	ssyncset.done $0x0;
	(pc) =	sbr.rel @p0 .LBB2_1-.Ltmp24, $4  }
0x603: {  	[sflag:s14] =	ssyncadd.s32 $0xFFFF0000  }
0x604: {  	_ =	swait.ge [sflag:s16], $0x10000  }
0x605: {  	[sflag:s16] =	ssyncset.done $0x0  }
0x606: {  	[sflag:s16] =	ssyncadd.s32 $0xFFFF0000  }
0x607: {  	_ =	sfence.sel $0x180000  }
0x608: {  	[bflag:$0x0] =	sbarrier.arrive $0xFFFF  }
0x609: {  	p0 =	sne.s32 s1, $0x0;
	_ =	strace $0x90000047  }
0x60a: {  	s0 =	sadd.s32 @!p0 $0x100000, s0;
	[bflag:$0x2] =	sbarrier.arrive $0xFFFF  }
0x60b: {  	[sflag:s0] =	ssyncadd.tile.s32 @!p0 $0x1;
	_ =	shalt  }
.Lfunc_end2:
_tile_overlayer_lowered:
.L_overlay_start_2:
0x60c: {  	(tag) =	ssettag $0x2  }
0x60d: {  	s0 =	rddreg [dreg:$0x0];
	s2 =	stileid.u32  }
0x60e: {  	s1 =	rddreg [dreg:$0x1];
	p0 =	sne.s32 s2, $0x0  }
0x60f: {  	s3 =	rddreg [dreg:$0x2];
	[bflag:$0x3] =	sbarrier.arrive $0xFFFF;
	s2 =	simm.s32 @!p0 $0x1C05  }
0x610: {  	[timem:s3], [sflag:s2] =	dma.local @!p0 [hbm:s0], s1  }
0x611: {  	s0 =	simm.s32 @!p0 $0x5  }
0x612: {  	_ =	swait.ge @!p0 [sflag:s0], s1  }
0x613: {  	s1 =	ssub.s32 @!p0 $0x0, s1;
	[sflag:s0] =	ssyncset.done @!p0 $0x0  }
0x614: {  	[sflag:s0] =	ssyncadd.s32 @!p0 s1  }
0x615: {  	[bflag:$0x3] =	sbarrier.arrive $0xFFFF  }
0x616: {  	_ =	shalt  }

</sc_bundles>
